<compile_context>
chip_gen: v7x
topology: tpu7x:2x2x1
jax: 0.10.2.dev20260603
libtpu: 0.0.44.dev20260713+nightly
codegen_flags: <defaults>
</compile_context>

<pallas_src>
import functools

import jax
import jax.numpy as jnp
from jax import lax
from jax.experimental import pallas as pl
from jax.experimental.pallas import tpu as pltpu
from jax.experimental.pallas import tpu_sc as plsc

NC = 2
NS = 16
LANES = 16
CH = 128
BN = 1024


def _sc_mesh():
    return plsc.VectorSubcoreMesh(
        core_axis_name="c", subcore_axis_name="s", num_cores=NC, num_subcores=NS
    )




def _deg_body(nrows, ept, dst_hbm, out_hbm, dvm, hist, pvm, parts_sh):
    c = lax.axis_index("c")
    s = lax.axis_index("s")
    rpt = nrows // NS
    ones = jnp.ones((LANES,), jnp.float32)
    zeros = jnp.zeros((LANES,), jnp.float32)

    @pl.when(c == 0)
    def _():
        pltpu.sync_copy(dst_hbm.at[pl.ds(s * ept, ept)], dvm)

        def zbody(i, _):
            hist[pl.ds(i * LANES, LANES)] = zeros
            return 0

        lax.fori_loop(0, nrows // LANES, zbody, 0)

        def hbody(i, _):
            idx = dvm[pl.ds(i * LANES, LANES)]
            plsc.addupdate_scatter(hist, [idx], ones)
            return 0

        lax.fori_loop(0, ept // LANES, hbody, 0)
        pltpu.sync_copy(hist, parts_sh.at[s])

    plsc.subcore_barrier()

    @pl.when(c == 0)
    def _():
        col0 = s * rpt
        pltpu.sync_copy(parts_sh.at[:, pl.ds(col0, rpt)], pvm)

        def rbody(i, _):
            acc = pvm[0, pl.ds(i * LANES, LANES)]
            for r in range(1, NS):
                acc = acc + pvm[r, pl.ds(i * LANES, LANES)]
            d = jnp.maximum(acc, 0.25)
            ib = plsc.bitcast(d, jnp.int32)
            y = plsc.bitcast(
                jnp.int32(0x5F3759DF) - lax.shift_right_logical(ib, 1), jnp.float32
            )
            for _ in range(4):
                y = y * (1.5 - 0.5 * d * y * y)
            hist[pl.ds(i * LANES, LANES)] = y
            return 0

        lax.fori_loop(0, rpt // LANES, rbody, 0)
        pltpu.sync_copy(hist.at[pl.ds(0, rpt)], out_hbm.at[pl.ds(col0, rpt)])


def _deg_dinv(dst_flat, nrows, ept):
    kfn = pl.kernel(
        functools.partial(_deg_body, nrows, ept),
        out_type=jax.ShapeDtypeStruct((nrows,), jnp.float32),
        mesh=_sc_mesh(),
        scratch_types=[
            pltpu.VMEM((ept,), jnp.int32),
            pltpu.VMEM((nrows,), jnp.float32),
            pltpu.VMEM((NS, nrows // NS), jnp.float32),
            pltpu.VMEM_SHARED((NS, nrows), jnp.float32),
        ],
        compiler_params=pltpu.CompilerParams(needs_layout_passes=False),
    )
    return kfn(dst_flat)




def _agg_body(nrows, nchunk, hc, col_split, xw_hbm, src_hbm, dst_hbm, out_hbm,
              sidx0, sidx1, didx0, didx1, buf0, buf1, accum,
              sem_s0, sem_s1, sem_d0, sem_d1, sem_g0, sem_g1):
    c = lax.axis_index("c")
    s = lax.axis_index("s")
    rpt = nrows // NS
    zeros = jnp.zeros((LANES,), jnp.float32)

    if col_split:
        base = s * nchunk
        gsrc = xw_hbm.at[c]
    else:
        base = (c * NS + s) * nchunk
        gsrc = xw_hbm

    def zbody(i, _):
        for k in range(hc // LANES):
            buf0[i, pl.ds(k * LANES, LANES)] = zeros
        return 0

    lax.fori_loop(0, CH, zbody, 0)
    for r in range(rpt // CH):
        pltpu.sync_copy(buf0, accum.at[pl.ds(s * rpt + r * CH, CH)])

    plsc.subcore_barrier()

    ebase = base * CH

    def do_pair(j0):
        o0 = ebase + j0 * CH
        a0 = pltpu.async_copy(src_hbm.at[pl.ds(o0, CH)], sidx0, sem_s0)
        a1 = pltpu.async_copy(src_hbm.at[pl.ds(o0 + CH, CH)], sidx1, sem_s1)
        a2 = pltpu.async_copy(dst_hbm.at[pl.ds(o0, CH)], didx0, sem_d0)
        a3 = pltpu.async_copy(dst_hbm.at[pl.ds(o0 + CH, CH)], didx1, sem_d1)
        a0.wait()
        g0 = pltpu.async_copy(gsrc.at[sidx0], buf0, sem_g0)
        a1.wait()
        g1 = pltpu.async_copy(gsrc.at[sidx1], buf1, sem_g1)
        g0.wait()
        a2.wait()
        pltpu.sync_copy(buf0, accum.at[didx0], add=True)
        g1.wait()
        a3.wait()
        pltpu.sync_copy(buf1, accum.at[didx1], add=True)

    def chunk2(jj, _):
        do_pair(jj * 2)
        return 0

    lax.fori_loop(0, nchunk // 2, chunk2, 0)

    plsc.subcore_barrier()
    pltpu.sync_copy(
        accum.at[pl.ds(s * rpt, rpt)], out_hbm.at[c].at[pl.ds(s * rpt, rpt)]
    )


def _sc_agg(xw, srcp, dstp, nrows, hc, col_split=True):
    nch_total = srcp.shape[0] // CH
    nchunk = nch_total // NS if col_split else nch_total // (NC * NS)
    kfn = pl.kernel(
        functools.partial(_agg_body, nrows, nchunk, hc, col_split),
        out_type=jax.ShapeDtypeStruct((NC, nrows, hc), jnp.float32),
        mesh=_sc_mesh(),
        scratch_types=[
            pltpu.VMEM((CH,), jnp.int32),
            pltpu.VMEM((CH,), jnp.int32),
            pltpu.VMEM((CH,), jnp.int32),
            pltpu.VMEM((CH,), jnp.int32),
            pltpu.VMEM((CH, hc), jnp.float32),
            pltpu.VMEM((CH, hc), jnp.float32),
            pltpu.VMEM_SHARED((nrows, hc), jnp.float32),
            pltpu.SemaphoreType.DMA,
            pltpu.SemaphoreType.DMA,
            pltpu.SemaphoreType.DMA,
            pltpu.SemaphoreType.DMA,
            pltpu.SemaphoreType.DMA,
            pltpu.SemaphoreType.DMA,
        ],
        compiler_params=pltpu.CompilerParams(needs_layout_passes=False),
    )
    return kfn(xw, srcp, dstp)




def _mm_split_body(x_ref, dinv_ref, W_ref, o_ref):
    y = jnp.dot(x_ref[...], W_ref[...], preferred_element_type=jnp.float32)
    y = y * dinv_ref[...]
    hc = o_ref.shape[2]
    o_ref[0] = y[:, :hc]
    o_ref[1] = y[:, hc:]


def _mid_body(agg_ref, dinv_ref, b_ref, W_ref, o_ref):
    dinv = dinv_ref[...]
    hin_c = agg_ref.shape[2]
    W = W_ref[...]
    a0 = jnp.maximum(agg_ref[0] * dinv + b_ref[:, :hin_c], 0.0)
    a1 = jnp.maximum(agg_ref[1] * dinv + b_ref[:, hin_c:], 0.0)
    y = (
        jnp.dot(a0, W[:hin_c], preferred_element_type=jnp.float32)
        + jnp.dot(a1, W[hin_c:], preferred_element_type=jnp.float32)
    ) * dinv
    hc = o_ref.shape[2]
    o_ref[0] = y[:, :hc]
    o_ref[1] = y[:, hc:]


def _proj_body(agg_ref, dinv_ref, b_ref, WT_ref, bb_ref, o_ref):
    dinv = dinv_ref[...]
    hin_c = agg_ref.shape[2]
    WT = WT_ref[...]
    a0 = jnp.maximum(agg_ref[0] * dinv + b_ref[:, :hin_c], 0.0)
    a1 = jnp.maximum(agg_ref[1] * dinv + b_ref[:, hin_c:], 0.0)
    o_ref[...] = (
        jnp.dot(a0, WT[:hin_c], preferred_element_type=jnp.float32)
        + jnp.dot(a1, WT[hin_c:], preferred_element_type=jnp.float32)
        + bb_ref[...]
    )


def _mid_full_body(agg_ref, dinv_ref, b_ref, W_ref, o_ref):
    dinv = dinv_ref[...]
    hin_c = agg_ref.shape[2]
    W = W_ref[...]
    a0 = jnp.maximum(agg_ref[0] * dinv + b_ref[:, :hin_c], 0.0)
    a1 = jnp.maximum(agg_ref[1] * dinv + b_ref[:, hin_c:], 0.0)
    o_ref[...] = (
        jnp.dot(a0, W[:hin_c], preferred_element_type=jnp.float32)
        + jnp.dot(a1, W[hin_c:], preferred_element_type=jnp.float32)
    ) * dinv


def _mid_psum_body(agg_ref, dinv_ref, b_ref, W_ref, o_ref):
    dinv = dinv_ref[...]
    a = jnp.maximum((agg_ref[0] + agg_ref[1]) * dinv + b_ref[...], 0.0)
    o_ref[...] = jnp.dot(a, W_ref[...], preferred_element_type=jnp.float32) * dinv


def _fc_body(agg_ref, dinv_ref, b_ref, W_ref, bfc_ref, o_ref):
    dinv = dinv_ref[...]
    a = jnp.maximum((agg_ref[0] + agg_ref[1]) * dinv + b_ref[...], 0.0)
    y = jnp.dot(a, W_ref[...], preferred_element_type=jnp.float32) + bfc_ref[...]
    o_ref[...] = jax.nn.sigmoid(y)


def _row_spec(h):
    return pl.BlockSpec((BN, h), lambda i: (i, 0))


def _half_spec(hc):
    return pl.BlockSpec((2, BN, hc), lambda i: (0, i, 0))


def _full_spec(shape):
    nd = len(shape)
    return pl.BlockSpec(shape, lambda i: (0,) * nd)


def _lstm_body(steps, G_ref, WT_ref, hs_ref, h_sc, c_sc):
    H = hs_ref.shape[1]

    @pl.when(pl.program_id(0) == 0)
    def _():
        h_sc[...] = jnp.zeros_like(h_sc)
        c_sc[...] = jnp.zeros_like(c_sc)

    WT = WT_ref[...]

    def step(t, hc):
        h, c = hc
        g = G_ref[pl.ds(t, 1), :]
        gates = jnp.dot(h, WT, preferred_element_type=jnp.float32) + g
        i = jax.nn.sigmoid(gates[:, 0:H])
        f = jax.nn.sigmoid(gates[:, H:2 * H])
        gg = jnp.tanh(gates[:, 2 * H:3 * H])
        o = jax.nn.sigmoid(gates[:, 3 * H:4 * H])
        c2 = f * c + i * gg
        h2 = o * jnp.tanh(c2)
        hs_ref[pl.ds(t, 1), :] = h2[0:1]
        return (h2, c2)

    hN, cN = lax.fori_loop(0, steps, step, (h_sc[...], c_sc[...]))
    h_sc[...] = hN
    c_sc[...] = cN




def kernel(x, edge_index, W1, b1, Wih, Whh, bih, bhh,
           W2, b2, W3, b3, W4, b4, W5, b5, Wfc, bfc):
    N, D = x.shape
    E = edge_index.shape[1]
    H1 = W1.shape[1]
    H = Whh.shape[1]

    align = NC * NS * CH
    epad = ((E + N + align - 1) // align) * align
    ept = epad // NS
    nrows = ((N + 1 + NS * CH - 1) // (NS * CH)) * (NS * CH)
    nb = nrows // BN

    loops = jnp.arange(N, dtype=jnp.int32)
    pad = epad - E - N
    pad_dst = N + (jnp.arange(pad, dtype=jnp.int32) % (nrows - N))
    srcp = jnp.concatenate([edge_index[0], loops, jnp.zeros((pad,), jnp.int32)])
    dstp = jnp.concatenate([edge_index[1], loops, pad_dst])

    xp = jnp.zeros((nrows, D), jnp.float32).at[:N].set(x)
    WihT = Wih.T
    WhhT = Whh.T
    bb = (bih + bhh).reshape(1, 4 * H)
    b1r = b1.reshape(1, -1)
    b2r = b2.reshape(1, -1)
    b3r = b3.reshape(1, -1)
    b4r = b4.reshape(1, -1)
    b5r = b5.reshape(1, -1)
    bfcr = bfc.reshape(1, -1)

    dinv1d = _deg_dinv(dstp, nrows, ept)
    dinv = dinv1d.reshape(nrows, 1)

    dinv_spec = pl.BlockSpec((BN, 1), lambda i: (i, 0))

    def mm_split(a, W):
        hc = W.shape[1] // 2
        return pl.pallas_call(
            _mm_split_body,
            grid=(nb,),
            in_specs=[_row_spec(a.shape[1]), dinv_spec, _full_spec(W.shape)],
            out_specs=_half_spec(hc),
            out_shape=jax.ShapeDtypeStruct((2, nrows, hc), jnp.float32),
        )(a, dinv, W)

    def mm_mid(agg, b, W):
        hin_c = agg.shape[2]
        hc = W.shape[1] // 2
        return pl.pallas_call(
            _mid_body,
            grid=(nb,),
            in_specs=[_half_spec(hin_c), dinv_spec,
                      _full_spec(b.shape), _full_spec(W.shape)],
            out_specs=_half_spec(hc),
            out_shape=jax.ShapeDtypeStruct((2, nrows, hc), jnp.float32),
        )(agg, dinv, b, W)

    xw1 = mm_split(xp, W1)
    agg1 = _sc_agg(xw1, srcp, dstp, nrows, H1 // 2)

    G = pl.pallas_call(
        _proj_body,
        grid=(nb,),
        in_specs=[_half_spec(H1 // 2), dinv_spec, _full_spec(b1r.shape),
                  _full_spec(WihT.shape), _full_spec(bb.shape)],
        out_specs=_row_spec(4 * H),
        out_shape=jax.ShapeDtypeStruct((nrows, 4 * H), jnp.float32),
    )(agg1, dinv, b1r, WihT, bb)

    T = 1000
    hs = pl.pallas_call(
        functools.partial(_lstm_body, T),
        grid=(N // T,),
        in_specs=[pl.BlockSpec((T, 4 * H), lambda i: (i, 0)),
                  _full_spec(WhhT.shape)],
        out_specs=pl.BlockSpec((T, H), lambda i: (i, 0)),
        out_shape=jax.ShapeDtypeStruct((nrows, H), jnp.float32),
        scratch_shapes=[pltpu.VMEM((8, H), jnp.float32),
                        pltpu.VMEM((8, H), jnp.float32)],
    )(G, WhhT)

    xw2 = mm_split(hs, W2)
    agg2 = _sc_agg(xw2, srcp, dstp, nrows, W2.shape[1] // 2)

    xw3 = mm_mid(agg2, b2r, W3)
    agg3 = _sc_agg(xw3, srcp, dstp, nrows, W3.shape[1] // 2)

    xw4 = pl.pallas_call(
        _mid_full_body,
        grid=(nb,),
        in_specs=[_half_spec(W3.shape[1] // 2), dinv_spec,
                  _full_spec(b3r.shape), _full_spec(W4.shape)],
        out_specs=_row_spec(W4.shape[1]),
        out_shape=jax.ShapeDtypeStruct((nrows, W4.shape[1]), jnp.float32),
    )(agg3, dinv, b3r, W4)
    agg4 = _sc_agg(xw4, srcp, dstp, nrows, W4.shape[1], col_split=False)

    xw5 = pl.pallas_call(
        _mid_psum_body,
        grid=(nb,),
        in_specs=[_half_spec(W4.shape[1]), dinv_spec,
                  _full_spec(b4r.shape), _full_spec(W5.shape)],
        out_specs=_row_spec(W5.shape[1]),
        out_shape=jax.ShapeDtypeStruct((nrows, W5.shape[1]), jnp.float32),
    )(agg4, dinv, b4r, W5)
    agg5 = _sc_agg(xw5, srcp, dstp, nrows, W5.shape[1], col_split=False)

    out = pl.pallas_call(
        _fc_body,
        grid=(nb,),
        in_specs=[_half_spec(W5.shape[1]), dinv_spec,
                  _full_spec(b5r.shape), _full_spec(Wfc.shape),
                  _full_spec(bfcr.shape)],
        out_specs=_row_spec(Wfc.shape[1]),
        out_shape=jax.ShapeDtypeStruct((nrows, Wfc.shape[1]), jnp.float32),
    )(agg5, dinv, b5r, Wfc, bfcr)

    return out[:N]

# --- scband reference (transcript-rebuilt; emitter-appended) ---
"""Pipeline reference for scband-glstm4-55078660604356 (READ-ONLY COPY).

The authoritative reference and input builder live on the scoring server;
editing this copy changes nothing except your own understanding.
"""

import jax, jax.numpy as jnp
import numpy as np

N = 10000
E = 320000
D_IN = 128
H1 = 256
H2 = 256
H3 = 256
H4 = 128
H5 = 128
D_OUT = 1


def setup_inputs(seed: int = 0):
    key = jax.random.key(seed)
    ks = jax.random.split(key, 12)
    s = 0.05
    inp = {}
    inp["x"] = jax.random.normal(ks[0], (N, D_IN), dtype=jnp.float32)
    inp["edge_index"] = jax.random.randint(ks[1], (2, E), 0, N, dtype=jnp.int32)
    inp["W1"] = jax.random.normal(ks[2], (D_IN, H1), dtype=jnp.float32) * s
    inp["b1"] = jnp.zeros((H1,), dtype=jnp.float32)
    inp["Wih"] = jax.random.normal(ks[3], (4 * H1, H1), dtype=jnp.float32) * s
    inp["Whh"] = jax.random.normal(ks[4], (4 * H1, H1), dtype=jnp.float32) * s
    inp["bih"] = jnp.zeros((4 * H1,), dtype=jnp.float32)
    inp["bhh"] = jnp.zeros((4 * H1,), dtype=jnp.float32)
    inp["W2"] = jax.random.normal(ks[5], (H1, H2), dtype=jnp.float32) * s
    inp["b2"] = jnp.zeros((H2,), dtype=jnp.float32)
    inp["W3"] = jax.random.normal(ks[6], (H2, H3), dtype=jnp.float32) * s
    inp["b3"] = jnp.zeros((H3,), dtype=jnp.float32)
    inp["W4"] = jax.random.normal(ks[7], (H3, H4), dtype=jnp.float32) * s
    inp["b4"] = jnp.zeros((H4,), dtype=jnp.float32)
    inp["W5"] = jax.random.normal(ks[8], (H4, H5), dtype=jnp.float32) * s
    inp["b5"] = jnp.zeros((H5,), dtype=jnp.float32)
    inp["Wfc"] = jax.random.normal(ks[9], (H5, D_OUT), dtype=jnp.float32) * s
    inp["bfc"] = jnp.zeros((D_OUT,), dtype=jnp.float32)
    return inp


def gcn_conv(x, edge_index, W, b):
    # PyG GCNConv: add self-loops, symmetric normalization, scatter-add aggregation
    n = x.shape[0]
    loops = jnp.arange(n, dtype=edge_index.dtype)
    src = jnp.concatenate([edge_index[0], loops])
    dst = jnp.concatenate([edge_index[1], loops])
    xw = x @ W
    deg = jnp.zeros((n,), dtype=x.dtype).at[dst].add(1.0)
    dinv = jnp.where(deg > 0, 1.0 / jnp.sqrt(deg), 0.0)
    norm = dinv[src] * dinv[dst]
    msgs = xw[src] * norm[:, None]
    out = jnp.zeros((n, W.shape[1]), dtype=x.dtype).at[dst].add(msgs)
    return out + b


def lstm(seq, Wih, Whh, bih, bhh):
    # single-layer LSTM, batch=1, seq_len=N (nodes as timesteps), PyTorch gate order i,f,g,o
    H = Whh.shape[1]

    def step(carry, xt):
        h, c = carry
        gates = Wih @ xt + Whh @ h + bih + bhh
        i = jax.nn.sigmoid(gates[0:H])
        f = jax.nn.sigmoid(gates[H:2 * H])
        g = jnp.tanh(gates[2 * H:3 * H])
        o = jax.nn.sigmoid(gates[3 * H:4 * H])
        c2 = f * c + i * g
        h2 = o * jnp.tanh(c2)
        return (h2, c2), h2

    init = (jnp.zeros((H,), dtype=seq.dtype), jnp.zeros((H,), dtype=seq.dtype))
    _, hs = jax.lax.scan(step, init, seq)
    return hs


def reference(x, edge_index, W1, b1, Wih, Whh, bih, bhh, W2, b2, W3, b3, W4, b4, W5, b5, Wfc, bfc):
    # dropout is inactive in eval mode (p applied only when training)
    h = jax.nn.relu(gcn_conv(x, edge_index, W1, b1))
    h = lstm(h, Wih, Whh, bih, bhh)
    h = jax.nn.relu(gcn_conv(h, edge_index, W2, b2))
    h = jax.nn.relu(gcn_conv(h, edge_index, W3, b3))
    h = jax.nn.relu(gcn_conv(h, edge_index, W4, b4))
    h = jax.nn.relu(gcn_conv(h, edge_index, W5, b5))
    return jax.nn.sigmoid(h @ Wfc + bfc)

if __name__ == "__main__":
    import jax
    _d = setup_inputs()
    print(jax.jit(kernel)(*tuple(_d.values())))

</pallas_src>

<mosaic_0001>
#map = affine_map<(d0, d1) -> (0, 0, 0)>
#map1 = affine_map<(d0, d1) -> (0)>
module attributes {stable_mosaic.version = 14 : i64} {
  func.func @_agg_body(%arg0: i32, %arg1: i32, %arg2: memref<2x10240x128xf32, #tpu.memory_space<hbm>>, %arg3: memref<331776xi32, #tpu.memory_space<hbm>>, %arg4: memref<331776xi32, #tpu.memory_space<hbm>>, %arg5: memref<2x10240x128xf32, #tpu.memory_space<hbm>>, %arg6: memref<128xi32, #tpu.memory_space<vmem>>, %arg7: memref<128xi32, #tpu.memory_space<vmem>>, %arg8: memref<128xi32, #tpu.memory_space<vmem>>, %arg9: memref<128xi32, #tpu.memory_space<vmem>>, %arg10: memref<128x128xf32, #tpu.memory_space<vmem>>, %arg11: memref<128x128xf32, #tpu.memory_space<vmem>>, %arg12: memref<10240x128xf32, #tpu.memory_space<vmem_shared>>, %arg13: memref<!tpu.dma_semaphore, #tpu.memory_space<semaphore_mem>>, %arg14: memref<!tpu.dma_semaphore, #tpu.memory_space<semaphore_mem>>, %arg15: memref<!tpu.dma_semaphore, #tpu.memory_space<semaphore_mem>>, %arg16: memref<!tpu.dma_semaphore, #tpu.memory_space<semaphore_mem>>, %arg17: memref<!tpu.dma_semaphore, #tpu.memory_space<semaphore_mem>>, %arg18: memref<!tpu.dma_semaphore, #tpu.memory_space<semaphore_mem>>) attributes {dimension_semantics = [#tpu.dimension_semantics<core_parallel>, #tpu.dimension_semantics<subcore_parallel>], iteration_bounds = array<i64: 2, 16>, scalar_prefetch = 0 : i64, scratch_operands = 13 : i64, tpu.core_type = #tpu.core_type<sc_vector_subcore>, window_params = [{transform_indices = #map}, {transform_indices = #map1}, {transform_indices = #map1}, {transform_indices = #map}]} {
    %broadcast_in_dim3A = arith.constant 0.000000e+00 : f32
    %broadcast_in_dim3A_0 = vector.broadcast %broadcast_in_dim3A : f32 to vector<16xf32>
    %mul3A = arith.constant 162 : i32
    %mul3A_1 = arith.muli %arg1, %mul3A : i32
    %scan3A = arith.constant 0 : i32
    %scan3A_2 = arith.constant 0 : i32
    %scan3A_3 = arith.constant 128 : i32
    %scan3A_4 = arith.addi %scan3A_2, %scan3A_3 : i32
    %scan3A_5 = arith.constant 1 : i32
    %scan3A_6 = scf.for %scan3A_41 = %scan3A_2 to %scan3A_4 step %scan3A_5 iter_args(%scan3A_42 = %scan3A) -> (i32)  : i32 {
      %swap3A = arith.index_cast %scan3A_41 : i32 to index
      %swap3A_43 = arith.constant 0 : index
      %swap3A_44 = tpu.vector_load %arg10[%swap3A, %swap3A_43] {strides = array<i32>} : memref<128x128xf32, #tpu.memory_space<vmem>>, vector<16xf32>,
      tpu.vector_store %arg10[%swap3A, %swap3A_43], %broadcast_in_dim3A_0 {strides = array<i32>} : memref<128x128xf32, #tpu.memory_space<vmem>>, vector<16xf32>,
      %swap3A_45 = arith.index_cast %scan3A_41 : i32 to index
      %swap3A_46 = arith.constant 16 : index
      %swap3A_47 = tpu.vector_load %arg10[%swap3A_45, %swap3A_46] {strides = array<i32>} : memref<128x128xf32, #tpu.memory_space<vmem>>, vector<16xf32>,
      tpu.vector_store %arg10[%swap3A_45, %swap3A_46], %broadcast_in_dim3A_0 {strides = array<i32>} : memref<128x128xf32, #tpu.memory_space<vmem>>, vector<16xf32>,
      %swap3A_48 = arith.index_cast %scan3A_41 : i32 to index
      %swap3A_49 = arith.constant 32 : index
      %swap3A_50 = tpu.vector_load %arg10[%swap3A_48, %swap3A_49] {strides = array<i32>} : memref<128x128xf32, #tpu.memory_space<vmem>>, vector<16xf32>,
      tpu.vector_store %arg10[%swap3A_48, %swap3A_49], %broadcast_in_dim3A_0 {strides = array<i32>} : memref<128x128xf32, #tpu.memory_space<vmem>>, vector<16xf32>,
      %swap3A_51 = arith.index_cast %scan3A_41 : i32 to index
      %swap3A_52 = arith.constant 48 : index
      %swap3A_53 = tpu.vector_load %arg10[%swap3A_51, %swap3A_52] {strides = array<i32>} : memref<128x128xf32, #tpu.memory_space<vmem>>, vector<16xf32>,
      tpu.vector_store %arg10[%swap3A_51, %swap3A_52], %broadcast_in_dim3A_0 {strides = array<i32>} : memref<128x128xf32, #tpu.memory_space<vmem>>, vector<16xf32>,
      %swap3A_54 = arith.index_cast %scan3A_41 : i32 to index
      %swap3A_55 = arith.constant 64 : index
      %swap3A_56 = tpu.vector_load %arg10[%swap3A_54, %swap3A_55] {strides = array<i32>} : memref<128x128xf32, #tpu.memory_space<vmem>>, vector<16xf32>,
      tpu.vector_store %arg10[%swap3A_54, %swap3A_55], %broadcast_in_dim3A_0 {strides = array<i32>} : memref<128x128xf32, #tpu.memory_space<vmem>>, vector<16xf32>,
      %swap3A_57 = arith.index_cast %scan3A_41 : i32 to index
      %swap3A_58 = arith.constant 80 : index
      %swap3A_59 = tpu.vector_load %arg10[%swap3A_57, %swap3A_58] {strides = array<i32>} : memref<128x128xf32, #tpu.memory_space<vmem>>, vector<16xf32>,
      tpu.vector_store %arg10[%swap3A_57, %swap3A_58], %broadcast_in_dim3A_0 {strides = array<i32>} : memref<128x128xf32, #tpu.memory_space<vmem>>, vector<16xf32>,
      %swap3A_60 = arith.index_cast %scan3A_41 : i32 to index
      %swap3A_61 = arith.constant 96 : index
      %swap3A_62 = tpu.vector_load %arg10[%swap3A_60, %swap3A_61] {strides = array<i32>} : memref<128x128xf32, #tpu.memory_space<vmem>>, vector<16xf32>,
      tpu.vector_store %arg10[%swap3A_60, %swap3A_61], %broadcast_in_dim3A_0 {strides = array<i32>} : memref<128x128xf32, #tpu.memory_space<vmem>>, vector<16xf32>,
      %swap3A_63 = arith.index_cast %scan3A_41 : i32 to index
      %swap3A_64 = arith.constant 112 : index
      %swap3A_65 = tpu.vector_load %arg10[%swap3A_63, %swap3A_64] {strides = array<i32>} : memref<128x128xf32, #tpu.memory_space<vmem>>, vector<16xf32>,
      tpu.vector_store %arg10[%swap3A_63, %swap3A_64], %broadcast_in_dim3A_0 {strides = array<i32>} : memref<128x128xf32, #tpu.memory_space<vmem>>, vector<16xf32>,
      %scan3A_66 = arith.constant 0 : i32
      scf.yield %scan3A_66 : i32
    }
    %scan3A_7 = arith.constant 128 : i32
    %mul3A_8 = arith.constant 640 : i32
    %mul3A_9 = arith.muli %arg1, %mul3A_8 : i32
    %add3A = arith.constant 0 : i32
    %add3A_10 = arith.addi %mul3A_9, %add3A : i32
    "tpu.region"() ({
      %run_scoped3A = tpu.sem_alloc : memref<!tpu.dma_semaphore, #tpu.memory_space<semaphore_mem>>
      %dma_start3A = arith.constant 0 : i32
      %dma_start3A_41 = tpu.memref_slice %arg12[%add3A_10, %dma_start3A] : memref<10240x128xf32, #tpu.memory_space<vmem_shared>> -> memref<128x128xf32, #tpu.memory_space<vmem_shared>>
      %dma_start3A_42 = arith.constant 0 : i32
      %dma_start3A_43 = tpu.memref_slice %arg12[%add3A_10, %dma_start3A_42] : memref<10240x128xf32, #tpu.memory_space<vmem_shared>> -> memref<128x128xf32, #tpu.memory_space<vmem_shared>>
      tpu.enqueue_dma source(%arg10 : memref<128x128xf32, #tpu.memory_space<vmem>>) target(%dma_start3A_43 : memref<128x128xf32, #tpu.memory_space<vmem_shared>>) target_semaphore(%run_scoped3A : memref<!tpu.dma_semaphore, #tpu.memory_space<semaphore_mem>>)
      %dma_wait3A = arith.constant 0 : i32
      %dma_wait3A_44 = tpu.memref_slice %arg12[%add3A_10, %dma_wait3A] : memref<10240x128xf32, #tpu.memory_space<vmem_shared>> -> memref<128x128xf32, #tpu.memory_space<vmem_shared>>
      %dma_wait3A_45 = arith.constant 0 : i32
      %dma_wait3A_46 = tpu.memref_slice %arg12[%add3A_10, %dma_wait3A_45] : memref<10240x128xf32, #tpu.memory_space<vmem_shared>> -> memref<128x128xf32, #tpu.memory_space<vmem_shared>>
      tpu.wait_dma2 semaphore(%run_scoped3A : memref<!tpu.dma_semaphore, #tpu.memory_space<semaphore_mem>>) src(%arg10 : memref<128x128xf32, #tpu.memory_space<vmem>>) dst(%dma_wait3A_46 : memref<128x128xf32, #tpu.memory_space<vmem_shared>>)
      tpu.yield
    }) : () -> ()
    %mul3A_11 = arith.constant 640 : i32
    %mul3A_12 = arith.muli %arg1, %mul3A_11 : i32
    %add3A_13 = arith.constant 128 : i32
    %add3A_14 = arith.addi %mul3A_12, %add3A_13 : i32
    "tpu.region"() ({
      %run_scoped3A = tpu.sem_alloc : memref<!tpu.dma_semaphore, #tpu.memory_space<semaphore_mem>>
      %dma_start3A = arith.constant 0 : i32
      %dma_start3A_41 = tpu.memref_slice %arg12[%add3A_14, %dma_start3A] : memref<10240x128xf32, #tpu.memory_space<vmem_shared>> -> memref<128x128xf32, #tpu.memory_space<vmem_shared>>
      %dma_start3A_42 = arith.constant 0 : i32
      %dma_start3A_43 = tpu.memref_slice %arg12[%add3A_14, %dma_start3A_42] : memref<10240x128xf32, #tpu.memory_space<vmem_shared>> -> memref<128x128xf32, #tpu.memory_space<vmem_shared>>
      tpu.enqueue_dma source(%arg10 : memref<128x128xf32, #tpu.memory_space<vmem>>) target(%dma_start3A_43 : memref<128x128xf32, #tpu.memory_space<vmem_shared>>) target_semaphore(%run_scoped3A : memref<!tpu.dma_semaphore, #tpu.memory_space<semaphore_mem>>)
      %dma_wait3A = arith.constant 0 : i32
      %dma_wait3A_44 = tpu.memref_slice %arg12[%add3A_14, %dma_wait3A] : memref<10240x128xf32, #tpu.memory_space<vmem_shared>> -> memref<128x128xf32, #tpu.memory_space<vmem_shared>>
      %dma_wait3A_45 = arith.constant 0 : i32
      %dma_wait3A_46 = tpu.memref_slice %arg12[%add3A_14, %dma_wait3A_45] : memref<10240x128xf32, #tpu.memory_space<vmem_shared>> -> memref<128x128xf32, #tpu.memory_space<vmem_shared>>
      tpu.wait_dma2 semaphore(%run_scoped3A : memref<!tpu.dma_semaphore, #tpu.memory_space<semaphore_mem>>) src(%arg10 : memref<128x128xf32, #tpu.memory_space<vmem>>) dst(%dma_wait3A_46 : memref<128x128xf32, #tpu.memory_space<vmem_shared>>)
      tpu.yield
    }) : () -> ()
    %mul3A_15 = arith.constant 640 : i32
    %mul3A_16 = arith.muli %arg1, %mul3A_15 : i32
    %add3A_17 = arith.constant 256 : i32
    %add3A_18 = arith.addi %mul3A_16, %add3A_17 : i32
    "tpu.region"() ({
      %run_scoped3A = tpu.sem_alloc : memref<!tpu.dma_semaphore, #tpu.memory_space<semaphore_mem>>
      %dma_start3A = arith.constant 0 : i32
      %dma_start3A_41 = tpu.memref_slice %arg12[%add3A_18, %dma_start3A] : memref<10240x128xf32, #tpu.memory_space<vmem_shared>> -> memref<128x128xf32, #tpu.memory_space<vmem_shared>>
      %dma_start3A_42 = arith.constant 0 : i32
      %dma_start3A_43 = tpu.memref_slice %arg12[%add3A_18, %dma_start3A_42] : memref<10240x128xf32, #tpu.memory_space<vmem_shared>> -> memref<128x128xf32, #tpu.memory_space<vmem_shared>>
      tpu.enqueue_dma source(%arg10 : memref<128x128xf32, #tpu.memory_space<vmem>>) target(%dma_start3A_43 : memref<128x128xf32, #tpu.memory_space<vmem_shared>>) target_semaphore(%run_scoped3A : memref<!tpu.dma_semaphore, #tpu.memory_space<semaphore_mem>>)
      %dma_wait3A = arith.constant 0 : i32
      %dma_wait3A_44 = tpu.memref_slice %arg12[%add3A_18, %dma_wait3A] : memref<10240x128xf32, #tpu.memory_space<vmem_shared>> -> memref<128x128xf32, #tpu.memory_space<vmem_shared>>
      %dma_wait3A_45 = arith.constant 0 : i32
      %dma_wait3A_46 = tpu.memref_slice %arg12[%add3A_18, %dma_wait3A_45] : memref<10240x128xf32, #tpu.memory_space<vmem_shared>> -> memref<128x128xf32, #tpu.memory_space<vmem_shared>>
      tpu.wait_dma2 semaphore(%run_scoped3A : memref<!tpu.dma_semaphore, #tpu.memory_space<semaphore_mem>>) src(%arg10 : memref<128x128xf32, #tpu.memory_space<vmem>>) dst(%dma_wait3A_46 : memref<128x128xf32, #tpu.memory_space<vmem_shared>>)
      tpu.yield
    }) : () -> ()
    %mul3A_19 = arith.constant 640 : i32
    %mul3A_20 = arith.muli %arg1, %mul3A_19 : i32
    %add3A_21 = arith.constant 384 : i32
    %add3A_22 = arith.addi %mul3A_20, %add3A_21 : i32
    "tpu.region"() ({
      %run_scoped3A = tpu.sem_alloc : memref<!tpu.dma_semaphore, #tpu.memory_space<semaphore_mem>>
      %dma_start3A = arith.constant 0 : i32
      %dma_start3A_41 = tpu.memref_slice %arg12[%add3A_22, %dma_start3A] : memref<10240x128xf32, #tpu.memory_space<vmem_shared>> -> memref<128x128xf32, #tpu.memory_space<vmem_shared>>
      %dma_start3A_42 = arith.constant 0 : i32
      %dma_start3A_43 = tpu.memref_slice %arg12[%add3A_22, %dma_start3A_42] : memref<10240x128xf32, #tpu.memory_space<vmem_shared>> -> memref<128x128xf32, #tpu.memory_space<vmem_shared>>
      tpu.enqueue_dma source(%arg10 : memref<128x128xf32, #tpu.memory_space<vmem>>) target(%dma_start3A_43 : memref<128x128xf32, #tpu.memory_space<vmem_shared>>) target_semaphore(%run_scoped3A : memref<!tpu.dma_semaphore, #tpu.memory_space<semaphore_mem>>)
      %dma_wait3A = arith.constant 0 : i32
      %dma_wait3A_44 = tpu.memref_slice %arg12[%add3A_22, %dma_wait3A] : memref<10240x128xf32, #tpu.memory_space<vmem_shared>> -> memref<128x128xf32, #tpu.memory_space<vmem_shared>>
      %dma_wait3A_45 = arith.constant 0 : i32
      %dma_wait3A_46 = tpu.memref_slice %arg12[%add3A_22, %dma_wait3A_45] : memref<10240x128xf32, #tpu.memory_space<vmem_shared>> -> memref<128x128xf32, #tpu.memory_space<vmem_shared>>
      tpu.wait_dma2 semaphore(%run_scoped3A : memref<!tpu.dma_semaphore, #tpu.memory_space<semaphore_mem>>) src(%arg10 : memref<128x128xf32, #tpu.memory_space<vmem>>) dst(%dma_wait3A_46 : memref<128x128xf32, #tpu.memory_space<vmem_shared>>)
      tpu.yield
    }) : () -> ()
    %mul3A_23 = arith.constant 640 : i32
    %mul3A_24 = arith.muli %arg1, %mul3A_23 : i32
    %add3A_25 = arith.constant 512 : i32
    %add3A_26 = arith.addi %mul3A_24, %add3A_25 : i32
    "tpu.region"() ({
      %run_scoped3A = tpu.sem_alloc : memref<!tpu.dma_semaphore, #tpu.memory_space<semaphore_mem>>
      %dma_start3A = arith.constant 0 : i32
      %dma_start3A_41 = tpu.memref_slice %arg12[%add3A_26, %dma_start3A] : memref<10240x128xf32, #tpu.memory_space<vmem_shared>> -> memref<128x128xf32, #tpu.memory_space<vmem_shared>>
      %dma_start3A_42 = arith.constant 0 : i32
      %dma_start3A_43 = tpu.memref_slice %arg12[%add3A_26, %dma_start3A_42] : memref<10240x128xf32, #tpu.memory_space<vmem_shared>> -> memref<128x128xf32, #tpu.memory_space<vmem_shared>>
      tpu.enqueue_dma source(%arg10 : memref<128x128xf32, #tpu.memory_space<vmem>>) target(%dma_start3A_43 : memref<128x128xf32, #tpu.memory_space<vmem_shared>>) target_semaphore(%run_scoped3A : memref<!tpu.dma_semaphore, #tpu.memory_space<semaphore_mem>>)
      %dma_wait3A = arith.constant 0 : i32
      %dma_wait3A_44 = tpu.memref_slice %arg12[%add3A_26, %dma_wait3A] : memref<10240x128xf32, #tpu.memory_space<vmem_shared>> -> memref<128x128xf32, #tpu.memory_space<vmem_shared>>
      %dma_wait3A_45 = arith.constant 0 : i32
      %dma_wait3A_46 = tpu.memref_slice %arg12[%add3A_26, %dma_wait3A_45] : memref<10240x128xf32, #tpu.memory_space<vmem_shared>> -> memref<128x128xf32, #tpu.memory_space<vmem_shared>>
      tpu.wait_dma2 semaphore(%run_scoped3A : memref<!tpu.dma_semaphore, #tpu.memory_space<semaphore_mem>>) src(%arg10 : memref<128x128xf32, #tpu.memory_space<vmem>>) dst(%dma_wait3A_46 : memref<128x128xf32, #tpu.memory_space<vmem_shared>>)
      tpu.yield
    }) : () -> ()
    %barrier3A = arith.constant 0 : index
    tpu.barrier barrier_id(%barrier3A)
    %mul3A_27 = arith.constant 128 : i32
    %mul3A_28 = arith.muli %mul3A_1, %mul3A_27 : i32
    %scan3A_29 = arith.constant 0 : i32
    %scan3A_30 = arith.constant 0 : i32
    %scan3A_31 = arith.constant 81 : i32
    %scan3A_32 = arith.addi %scan3A_30, %scan3A_31 : i32
    %scan3A_33 = arith.constant 1 : i32
    %scan3A_34 = scf.for %scan3A_41 = %scan3A_30 to %scan3A_32 step %scan3A_33 iter_args(%scan3A_42 = %scan3A_29) -> (i32)  : i32 {
      %mul3A_43 = arith.constant 2 : i32
      %mul3A_44 = arith.muli %scan3A_41, %mul3A_43 : i32
      %mul3A_45 = arith.constant 128 : i32
      %mul3A_46 = arith.muli %mul3A_44, %mul3A_45 : i32
      %add3A_47 = arith.addi %mul3A_28, %mul3A_46 : i32
      %dma_start3A = tpu.memref_slice %arg3[%add3A_47] : memref<331776xi32, #tpu.memory_space<hbm>> -> memref<128xi32, #tpu.memory_space<hbm>>
      %dma_start3A_48 = tpu.memref_slice %arg3[%add3A_47] : memref<331776xi32, #tpu.memory_space<hbm>> -> memref<128xi32, #tpu.memory_space<hbm>>
      tpu.enqueue_dma source(%dma_start3A_48 : memref<128xi32, #tpu.memory_space<hbm>>) target(%arg6 : memref<128xi32, #tpu.memory_space<vmem>>) target_semaphore(%arg13 : memref<!tpu.dma_semaphore, #tpu.memory_space<semaphore_mem>>)
      %add3A_49 = arith.constant 128 : i32
      %add3A_50 = arith.addi %add3A_47, %add3A_49 : i32
      %dma_start3A_51 = tpu.memref_slice %arg3[%add3A_50] : memref<331776xi32, #tpu.memory_space<hbm>> -> memref<128xi32, #tpu.memory_space<hbm>>
      %dma_start3A_52 = tpu.memref_slice %arg3[%add3A_50] : memref<331776xi32, #tpu.memory_space<hbm>> -> memref<128xi32, #tpu.memory_space<hbm>>
      tpu.enqueue_dma source(%dma_start3A_52 : memref<128xi32, #tpu.memory_space<hbm>>) target(%arg7 : memref<128xi32, #tpu.memory_space<vmem>>) target_semaphore(%arg14 : memref<!tpu.dma_semaphore, #tpu.memory_space<semaphore_mem>>)
      %dma_start3A_53 = tpu.memref_slice %arg4[%add3A_47] : memref<331776xi32, #tpu.memory_space<hbm>> -> memref<128xi32, #tpu.memory_space<hbm>>
      %dma_start3A_54 = tpu.memref_slice %arg4[%add3A_47] : memref<331776xi32, #tpu.memory_space<hbm>> -> memref<128xi32, #tpu.memory_space<hbm>>
      tpu.enqueue_dma source(%dma_start3A_54 : memref<128xi32, #tpu.memory_space<hbm>>) target(%arg8 : memref<128xi32, #tpu.memory_space<vmem>>) target_semaphore(%arg15 : memref<!tpu.dma_semaphore, #tpu.memory_space<semaphore_mem>>)
      %add3A_55 = arith.constant 128 : i32
      %add3A_56 = arith.addi %add3A_47, %add3A_55 : i32
      %dma_start3A_57 = tpu.memref_slice %arg4[%add3A_56] : memref<331776xi32, #tpu.memory_space<hbm>> -> memref<128xi32, #tpu.memory_space<hbm>>
      %dma_start3A_58 = tpu.memref_slice %arg4[%add3A_56] : memref<331776xi32, #tpu.memory_space<hbm>> -> memref<128xi32, #tpu.memory_space<hbm>>
      tpu.enqueue_dma source(%dma_start3A_58 : memref<128xi32, #tpu.memory_space<hbm>>) target(%arg9 : memref<128xi32, #tpu.memory_space<vmem>>) target_semaphore(%arg16 : memref<!tpu.dma_semaphore, #tpu.memory_space<semaphore_mem>>)
      %dma_wait3A = tpu.memref_slice %arg3[%add3A_47] : memref<331776xi32, #tpu.memory_space<hbm>> -> memref<128xi32, #tpu.memory_space<hbm>>
      %dma_wait3A_59 = tpu.memref_slice %arg3[%add3A_47] : memref<331776xi32, #tpu.memory_space<hbm>> -> memref<128xi32, #tpu.memory_space<hbm>>
      tpu.wait_dma2 semaphore(%arg13 : memref<!tpu.dma_semaphore, #tpu.memory_space<semaphore_mem>>) src(%dma_wait3A_59 : memref<128xi32, #tpu.memory_space<hbm>>) dst(%arg6 : memref<128xi32, #tpu.memory_space<vmem>>)
      %dma_start3A_60 = arith.constant 0 : i32
      %dma_start3A_61 = arith.constant 0 : i32
      %dma_start3A_62 = tpu.memref_slice %arg2[%arg0, %dma_start3A_60, %dma_start3A_61] : memref<2x10240x128xf32, #tpu.memory_space<hbm>> -> memref<1x10240x128xf32, #tpu.memory_space<hbm>>
      %dma_start3A_63 = tpu.memref_squeeze %dma_start3A_62 : memref<1x10240x128xf32, #tpu.memory_space<hbm>> -> memref<10240x128xf32, #tpu.memory_space<hbm>>
      %dma_start3A_64 = arith.constant 0 : i32
      %dma_start3A_65 = arith.constant 0 : i32
      %dma_start3A_66 = tpu.memref_slice %dma_start3A_63[%dma_start3A_64, %dma_start3A_65] : memref<10240x128xf32, #tpu.memory_space<hbm>> -> memref<10240x128xf32, #tpu.memory_space<hbm>>
      tpu.enqueue_indirect_dma source(%dma_start3A_66 : memref<10240x128xf32, #tpu.memory_space<hbm>>) target(%arg10 : memref<128x128xf32, #tpu.memory_space<vmem>>) offsets(%arg6 : memref<128xi32, #tpu.memory_space<vmem>>) semaphore(%arg17 : memref<!tpu.dma_semaphore, #tpu.memory_space<semaphore_mem>>)
      %dma_wait3A_67 = tpu.memref_slice %arg3[%add3A_50] : memref<331776xi32, #tpu.memory_space<hbm>> -> memref<128xi32, #tpu.memory_space<hbm>>
      %dma_wait3A_68 = tpu.memref_slice %arg3[%add3A_50] : memref<331776xi32, #tpu.memory_space<hbm>> -> memref<128xi32, #tpu.memory_space<hbm>>
      tpu.wait_dma2 semaphore(%arg14 : memref<!tpu.dma_semaphore, #tpu.memory_space<semaphore_mem>>) src(%dma_wait3A_68 : memref<128xi32, #tpu.memory_space<hbm>>) dst(%arg7 : memref<128xi32, #tpu.memory_space<vmem>>)
      %dma_start3A_69 = arith.constant 0 : i32
      %dma_start3A_70 = arith.constant 0 : i32
      %dma_start3A_71 = tpu.memref_slice %arg2[%arg0, %dma_start3A_69, %dma_start3A_70] : memref<2x10240x128xf32, #tpu.memory_space<hbm>> -> memref<1x10240x128xf32, #tpu.memory_space<hbm>>
      %dma_start3A_72 = tpu.memref_squeeze %dma_start3A_71 : memref<1x10240x128xf32, #tpu.memory_space<hbm>> -> memref<10240x128xf32, #tpu.memory_space<hbm>>
      %dma_start3A_73 = arith.constant 0 : i32
      %dma_start3A_74 = arith.constant 0 : i32
      %dma_start3A_75 = tpu.memref_slice %dma_start3A_72[%dma_start3A_73, %dma_start3A_74] : memref<10240x128xf32, #tpu.memory_space<hbm>> -> memref<10240x128xf32, #tpu.memory_space<hbm>>
      tpu.enqueue_indirect_dma source(%dma_start3A_75 : memref<10240x128xf32, #tpu.memory_space<hbm>>) target(%arg11 : memref<128x128xf32, #tpu.memory_space<vmem>>) offsets(%arg7 : memref<128xi32, #tpu.memory_space<vmem>>) semaphore(%arg18 : memref<!tpu.dma_semaphore, #tpu.memory_space<semaphore_mem>>)
      %dma_wait3A_76 = arith.constant 0 : i32
      %dma_wait3A_77 = arith.constant 0 : i32
      %dma_wait3A_78 = tpu.memref_slice %arg2[%arg0, %dma_wait3A_76, %dma_wait3A_77] : memref<2x10240x128xf32, #tpu.memory_space<hbm>> -> memref<1x10240x128xf32, #tpu.memory_space<hbm>>
      %dma_wait3A_79 = tpu.memref_squeeze %dma_wait3A_78 : memref<1x10240x128xf32, #tpu.memory_space<hbm>> -> memref<10240x128xf32, #tpu.memory_space<hbm>>
      %dma_wait3A_80 = arith.constant 0 : i32
      %dma_wait3A_81 = arith.constant 0 : i32
      %dma_wait3A_82 = tpu.memref_slice %dma_wait3A_79[%dma_wait3A_80, %dma_wait3A_81] : memref<10240x128xf32, #tpu.memory_space<hbm>> -> memref<10240x128xf32, #tpu.memory_space<hbm>>
      tpu.wait_indirect_dma semaphore(%arg17 : memref<!tpu.dma_semaphore, #tpu.memory_space<semaphore_mem>>) src(%dma_wait3A_82 : memref<10240x128xf32, #tpu.memory_space<hbm>>) dst(%arg10 : memref<128x128xf32, #tpu.memory_space<vmem>>)
      %dma_wait3A_83 = tpu.memref_slice %arg4[%add3A_47] : memref<331776xi32, #tpu.memory_space<hbm>> -> memref<128xi32, #tpu.memory_space<hbm>>
      %dma_wait3A_84 = tpu.memref_slice %arg4[%add3A_47] : memref<331776xi32, #tpu.memory_space<hbm>> -> memref<128xi32, #tpu.memory_space<hbm>>
      tpu.wait_dma2 semaphore(%arg15 : memref<!tpu.dma_semaphore, #tpu.memory_space<semaphore_mem>>) src(%dma_wait3A_84 : memref<128xi32, #tpu.memory_space<hbm>>) dst(%arg8 : memref<128xi32, #tpu.memory_space<vmem>>)
      "tpu.region"() ({
        %run_scoped3A = tpu.sem_alloc : memref<!tpu.dma_semaphore, #tpu.memory_space<semaphore_mem>>
        %dma_start3A_95 = arith.constant 0 : i32
        %dma_start3A_96 = arith.constant 0 : i32
        %dma_start3A_97 = tpu.memref_slice %arg12[%dma_start3A_95, %dma_start3A_96] : memref<10240x128xf32, #tpu.memory_space<vmem_shared>> -> memref<10240x128xf32, #tpu.memory_space<vmem_shared>>
        tpu.enqueue_indirect_dma source(%arg10 : memref<128x128xf32, #tpu.memory_space<vmem>>) target(%dma_start3A_97 : memref<10240x128xf32, #tpu.memory_space<vmem_shared>>) offsets(%arg8 : memref<128xi32, #tpu.memory_space<vmem>>) semaphore(%run_scoped3A : memref<!tpu.dma_semaphore, #tpu.memory_space<semaphore_mem>>) {add = true}
        %dma_wait3A_98 = arith.constant 0 : i32
        %dma_wait3A_99 = arith.constant 0 : i32
        %dma_wait3A_100 = tpu.memref_slice %arg12[%dma_wait3A_98, %dma_wait3A_99] : memref<10240x128xf32, #tpu.memory_space<vmem_shared>> -> memref<10240x128xf32, #tpu.memory_space<vmem_shared>>
        tpu.wait_indirect_dma semaphore(%run_scoped3A : memref<!tpu.dma_semaphore, #tpu.memory_space<semaphore_mem>>) src(%arg10 : memref<128x128xf32, #tpu.memory_space<vmem>>) dst(%dma_wait3A_100 : memref<10240x128xf32, #tpu.memory_space<vmem_shared>>)
        tpu.yield
      }) : () -> ()
      %dma_wait3A_85 = arith.constant 0 : i32
      %dma_wait3A_86 = arith.constant 0 : i32
      %dma_wait3A_87 = tpu.memref_slice %arg2[%arg0, %dma_wait3A_85, %dma_wait3A_86] : memref<2x10240x128xf32, #tpu.memory_space<hbm>> -> memref<1x10240x128xf32, #tpu.memory_space<hbm>>
      %dma_wait3A_88 = tpu.memref_squeeze %dma_wait3A_87 : memref<1x10240x128xf32, #tpu.memory_space<hbm>> -> memref<10240x128xf32, #tpu.memory_space<hbm>>
      %dma_wait3A_89 = arith.constant 0 : i32
      %dma_wait3A_90 = arith.constant 0 : i32
      %dma_wait3A_91 = tpu.memref_slice %dma_wait3A_88[%dma_wait3A_89, %dma_wait3A_90] : memref<10240x128xf32, #tpu.memory_space<hbm>> -> memref<10240x128xf32, #tpu.memory_space<hbm>>
      tpu.wait_indirect_dma semaphore(%arg18 : memref<!tpu.dma_semaphore, #tpu.memory_space<semaphore_mem>>) src(%dma_wait3A_91 : memref<10240x128xf32, #tpu.memory_space<hbm>>) dst(%arg11 : memref<128x128xf32, #tpu.memory_space<vmem>>)
      %dma_wait3A_92 = tpu.memref_slice %arg4[%add3A_56] : memref<331776xi32, #tpu.memory_space<hbm>> -> memref<128xi32, #tpu.memory_space<hbm>>
      %dma_wait3A_93 = tpu.memref_slice %arg4[%add3A_56] : memref<331776xi32, #tpu.memory_space<hbm>> -> memref<128xi32, #tpu.memory_space<hbm>>
      tpu.wait_dma2 semaphore(%arg16 : memref<!tpu.dma_semaphore, #tpu.memory_space<semaphore_mem>>) src(%dma_wait3A_93 : memref<128xi32, #tpu.memory_space<hbm>>) dst(%arg9 : memref<128xi32, #tpu.memory_space<vmem>>)
      "tpu.region"() ({
        %run_scoped3A = tpu.sem_alloc : memref<!tpu.dma_semaphore, #tpu.memory_space<semaphore_mem>>
        %dma_start3A_95 = arith.constant 0 : i32
        %dma_start3A_96 = arith.constant 0 : i32
        %dma_start3A_97 = tpu.memref_slice %arg12[%dma_start3A_95, %dma_start3A_96] : memref<10240x128xf32, #tpu.memory_space<vmem_shared>> -> memref<10240x128xf32, #tpu.memory_space<vmem_shared>>
        tpu.enqueue_indirect_dma source(%arg11 : memref<128x128xf32, #tpu.memory_space<vmem>>) target(%dma_start3A_97 : memref<10240x128xf32, #tpu.memory_space<vmem_shared>>) offsets(%arg9 : memref<128xi32, #tpu.memory_space<vmem>>) semaphore(%run_scoped3A : memref<!tpu.dma_semaphore, #tpu.memory_space<semaphore_mem>>) {add = true}
        %dma_wait3A_98 = arith.constant 0 : i32
        %dma_wait3A_99 = arith.constant 0 : i32
        %dma_wait3A_100 = tpu.memref_slice %arg12[%dma_wait3A_98, %dma_wait3A_99] : memref<10240x128xf32, #tpu.memory_space<vmem_shared>> -> memref<10240x128xf32, #tpu.memory_space<vmem_shared>>
        tpu.wait_indirect_dma semaphore(%run_scoped3A : memref<!tpu.dma_semaphore, #tpu.memory_space<semaphore_mem>>) src(%arg11 : memref<128x128xf32, #tpu.memory_space<vmem>>) dst(%dma_wait3A_100 : memref<10240x128xf32, #tpu.memory_space<vmem_shared>>)
        tpu.yield
      }) : () -> ()
      %scan3A_94 = arith.constant 0 : i32
      scf.yield %scan3A_94 : i32
    }
    %scan3A_35 = arith.constant 81 : i32
    %barrier3A_36 = arith.constant 0 : index
    tpu.barrier barrier_id(%barrier3A_36)
    %mul3A_37 = arith.constant 640 : i32
    %mul3A_38 = arith.muli %arg1, %mul3A_37 : i32
    %mul3A_39 = arith.constant 640 : i32
    %mul3A_40 = arith.muli %arg1, %mul3A_39 : i32
    "tpu.region"() ({
      %run_scoped3A = tpu.sem_alloc : memref<!tpu.dma_semaphore, #tpu.memory_space<semaphore_mem>>
      %dma_start3A = arith.constant 0 : i32
      %dma_start3A_41 = arith.constant 0 : i32
      %dma_start3A_42 = tpu.memref_slice %arg5[%arg0, %dma_start3A, %dma_start3A_41] : memref<2x10240x128xf32, #tpu.memory_space<hbm>> -> memref<1x10240x128xf32, #tpu.memory_space<hbm>>
      %dma_start3A_43 = tpu.memref_squeeze %dma_start3A_42 : memref<1x10240x128xf32, #tpu.memory_space<hbm>> -> memref<10240x128xf32, #tpu.memory_space<hbm>>
      %dma_start3A_44 = arith.constant 0 : i32
      %dma_start3A_45 = tpu.memref_slice %dma_start3A_43[%mul3A_40, %dma_start3A_44] : memref<10240x128xf32, #tpu.memory_space<hbm>> -> memref<640x128xf32, #tpu.memory_space<hbm>>
      %dma_start3A_46 = arith.constant 0 : i32
      %dma_start3A_47 = tpu.memref_slice %arg12[%mul3A_38, %dma_start3A_46] : memref<10240x128xf32, #tpu.memory_space<vmem_shared>> -> memref<640x128xf32, #tpu.memory_space<vmem_shared>>
      tpu.enqueue_dma source(%dma_start3A_47 : memref<640x128xf32, #tpu.memory_space<vmem_shared>>) target(%dma_start3A_45 : memref<640x128xf32, #tpu.memory_space<hbm>>) target_semaphore(%run_scoped3A : memref<!tpu.dma_semaphore, #tpu.memory_space<semaphore_mem>>)
      %dma_wait3A = arith.constant 0 : i32
      %dma_wait3A_48 = arith.constant 0 : i32
      %dma_wait3A_49 = tpu.memref_slice %arg5[%arg0, %dma_wait3A, %dma_wait3A_48] : memref<2x10240x128xf32, #tpu.memory_space<hbm>> -> memref<1x10240x128xf32, #tpu.memory_space<hbm>>
      %dma_wait3A_50 = tpu.memref_squeeze %dma_wait3A_49 : memref<1x10240x128xf32, #tpu.memory_space<hbm>> -> memref<10240x128xf32, #tpu.memory_space<hbm>>
      %dma_wait3A_51 = arith.constant 0 : i32
      %dma_wait3A_52 = tpu.memref_slice %dma_wait3A_50[%mul3A_40, %dma_wait3A_51] : memref<10240x128xf32, #tpu.memory_space<hbm>> -> memref<640x128xf32, #tpu.memory_space<hbm>>
      %dma_wait3A_53 = arith.constant 0 : i32
      %dma_wait3A_54 = tpu.memref_slice %arg12[%mul3A_38, %dma_wait3A_53] : memref<10240x128xf32, #tpu.memory_space<vmem_shared>> -> memref<640x128xf32, #tpu.memory_space<vmem_shared>>
      tpu.wait_dma2 semaphore(%run_scoped3A : memref<!tpu.dma_semaphore, #tpu.memory_space<semaphore_mem>>) src(%dma_wait3A_54 : memref<640x128xf32, #tpu.memory_space<vmem_shared>>) dst(%dma_wait3A_52 : memref<640x128xf32, #tpu.memory_space<hbm>>)
      tpu.yield
    }) : () -> ()
    return
  }
}

#map = affine_map<(d0, d1) -> (0, 0, 0)>
#map1 = affine_map<(d0, d1) -> (0)>
module attributes {stable_mosaic.version = 14 : i64} {
  func.func @_agg_body(%arg0: i32, %arg1: i32, %arg2: memref<2x10240x128xf32, #tpu.memory_space<hbm>>, %arg3: memref<331776xi32, #tpu.memory_space<hbm>>, %arg4: memref<331776xi32, #tpu.memory_space<hbm>>, %arg5: memref<2x10240x128xf32, #tpu.memory_space<hbm>>, %arg6: memref<128xi32, #tpu.memory_space<vmem>>, %arg7: memref<128xi32, #tpu.memory_space<vmem>>, %arg8: memref<128xi32, #tpu.memory_space<vmem>>, %arg9: memref<128xi32, #tpu.memory_space<vmem>>, %arg10: memref<128x128xf32, #tpu.memory_space<vmem>>, %arg11: memref<128x128xf32, #tpu.memory_space<vmem>>, %arg12: memref<10240x128xf32, #tpu.memory_space<vmem_shared>>, %arg13: memref<!tpu.dma_semaphore, #tpu.memory_space<semaphore_mem>>, %arg14: memref<!tpu.dma_semaphore, #tpu.memory_space<semaphore_mem>>, %arg15: memref<!tpu.dma_semaphore, #tpu.memory_space<semaphore_mem>>, %arg16: memref<!tpu.dma_semaphore, #tpu.memory_space<semaphore_mem>>, %arg17: memref<!tpu.dma_semaphore, #tpu.memory_space<semaphore_mem>>, %arg18: memref<!tpu.dma_semaphore, #tpu.memory_space<semaphore_mem>>) attributes {dimension_semantics = [#tpu.dimension_semantics<core_parallel>, #tpu.dimension_semantics<subcore_parallel>], iteration_bounds = array<i64: 2, 16>, scalar_prefetch = 0 : i64, scratch_operands = 13 : i64, tpu.core_type = #tpu.core_type<sc_vector_subcore>, window_params = [{transform_indices = #map}, {transform_indices = #map1}, {transform_indices = #map1}, {transform_indices = #map}]} {
    %broadcast_in_dim3A = arith.constant 0.000000e+00 : f32
    %broadcast_in_dim3A_0 = vector.broadcast %broadcast_in_dim3A : f32 to vector<16xf32>
    %mul3A = arith.constant 162 : i32
    %mul3A_1 = arith.muli %arg1, %mul3A : i32
    %scan3A = arith.constant 0 : i32
    %scan3A_2 = arith.constant 0 : i32
    %scan3A_3 = arith.constant 128 : i32
    %scan3A_4 = arith.addi %scan3A_2, %scan3A_3 : i32
    %scan3A_5 = arith.constant 1 : i32
    %scan3A_6 = scf.for %scan3A_41 = %scan3A_2 to %scan3A_4 step %scan3A_5 iter_args(%scan3A_42 = %scan3A) -> (i32)  : i32 {
      %swap3A = arith.index_cast %scan3A_41 : i32 to index
      %swap3A_43 = arith.constant 0 : index
      %swap3A_44 = tpu.vector_load %arg10[%swap3A, %swap3A_43] {strides = array<i32>} : memref<128x128xf32, #tpu.memory_space<vmem>>, vector<16xf32>,
      tpu.vector_store %arg10[%swap3A, %swap3A_43], %broadcast_in_dim3A_0 {strides = array<i32>} : memref<128x128xf32, #tpu.memory_space<vmem>>, vector<16xf32>,
      %swap3A_45 = arith.index_cast %scan3A_41 : i32 to index
      %swap3A_46 = arith.constant 16 : index
      %swap3A_47 = tpu.vector_load %arg10[%swap3A_45, %swap3A_46] {strides = array<i32>} : memref<128x128xf32, #tpu.memory_space<vmem>>, vector<16xf32>,
      tpu.vector_store %arg10[%swap3A_45, %swap3A_46], %broadcast_in_dim3A_0 {strides = array<i32>} : memref<128x128xf32, #tpu.memory_space<vmem>>, vector<16xf32>,
      %swap3A_48 = arith.index_cast %scan3A_41 : i32 to index
      %swap3A_49 = arith.constant 32 : index
      %swap3A_50 = tpu.vector_load %arg10[%swap3A_48, %swap3A_49] {strides = array<i32>} : memref<128x128xf32, #tpu.memory_space<vmem>>, vector<16xf32>,
      tpu.vector_store %arg10[%swap3A_48, %swap3A_49], %broadcast_in_dim3A_0 {strides = array<i32>} : memref<128x128xf32, #tpu.memory_space<vmem>>, vector<16xf32>,
      %swap3A_51 = arith.index_cast %scan3A_41 : i32 to index
      %swap3A_52 = arith.constant 48 : index
      %swap3A_53 = tpu.vector_load %arg10[%swap3A_51, %swap3A_52] {strides = array<i32>} : memref<128x128xf32, #tpu.memory_space<vmem>>, vector<16xf32>,
      tpu.vector_store %arg10[%swap3A_51, %swap3A_52], %broadcast_in_dim3A_0 {strides = array<i32>} : memref<128x128xf32, #tpu.memory_space<vmem>>, vector<16xf32>,
      %swap3A_54 = arith.index_cast %scan3A_41 : i32 to index
      %swap3A_55 = arith.constant 64 : index
      %swap3A_56 = tpu.vector_load %arg10[%swap3A_54, %swap3A_55] {strides = array<i32>} : memref<128x128xf32, #tpu.memory_space<vmem>>, vector<16xf32>,
      tpu.vector_store %arg10[%swap3A_54, %swap3A_55], %broadcast_in_dim3A_0 {strides = array<i32>} : memref<128x128xf32, #tpu.memory_space<vmem>>, vector<16xf32>,
      %swap3A_57 = arith.index_cast %scan3A_41 : i32 to index
      %swap3A_58 = arith.constant 80 : index
      %swap3A_59 = tpu.vector_load %arg10[%swap3A_57, %swap3A_58] {strides = array<i32>} : memref<128x128xf32, #tpu.memory_space<vmem>>, vector<16xf32>,
      tpu.vector_store %arg10[%swap3A_57, %swap3A_58], %broadcast_in_dim3A_0 {strides = array<i32>} : memref<128x128xf32, #tpu.memory_space<vmem>>, vector<16xf32>,
      %swap3A_60 = arith.index_cast %scan3A_41 : i32 to index
      %swap3A_61 = arith.constant 96 : index
      %swap3A_62 = tpu.vector_load %arg10[%swap3A_60, %swap3A_61] {strides = array<i32>} : memref<128x128xf32, #tpu.memory_space<vmem>>, vector<16xf32>,
      tpu.vector_store %arg10[%swap3A_60, %swap3A_61], %broadcast_in_dim3A_0 {strides = array<i32>} : memref<128x128xf32, #tpu.memory_space<vmem>>, vector<16xf32>,
      %swap3A_63 = arith.index_cast %scan3A_41 : i32 to index
      %swap3A_64 = arith.constant 112 : index
      %swap3A_65 = tpu.vector_load %arg10[%swap3A_63, %swap3A_64] {strides = array<i32>} : memref<128x128xf32, #tpu.memory_space<vmem>>, vector<16xf32>,
      tpu.vector_store %arg10[%swap3A_63, %swap3A_64], %broadcast_in_dim3A_0 {strides = array<i32>} : memref<128x128xf32, #tpu.memory_space<vmem>>, vector<16xf32>,
      %scan3A_66 = arith.constant 0 : i32
      scf.yield %scan3A_66 : i32
    }
    %scan3A_7 = arith.constant 128 : i32
    %mul3A_8 = arith.constant 640 : i32
    %mul3A_9 = arith.muli %arg1, %mul3A_8 : i32
    %add3A = arith.constant 0 : i32
    %add3A_10 = arith.addi %mul3A_9, %add3A : i32
    "tpu.region"() ({
      %run_scoped3A = tpu.sem_alloc : memref<!tpu.dma_semaphore, #tpu.memory_space<semaphore_mem>>
      %dma_start3A = arith.constant 0 : i32
      %dma_start3A_41 = tpu.memref_slice %arg12[%add3A_10, %dma_start3A] : memref<10240x128xf32, #tpu.memory_space<vmem_shared>> -> memref<128x128xf32, #tpu.memory_space<vmem_shared>>
      %dma_start3A_42 = arith.constant 0 : i32
      %dma_start3A_43 = tpu.memref_slice %arg12[%add3A_10, %dma_start3A_42] : memref<10240x128xf32, #tpu.memory_space<vmem_shared>> -> memref<128x128xf32, #tpu.memory_space<vmem_shared>>
      tpu.enqueue_dma source(%arg10 : memref<128x128xf32, #tpu.memory_space<vmem>>) target(%dma_start3A_43 : memref<128x128xf32, #tpu.memory_space<vmem_shared>>) target_semaphore(%run_scoped3A : memref<!tpu.dma_semaphore, #tpu.memory_space<semaphore_mem>>)
      %dma_wait3A = arith.constant 0 : i32
      %dma_wait3A_44 = tpu.memref_slice %arg12[%add3A_10, %dma_wait3A] : memref<10240x128xf32, #tpu.memory_space<vmem_shared>> -> memref<128x128xf32, #tpu.memory_space<vmem_shared>>
      %dma_wait3A_45 = arith.constant 0 : i32
      %dma_wait3A_46 = tpu.memref_slice %arg12[%add3A_10, %dma_wait3A_45] : memref<10240x128xf32, #tpu.memory_space<vmem_shared>> -> memref<128x128xf32, #tpu.memory_space<vmem_shared>>
      tpu.wait_dma2 semaphore(%run_scoped3A : memref<!tpu.dma_semaphore, #tpu.memory_space<semaphore_mem>>) src(%arg10 : memref<128x128xf32, #tpu.memory_space<vmem>>) dst(%dma_wait3A_46 : memref<128x128xf32, #tpu.memory_space<vmem_shared>>)
      tpu.yield
    }) : () -> ()
    %mul3A_11 = arith.constant 640 : i32
    %mul3A_12 = arith.muli %arg1, %mul3A_11 : i32
    %add3A_13 = arith.constant 128 : i32
    %add3A_14 = arith.addi %mul3A_12, %add3A_13 : i32
    "tpu.region"() ({
      %run_scoped3A = tpu.sem_alloc : memref<!tpu.dma_semaphore, #tpu.memory_space<semaphore_mem>>
      %dma_start3A = arith.constant 0 : i32
      %dma_start3A_41 = tpu.memref_slice %arg12[%add3A_14, %dma_start3A] : memref<10240x128xf32, #tpu.memory_space<vmem_shared>> -> memref<128x128xf32, #tpu.memory_space<vmem_shared>>
      %dma_start3A_42 = arith.constant 0 : i32
      %dma_start3A_43 = tpu.memref_slice %arg12[%add3A_14, %dma_start3A_42] : memref<10240x128xf32, #tpu.memory_space<vmem_shared>> -> memref<128x128xf32, #tpu.memory_space<vmem_shared>>
      tpu.enqueue_dma source(%arg10 : memref<128x128xf32, #tpu.memory_space<vmem>>) target(%dma_start3A_43 : memref<128x128xf32, #tpu.memory_space<vmem_shared>>) target_semaphore(%run_scoped3A : memref<!tpu.dma_semaphore, #tpu.memory_space<semaphore_mem>>)
      %dma_wait3A = arith.constant 0 : i32
      %dma_wait3A_44 = tpu.memref_slice %arg12[%add3A_14, %dma_wait3A] : memref<10240x128xf32, #tpu.memory_space<vmem_shared>> -> memref<128x128xf32, #tpu.memory_space<vmem_shared>>
      %dma_wait3A_45 = arith.constant 0 : i32
      %dma_wait3A_46 = tpu.memref_slice %arg12[%add3A_14, %dma_wait3A_45] : memref<10240x128xf32, #tpu.memory_space<vmem_shared>> -> memref<128x128xf32, #tpu.memory_space<vmem_shared>>
      tpu.wait_dma2 semaphore(%run_scoped3A : memref<!tpu.dma_semaphore, #tpu.memory_space<semaphore_mem>>) src(%arg10 : memref<128x128xf32, #tpu.memory_space<vmem>>) dst(%dma_wait3A_46 : memref<128x128xf32, #tpu.memory_space<vmem_shared>>)
      tpu.yield
    }) : () -> ()
    %mul3A_15 = arith.constant 640 : i32
    %mul3A_16 = arith.muli %arg1, %mul3A_15 : i32
    %add3A_17 = arith.constant 256 : i32
    %add3A_18 = arith.addi %mul3A_16, %add3A_17 : i32
    "tpu.region"() ({
      %run_scoped3A = tpu.sem_alloc : memref<!tpu.dma_semaphore, #tpu.memory_space<semaphore_mem>>
      %dma_start3A = arith.constant 0 : i32
      %dma_start3A_41 = tpu.memref_slice %arg12[%add3A_18, %dma_start3A] : memref<10240x128xf32, #tpu.memory_space<vmem_shared>> -> memref<128x128xf32, #tpu.memory_space<vmem_shared>>
      %dma_start3A_42 = arith.constant 0 : i32
      %dma_start3A_43 = tpu.memref_slice %arg12[%add3A_18, %dma_start3A_42] : memref<10240x128xf32, #tpu.memory_space<vmem_shared>> -> memref<128x128xf32, #tpu.memory_space<vmem_shared>>
      tpu.enqueue_dma source(%arg10 : memref<128x128xf32, #tpu.memory_space<vmem>>) target(%dma_start3A_43 : memref<128x128xf32, #tpu.memory_space<vmem_shared>>) target_semaphore(%run_scoped3A : memref<!tpu.dma_semaphore, #tpu.memory_space<semaphore_mem>>)
      %dma_wait3A = arith.constant 0 : i32
      %dma_wait3A_44 = tpu.memref_slice %arg12[%add3A_18, %dma_wait3A] : memref<10240x128xf32, #tpu.memory_space<vmem_shared>> -> memref<128x128xf32, #tpu.memory_space<vmem_shared>>
      %dma_wait3A_45 = arith.constant 0 : i32
      %dma_wait3A_46 = tpu.memref_slice %arg12[%add3A_18, %dma_wait3A_45] : memref<10240x128xf32, #tpu.memory_space<vmem_shared>> -> memref<128x128xf32, #tpu.memory_space<vmem_shared>>
      tpu.wait_dma2 semaphore(%run_scoped3A : memref<!tpu.dma_semaphore, #tpu.memory_space<semaphore_mem>>) src(%arg10 : memref<128x128xf32, #tpu.memory_space<vmem>>) dst(%dma_wait3A_46 : memref<128x128xf32, #tpu.memory_space<vmem_shared>>)
      tpu.yield
    }) : () -> ()
    %mul3A_19 = arith.constant 640 : i32
    %mul3A_20 = arith.muli %arg1, %mul3A_19 : i32
    %add3A_21 = arith.constant 384 : i32
    %add3A_22 = arith.addi %mul3A_20, %add3A_21 : i32
    "tpu.region"() ({
      %run_scoped3A = tpu.sem_alloc : memref<!tpu.dma_semaphore, #tpu.memory_space<semaphore_mem>>
      %dma_start3A = arith.constant 0 : i32
      %dma_start3A_41 = tpu.memref_slice %arg12[%add3A_22, %dma_start3A] : memref<10240x128xf32, #tpu.memory_space<vmem_shared>> -> memref<128x128xf32, #tpu.memory_space<vmem_shared>>
      %dma_start3A_42 = arith.constant 0 : i32
      %dma_start3A_43 = tpu.memref_slice %arg12[%add3A_22, %dma_start3A_42] : memref<10240x128xf32, #tpu.memory_space<vmem_shared>> -> memref<128x128xf32, #tpu.memory_space<vmem_shared>>
      tpu.enqueue_dma source(%arg10 : memref<128x128xf32, #tpu.memory_space<vmem>>) target(%dma_start3A_43 : memref<128x128xf32, #tpu.memory_space<vmem_shared>>) target_semaphore(%run_scoped3A : memref<!tpu.dma_semaphore, #tpu.memory_space<semaphore_mem>>)
      %dma_wait3A = arith.constant 0 : i32
      %dma_wait3A_44 = tpu.memref_slice %arg12[%add3A_22, %dma_wait3A] : memref<10240x128xf32, #tpu.memory_space<vmem_shared>> -> memref<128x128xf32, #tpu.memory_space<vmem_shared>>
      %dma_wait3A_45 = arith.constant 0 : i32
      %dma_wait3A_46 = tpu.memref_slice %arg12[%add3A_22, %dma_wait3A_45] : memref<10240x128xf32, #tpu.memory_space<vmem_shared>> -> memref<128x128xf32, #tpu.memory_space<vmem_shared>>
      tpu.wait_dma2 semaphore(%run_scoped3A : memref<!tpu.dma_semaphore, #tpu.memory_space<semaphore_mem>>) src(%arg10 : memref<128x128xf32, #tpu.memory_space<vmem>>) dst(%dma_wait3A_46 : memref<128x128xf32, #tpu.memory_space<vmem_shared>>)
      tpu.yield
    }) : () -> ()
    %mul3A_23 = arith.constant 640 : i32
    %mul3A_24 = arith.muli %arg1, %mul3A_23 : i32
    %add3A_25 = arith.constant 512 : i32
    %add3A_26 = arith.addi %mul3A_24, %add3A_25 : i32
    "tpu.region"() ({
      %run_scoped3A = tpu.sem_alloc : memref<!tpu.dma_semaphore, #tpu.memory_space<semaphore_mem>>
      %dma_start3A = arith.constant 0 : i32
      %dma_start3A_41 = tpu.memref_slice %arg12[%add3A_26, %dma_start3A] : memref<10240x128xf32, #tpu.memory_space<vmem_shared>> -> memref<128x128xf32, #tpu.memory_space<vmem_shared>>
      %dma_start3A_42 = arith.constant 0 : i32
      %dma_start3A_43 = tpu.memref_slice %arg12[%add3A_26, %dma_start3A_42] : memref<10240x128xf32, #tpu.memory_space<vmem_shared>> -> memref<128x128xf32, #tpu.memory_space<vmem_shared>>
      tpu.enqueue_dma source(%arg10 : memref<128x128xf32, #tpu.memory_space<vmem>>) target(%dma_start3A_43 : memref<128x128xf32, #tpu.memory_space<vmem_shared>>) target_semaphore(%run_scoped3A : memref<!tpu.dma_semaphore, #tpu.memory_space<semaphore_mem>>)
      %dma_wait3A = arith.constant 0 : i32
      %dma_wait3A_44 = tpu.memref_slice %arg12[%add3A_26, %dma_wait3A] : memref<10240x128xf32, #tpu.memory_space<vmem_shared>> -> memref<128x128xf32, #tpu.memory_space<vmem_shared>>
      %dma_wait3A_45 = arith.constant 0 : i32
      %dma_wait3A_46 = tpu.memref_slice %arg12[%add3A_26, %dma_wait3A_45] : memref<10240x128xf32, #tpu.memory_space<vmem_shared>> -> memref<128x128xf32, #tpu.memory_space<vmem_shared>>
      tpu.wait_dma2 semaphore(%run_scoped3A : memref<!tpu.dma_semaphore, #tpu.memory_space<semaphore_mem>>) src(%arg10 : memref<128x128xf32, #tpu.memory_space<vmem>>) dst(%dma_wait3A_46 : memref<128x128xf32, #tpu.memory_space<vmem_shared>>)
      tpu.yield
    }) : () -> ()
    %barrier3A = arith.constant 0 : index
    tpu.barrier barrier_id(%barrier3A)
    %mul3A_27 = arith.constant 128 : i32
    %mul3A_28 = arith.muli %mul3A_1, %mul3A_27 : i32
    %scan3A_29 = arith.constant 0 : i32
    %scan3A_30 = arith.constant 0 : i32
    %scan3A_31 = arith.constant 81 : i32
    %scan3A_32 = arith.addi %scan3A_30, %scan3A_31 : i32
    %scan3A_33 = arith.constant 1 : i32
    %scan3A_34 = scf.for %scan3A_41 = %scan3A_30 to %scan3A_32 step %scan3A_33 iter_args(%scan3A_42 = %scan3A_29) -> (i32)  : i32 {
      %mul3A_43 = arith.constant 2 : i32
      %mul3A_44 = arith.muli %scan3A_41, %mul3A_43 : i32
      %mul3A_45 = arith.constant 128 : i32
      %mul3A_46 = arith.muli %mul3A_44, %mul3A_45 : i32
      %add3A_47 = arith.addi %mul3A_28, %mul3A_46 : i32
      %dma_start3A = tpu.memref_slice %arg3[%add3A_47] : memref<331776xi32, #tpu.memory_space<hbm>> -> memref<128xi32, #tpu.memory_space<hbm>>
      %dma_start3A_48 = tpu.memref_slice %arg3[%add3A_47] : memref<331776xi32, #tpu.memory_space<hbm>> -> memref<128xi32, #tpu.memory_space<hbm>>
      tpu.enqueue_dma source(%dma_start3A_48 : memref<128xi32, #tpu.memory_space<hbm>>) target(%arg6 : memref<128xi32, #tpu.memory_space<vmem>>) target_semaphore(%arg13 : memref<!tpu.dma_semaphore, #tpu.memory_space<semaphore_mem>>)
      %add3A_49 = arith.constant 128 : i32
      %add3A_50 = arith.addi %add3A_47, %add3A_49 : i32
      %dma_start3A_51 = tpu.memref_slice %arg3[%add3A_50] : memref<331776xi32, #tpu.memory_space<hbm>> -> memref<128xi32, #tpu.memory_space<hbm>>
      %dma_start3A_52 = tpu.memref_slice %arg3[%add3A_50] : memref<331776xi32, #tpu.memory_space<hbm>> -> memref<128xi32, #tpu.memory_space<hbm>>
      tpu.enqueue_dma source(%dma_start3A_52 : memref<128xi32, #tpu.memory_space<hbm>>) target(%arg7 : memref<128xi32, #tpu.memory_space<vmem>>) target_semaphore(%arg14 : memref<!tpu.dma_semaphore, #tpu.memory_space<semaphore_mem>>)
      %dma_start3A_53 = tpu.memref_slice %arg4[%add3A_47] : memref<331776xi32, #tpu.memory_space<hbm>> -> memref<128xi32, #tpu.memory_space<hbm>>
      %dma_start3A_54 = tpu.memref_slice %arg4[%add3A_47] : memref<331776xi32, #tpu.memory_space<hbm>> -> memref<128xi32, #tpu.memory_space<hbm>>
      tpu.enqueue_dma source(%dma_start3A_54 : memref<128xi32, #tpu.memory_space<hbm>>) target(%arg8 : memref<128xi32, #tpu.memory_space<vmem>>) target_semaphore(%arg15 : memref<!tpu.dma_semaphore, #tpu.memory_space<semaphore_mem>>)
      %add3A_55 = arith.constant 128 : i32
      %add3A_56 = arith.addi %add3A_47, %add3A_55 : i32
      %dma_start3A_57 = tpu.memref_slice %arg4[%add3A_56] : memref<331776xi32, #tpu.memory_space<hbm>> -> memref<128xi32, #tpu.memory_space<hbm>>
      %dma_start3A_58 = tpu.memref_slice %arg4[%add3A_56] : memref<331776xi32, #tpu.memory_space<hbm>> -> memref<128xi32, #tpu.memory_space<hbm>>
      tpu.enqueue_dma source(%dma_start3A_58 : memref<128xi32, #tpu.memory_space<hbm>>) target(%arg9 : memref<128xi32, #tpu.memory_space<vmem>>) target_semaphore(%arg16 : memref<!tpu.dma_semaphore, #tpu.memory_space<semaphore_mem>>)
      %dma_wait3A = tpu.memref_slice %arg3[%add3A_47] : memref<331776xi32, #tpu.memory_space<hbm>> -> memref<128xi32, #tpu.memory_space<hbm>>
      %dma_wait3A_59 = tpu.memref_slice %arg3[%add3A_47] : memref<331776xi32, #tpu.memory_space<hbm>> -> memref<128xi32, #tpu.memory_space<hbm>>
      tpu.wait_dma2 semaphore(%arg13 : memref<!tpu.dma_semaphore, #tpu.memory_space<semaphore_mem>>) src(%dma_wait3A_59 : memref<128xi32, #tpu.memory_space<hbm>>) dst(%arg6 : memref<128xi32, #tpu.memory_space<vmem>>)
      %dma_start3A_60 = arith.constant 0 : i32
      %dma_start3A_61 = arith.constant 0 : i32
      %dma_start3A_62 = tpu.memref_slice %arg2[%arg0, %dma_start3A_60, %dma_start3A_61] : memref<2x10240x128xf32, #tpu.memory_space<hbm>> -> memref<1x10240x128xf32, #tpu.memory_space<hbm>>
      %dma_start3A_63 = tpu.memref_squeeze %dma_start3A_62 : memref<1x10240x128xf32, #tpu.memory_space<hbm>> -> memref<10240x128xf32, #tpu.memory_space<hbm>>
      %dma_start3A_64 = arith.constant 0 : i32
      %dma_start3A_65 = arith.constant 0 : i32
      %dma_start3A_66 = tpu.memref_slice %dma_start3A_63[%dma_start3A_64, %dma_start3A_65] : memref<10240x128xf32, #tpu.memory_space<hbm>> -> memref<10240x128xf32, #tpu.memory_space<hbm>>
      tpu.enqueue_indirect_dma source(%dma_start3A_66 : memref<10240x128xf32, #tpu.memory_space<hbm>>) target(%arg10 : memref<128x128xf32, #tpu.memory_space<vmem>>) offsets(%arg6 : memref<128xi32, #tpu.memory_space<vmem>>) semaphore(%arg17 : memref<!tpu.dma_semaphore, #tpu.memory_space<semaphore_mem>>)
      %dma_wait3A_67 = tpu.memref_slice %arg3[%add3A_50] : memref<331776xi32, #tpu.memory_space<hbm>> -> memref<128xi32, #tpu.memory_space<hbm>>
      %dma_wait3A_68 = tpu.memref_slice %arg3[%add3A_50] : memref<331776xi32, #tpu.memory_space<hbm>> -> memref<128xi32, #tpu.memory_space<hbm>>
      tpu.wait_dma2 semaphore(%arg14 : memref<!tpu.dma_semaphore, #tpu.memory_space<semaphore_mem>>) src(%dma_wait3A_68 : memref<128xi32, #tpu.memory_space<hbm>>) dst(%arg7 : memref<128xi32, #tpu.memory_space<vmem>>)
      %dma_start3A_69 = arith.constant 0 : i32
      %dma_start3A_70 = arith.constant 0 : i32
      %dma_start3A_71 = tpu.memref_slice %arg2[%arg0, %dma_start3A_69, %dma_start3A_70] : memref<2x10240x128xf32, #tpu.memory_space<hbm>> -> memref<1x10240x128xf32, #tpu.memory_space<hbm>>
      %dma_start3A_72 = tpu.memref_squeeze %dma_start3A_71 : memref<1x10240x128xf32, #tpu.memory_space<hbm>> -> memref<10240x128xf32, #tpu.memory_space<hbm>>
      %dma_start3A_73 = arith.constant 0 : i32
      %dma_start3A_74 = arith.constant 0 : i32
      %dma_start3A_75 = tpu.memref_slice %dma_start3A_72[%dma_start3A_73, %dma_start3A_74] : memref<10240x128xf32, #tpu.memory_space<hbm>> -> memref<10240x128xf32, #tpu.memory_space<hbm>>
      tpu.enqueue_indirect_dma source(%dma_start3A_75 : memref<10240x128xf32, #tpu.memory_space<hbm>>) target(%arg11 : memref<128x128xf32, #tpu.memory_space<vmem>>) offsets(%arg7 : memref<128xi32, #tpu.memory_space<vmem>>) semaphore(%arg18 : memref<!tpu.dma_semaphore, #tpu.memory_space<semaphore_mem>>)
      %dma_wait3A_76 = arith.constant 0 : i32
      %dma_wait3A_77 = arith.constant 0 : i32
      %dma_wait3A_78 = tpu.memref_slice %arg2[%arg0, %dma_wait3A_76, %dma_wait3A_77] : memref<2x10240x128xf32, #tpu.memory_space<hbm>> -> memref<1x10240x128xf32, #tpu.memory_space<hbm>>
      %dma_wait3A_79 = tpu.memref_squeeze %dma_wait3A_78 : memref<1x10240x128xf32, #tpu.memory_space<hbm>> -> memref<10240x128xf32, #tpu.memory_space<hbm>>
      %dma_wait3A_80 = arith.constant 0 : i32
      %dma_wait3A_81 = arith.constant 0 : i32
      %dma_wait3A_82 = tpu.memref_slice %dma_wait3A_79[%dma_wait3A_80, %dma_wait3A_81] : memref<10240x128xf32, #tpu.memory_space<hbm>> -> memref<10240x128xf32, #tpu.memory_space<hbm>>
      tpu.wait_indirect_dma semaphore(%arg17 : memref<!tpu.dma_semaphore, #tpu.memory_space<semaphore_mem>>) src(%dma_wait3A_82 : memref<10240x128xf32, #tpu.memory_space<hbm>>) dst(%arg10 : memref<128x128xf32, #tpu.memory_space<vmem>>)
      %dma_wait3A_83 = tpu.memref_slice %arg4[%add3A_47] : memref<331776xi32, #tpu.memory_space<hbm>> -> memref<128xi32, #tpu.memory_space<hbm>>
      %dma_wait3A_84 = tpu.memref_slice %arg4[%add3A_47] : memref<331776xi32, #tpu.memory_space<hbm>> -> memref<128xi32, #tpu.memory_space<hbm>>
      tpu.wait_dma2 semaphore(%arg15 : memref<!tpu.dma_semaphore, #tpu.memory_space<semaphore_mem>>) src(%dma_wait3A_84 : memref<128xi32, #tpu.memory_space<hbm>>) dst(%arg8 : memref<128xi32, #tpu.memory_space<vmem>>)
      "tpu.region"() ({
        %run_scoped3A = tpu.sem_alloc : memref<!tpu.dma_semaphore, #tpu.memory_space<semaphore_mem>>
        %dma_start3A_95 = arith.constant 0 : i32
        %dma_start3A_96 = arith.constant 0 : i32
        %dma_start3A_97 = tpu.memref_slice %arg12[%dma_start3A_95, %dma_start3A_96] : memref<10240x128xf32, #tpu.memory_space<vmem_shared>> -> memref<10240x128xf32, #tpu.memory_space<vmem_shared>>
        tpu.enqueue_indirect_dma source(%arg10 : memref<128x128xf32, #tpu.memory_space<vmem>>) target(%dma_start3A_97 : memref<10240x128xf32, #tpu.memory_space<vmem_shared>>) offsets(%arg8 : memref<128xi32, #tpu.memory_space<vmem>>) semaphore(%run_scoped3A : memref<!tpu.dma_semaphore, #tpu.memory_space<semaphore_mem>>) {add = true}
        %dma_wait3A_98 = arith.constant 0 : i32
        %dma_wait3A_99 = arith.constant 0 : i32
        %dma_wait3A_100 = tpu.memref_slice %arg12[%dma_wait3A_98, %dma_wait3A_99] : memref<10240x128xf32, #tpu.memory_space<vmem_shared>> -> memref<10240x128xf32, #tpu.memory_space<vmem_shared>>
        tpu.wait_indirect_dma semaphore(%run_scoped3A : memref<!tpu.dma_semaphore, #tpu.memory_space<semaphore_mem>>) src(%arg10 : memref<128x128xf32, #tpu.memory_space<vmem>>) dst(%dma_wait3A_100 : memref<10240x128xf32, #tpu.memory_space<vmem_shared>>)
        tpu.yield
      }) : () -> ()
      %dma_wait3A_85 = arith.constant 0 : i32
      %dma_wait3A_86 = arith.constant 0 : i32
      %dma_wait3A_87 = tpu.memref_slice %arg2[%arg0, %dma_wait3A_85, %dma_wait3A_86] : memref<2x10240x128xf32, #tpu.memory_space<hbm>> -> memref<1x10240x128xf32, #tpu.memory_space<hbm>>
      %dma_wait3A_88 = tpu.memref_squeeze %dma_wait3A_87 : memref<1x10240x128xf32, #tpu.memory_space<hbm>> -> memref<10240x128xf32, #tpu.memory_space<hbm>>
      %dma_wait3A_89 = arith.constant 0 : i32
      %dma_wait3A_90 = arith.constant 0 : i32
      %dma_wait3A_91 = tpu.memref_slice %dma_wait3A_88[%dma_wait3A_89, %dma_wait3A_90] : memref<10240x128xf32, #tpu.memory_space<hbm>> -> memref<10240x128xf32, #tpu.memory_space<hbm>>
      tpu.wait_indirect_dma semaphore(%arg18 : memref<!tpu.dma_semaphore, #tpu.memory_space<semaphore_mem>>) src(%dma_wait3A_91 : memref<10240x128xf32, #tpu.memory_space<hbm>>) dst(%arg11 : memref<128x128xf32, #tpu.memory_space<vmem>>)
      %dma_wait3A_92 = tpu.memref_slice %arg4[%add3A_56] : memref<331776xi32, #tpu.memory_space<hbm>> -> memref<128xi32, #tpu.memory_space<hbm>>
      %dma_wait3A_93 = tpu.memref_slice %arg4[%add3A_56] : memref<331776xi32, #tpu.memory_space<hbm>> -> memref<128xi32, #tpu.memory_space<hbm>>
      tpu.wait_dma2 semaphore(%arg16 : memref<!tpu.dma_semaphore, #tpu.memory_space<semaphore_mem>>) src(%dma_wait3A_93 : memref<128xi32, #tpu.memory_space<hbm>>) dst(%arg9 : memref<128xi32, #tpu.memory_space<vmem>>)
      "tpu.region"() ({
        %run_scoped3A = tpu.sem_alloc : memref<!tpu.dma_semaphore, #tpu.memory_space<semaphore_mem>>
        %dma_start3A_95 = arith.constant 0 : i32
        %dma_start3A_96 = arith.constant 0 : i32
        %dma_start3A_97 = tpu.memref_slice %arg12[%dma_start3A_95, %dma_start3A_96] : memref<10240x128xf32, #tpu.memory_space<vmem_shared>> -> memref<10240x128xf32, #tpu.memory_space<vmem_shared>>
        tpu.enqueue_indirect_dma source(%arg11 : memref<128x128xf32, #tpu.memory_space<vmem>>) target(%dma_start3A_97 : memref<10240x128xf32, #tpu.memory_space<vmem_shared>>) offsets(%arg9 : memref<128xi32, #tpu.memory_space<vmem>>) semaphore(%run_scoped3A : memref<!tpu.dma_semaphore, #tpu.memory_space<semaphore_mem>>) {add = true}
        %dma_wait3A_98 = arith.constant 0 : i32
        %dma_wait3A_99 = arith.constant 0 : i32
        %dma_wait3A_100 = tpu.memref_slice %arg12[%dma_wait3A_98, %dma_wait3A_99] : memref<10240x128xf32, #tpu.memory_space<vmem_shared>> -> memref<10240x128xf32, #tpu.memory_space<vmem_shared>>
        tpu.wait_indirect_dma semaphore(%run_scoped3A : memref<!tpu.dma_semaphore, #tpu.memory_space<semaphore_mem>>) src(%arg11 : memref<128x128xf32, #tpu.memory_space<vmem>>) dst(%dma_wait3A_100 : memref<10240x128xf32, #tpu.memory_space<vmem_shared>>)
        tpu.yield
      }) : () -> ()
      %scan3A_94 = arith.constant 0 : i32
      scf.yield %scan3A_94 : i32
    }
    %scan3A_35 = arith.constant 81 : i32
    %barrier3A_36 = arith.constant 0 : index
    tpu.barrier barrier_id(%barrier3A_36)
    %mul3A_37 = arith.constant 640 : i32
    %mul3A_38 = arith.muli %arg1, %mul3A_37 : i32
    %mul3A_39 = arith.constant 640 : i32
    %mul3A_40 = arith.muli %arg1, %mul3A_39 : i32
    "tpu.region"() ({
      %run_scoped3A = tpu.sem_alloc : memref<!tpu.dma_semaphore, #tpu.memory_space<semaphore_mem>>
      %dma_start3A = arith.constant 0 : i32
      %dma_start3A_41 = arith.constant 0 : i32
      %dma_start3A_42 = tpu.memref_slice %arg5[%arg0, %dma_start3A, %dma_start3A_41] : memref<2x10240x128xf32, #tpu.memory_space<hbm>> -> memref<1x10240x128xf32, #tpu.memory_space<hbm>>
      %dma_start3A_43 = tpu.memref_squeeze %dma_start3A_42 : memref<1x10240x128xf32, #tpu.memory_space<hbm>> -> memref<10240x128xf32, #tpu.memory_space<hbm>>
      %dma_start3A_44 = arith.constant 0 : i32
      %dma_start3A_45 = tpu.memref_slice %dma_start3A_43[%mul3A_40, %dma_start3A_44] : memref<10240x128xf32, #tpu.memory_space<hbm>> -> memref<640x128xf32, #tpu.memory_space<hbm>>
      %dma_start3A_46 = arith.constant 0 : i32
      %dma_start3A_47 = tpu.memref_slice %arg12[%mul3A_38, %dma_start3A_46] : memref<10240x128xf32, #tpu.memory_space<vmem_shared>> -> memref<640x128xf32, #tpu.memory_space<vmem_shared>>
      tpu.enqueue_dma source(%dma_start3A_47 : memref<640x128xf32, #tpu.memory_space<vmem_shared>>) target(%dma_start3A_45 : memref<640x128xf32, #tpu.memory_space<hbm>>) target_semaphore(%run_scoped3A : memref<!tpu.dma_semaphore, #tpu.memory_space<semaphore_mem>>)
      %dma_wait3A = arith.constant 0 : i32
      %dma_wait3A_48 = arith.constant 0 : i32
      %dma_wait3A_49 = tpu.memref_slice %arg5[%arg0, %dma_wait3A, %dma_wait3A_48] : memref<2x10240x128xf32, #tpu.memory_space<hbm>> -> memref<1x10240x128xf32, #tpu.memory_space<hbm>>
      %dma_wait3A_50 = tpu.memref_squeeze %dma_wait3A_49 : memref<1x10240x128xf32, #tpu.memory_space<hbm>> -> memref<10240x128xf32, #tpu.memory_space<hbm>>
      %dma_wait3A_51 = arith.constant 0 : i32
      %dma_wait3A_52 = tpu.memref_slice %dma_wait3A_50[%mul3A_40, %dma_wait3A_51] : memref<10240x128xf32, #tpu.memory_space<hbm>> -> memref<640x128xf32, #tpu.memory_space<hbm>>
      %dma_wait3A_53 = arith.constant 0 : i32
      %dma_wait3A_54 = tpu.memref_slice %arg12[%mul3A_38, %dma_wait3A_53] : memref<10240x128xf32, #tpu.memory_space<vmem_shared>> -> memref<640x128xf32, #tpu.memory_space<vmem_shared>>
      tpu.wait_dma2 semaphore(%run_scoped3A : memref<!tpu.dma_semaphore, #tpu.memory_space<semaphore_mem>>) src(%dma_wait3A_54 : memref<640x128xf32, #tpu.memory_space<vmem_shared>>) dst(%dma_wait3A_52 : memref<640x128xf32, #tpu.memory_space<hbm>>)
      tpu.yield
    }) : () -> ()
    return
  }
}

#map = affine_map<(d0, d1) -> (0, 0, 0)>
#map1 = affine_map<(d0, d1) -> (0)>
module attributes {stable_mosaic.version = 14 : i64} {
  func.func @_agg_body(%arg0: i32, %arg1: i32, %arg2: memref<2x10240x128xf32, #tpu.memory_space<hbm>>, %arg3: memref<331776xi32, #tpu.memory_space<hbm>>, %arg4: memref<331776xi32, #tpu.memory_space<hbm>>, %arg5: memref<2x10240x128xf32, #tpu.memory_space<hbm>>, %arg6: memref<128xi32, #tpu.memory_space<vmem>>, %arg7: memref<128xi32, #tpu.memory_space<vmem>>, %arg8: memref<128xi32, #tpu.memory_space<vmem>>, %arg9: memref<128xi32, #tpu.memory_space<vmem>>, %arg10: memref<128x128xf32, #tpu.memory_space<vmem>>, %arg11: memref<128x128xf32, #tpu.memory_space<vmem>>, %arg12: memref<10240x128xf32, #tpu.memory_space<vmem_shared>>, %arg13: memref<!tpu.dma_semaphore, #tpu.memory_space<semaphore_mem>>, %arg14: memref<!tpu.dma_semaphore, #tpu.memory_space<semaphore_mem>>, %arg15: memref<!tpu.dma_semaphore, #tpu.memory_space<semaphore_mem>>, %arg16: memref<!tpu.dma_semaphore, #tpu.memory_space<semaphore_mem>>, %arg17: memref<!tpu.dma_semaphore, #tpu.memory_space<semaphore_mem>>, %arg18: memref<!tpu.dma_semaphore, #tpu.memory_space<semaphore_mem>>) attributes {dimension_semantics = [#tpu.dimension_semantics<core_parallel>, #tpu.dimension_semantics<subcore_parallel>], iteration_bounds = array<i64: 2, 16>, scalar_prefetch = 0 : i64, scratch_operands = 13 : i64, tpu.core_type = #tpu.core_type<sc_vector_subcore>, window_params = [{transform_indices = #map}, {transform_indices = #map1}, {transform_indices = #map1}, {transform_indices = #map}]} {
    %broadcast_in_dim3A = arith.constant 0.000000e+00 : f32
    %broadcast_in_dim3A_0 = vector.broadcast %broadcast_in_dim3A : f32 to vector<16xf32>
    %mul3A = arith.constant 162 : i32
    %mul3A_1 = arith.muli %arg1, %mul3A : i32
    %scan3A = arith.constant 0 : i32
    %scan3A_2 = arith.constant 0 : i32
    %scan3A_3 = arith.constant 128 : i32
    %scan3A_4 = arith.addi %scan3A_2, %scan3A_3 : i32
    %scan3A_5 = arith.constant 1 : i32
    %scan3A_6 = scf.for %scan3A_41 = %scan3A_2 to %scan3A_4 step %scan3A_5 iter_args(%scan3A_42 = %scan3A) -> (i32)  : i32 {
      %swap3A = arith.index_cast %scan3A_41 : i32 to index
      %swap3A_43 = arith.constant 0 : index
      %swap3A_44 = tpu.vector_load %arg10[%swap3A, %swap3A_43] {strides = array<i32>} : memref<128x128xf32, #tpu.memory_space<vmem>>, vector<16xf32>,
      tpu.vector_store %arg10[%swap3A, %swap3A_43], %broadcast_in_dim3A_0 {strides = array<i32>} : memref<128x128xf32, #tpu.memory_space<vmem>>, vector<16xf32>,
      %swap3A_45 = arith.index_cast %scan3A_41 : i32 to index
      %swap3A_46 = arith.constant 16 : index
      %swap3A_47 = tpu.vector_load %arg10[%swap3A_45, %swap3A_46] {strides = array<i32>} : memref<128x128xf32, #tpu.memory_space<vmem>>, vector<16xf32>,
      tpu.vector_store %arg10[%swap3A_45, %swap3A_46], %broadcast_in_dim3A_0 {strides = array<i32>} : memref<128x128xf32, #tpu.memory_space<vmem>>, vector<16xf32>,
      %swap3A_48 = arith.index_cast %scan3A_41 : i32 to index
      %swap3A_49 = arith.constant 32 : index
      %swap3A_50 = tpu.vector_load %arg10[%swap3A_48, %swap3A_49] {strides = array<i32>} : memref<128x128xf32, #tpu.memory_space<vmem>>, vector<16xf32>,
      tpu.vector_store %arg10[%swap3A_48, %swap3A_49], %broadcast_in_dim3A_0 {strides = array<i32>} : memref<128x128xf32, #tpu.memory_space<vmem>>, vector<16xf32>,
      %swap3A_51 = arith.index_cast %scan3A_41 : i32 to index
      %swap3A_52 = arith.constant 48 : index
      %swap3A_53 = tpu.vector_load %arg10[%swap3A_51, %swap3A_52] {strides = array<i32>} : memref<128x128xf32, #tpu.memory_space<vmem>>, vector<16xf32>,
      tpu.vector_store %arg10[%swap3A_51, %swap3A_52], %broadcast_in_dim3A_0 {strides = array<i32>} : memref<128x128xf32, #tpu.memory_space<vmem>>, vector<16xf32>,
      %swap3A_54 = arith.index_cast %scan3A_41 : i32 to index
      %swap3A_55 = arith.constant 64 : index
      %swap3A_56 = tpu.vector_load %arg10[%swap3A_54, %swap3A_55] {strides = array<i32>} : memref<128x128xf32, #tpu.memory_space<vmem>>, vector<16xf32>,
      tpu.vector_store %arg10[%swap3A_54, %swap3A_55], %broadcast_in_dim3A_0 {strides = array<i32>} : memref<128x128xf32, #tpu.memory_space<vmem>>, vector<16xf32>,
      %swap3A_57 = arith.index_cast %scan3A_41 : i32 to index
      %swap3A_58 = arith.constant 80 : index
      %swap3A_59 = tpu.vector_load %arg10[%swap3A_57, %swap3A_58] {strides = array<i32>} : memref<128x128xf32, #tpu.memory_space<vmem>>, vector<16xf32>,
      tpu.vector_store %arg10[%swap3A_57, %swap3A_58], %broadcast_in_dim3A_0 {strides = array<i32>} : memref<128x128xf32, #tpu.memory_space<vmem>>, vector<16xf32>,
      %swap3A_60 = arith.index_cast %scan3A_41 : i32 to index
      %swap3A_61 = arith.constant 96 : index
      %swap3A_62 = tpu.vector_load %arg10[%swap3A_60, %swap3A_61] {strides = array<i32>} : memref<128x128xf32, #tpu.memory_space<vmem>>, vector<16xf32>,
      tpu.vector_store %arg10[%swap3A_60, %swap3A_61], %broadcast_in_dim3A_0 {strides = array<i32>} : memref<128x128xf32, #tpu.memory_space<vmem>>, vector<16xf32>,
      %swap3A_63 = arith.index_cast %scan3A_41 : i32 to index
      %swap3A_64 = arith.constant 112 : index
      %swap3A_65 = tpu.vector_load %arg10[%swap3A_63, %swap3A_64] {strides = array<i32>} : memref<128x128xf32, #tpu.memory_space<vmem>>, vector<16xf32>,
      tpu.vector_store %arg10[%swap3A_63, %swap3A_64], %broadcast_in_dim3A_0 {strides = array<i32>} : memref<128x128xf32, #tpu.memory_space<vmem>>, vector<16xf32>,
      %scan3A_66 = arith.constant 0 : i32
      scf.yield %scan3A_66 : i32
    }
    %scan3A_7 = arith.constant 128 : i32
    %mul3A_8 = arith.constant 640 : i32
    %mul3A_9 = arith.muli %arg1, %mul3A_8 : i32
    %add3A = arith.constant 0 : i32
    %add3A_10 = arith.addi %mul3A_9, %add3A : i32
    "tpu.region"() ({
      %run_scoped3A = tpu.sem_alloc : memref<!tpu.dma_semaphore, #tpu.memory_space<semaphore_mem>>
      %dma_start3A = arith.constant 0 : i32
      %dma_start3A_41 = tpu.memref_slice %arg12[%add3A_10, %dma_start3A] : memref<10240x128xf32, #tpu.memory_space<vmem_shared>> -> memref<128x128xf32, #tpu.memory_space<vmem_shared>>
      %dma_start3A_42 = arith.constant 0 : i32
      %dma_start3A_43 = tpu.memref_slice %arg12[%add3A_10, %dma_start3A_42] : memref<10240x128xf32, #tpu.memory_space<vmem_shared>> -> memref<128x128xf32, #tpu.memory_space<vmem_shared>>
      tpu.enqueue_dma source(%arg10 : memref<128x128xf32, #tpu.memory_space<vmem>>) target(%dma_start3A_43 : memref<128x128xf32, #tpu.memory_space<vmem_shared>>) target_semaphore(%run_scoped3A : memref<!tpu.dma_semaphore, #tpu.memory_space<semaphore_mem>>)
      %dma_wait3A = arith.constant 0 : i32
      %dma_wait3A_44 = tpu.memref_slice %arg12[%add3A_10, %dma_wait3A] : memref<10240x128xf32, #tpu.memory_space<vmem_shared>> -> memref<128x128xf32, #tpu.memory_space<vmem_shared>>
      %dma_wait3A_45 = arith.constant 0 : i32
      %dma_wait3A_46 = tpu.memref_slice %arg12[%add3A_10, %dma_wait3A_45] : memref<10240x128xf32, #tpu.memory_space<vmem_shared>> -> memref<128x128xf32, #tpu.memory_space<vmem_shared>>
      tpu.wait_dma2 semaphore(%run_scoped3A : memref<!tpu.dma_semaphore, #tpu.memory_space<semaphore_mem>>) src(%arg10 : memref<128x128xf32, #tpu.memory_space<vmem>>) dst(%dma_wait3A_46 : memref<128x128xf32, #tpu.memory_space<vmem_shared>>)
      tpu.yield
    }) : () -> ()
    %mul3A_11 = arith.constant 640 : i32
    %mul3A_12 = arith.muli %arg1, %mul3A_11 : i32
    %add3A_13 = arith.constant 128 : i32
    %add3A_14 = arith.addi %mul3A_12, %add3A_13 : i32
    "tpu.region"() ({
      %run_scoped3A = tpu.sem_alloc : memref<!tpu.dma_semaphore, #tpu.memory_space<semaphore_mem>>
      %dma_start3A = arith.constant 0 : i32
      %dma_start3A_41 = tpu.memref_slice %arg12[%add3A_14, %dma_start3A] : memref<10240x128xf32, #tpu.memory_space<vmem_shared>> -> memref<128x128xf32, #tpu.memory_space<vmem_shared>>
      %dma_start3A_42 = arith.constant 0 : i32
      %dma_start3A_43 = tpu.memref_slice %arg12[%add3A_14, %dma_start3A_42] : memref<10240x128xf32, #tpu.memory_space<vmem_shared>> -> memref<128x128xf32, #tpu.memory_space<vmem_shared>>
      tpu.enqueue_dma source(%arg10 : memref<128x128xf32, #tpu.memory_space<vmem>>) target(%dma_start3A_43 : memref<128x128xf32, #tpu.memory_space<vmem_shared>>) target_semaphore(%run_scoped3A : memref<!tpu.dma_semaphore, #tpu.memory_space<semaphore_mem>>)
      %dma_wait3A = arith.constant 0 : i32
      %dma_wait3A_44 = tpu.memref_slice %arg12[%add3A_14, %dma_wait3A] : memref<10240x128xf32, #tpu.memory_space<vmem_shared>> -> memref<128x128xf32, #tpu.memory_space<vmem_shared>>
      %dma_wait3A_45 = arith.constant 0 : i32
      %dma_wait3A_46 = tpu.memref_slice %arg12[%add3A_14, %dma_wait3A_45] : memref<10240x128xf32, #tpu.memory_space<vmem_shared>> -> memref<128x128xf32, #tpu.memory_space<vmem_shared>>
      tpu.wait_dma2 semaphore(%run_scoped3A : memref<!tpu.dma_semaphore, #tpu.memory_space<semaphore_mem>>) src(%arg10 : memref<128x128xf32, #tpu.memory_space<vmem>>) dst(%dma_wait3A_46 : memref<128x128xf32, #tpu.memory_space<vmem_shared>>)
      tpu.yield
    }) : () -> ()
    %mul3A_15 = arith.constant 640 : i32
    %mul3A_16 = arith.muli %arg1, %mul3A_15 : i32
    %add3A_17 = arith.constant 256 : i32
    %add3A_18 = arith.addi %mul3A_16, %add3A_17 : i32
    "tpu.region"() ({
      %run_scoped3A = tpu.sem_alloc : memref<!tpu.dma_semaphore, #tpu.memory_space<semaphore_mem>>
      %dma_start3A = arith.constant 0 : i32
      %dma_start3A_41 = tpu.memref_slice %arg12[%add3A_18, %dma_start3A] : memref<10240x128xf32, #tpu.memory_space<vmem_shared>> -> memref<128x128xf32, #tpu.memory_space<vmem_shared>>
      %dma_start3A_42 = arith.constant 0 : i32
      %dma_start3A_43 = tpu.memref_slice %arg12[%add3A_18, %dma_start3A_42] : memref<10240x128xf32, #tpu.memory_space<vmem_shared>> -> memref<128x128xf32, #tpu.memory_space<vmem_shared>>
      tpu.enqueue_dma source(%arg10 : memref<128x128xf32, #tpu.memory_space<vmem>>) target(%dma_start3A_43 : memref<128x128xf32, #tpu.memory_space<vmem_shared>>) target_semaphore(%run_scoped3A : memref<!tpu.dma_semaphore, #tpu.memory_space<semaphore_mem>>)
      %dma_wait3A = arith.constant 0 : i32
      %dma_wait3A_44 = tpu.memref_slice %arg12[%add3A_18, %dma_wait3A] : memref<10240x128xf32, #tpu.memory_space<vmem_shared>> -> memref<128x128xf32, #tpu.memory_space<vmem_shared>>
      %dma_wait3A_45 = arith.constant 0 : i32
      %dma_wait3A_46 = tpu.memref_slice %arg12[%add3A_18, %dma_wait3A_45] : memref<10240x128xf32, #tpu.memory_space<vmem_shared>> -> memref<128x128xf32, #tpu.memory_space<vmem_shared>>
      tpu.wait_dma2 semaphore(%run_scoped3A : memref<!tpu.dma_semaphore, #tpu.memory_space<semaphore_mem>>) src(%arg10 : memref<128x128xf32, #tpu.memory_space<vmem>>) dst(%dma_wait3A_46 : memref<128x128xf32, #tpu.memory_space<vmem_shared>>)
      tpu.yield
    }) : () -> ()
    %mul3A_19 = arith.constant 640 : i32
    %mul3A_20 = arith.muli %arg1, %mul3A_19 : i32
    %add3A_21 = arith.constant 384 : i32
    %add3A_22 = arith.addi %mul3A_20, %add3A_21 : i32
    "tpu.region"() ({
      %run_scoped3A = tpu.sem_alloc : memref<!tpu.dma_semaphore, #tpu.memory_space<semaphore_mem>>
      %dma_start3A = arith.constant 0 : i32
      %dma_start3A_41 = tpu.memref_slice %arg12[%add3A_22, %dma_start3A] : memref<10240x128xf32, #tpu.memory_space<vmem_shared>> -> memref<128x128xf32, #tpu.memory_space<vmem_shared>>
      %dma_start3A_42 = arith.constant 0 : i32
      %dma_start3A_43 = tpu.memref_slice %arg12[%add3A_22, %dma_start3A_42] : memref<10240x128xf32, #tpu.memory_space<vmem_shared>> -> memref<128x128xf32, #tpu.memory_space<vmem_shared>>
      tpu.enqueue_dma source(%arg10 : memref<128x128xf32, #tpu.memory_space<vmem>>) target(%dma_start3A_43 : memref<128x128xf32, #tpu.memory_space<vmem_shared>>) target_semaphore(%run_scoped3A : memref<!tpu.dma_semaphore, #tpu.memory_space<semaphore_mem>>)
      %dma_wait3A = arith.constant 0 : i32
      %dma_wait3A_44 = tpu.memref_slice %arg12[%add3A_22, %dma_wait3A] : memref<10240x128xf32, #tpu.memory_space<vmem_shared>> -> memref<128x128xf32, #tpu.memory_space<vmem_shared>>
      %dma_wait3A_45 = arith.constant 0 : i32
      %dma_wait3A_46 = tpu.memref_slice %arg12[%add3A_22, %dma_wait3A_45] : memref<10240x128xf32, #tpu.memory_space<vmem_shared>> -> memref<128x128xf32, #tpu.memory_space<vmem_shared>>
      tpu.wait_dma2 semaphore(%run_scoped3A : memref<!tpu.dma_semaphore, #tpu.memory_space<semaphore_mem>>) src(%arg10 : memref<128x128xf32, #tpu.memory_space<vmem>>) dst(%dma_wait3A_46 : memref<128x128xf32, #tpu.memory_space<vmem_shared>>)
      tpu.yield
    }) : () -> ()
    %mul3A_23 = arith.constant 640 : i32
    %mul3A_24 = arith.muli %arg1, %mul3A_23 : i32
    %add3A_25 = arith.constant 512 : i32
    %add3A_26 = arith.addi %mul3A_24, %add3A_25 : i32
    "tpu.region"() ({
      %run_scoped3A = tpu.sem_alloc : memref<!tpu.dma_semaphore, #tpu.memory_space<semaphore_mem>>
      %dma_start3A = arith.constant 0 : i32
      %dma_start3A_41 = tpu.memref_slice %arg12[%add3A_26, %dma_start3A] : memref<10240x128xf32, #tpu.memory_space<vmem_shared>> -> memref<128x128xf32, #tpu.memory_space<vmem_shared>>
      %dma_start3A_42 = arith.constant 0 : i32
      %dma_start3A_43 = tpu.memref_slice %arg12[%add3A_26, %dma_start3A_42] : memref<10240x128xf32, #tpu.memory_space<vmem_shared>> -> memref<128x128xf32, #tpu.memory_space<vmem_shared>>
      tpu.enqueue_dma source(%arg10 : memref<128x128xf32, #tpu.memory_space<vmem>>) target(%dma_start3A_43 : memref<128x128xf32, #tpu.memory_space<vmem_shared>>) target_semaphore(%run_scoped3A : memref<!tpu.dma_semaphore, #tpu.memory_space<semaphore_mem>>)
      %dma_wait3A = arith.constant 0 : i32
      %dma_wait3A_44 = tpu.memref_slice %arg12[%add3A_26, %dma_wait3A] : memref<10240x128xf32, #tpu.memory_space<vmem_shared>> -> memref<128x128xf32, #tpu.memory_space<vmem_shared>>
      %dma_wait3A_45 = arith.constant 0 : i32
      %dma_wait3A_46 = tpu.memref_slice %arg12[%add3A_26, %dma_wait3A_45] : memref<10240x128xf32, #tpu.memory_space<vmem_shared>> -> memref<128x128xf32, #tpu.memory_space<vmem_shared>>
      tpu.wait_dma2 semaphore(%run_scoped3A : memref<!tpu.dma_semaphore, #tpu.memory_space<semaphore_mem>>) src(%arg10 : memref<128x128xf32, #tpu.memory_space<vmem>>) dst(%dma_wait3A_46 : memref<128x128xf32, #tpu.memory_space<vmem_shared>>)
      tpu.yield
    }) : () -> ()
    %barrier3A = arith.constant 0 : index
    tpu.barrier barrier_id(%barrier3A)
    %mul3A_27 = arith.constant 128 : i32
    %mul3A_28 = arith.muli %mul3A_1, %mul3A_27 : i32
    %scan3A_29 = arith.constant 0 : i32
    %scan3A_30 = arith.constant 0 : i32
    %scan3A_31 = arith.constant 81 : i32
    %scan3A_32 = arith.addi %scan3A_30, %scan3A_31 : i32
    %scan3A_33 = arith.constant 1 : i32
    %scan3A_34 = scf.for %scan3A_41 = %scan3A_30 to %scan3A_32 step %scan3A_33 iter_args(%scan3A_42 = %scan3A_29) -> (i32)  : i32 {
      %mul3A_43 = arith.constant 2 : i32
      %mul3A_44 = arith.muli %scan3A_41, %mul3A_43 : i32
      %mul3A_45 = arith.constant 128 : i32
      %mul3A_46 = arith.muli %mul3A_44, %mul3A_45 : i32
      %add3A_47 = arith.addi %mul3A_28, %mul3A_46 : i32
      %dma_start3A = tpu.memref_slice %arg3[%add3A_47] : memref<331776xi32, #tpu.memory_space<hbm>> -> memref<128xi32, #tpu.memory_space<hbm>>
      %dma_start3A_48 = tpu.memref_slice %arg3[%add3A_47] : memref<331776xi32, #tpu.memory_space<hbm>> -> memref<128xi32, #tpu.memory_space<hbm>>
      tpu.enqueue_dma source(%dma_start3A_48 : memref<128xi32, #tpu.memory_space<hbm>>) target(%arg6 : memref<128xi32, #tpu.memory_space<vmem>>) target_semaphore(%arg13 : memref<!tpu.dma_semaphore, #tpu.memory_space<semaphore_mem>>)
      %add3A_49 = arith.constant 128 : i32
      %add3A_50 = arith.addi %add3A_47, %add3A_49 : i32
      %dma_start3A_51 = tpu.memref_slice %arg3[%add3A_50] : memref<331776xi32, #tpu.memory_space<hbm>> -> memref<128xi32, #tpu.memory_space<hbm>>
      %dma_start3A_52 = tpu.memref_slice %arg3[%add3A_50] : memref<331776xi32, #tpu.memory_space<hbm>> -> memref<128xi32, #tpu.memory_space<hbm>>
      tpu.enqueue_dma source(%dma_start3A_52 : memref<128xi32, #tpu.memory_space<hbm>>) target(%arg7 : memref<128xi32, #tpu.memory_space<vmem>>) target_semaphore(%arg14 : memref<!tpu.dma_semaphore, #tpu.memory_space<semaphore_mem>>)
      %dma_start3A_53 = tpu.memref_slice %arg4[%add3A_47] : memref<331776xi32, #tpu.memory_space<hbm>> -> memref<128xi32, #tpu.memory_space<hbm>>
      %dma_start3A_54 = tpu.memref_slice %arg4[%add3A_47] : memref<331776xi32, #tpu.memory_space<hbm>> -> memref<128xi32, #tpu.memory_space<hbm>>
      tpu.enqueue_dma source(%dma_start3A_54 : memref<128xi32, #tpu.memory_space<hbm>>) target(%arg8 : memref<128xi32, #tpu.memory_space<vmem>>) target_semaphore(%arg15 : memref<!tpu.dma_semaphore, #tpu.memory_space<semaphore_mem>>)
      %add3A_55 = arith.constant 128 : i32
      %add3A_56 = arith.addi %add3A_47, %add3A_55 : i32
      %dma_start3A_57 = tpu.memref_slice %arg4[%add3A_56] : memref<331776xi32, #tpu.memory_space<hbm>> -> memref<128xi32, #tpu.memory_space<hbm>>
      %dma_start3A_58 = tpu.memref_slice %arg4[%add3A_56] : memref<331776xi32, #tpu.memory_space<hbm>> -> memref<128xi32, #tpu.memory_space<hbm>>
      tpu.enqueue_dma source(%dma_start3A_58 : memref<128xi32, #tpu.memory_space<hbm>>) target(%arg9 : memref<128xi32, #tpu.memory_space<vmem>>) target_semaphore(%arg16 : memref<!tpu.dma_semaphore, #tpu.memory_space<semaphore_mem>>)
      %dma_wait3A = tpu.memref_slice %arg3[%add3A_47] : memref<331776xi32, #tpu.memory_space<hbm>> -> memref<128xi32, #tpu.memory_space<hbm>>
      %dma_wait3A_59 = tpu.memref_slice %arg3[%add3A_47] : memref<331776xi32, #tpu.memory_space<hbm>> -> memref<128xi32, #tpu.memory_space<hbm>>
      tpu.wait_dma2 semaphore(%arg13 : memref<!tpu.dma_semaphore, #tpu.memory_space<semaphore_mem>>) src(%dma_wait3A_59 : memref<128xi32, #tpu.memory_space<hbm>>) dst(%arg6 : memref<128xi32, #tpu.memory_space<vmem>>)
      %dma_start3A_60 = arith.constant 0 : i32
      %dma_start3A_61 = arith.constant 0 : i32
      %dma_start3A_62 = tpu.memref_slice %arg2[%arg0, %dma_start3A_60, %dma_start3A_61] : memref<2x10240x128xf32, #tpu.memory_space<hbm>> -> memref<1x10240x128xf32, #tpu.memory_space<hbm>>
      %dma_start3A_63 = tpu.memref_squeeze %dma_start3A_62 : memref<1x10240x128xf32, #tpu.memory_space<hbm>> -> memref<10240x128xf32, #tpu.memory_space<hbm>>
      %dma_start3A_64 = arith.constant 0 : i32
      %dma_start3A_65 = arith.constant 0 : i32
      %dma_start3A_66 = tpu.memref_slice %dma_start3A_63[%dma_start3A_64, %dma_start3A_65] : memref<10240x128xf32, #tpu.memory_space<hbm>> -> memref<10240x128xf32, #tpu.memory_space<hbm>>
      tpu.enqueue_indirect_dma source(%dma_start3A_66 : memref<10240x128xf32, #tpu.memory_space<hbm>>) target(%arg10 : memref<128x128xf32, #tpu.memory_space<vmem>>) offsets(%arg6 : memref<128xi32, #tpu.memory_space<vmem>>) semaphore(%arg17 : memref<!tpu.dma_semaphore, #tpu.memory_space<semaphore_mem>>)
      %dma_wait3A_67 = tpu.memref_slice %arg3[%add3A_50] : memref<331776xi32, #tpu.memory_space<hbm>> -> memref<128xi32, #tpu.memory_space<hbm>>
      %dma_wait3A_68 = tpu.memref_slice %arg3[%add3A_50] : memref<331776xi32, #tpu.memory_space<hbm>> -> memref<128xi32, #tpu.memory_space<hbm>>
      tpu.wait_dma2 semaphore(%arg14 : memref<!tpu.dma_semaphore, #tpu.memory_space<semaphore_mem>>) src(%dma_wait3A_68 : memref<128xi32, #tpu.memory_space<hbm>>) dst(%arg7 : memref<128xi32, #tpu.memory_space<vmem>>)
      %dma_start3A_69 = arith.constant 0 : i32
      %dma_start3A_70 = arith.constant 0 : i32
      %dma_start3A_71 = tpu.memref_slice %arg2[%arg0, %dma_start3A_69, %dma_start3A_70] : memref<2x10240x128xf32, #tpu.memory_space<hbm>> -> memref<1x10240x128xf32, #tpu.memory_space<hbm>>
      %dma_start3A_72 = tpu.memref_squeeze %dma_start3A_71 : memref<1x10240x128xf32, #tpu.memory_space<hbm>> -> memref<10240x128xf32, #tpu.memory_space<hbm>>
      %dma_start3A_73 = arith.constant 0 : i32
      %dma_start3A_74 = arith.constant 0 : i32
      %dma_start3A_75 = tpu.memref_slice %dma_start3A_72[%dma_start3A_73, %dma_start3A_74] : memref<10240x128xf32, #tpu.memory_space<hbm>> -> memref<10240x128xf32, #tpu.memory_space<hbm>>
      tpu.enqueue_indirect_dma source(%dma_start3A_75 : memref<10240x128xf32, #tpu.memory_space<hbm>>) target(%arg11 : memref<128x128xf32, #tpu.memory_space<vmem>>) offsets(%arg7 : memref<128xi32, #tpu.memory_space<vmem>>) semaphore(%arg18 : memref<!tpu.dma_semaphore, #tpu.memory_space<semaphore_mem>>)
      %dma_wait3A_76 = arith.constant 0 : i32
      %dma_wait3A_77 = arith.constant 0 : i32
      %dma_wait3A_78 = tpu.memref_slice %arg2[%arg0, %dma_wait3A_76, %dma_wait3A_77] : memref<2x10240x128xf32, #tpu.memory_space<hbm>> -> memref<1x10240x128xf32, #tpu.memory_space<hbm>>
      %dma_wait3A_79 = tpu.memref_squeeze %dma_wait3A_78 : memref<1x10240x128xf32, #tpu.memory_space<hbm>> -> memref<10240x128xf32, #tpu.memory_space<hbm>>
      %dma_wait3A_80 = arith.constant 0 : i32
      %dma_wait3A_81 = arith.constant 0 : i32
      %dma_wait3A_82 = tpu.memref_slice %dma_wait3A_79[%dma_wait3A_80, %dma_wait3A_81] : memref<10240x128xf32, #tpu.memory_space<hbm>> -> memref<10240x128xf32, #tpu.memory_space<hbm>>
      tpu.wait_indirect_dma semaphore(%arg17 : memref<!tpu.dma_semaphore, #tpu.memory_space<semaphore_mem>>) src(%dma_wait3A_82 : memref<10240x128xf32, #tpu.memory_space<hbm>>) dst(%arg10 : memref<128x128xf32, #tpu.memory_space<vmem>>)
      %dma_wait3A_83 = tpu.memref_slice %arg4[%add3A_47] : memref<331776xi32, #tpu.memory_space<hbm>> -> memref<128xi32, #tpu.memory_space<hbm>>
      %dma_wait3A_84 = tpu.memref_slice %arg4[%add3A_47] : memref<331776xi32, #tpu.memory_space<hbm>> -> memref<128xi32, #tpu.memory_space<hbm>>
      tpu.wait_dma2 semaphore(%arg15 : memref<!tpu.dma_semaphore, #tpu.memory_space<semaphore_mem>>) src(%dma_wait3A_84 : memref<128xi32, #tpu.memory_space<hbm>>) dst(%arg8 : memref<128xi32, #tpu.memory_space<vmem>>)
      "tpu.region"() ({
        %run_scoped3A = tpu.sem_alloc : memref<!tpu.dma_semaphore, #tpu.memory_space<semaphore_mem>>
        %dma_start3A_95 = arith.constant 0 : i32
        %dma_start3A_96 = arith.constant 0 : i32
        %dma_start3A_97 = tpu.memref_slice %arg12[%dma_start3A_95, %dma_start3A_96] : memref<10240x128xf32, #tpu.memory_space<vmem_shared>> -> memref<10240x128xf32, #tpu.memory_space<vmem_shared>>
        tpu.enqueue_indirect_dma source(%arg10 : memref<128x128xf32, #tpu.memory_space<vmem>>) target(%dma_start3A_97 : memref<10240x128xf32, #tpu.memory_space<vmem_shared>>) offsets(%arg8 : memref<128xi32, #tpu.memory_space<vmem>>) semaphore(%run_scoped3A : memref<!tpu.dma_semaphore, #tpu.memory_space<semaphore_mem>>) {add = true}
        %dma_wait3A_98 = arith.constant 0 : i32
        %dma_wait3A_99 = arith.constant 0 : i32
        %dma_wait3A_100 = tpu.memref_slice %arg12[%dma_wait3A_98, %dma_wait3A_99] : memref<10240x128xf32, #tpu.memory_space<vmem_shared>> -> memref<10240x128xf32, #tpu.memory_space<vmem_shared>>
        tpu.wait_indirect_dma semaphore(%run_scoped3A : memref<!tpu.dma_semaphore, #tpu.memory_space<semaphore_mem>>) src(%arg10 : memref<128x128xf32, #tpu.memory_space<vmem>>) dst(%dma_wait3A_100 : memref<10240x128xf32, #tpu.memory_space<vmem_shared>>)
        tpu.yield
      }) : () -> ()
      %dma_wait3A_85 = arith.constant 0 : i32
      %dma_wait3A_86 = arith.constant 0 : i32
      %dma_wait3A_87 = tpu.memref_slice %arg2[%arg0, %dma_wait3A_85, %dma_wait3A_86] : memref<2x10240x128xf32, #tpu.memory_space<hbm>> -> memref<1x10240x128xf32, #tpu.memory_space<hbm>>
      %dma_wait3A_88 = tpu.memref_squeeze %dma_wait3A_87 : memref<1x10240x128xf32, #tpu.memory_space<hbm>> -> memref<10240x128xf32, #tpu.memory_space<hbm>>
      %dma_wait3A_89 = arith.constant 0 : i32
      %dma_wait3A_90 = arith.constant 0 : i32
      %dma_wait3A_91 = tpu.memref_slice %dma_wait3A_88[%dma_wait3A_89, %dma_wait3A_90] : memref<10240x128xf32, #tpu.memory_space<hbm>> -> memref<10240x128xf32, #tpu.memory_space<hbm>>
      tpu.wait_indirect_dma semaphore(%arg18 : memref<!tpu.dma_semaphore, #tpu.memory_space<semaphore_mem>>) src(%dma_wait3A_91 : memref<10240x128xf32, #tpu.memory_space<hbm>>) dst(%arg11 : memref<128x128xf32, #tpu.memory_space<vmem>>)
      %dma_wait3A_92 = tpu.memref_slice %arg4[%add3A_56] : memref<331776xi32, #tpu.memory_space<hbm>> -> memref<128xi32, #tpu.memory_space<hbm>>
      %dma_wait3A_93 = tpu.memref_slice %arg4[%add3A_56] : memref<331776xi32, #tpu.memory_space<hbm>> -> memref<128xi32, #tpu.memory_space<hbm>>
      tpu.wait_dma2 semaphore(%arg16 : memref<!tpu.dma_semaphore, #tpu.memory_space<semaphore_mem>>) src(%dma_wait3A_93 : memref<128xi32, #tpu.memory_space<hbm>>) dst(%arg9 : memref<128xi32, #tpu.memory_space<vmem>>)
      "tpu.region"() ({
        %run_scoped3A = tpu.sem_alloc : memref<!tpu.dma_semaphore, #tpu.memory_space<semaphore_mem>>
        %dma_start3A_95 = arith.constant 0 : i32
        %dma_start3A_96 = arith.constant 0 : i32
        %dma_start3A_97 = tpu.memref_slice %arg12[%dma_start3A_95, %dma_start3A_96] : memref<10240x128xf32, #tpu.memory_space<vmem_shared>> -> memref<10240x128xf32, #tpu.memory_space<vmem_shared>>
        tpu.enqueue_indirect_dma source(%arg11 : memref<128x128xf32, #tpu.memory_space<vmem>>) target(%dma_start3A_97 : memref<10240x128xf32, #tpu.memory_space<vmem_shared>>) offsets(%arg9 : memref<128xi32, #tpu.memory_space<vmem>>) semaphore(%run_scoped3A : memref<!tpu.dma_semaphore, #tpu.memory_space<semaphore_mem>>) {add = true}
        %dma_wait3A_98 = arith.constant 0 : i32
        %dma_wait3A_99 = arith.constant 0 : i32
        %dma_wait3A_100 = tpu.memref_slice %arg12[%dma_wait3A_98, %dma_wait3A_99] : memref<10240x128xf32, #tpu.memory_space<vmem_shared>> -> memref<10240x128xf32, #tpu.memory_space<vmem_shared>>
        tpu.wait_indirect_dma semaphore(%run_scoped3A : memref<!tpu.dma_semaphore, #tpu.memory_space<semaphore_mem>>) src(%arg11 : memref<128x128xf32, #tpu.memory_space<vmem>>) dst(%dma_wait3A_100 : memref<10240x128xf32, #tpu.memory_space<vmem_shared>>)
        tpu.yield
      }) : () -> ()
      %scan3A_94 = arith.constant 0 : i32
      scf.yield %scan3A_94 : i32
    }
    %scan3A_35 = arith.constant 81 : i32
    %barrier3A_36 = arith.constant 0 : index
    tpu.barrier barrier_id(%barrier3A_36)
    %mul3A_37 = arith.constant 640 : i32
    %mul3A_38 = arith.muli %arg1, %mul3A_37 : i32
    %mul3A_39 = arith.constant 640 : i32
    %mul3A_40 = arith.muli %arg1, %mul3A_39 : i32
    "tpu.region"() ({
      %run_scoped3A = tpu.sem_alloc : memref<!tpu.dma_semaphore, #tpu.memory_space<semaphore_mem>>
      %dma_start3A = arith.constant 0 : i32
      %dma_start3A_41 = arith.constant 0 : i32
      %dma_start3A_42 = tpu.memref_slice %arg5[%arg0, %dma_start3A, %dma_start3A_41] : memref<2x10240x128xf32, #tpu.memory_space<hbm>> -> memref<1x10240x128xf32, #tpu.memory_space<hbm>>
      %dma_start3A_43 = tpu.memref_squeeze %dma_start3A_42 : memref<1x10240x128xf32, #tpu.memory_space<hbm>> -> memref<10240x128xf32, #tpu.memory_space<hbm>>
      %dma_start3A_44 = arith.constant 0 : i32
      %dma_start3A_45 = tpu.memref_slice %dma_start3A_43[%mul3A_40, %dma_start3A_44] : memref<10240x128xf32, #tpu.memory_space<hbm>> -> memref<640x128xf32, #tpu.memory_space<hbm>>
      %dma_start3A_46 = arith.constant 0 : i32
      %dma_start3A_47 = tpu.memref_slice %arg12[%mul3A_38, %dma_start3A_46] : memref<10240x128xf32, #tpu.memory_space<vmem_shared>> -> memref<640x128xf32, #tpu.memory_space<vmem_shared>>
      tpu.enqueue_dma source(%dma_start3A_47 : memref<640x128xf32, #tpu.memory_space<vmem_shared>>) target(%dma_start3A_45 : memref<640x128xf32, #tpu.memory_space<hbm>>) target_semaphore(%run_scoped3A : memref<!tpu.dma_semaphore, #tpu.memory_space<semaphore_mem>>)
      %dma_wait3A = arith.constant 0 : i32
      %dma_wait3A_48 = arith.constant 0 : i32
      %dma_wait3A_49 = tpu.memref_slice %arg5[%arg0, %dma_wait3A, %dma_wait3A_48] : memref<2x10240x128xf32, #tpu.memory_space<hbm>> -> memref<1x10240x128xf32, #tpu.memory_space<hbm>>
      %dma_wait3A_50 = tpu.memref_squeeze %dma_wait3A_49 : memref<1x10240x128xf32, #tpu.memory_space<hbm>> -> memref<10240x128xf32, #tpu.memory_space<hbm>>
      %dma_wait3A_51 = arith.constant 0 : i32
      %dma_wait3A_52 = tpu.memref_slice %dma_wait3A_50[%mul3A_40, %dma_wait3A_51] : memref<10240x128xf32, #tpu.memory_space<hbm>> -> memref<640x128xf32, #tpu.memory_space<hbm>>
      %dma_wait3A_53 = arith.constant 0 : i32
      %dma_wait3A_54 = tpu.memref_slice %arg12[%mul3A_38, %dma_wait3A_53] : memref<10240x128xf32, #tpu.memory_space<vmem_shared>> -> memref<640x128xf32, #tpu.memory_space<vmem_shared>>
      tpu.wait_dma2 semaphore(%run_scoped3A : memref<!tpu.dma_semaphore, #tpu.memory_space<semaphore_mem>>) src(%dma_wait3A_54 : memref<640x128xf32, #tpu.memory_space<vmem_shared>>) dst(%dma_wait3A_52 : memref<640x128xf32, #tpu.memory_space<hbm>>)
      tpu.yield
    }) : () -> ()
    return
  }
}

#map = affine_map<(d0, d1) -> (0)>
module attributes {stable_mosaic.version = 14 : i64} {
  func.func @_deg_body(%arg0: i32, %arg1: i32, %arg2: memref<331776xi32, #tpu.memory_space<hbm>>, %arg3: memref<10240xf32, #tpu.memory_space<hbm>>, %arg4: memref<20736xi32, #tpu.memory_space<vmem>>, %arg5: memref<10240xf32, #tpu.memory_space<vmem>>, %arg6: memref<16x640xf32, #tpu.memory_space<vmem>>, %arg7: memref<16x10240xf32, #tpu.memory_space<vmem_shared>>) attributes {dimension_semantics = [#tpu.dimension_semantics<core_parallel>, #tpu.dimension_semantics<subcore_parallel>], iteration_bounds = array<i64: 2, 16>, scalar_prefetch = 0 : i64, scratch_operands = 4 : i64, tpu.core_type = #tpu.core_type<sc_vector_subcore>, window_params = [{transform_indices = #map}, {transform_indices = #map}]} {
    %broadcast_in_dim3A = arith.constant 1.000000e+00 : f32
    %broadcast_in_dim3A_0 = vector.broadcast %broadcast_in_dim3A : f32 to vector<16xf32>
    %broadcast_in_dim3A_1 = arith.constant 0.000000e+00 : f32
    %broadcast_in_dim3A_2 = vector.broadcast %broadcast_in_dim3A_1 : f32 to vector<16xf32>
    %eq3A = arith.constant 0 : i32
    %eq3A_3 = arith.cmpi eq, %arg0, %eq3A : i32
    %convert_element_type3A = arith.extui %eq3A_3 : i1 to i32
    %cond3A = arith.constant 0 : i32
    %cond3A_4 = arith.cmpi ne, %convert_element_type3A, %cond3A : i32
    scf.if %cond3A_4 {
      %mul3A = arith.constant 20736 : i32
      %mul3A_10 = arith.muli %arg1, %mul3A : i32
      "tpu.region"() ({
        %run_scoped3A = tpu.sem_alloc : memref<!tpu.dma_semaphore, #tpu.memory_space<semaphore_mem>>
        %dma_start3A = tpu.memref_slice %arg2[%mul3A_10] : memref<331776xi32, #tpu.memory_space<hbm>> -> memref<20736xi32, #tpu.memory_space<hbm>>
        %dma_start3A_24 = tpu.memref_slice %arg2[%mul3A_10] : memref<331776xi32, #tpu.memory_space<hbm>> -> memref<20736xi32, #tpu.memory_space<hbm>>
        tpu.enqueue_dma source(%dma_start3A_24 : memref<20736xi32, #tpu.memory_space<hbm>>) target(%arg4 : memref<20736xi32, #tpu.memory_space<vmem>>) target_semaphore(%run_scoped3A : memref<!tpu.dma_semaphore, #tpu.memory_space<semaphore_mem>>)
        %dma_wait3A = tpu.memref_slice %arg2[%mul3A_10] : memref<331776xi32, #tpu.memory_space<hbm>> -> memref<20736xi32, #tpu.memory_space<hbm>>
        %dma_wait3A_25 = tpu.memref_slice %arg2[%mul3A_10] : memref<331776xi32, #tpu.memory_space<hbm>> -> memref<20736xi32, #tpu.memory_space<hbm>>
        tpu.wait_dma2 semaphore(%run_scoped3A : memref<!tpu.dma_semaphore, #tpu.memory_space<semaphore_mem>>) src(%dma_wait3A_25 : memref<20736xi32, #tpu.memory_space<hbm>>) dst(%arg4 : memref<20736xi32, #tpu.memory_space<vmem>>)
        tpu.yield
      }) : () -> ()
      %scan3A = arith.constant 0 : i32
      %scan3A_11 = arith.constant 0 : i32
      %scan3A_12 = arith.constant 640 : i32
      %scan3A_13 = arith.addi %scan3A_11, %scan3A_12 : i32
      %scan3A_14 = arith.constant 1 : i32
      %scan3A_15 = scf.for %scan3A_24 = %scan3A_11 to %scan3A_13 step %scan3A_14 iter_args(%scan3A_25 = %scan3A) -> (i32)  : i32 {
        %mul3A_26 = arith.constant 16 : i32
        %mul3A_27 = arith.muli %scan3A_24, %mul3A_26 : i32
        %swap3A = arith.index_cast %mul3A_27 : i32 to index
        %swap3A_28 = tpu.vector_load %arg5[%swap3A] {strides = array<i32>} : memref<10240xf32, #tpu.memory_space<vmem>>, vector<16xf32>,
        tpu.vector_store %arg5[%swap3A], %broadcast_in_dim3A_2 {strides = array<i32>} : memref<10240xf32, #tpu.memory_space<vmem>>, vector<16xf32>,
        %scan3A_29 = arith.constant 0 : i32
        scf.yield %scan3A_29 : i32
      }
      %scan3A_16 = arith.constant 640 : i32
      %scan3A_17 = arith.constant 0 : i32
      %scan3A_18 = arith.constant 0 : i32
      %scan3A_19 = arith.constant 1296 : i32
      %scan3A_20 = arith.addi %scan3A_18, %scan3A_19 : i32
      %scan3A_21 = arith.constant 1 : i32
      %scan3A_22 = scf.for %scan3A_24 = %scan3A_18 to %scan3A_20 step %scan3A_21 iter_args(%scan3A_25 = %scan3A_17) -> (i32)  : i32 {
        %mul3A_26 = arith.constant 16 : i32
        %mul3A_27 = arith.muli %scan3A_24, %mul3A_26 : i32
        %get3A = arith.index_cast %mul3A_27 : i32 to index
        %get3A_28 = tpu.vector_load %arg4[%get3A] {strides = array<i32>} : memref<20736xi32, #tpu.memory_space<vmem>>, vector<16xi32>,
        tpu.vector_store_idx %arg5[%get3A_28], %broadcast_in_dim3A_0 {add = true} : memref<10240xf32, #tpu.memory_space<vmem>>[vector<16xi32>], vector<16xf32>,
        %scan3A_29 = arith.constant 0 : i32
        scf.yield %scan3A_29 : i32
      }
      %scan3A_23 = arith.constant 1296 : i32
      "tpu.region"() ({
        %run_scoped3A = tpu.sem_alloc : memref<!tpu.dma_semaphore, #tpu.memory_space<semaphore_mem>>
        %dma_start3A = arith.constant 0 : i32
        %dma_start3A_24 = tpu.memref_slice %arg7[%arg1, %dma_start3A] : memref<16x10240xf32, #tpu.memory_space<vmem_shared>> -> memref<1x10240xf32, #tpu.memory_space<vmem_shared>>
        %dma_start3A_25 = tpu.memref_squeeze %dma_start3A_24 : memref<1x10240xf32, #tpu.memory_space<vmem_shared>> -> memref<10240xf32, #tpu.memory_space<vmem_shared>>
        %dma_start3A_26 = arith.constant 0 : i32
        %dma_start3A_27 = tpu.memref_slice %arg7[%arg1, %dma_start3A_26] : memref<16x10240xf32, #tpu.memory_space<vmem_shared>> -> memref<1x10240xf32, #tpu.memory_space<vmem_shared>>
        %dma_start3A_28 = tpu.memref_squeeze %dma_start3A_27 : memref<1x10240xf32, #tpu.memory_space<vmem_shared>> -> memref<10240xf32, #tpu.memory_space<vmem_shared>>
        tpu.enqueue_dma source(%arg5 : memref<10240xf32, #tpu.memory_space<vmem>>) target(%dma_start3A_28 : memref<10240xf32, #tpu.memory_space<vmem_shared>>) target_semaphore(%run_scoped3A : memref<!tpu.dma_semaphore, #tpu.memory_space<semaphore_mem>>)
        %dma_wait3A = arith.constant 0 : i32
        %dma_wait3A_29 = tpu.memref_slice %arg7[%arg1, %dma_wait3A] : memref<16x10240xf32, #tpu.memory_space<vmem_shared>> -> memref<1x10240xf32, #tpu.memory_space<vmem_shared>>
        %dma_wait3A_30 = tpu.memref_squeeze %dma_wait3A_29 : memref<1x10240xf32, #tpu.memory_space<vmem_shared>> -> memref<10240xf32, #tpu.memory_space<vmem_shared>>
        %dma_wait3A_31 = arith.constant 0 : i32
        %dma_wait3A_32 = tpu.memref_slice %arg7[%arg1, %dma_wait3A_31] : memref<16x10240xf32, #tpu.memory_space<vmem_shared>> -> memref<1x10240xf32, #tpu.memory_space<vmem_shared>>
        %dma_wait3A_33 = tpu.memref_squeeze %dma_wait3A_32 : memref<1x10240xf32, #tpu.memory_space<vmem_shared>> -> memref<10240xf32, #tpu.memory_space<vmem_shared>>
        tpu.wait_dma2 semaphore(%run_scoped3A : memref<!tpu.dma_semaphore, #tpu.memory_space<semaphore_mem>>) src(%arg5 : memref<10240xf32, #tpu.memory_space<vmem>>) dst(%dma_wait3A_33 : memref<10240xf32, #tpu.memory_space<vmem_shared>>)
        tpu.yield
      }) : () -> ()
    } else {
    }
    %barrier3A = arith.constant 0 : index
    tpu.barrier barrier_id(%barrier3A)
    %eq3A_5 = arith.constant 0 : i32
    %eq3A_6 = arith.cmpi eq, %arg0, %eq3A_5 : i32
    %convert_element_type3A_7 = arith.extui %eq3A_6 : i1 to i32
    %cond3A_8 = arith.constant 0 : i32
    %cond3A_9 = arith.cmpi ne, %convert_element_type3A_7, %cond3A_8 : i32
    scf.if %cond3A_9 {
      %mul3A = arith.constant 640 : i32
      %mul3A_10 = arith.muli %arg1, %mul3A : i32
      "tpu.region"() ({
        %run_scoped3A = tpu.sem_alloc : memref<!tpu.dma_semaphore, #tpu.memory_space<semaphore_mem>>
        %dma_start3A = arith.constant 0 : i32
        %dma_start3A_17 = tpu.memref_slice %arg7[%dma_start3A, %mul3A_10] : memref<16x10240xf32, #tpu.memory_space<vmem_shared>> -> memref<16x640xf32, #tpu.memory_space<vmem_shared>>
        %dma_start3A_18 = arith.constant 0 : i32
        %dma_start3A_19 = tpu.memref_slice %arg7[%dma_start3A_18, %mul3A_10] : memref<16x10240xf32, #tpu.memory_space<vmem_shared>> -> memref<16x640xf32, #tpu.memory_space<vmem_shared>>
        tpu.enqueue_dma source(%dma_start3A_19 : memref<16x640xf32, #tpu.memory_space<vmem_shared>>) target(%arg6 : memref<16x640xf32, #tpu.memory_space<vmem>>) target_semaphore(%run_scoped3A : memref<!tpu.dma_semaphore, #tpu.memory_space<semaphore_mem>>)
        %dma_wait3A = arith.constant 0 : i32
        %dma_wait3A_20 = tpu.memref_slice %arg7[%dma_wait3A, %mul3A_10] : memref<16x10240xf32, #tpu.memory_space<vmem_shared>> -> memref<16x640xf32, #tpu.memory_space<vmem_shared>>
        %dma_wait3A_21 = arith.constant 0 : i32
        %dma_wait3A_22 = tpu.memref_slice %arg7[%dma_wait3A_21, %mul3A_10] : memref<16x10240xf32, #tpu.memory_space<vmem_shared>> -> memref<16x640xf32, #tpu.memory_space<vmem_shared>>
        tpu.wait_dma2 semaphore(%run_scoped3A : memref<!tpu.dma_semaphore, #tpu.memory_space<semaphore_mem>>) src(%dma_wait3A_22 : memref<16x640xf32, #tpu.memory_space<vmem_shared>>) dst(%arg6 : memref<16x640xf32, #tpu.memory_space<vmem>>)
        tpu.yield
      }) : () -> ()
      %scan3A = arith.constant 0 : i32
      %scan3A_11 = arith.constant 0 : i32
      %scan3A_12 = arith.constant 40 : i32
      %scan3A_13 = arith.addi %scan3A_11, %scan3A_12 : i32
      %scan3A_14 = arith.constant 1 : i32
      %scan3A_15 = scf.for %scan3A_17 = %scan3A_11 to %scan3A_13 step %scan3A_14 iter_args(%scan3A_18 = %scan3A) -> (i32)  : i32 {
        %mul3A_19 = arith.constant 16 : i32
        %mul3A_20 = arith.muli %scan3A_17, %mul3A_19 : i32
        %get3A = arith.constant 0 : i32
        %get3A_21 = arith.index_cast %get3A : i32 to index
        %get3A_22 = arith.index_cast %mul3A_20 : i32 to index
        %get3A_23 = tpu.vector_load %arg6[%get3A_21, %get3A_22] {strides = array<i32>} : memref<16x640xf32, #tpu.memory_space<vmem>>, vector<16xf32>,
        %mul3A_24 = arith.constant 16 : i32
        %mul3A_25 = arith.muli %scan3A_17, %mul3A_24 : i32
        %get3A_26 = arith.constant 1 : i32
        %get3A_27 = arith.index_cast %get3A_26 : i32 to index
        %get3A_28 = arith.index_cast %mul3A_25 : i32 to index
        %get3A_29 = tpu.vector_load %arg6[%get3A_27, %get3A_28] {strides = array<i32>} : memref<16x640xf32, #tpu.memory_space<vmem>>, vector<16xf32>,
        %add3A = arith.addf %get3A_23, %get3A_29 : vector<16xf32>
        %mul3A_30 = arith.constant 16 : i32
        %mul3A_31 = arith.muli %scan3A_17, %mul3A_30 : i32
        %get3A_32 = arith.constant 2 : i32
        %get3A_33 = arith.index_cast %get3A_32 : i32 to index
        %get3A_34 = arith.index_cast %mul3A_31 : i32 to index
        %get3A_35 = tpu.vector_load %arg6[%get3A_33, %get3A_34] {strides = array<i32>} : memref<16x640xf32, #tpu.memory_space<vmem>>, vector<16xf32>,
        %add3A_36 = arith.addf %add3A, %get3A_35 : vector<16xf32>
        %mul3A_37 = arith.constant 16 : i32
        %mul3A_38 = arith.muli %scan3A_17, %mul3A_37 : i32
        %get3A_39 = arith.constant 3 : i32
        %get3A_40 = arith.index_cast %get3A_39 : i32 to index
        %get3A_41 = arith.index_cast %mul3A_38 : i32 to index
        %get3A_42 = tpu.vector_load %arg6[%get3A_40, %get3A_41] {strides = array<i32>} : memref<16x640xf32, #tpu.memory_space<vmem>>, vector<16xf32>,
        %add3A_43 = arith.addf %add3A_36, %get3A_42 : vector<16xf32>
        %mul3A_44 = arith.constant 16 : i32
        %mul3A_45 = arith.muli %scan3A_17, %mul3A_44 : i32
        %get3A_46 = arith.constant 4 : i32
        %get3A_47 = arith.index_cast %get3A_46 : i32 to index
        %get3A_48 = arith.index_cast %mul3A_45 : i32 to index
        %get3A_49 = tpu.vector_load %arg6[%get3A_47, %get3A_48] {strides = array<i32>} : memref<16x640xf32, #tpu.memory_space<vmem>>, vector<16xf32>,
        %add3A_50 = arith.addf %add3A_43, %get3A_49 : vector<16xf32>
        %mul3A_51 = arith.constant 16 : i32
        %mul3A_52 = arith.muli %scan3A_17, %mul3A_51 : i32
        %get3A_53 = arith.constant 5 : i32
        %get3A_54 = arith.index_cast %get3A_53 : i32 to index
        %get3A_55 = arith.index_cast %mul3A_52 : i32 to index
        %get3A_56 = tpu.vector_load %arg6[%get3A_54, %get3A_55] {strides = array<i32>} : memref<16x640xf32, #tpu.memory_space<vmem>>, vector<16xf32>,
        %add3A_57 = arith.addf %add3A_50, %get3A_56 : vector<16xf32>
        %mul3A_58 = arith.constant 16 : i32
        %mul3A_59 = arith.muli %scan3A_17, %mul3A_58 : i32
        %get3A_60 = arith.constant 6 : i32
        %get3A_61 = arith.index_cast %get3A_60 : i32 to index
        %get3A_62 = arith.index_cast %mul3A_59 : i32 to index
        %get3A_63 = tpu.vector_load %arg6[%get3A_61, %get3A_62] {strides = array<i32>} : memref<16x640xf32, #tpu.memory_space<vmem>>, vector<16xf32>,
        %add3A_64 = arith.addf %add3A_57, %get3A_63 : vector<16xf32>
        %mul3A_65 = arith.constant 16 : i32
        %mul3A_66 = arith.muli %scan3A_17, %mul3A_65 : i32
        %get3A_67 = arith.constant 7 : i32
        %get3A_68 = arith.index_cast %get3A_67 : i32 to index
        %get3A_69 = arith.index_cast %mul3A_66 : i32 to index
        %get3A_70 = tpu.vector_load %arg6[%get3A_68, %get3A_69] {strides = array<i32>} : memref<16x640xf32, #tpu.memory_space<vmem>>, vector<16xf32>,
        %add3A_71 = arith.addf %add3A_64, %get3A_70 : vector<16xf32>
        %mul3A_72 = arith.constant 16 : i32
        %mul3A_73 = arith.muli %scan3A_17, %mul3A_72 : i32
        %get3A_74 = arith.constant 8 : i32
        %get3A_75 = arith.index_cast %get3A_74 : i32 to index
        %get3A_76 = arith.index_cast %mul3A_73 : i32 to index
        %get3A_77 = tpu.vector_load %arg6[%get3A_75, %get3A_76] {strides = array<i32>} : memref<16x640xf32, #tpu.memory_space<vmem>>, vector<16xf32>,
        %add3A_78 = arith.addf %add3A_71, %get3A_77 : vector<16xf32>
        %mul3A_79 = arith.constant 16 : i32
        %mul3A_80 = arith.muli %scan3A_17, %mul3A_79 : i32
        %get3A_81 = arith.constant 9 : i32
        %get3A_82 = arith.index_cast %get3A_81 : i32 to index
        %get3A_83 = arith.index_cast %mul3A_80 : i32 to index
        %get3A_84 = tpu.vector_load %arg6[%get3A_82, %get3A_83] {strides = array<i32>} : memref<16x640xf32, #tpu.memory_space<vmem>>, vector<16xf32>,
        %add3A_85 = arith.addf %add3A_78, %get3A_84 : vector<16xf32>
        %mul3A_86 = arith.constant 16 : i32
        %mul3A_87 = arith.muli %scan3A_17, %mul3A_86 : i32
        %get3A_88 = arith.constant 10 : i32
        %get3A_89 = arith.index_cast %get3A_88 : i32 to index
        %get3A_90 = arith.index_cast %mul3A_87 : i32 to index
        %get3A_91 = tpu.vector_load %arg6[%get3A_89, %get3A_90] {strides = array<i32>} : memref<16x640xf32, #tpu.memory_space<vmem>>, vector<16xf32>,
        %add3A_92 = arith.addf %add3A_85, %get3A_91 : vector<16xf32>
        %mul3A_93 = arith.constant 16 : i32
        %mul3A_94 = arith.muli %scan3A_17, %mul3A_93 : i32
        %get3A_95 = arith.constant 11 : i32
        %get3A_96 = arith.index_cast %get3A_95 : i32 to index
        %get3A_97 = arith.index_cast %mul3A_94 : i32 to index
        %get3A_98 = tpu.vector_load %arg6[%get3A_96, %get3A_97] {strides = array<i32>} : memref<16x640xf32, #tpu.memory_space<vmem>>, vector<16xf32>,
        %add3A_99 = arith.addf %add3A_92, %get3A_98 : vector<16xf32>
        %mul3A_100 = arith.constant 16 : i32
        %mul3A_101 = arith.muli %scan3A_17, %mul3A_100 : i32
        %get3A_102 = arith.constant 12 : i32
        %get3A_103 = arith.index_cast %get3A_102 : i32 to index
        %get3A_104 = arith.index_cast %mul3A_101 : i32 to index
        %get3A_105 = tpu.vector_load %arg6[%get3A_103, %get3A_104] {strides = array<i32>} : memref<16x640xf32, #tpu.memory_space<vmem>>, vector<16xf32>,
        %add3A_106 = arith.addf %add3A_99, %get3A_105 : vector<16xf32>
        %mul3A_107 = arith.constant 16 : i32
        %mul3A_108 = arith.muli %scan3A_17, %mul3A_107 : i32
        %get3A_109 = arith.constant 13 : i32
        %get3A_110 = arith.index_cast %get3A_109 : i32 to index
        %get3A_111 = arith.index_cast %mul3A_108 : i32 to index
        %get3A_112 = tpu.vector_load %arg6[%get3A_110, %get3A_111] {strides = array<i32>} : memref<16x640xf32, #tpu.memory_space<vmem>>, vector<16xf32>,
        %add3A_113 = arith.addf %add3A_106, %get3A_112 : vector<16xf32>
        %mul3A_114 = arith.constant 16 : i32
        %mul3A_115 = arith.muli %scan3A_17, %mul3A_114 : i32
        %get3A_116 = arith.constant 14 : i32
        %get3A_117 = arith.index_cast %get3A_116 : i32 to index
        %get3A_118 = arith.index_cast %mul3A_115 : i32 to index
        %get3A_119 = tpu.vector_load %arg6[%get3A_117, %get3A_118] {strides = array<i32>} : memref<16x640xf32, #tpu.memory_space<vmem>>, vector<16xf32>,
        %add3A_120 = arith.addf %add3A_113, %get3A_119 : vector<16xf32>
        %mul3A_121 = arith.constant 16 : i32
        %mul3A_122 = arith.muli %scan3A_17, %mul3A_121 : i32
        %get3A_123 = arith.constant 15 : i32
        %get3A_124 = arith.index_cast %get3A_123 : i32 to index
        %get3A_125 = arith.index_cast %mul3A_122 : i32 to index
        %get3A_126 = tpu.vector_load %arg6[%get3A_124, %get3A_125] {strides = array<i32>} : memref<16x640xf32, #tpu.memory_space<vmem>>, vector<16xf32>,
        %add3A_127 = arith.addf %add3A_120, %get3A_126 : vector<16xf32>
        %max3A = arith.constant 2.500000e-01 : f32
        %max3A_128 = vector.broadcast %max3A : f32 to vector<16xf32>
        %max3A_129 = arith.maximumf %add3A_127, %max3A_128 : vector<16xf32>
        %bitcast3A = vector.bitcast %max3A_129 : vector<16xf32> to vector<16xi32>
        %shift_right_logical3A = arith.constant 1 : i32
        %shift_right_logical3A_130 = vector.broadcast %shift_right_logical3A : i32 to vector<16xi32>
        %shift_right_logical3A_131 = arith.shrui %bitcast3A, %shift_right_logical3A_130 : vector<16xi32>
        %sub3A = arith.constant 1597463007 : i32
        %sub3A_132 = vector.broadcast %sub3A : i32 to vector<16xi32>
        %sub3A_133 = arith.subi %sub3A_132, %shift_right_logical3A_131 : vector<16xi32>
        %bitcast3A_134 = vector.bitcast %sub3A_133 : vector<16xi32> to vector<16xf32>
        %mul3A_135 = arith.constant 5.000000e-01 : f32
        %mul3A_136 = vector.broadcast %mul3A_135 : f32 to vector<16xf32>
        %mul3A_137 = arith.mulf %mul3A_136, %max3A_129 : vector<16xf32>
        %mul3A_138 = arith.mulf %mul3A_137, %bitcast3A_134 : vector<16xf32>
        %mul3A_139 = arith.mulf %mul3A_138, %bitcast3A_134 : vector<16xf32>
        %sub3A_140 = arith.constant 1.500000e+00 : f32
        %sub3A_141 = vector.broadcast %sub3A_140 : f32 to vector<16xf32>
        %sub3A_142 = arith.subf %sub3A_141, %mul3A_139 : vector<16xf32>
        %mul3A_143 = arith.mulf %bitcast3A_134, %sub3A_142 : vector<16xf32>
        %mul3A_144 = arith.constant 5.000000e-01 : f32
        %mul3A_145 = vector.broadcast %mul3A_144 : f32 to vector<16xf32>
        %mul3A_146 = arith.mulf %mul3A_145, %max3A_129 : vector<16xf32>
        %mul3A_147 = arith.mulf %mul3A_146, %mul3A_143 : vector<16xf32>
        %mul3A_148 = arith.mulf %mul3A_147, %mul3A_143 : vector<16xf32>
        %sub3A_149 = arith.constant 1.500000e+00 : f32
        %sub3A_150 = vector.broadcast %sub3A_149 : f32 to vector<16xf32>
        %sub3A_151 = arith.subf %sub3A_150, %mul3A_148 : vector<16xf32>
        %mul3A_152 = arith.mulf %mul3A_143, %sub3A_151 : vector<16xf32>
        %mul3A_153 = arith.constant 5.000000e-01 : f32
        %mul3A_154 = vector.broadcast %mul3A_153 : f32 to vector<16xf32>
        %mul3A_155 = arith.mulf %mul3A_154, %max3A_129 : vector<16xf32>
        %mul3A_156 = arith.mulf %mul3A_155, %mul3A_152 : vector<16xf32>
        %mul3A_157 = arith.mulf %mul3A_156, %mul3A_152 : vector<16xf32>
        %sub3A_158 = arith.constant 1.500000e+00 : f32
        %sub3A_159 = vector.broadcast %sub3A_158 : f32 to vector<16xf32>
        %sub3A_160 = arith.subf %sub3A_159, %mul3A_157 : vector<16xf32>
        %mul3A_161 = arith.mulf %mul3A_152, %sub3A_160 : vector<16xf32>
        %mul3A_162 = arith.constant 5.000000e-01 : f32
        %mul3A_163 = vector.broadcast %mul3A_162 : f32 to vector<16xf32>
        %mul3A_164 = arith.mulf %mul3A_163, %max3A_129 : vector<16xf32>
        %mul3A_165 = arith.mulf %mul3A_164, %mul3A_161 : vector<16xf32>
        %mul3A_166 = arith.mulf %mul3A_165, %mul3A_161 : vector<16xf32>
        %sub3A_167 = arith.constant 1.500000e+00 : f32
        %sub3A_168 = vector.broadcast %sub3A_167 : f32 to vector<16xf32>
        %sub3A_169 = arith.subf %sub3A_168, %mul3A_166 : vector<16xf32>
        %mul3A_170 = arith.mulf %mul3A_161, %sub3A_169 : vector<16xf32>
        %mul3A_171 = arith.constant 16 : i32
        %mul3A_172 = arith.muli %scan3A_17, %mul3A_171 : i32
        %swap3A = arith.index_cast %mul3A_172 : i32 to index
        %swap3A_173 = tpu.vector_load %arg5[%swap3A] {strides = array<i32>} : memref<10240xf32, #tpu.memory_space<vmem>>, vector<16xf32>,
        tpu.vector_store %arg5[%swap3A], %mul3A_170 {strides = array<i32>} : memref<10240xf32, #tpu.memory_space<vmem>>, vector<16xf32>,
        %scan3A_174 = arith.constant 0 : i32
        scf.yield %scan3A_174 : i32
      }
      %scan3A_16 = arith.constant 40 : i32
      "tpu.region"() ({
        %run_scoped3A = tpu.sem_alloc : memref<!tpu.dma_semaphore, #tpu.memory_space<semaphore_mem>>
        %dma_start3A = arith.constant 0 : i32
        %dma_start3A_17 = tpu.memref_slice %arg5[%dma_start3A] : memref<10240xf32, #tpu.memory_space<vmem>> -> memref<640xf32, #tpu.memory_space<vmem>>
        %dma_start3A_18 = tpu.memref_slice %arg3[%mul3A_10] : memref<10240xf32, #tpu.memory_space<hbm>> -> memref<640xf32, #tpu.memory_space<hbm>>
        %dma_start3A_19 = tpu.memref_slice %arg3[%mul3A_10] : memref<10240xf32, #tpu.memory_space<hbm>> -> memref<640xf32, #tpu.memory_space<hbm>>
        %dma_start3A_20 = arith.constant 0 : i32
        %dma_start3A_21 = tpu.memref_slice %arg5[%dma_start3A_20] : memref<10240xf32, #tpu.memory_space<vmem>> -> memref<640xf32, #tpu.memory_space<vmem>>
        tpu.enqueue_dma source(%dma_start3A_21 : memref<640xf32, #tpu.memory_space<vmem>>) target(%dma_start3A_19 : memref<640xf32, #tpu.memory_space<hbm>>) target_semaphore(%run_scoped3A : memref<!tpu.dma_semaphore, #tpu.memory_space<semaphore_mem>>)
        %dma_wait3A = arith.constant 0 : i32
        %dma_wait3A_22 = tpu.memref_slice %arg5[%dma_wait3A] : memref<10240xf32, #tpu.memory_space<vmem>> -> memref<640xf32, #tpu.memory_space<vmem>>
        %dma_wait3A_23 = tpu.memref_slice %arg3[%mul3A_10] : memref<10240xf32, #tpu.memory_space<hbm>> -> memref<640xf32, #tpu.memory_space<hbm>>
        %dma_wait3A_24 = tpu.memref_slice %arg3[%mul3A_10] : memref<10240xf32, #tpu.memory_space<hbm>> -> memref<640xf32, #tpu.memory_space<hbm>>
        %dma_wait3A_25 = arith.constant 0 : i32
        %dma_wait3A_26 = tpu.memref_slice %arg5[%dma_wait3A_25] : memref<10240xf32, #tpu.memory_space<vmem>> -> memref<640xf32, #tpu.memory_space<vmem>>
        tpu.wait_dma2 semaphore(%run_scoped3A : memref<!tpu.dma_semaphore, #tpu.memory_space<semaphore_mem>>) src(%dma_wait3A_26 : memref<640xf32, #tpu.memory_space<vmem>>) dst(%dma_wait3A_24 : memref<640xf32, #tpu.memory_space<hbm>>)
        tpu.yield
      }) : () -> ()
    } else {
    }
    return
  }
}

#map = affine_map<(d0, d1) -> (0, 0)>
#map1 = affine_map<(d0, d1) -> (0)>
#map2 = affine_map<(d0, d1) -> (0, 0, 0)>
module attributes {stable_mosaic.version = 14 : i64} {
  func.func @_agg_body(%arg0: i32, %arg1: i32, %arg2: memref<10240x128xf32, #tpu.memory_space<hbm>>, %arg3: memref<331776xi32, #tpu.memory_space<hbm>>, %arg4: memref<331776xi32, #tpu.memory_space<hbm>>, %arg5: memref<2x10240x128xf32, #tpu.memory_space<hbm>>, %arg6: memref<128xi32, #tpu.memory_space<vmem>>, %arg7: memref<128xi32, #tpu.memory_space<vmem>>, %arg8: memref<128xi32, #tpu.memory_space<vmem>>, %arg9: memref<128xi32, #tpu.memory_space<vmem>>, %arg10: memref<128x128xf32, #tpu.memory_space<vmem>>, %arg11: memref<128x128xf32, #tpu.memory_space<vmem>>, %arg12: memref<10240x128xf32, #tpu.memory_space<vmem_shared>>, %arg13: memref<!tpu.dma_semaphore, #tpu.memory_space<semaphore_mem>>, %arg14: memref<!tpu.dma_semaphore, #tpu.memory_space<semaphore_mem>>, %arg15: memref<!tpu.dma_semaphore, #tpu.memory_space<semaphore_mem>>, %arg16: memref<!tpu.dma_semaphore, #tpu.memory_space<semaphore_mem>>, %arg17: memref<!tpu.dma_semaphore, #tpu.memory_space<semaphore_mem>>, %arg18: memref<!tpu.dma_semaphore, #tpu.memory_space<semaphore_mem>>) attributes {dimension_semantics = [#tpu.dimension_semantics<core_parallel>, #tpu.dimension_semantics<subcore_parallel>], iteration_bounds = array<i64: 2, 16>, scalar_prefetch = 0 : i64, scratch_operands = 13 : i64, tpu.core_type = #tpu.core_type<sc_vector_subcore>, window_params = [{transform_indices = #map}, {transform_indices = #map1}, {transform_indices = #map1}, {transform_indices = #map2}]} {
    %broadcast_in_dim3A = arith.constant 0.000000e+00 : f32
    %broadcast_in_dim3A_0 = vector.broadcast %broadcast_in_dim3A : f32 to vector<16xf32>
    %mul3A = arith.constant 16 : i32
    %mul3A_1 = arith.muli %arg0, %mul3A : i32
    %add3A = arith.addi %mul3A_1, %arg1 : i32
    %mul3A_2 = arith.constant 81 : i32
    %mul3A_3 = arith.muli %add3A, %mul3A_2 : i32
    %scan3A = arith.constant 0 : i32
    %scan3A_4 = arith.constant 0 : i32
    %scan3A_5 = arith.constant 128 : i32
    %scan3A_6 = arith.addi %scan3A_4, %scan3A_5 : i32
    %scan3A_7 = arith.constant 1 : i32
    %scan3A_8 = scf.for %scan3A_44 = %scan3A_4 to %scan3A_6 step %scan3A_7 iter_args(%scan3A_45 = %scan3A) -> (i32)  : i32 {
      %swap3A = arith.index_cast %scan3A_44 : i32 to index
      %swap3A_46 = arith.constant 0 : index
      %swap3A_47 = tpu.vector_load %arg10[%swap3A, %swap3A_46] {strides = array<i32>} : memref<128x128xf32, #tpu.memory_space<vmem>>, vector<16xf32>,
      tpu.vector_store %arg10[%swap3A, %swap3A_46], %broadcast_in_dim3A_0 {strides = array<i32>} : memref<128x128xf32, #tpu.memory_space<vmem>>, vector<16xf32>,
      %swap3A_48 = arith.index_cast %scan3A_44 : i32 to index
      %swap3A_49 = arith.constant 16 : index
      %swap3A_50 = tpu.vector_load %arg10[%swap3A_48, %swap3A_49] {strides = array<i32>} : memref<128x128xf32, #tpu.memory_space<vmem>>, vector<16xf32>,
      tpu.vector_store %arg10[%swap3A_48, %swap3A_49], %broadcast_in_dim3A_0 {strides = array<i32>} : memref<128x128xf32, #tpu.memory_space<vmem>>, vector<16xf32>,
      %swap3A_51 = arith.index_cast %scan3A_44 : i32 to index
      %swap3A_52 = arith.constant 32 : index
      %swap3A_53 = tpu.vector_load %arg10[%swap3A_51, %swap3A_52] {strides = array<i32>} : memref<128x128xf32, #tpu.memory_space<vmem>>, vector<16xf32>,
      tpu.vector_store %arg10[%swap3A_51, %swap3A_52], %broadcast_in_dim3A_0 {strides = array<i32>} : memref<128x128xf32, #tpu.memory_space<vmem>>, vector<16xf32>,
      %swap3A_54 = arith.index_cast %scan3A_44 : i32 to index
      %swap3A_55 = arith.constant 48 : index
      %swap3A_56 = tpu.vector_load %arg10[%swap3A_54, %swap3A_55] {strides = array<i32>} : memref<128x128xf32, #tpu.memory_space<vmem>>, vector<16xf32>,
      tpu.vector_store %arg10[%swap3A_54, %swap3A_55], %broadcast_in_dim3A_0 {strides = array<i32>} : memref<128x128xf32, #tpu.memory_space<vmem>>, vector<16xf32>,
      %swap3A_57 = arith.index_cast %scan3A_44 : i32 to index
      %swap3A_58 = arith.constant 64 : index
      %swap3A_59 = tpu.vector_load %arg10[%swap3A_57, %swap3A_58] {strides = array<i32>} : memref<128x128xf32, #tpu.memory_space<vmem>>, vector<16xf32>,
      tpu.vector_store %arg10[%swap3A_57, %swap3A_58], %broadcast_in_dim3A_0 {strides = array<i32>} : memref<128x128xf32, #tpu.memory_space<vmem>>, vector<16xf32>,
      %swap3A_60 = arith.index_cast %scan3A_44 : i32 to index
      %swap3A_61 = arith.constant 80 : index
      %swap3A_62 = tpu.vector_load %arg10[%swap3A_60, %swap3A_61] {strides = array<i32>} : memref<128x128xf32, #tpu.memory_space<vmem>>, vector<16xf32>,
      tpu.vector_store %arg10[%swap3A_60, %swap3A_61], %broadcast_in_dim3A_0 {strides = array<i32>} : memref<128x128xf32, #tpu.memory_space<vmem>>, vector<16xf32>,
      %swap3A_63 = arith.index_cast %scan3A_44 : i32 to index
      %swap3A_64 = arith.constant 96 : index
      %swap3A_65 = tpu.vector_load %arg10[%swap3A_63, %swap3A_64] {strides = array<i32>} : memref<128x128xf32, #tpu.memory_space<vmem>>, vector<16xf32>,
      tpu.vector_store %arg10[%swap3A_63, %swap3A_64], %broadcast_in_dim3A_0 {strides = array<i32>} : memref<128x128xf32, #tpu.memory_space<vmem>>, vector<16xf32>,
      %swap3A_66 = arith.index_cast %scan3A_44 : i32 to index
      %swap3A_67 = arith.constant 112 : index
      %swap3A_68 = tpu.vector_load %arg10[%swap3A_66, %swap3A_67] {strides = array<i32>} : memref<128x128xf32, #tpu.memory_space<vmem>>, vector<16xf32>,
      tpu.vector_store %arg10[%swap3A_66, %swap3A_67], %broadcast_in_dim3A_0 {strides = array<i32>} : memref<128x128xf32, #tpu.memory_space<vmem>>, vector<16xf32>,
      %scan3A_69 = arith.constant 0 : i32
      scf.yield %scan3A_69 : i32
    }
    %scan3A_9 = arith.constant 128 : i32
    %mul3A_10 = arith.constant 640 : i32
    %mul3A_11 = arith.muli %arg1, %mul3A_10 : i32
    %add3A_12 = arith.constant 0 : i32
    %add3A_13 = arith.addi %mul3A_11, %add3A_12 : i32
    "tpu.region"() ({
      %run_scoped3A = tpu.sem_alloc : memref<!tpu.dma_semaphore, #tpu.memory_space<semaphore_mem>>
      %dma_start3A = arith.constant 0 : i32
      %dma_start3A_44 = tpu.memref_slice %arg12[%add3A_13, %dma_start3A] : memref<10240x128xf32, #tpu.memory_space<vmem_shared>> -> memref<128x128xf32, #tpu.memory_space<vmem_shared>>
      %dma_start3A_45 = arith.constant 0 : i32
      %dma_start3A_46 = tpu.memref_slice %arg12[%add3A_13, %dma_start3A_45] : memref<10240x128xf32, #tpu.memory_space<vmem_shared>> -> memref<128x128xf32, #tpu.memory_space<vmem_shared>>
      tpu.enqueue_dma source(%arg10 : memref<128x128xf32, #tpu.memory_space<vmem>>) target(%dma_start3A_46 : memref<128x128xf32, #tpu.memory_space<vmem_shared>>) target_semaphore(%run_scoped3A : memref<!tpu.dma_semaphore, #tpu.memory_space<semaphore_mem>>)
      %dma_wait3A = arith.constant 0 : i32
      %dma_wait3A_47 = tpu.memref_slice %arg12[%add3A_13, %dma_wait3A] : memref<10240x128xf32, #tpu.memory_space<vmem_shared>> -> memref<128x128xf32, #tpu.memory_space<vmem_shared>>
      %dma_wait3A_48 = arith.constant 0 : i32
      %dma_wait3A_49 = tpu.memref_slice %arg12[%add3A_13, %dma_wait3A_48] : memref<10240x128xf32, #tpu.memory_space<vmem_shared>> -> memref<128x128xf32, #tpu.memory_space<vmem_shared>>
      tpu.wait_dma2 semaphore(%run_scoped3A : memref<!tpu.dma_semaphore, #tpu.memory_space<semaphore_mem>>) src(%arg10 : memref<128x128xf32, #tpu.memory_space<vmem>>) dst(%dma_wait3A_49 : memref<128x128xf32, #tpu.memory_space<vmem_shared>>)
      tpu.yield
    }) : () -> ()
    %mul3A_14 = arith.constant 640 : i32
    %mul3A_15 = arith.muli %arg1, %mul3A_14 : i32
    %add3A_16 = arith.constant 128 : i32
    %add3A_17 = arith.addi %mul3A_15, %add3A_16 : i32
    "tpu.region"() ({
      %run_scoped3A = tpu.sem_alloc : memref<!tpu.dma_semaphore, #tpu.memory_space<semaphore_mem>>
      %dma_start3A = arith.constant 0 : i32
      %dma_start3A_44 = tpu.memref_slice %arg12[%add3A_17, %dma_start3A] : memref<10240x128xf32, #tpu.memory_space<vmem_shared>> -> memref<128x128xf32, #tpu.memory_space<vmem_shared>>
      %dma_start3A_45 = arith.constant 0 : i32
      %dma_start3A_46 = tpu.memref_slice %arg12[%add3A_17, %dma_start3A_45] : memref<10240x128xf32, #tpu.memory_space<vmem_shared>> -> memref<128x128xf32, #tpu.memory_space<vmem_shared>>
      tpu.enqueue_dma source(%arg10 : memref<128x128xf32, #tpu.memory_space<vmem>>) target(%dma_start3A_46 : memref<128x128xf32, #tpu.memory_space<vmem_shared>>) target_semaphore(%run_scoped3A : memref<!tpu.dma_semaphore, #tpu.memory_space<semaphore_mem>>)
      %dma_wait3A = arith.constant 0 : i32
      %dma_wait3A_47 = tpu.memref_slice %arg12[%add3A_17, %dma_wait3A] : memref<10240x128xf32, #tpu.memory_space<vmem_shared>> -> memref<128x128xf32, #tpu.memory_space<vmem_shared>>
      %dma_wait3A_48 = arith.constant 0 : i32
      %dma_wait3A_49 = tpu.memref_slice %arg12[%add3A_17, %dma_wait3A_48] : memref<10240x128xf32, #tpu.memory_space<vmem_shared>> -> memref<128x128xf32, #tpu.memory_space<vmem_shared>>
      tpu.wait_dma2 semaphore(%run_scoped3A : memref<!tpu.dma_semaphore, #tpu.memory_space<semaphore_mem>>) src(%arg10 : memref<128x128xf32, #tpu.memory_space<vmem>>) dst(%dma_wait3A_49 : memref<128x128xf32, #tpu.memory_space<vmem_shared>>)
      tpu.yield
    }) : () -> ()
    %mul3A_18 = arith.constant 640 : i32
    %mul3A_19 = arith.muli %arg1, %mul3A_18 : i32
    %add3A_20 = arith.constant 256 : i32
    %add3A_21 = arith.addi %mul3A_19, %add3A_20 : i32
    "tpu.region"() ({
      %run_scoped3A = tpu.sem_alloc : memref<!tpu.dma_semaphore, #tpu.memory_space<semaphore_mem>>
      %dma_start3A = arith.constant 0 : i32
      %dma_start3A_44 = tpu.memref_slice %arg12[%add3A_21, %dma_start3A] : memref<10240x128xf32, #tpu.memory_space<vmem_shared>> -> memref<128x128xf32, #tpu.memory_space<vmem_shared>>
      %dma_start3A_45 = arith.constant 0 : i32
      %dma_start3A_46 = tpu.memref_slice %arg12[%add3A_21, %dma_start3A_45] : memref<10240x128xf32, #tpu.memory_space<vmem_shared>> -> memref<128x128xf32, #tpu.memory_space<vmem_shared>>
      tpu.enqueue_dma source(%arg10 : memref<128x128xf32, #tpu.memory_space<vmem>>) target(%dma_start3A_46 : memref<128x128xf32, #tpu.memory_space<vmem_shared>>) target_semaphore(%run_scoped3A : memref<!tpu.dma_semaphore, #tpu.memory_space<semaphore_mem>>)
      %dma_wait3A = arith.constant 0 : i32
      %dma_wait3A_47 = tpu.memref_slice %arg12[%add3A_21, %dma_wait3A] : memref<10240x128xf32, #tpu.memory_space<vmem_shared>> -> memref<128x128xf32, #tpu.memory_space<vmem_shared>>
      %dma_wait3A_48 = arith.constant 0 : i32
      %dma_wait3A_49 = tpu.memref_slice %arg12[%add3A_21, %dma_wait3A_48] : memref<10240x128xf32, #tpu.memory_space<vmem_shared>> -> memref<128x128xf32, #tpu.memory_space<vmem_shared>>
      tpu.wait_dma2 semaphore(%run_scoped3A : memref<!tpu.dma_semaphore, #tpu.memory_space<semaphore_mem>>) src(%arg10 : memref<128x128xf32, #tpu.memory_space<vmem>>) dst(%dma_wait3A_49 : memref<128x128xf32, #tpu.memory_space<vmem_shared>>)
      tpu.yield
    }) : () -> ()
    %mul3A_22 = arith.constant 640 : i32
    %mul3A_23 = arith.muli %arg1, %mul3A_22 : i32
    %add3A_24 = arith.constant 384 : i32
    %add3A_25 = arith.addi %mul3A_23, %add3A_24 : i32
    "tpu.region"() ({
      %run_scoped3A = tpu.sem_alloc : memref<!tpu.dma_semaphore, #tpu.memory_space<semaphore_mem>>
      %dma_start3A = arith.constant 0 : i32
      %dma_start3A_44 = tpu.memref_slice %arg12[%add3A_25, %dma_start3A] : memref<10240x128xf32, #tpu.memory_space<vmem_shared>> -> memref<128x128xf32, #tpu.memory_space<vmem_shared>>
      %dma_start3A_45 = arith.constant 0 : i32
      %dma_start3A_46 = tpu.memref_slice %arg12[%add3A_25, %dma_start3A_45] : memref<10240x128xf32, #tpu.memory_space<vmem_shared>> -> memref<128x128xf32, #tpu.memory_space<vmem_shared>>
      tpu.enqueue_dma source(%arg10 : memref<128x128xf32, #tpu.memory_space<vmem>>) target(%dma_start3A_46 : memref<128x128xf32, #tpu.memory_space<vmem_shared>>) target_semaphore(%run_scoped3A : memref<!tpu.dma_semaphore, #tpu.memory_space<semaphore_mem>>)
      %dma_wait3A = arith.constant 0 : i32
      %dma_wait3A_47 = tpu.memref_slice %arg12[%add3A_25, %dma_wait3A] : memref<10240x128xf32, #tpu.memory_space<vmem_shared>> -> memref<128x128xf32, #tpu.memory_space<vmem_shared>>
      %dma_wait3A_48 = arith.constant 0 : i32
      %dma_wait3A_49 = tpu.memref_slice %arg12[%add3A_25, %dma_wait3A_48] : memref<10240x128xf32, #tpu.memory_space<vmem_shared>> -> memref<128x128xf32, #tpu.memory_space<vmem_shared>>
      tpu.wait_dma2 semaphore(%run_scoped3A : memref<!tpu.dma_semaphore, #tpu.memory_space<semaphore_mem>>) src(%arg10 : memref<128x128xf32, #tpu.memory_space<vmem>>) dst(%dma_wait3A_49 : memref<128x128xf32, #tpu.memory_space<vmem_shared>>)
      tpu.yield
    }) : () -> ()
    %mul3A_26 = arith.constant 640 : i32
    %mul3A_27 = arith.muli %arg1, %mul3A_26 : i32
    %add3A_28 = arith.constant 512 : i32
    %add3A_29 = arith.addi %mul3A_27, %add3A_28 : i32
    "tpu.region"() ({
      %run_scoped3A = tpu.sem_alloc : memref<!tpu.dma_semaphore, #tpu.memory_space<semaphore_mem>>
      %dma_start3A = arith.constant 0 : i32
      %dma_start3A_44 = tpu.memref_slice %arg12[%add3A_29, %dma_start3A] : memref<10240x128xf32, #tpu.memory_space<vmem_shared>> -> memref<128x128xf32, #tpu.memory_space<vmem_shared>>
      %dma_start3A_45 = arith.constant 0 : i32
      %dma_start3A_46 = tpu.memref_slice %arg12[%add3A_29, %dma_start3A_45] : memref<10240x128xf32, #tpu.memory_space<vmem_shared>> -> memref<128x128xf32, #tpu.memory_space<vmem_shared>>
      tpu.enqueue_dma source(%arg10 : memref<128x128xf32, #tpu.memory_space<vmem>>) target(%dma_start3A_46 : memref<128x128xf32, #tpu.memory_space<vmem_shared>>) target_semaphore(%run_scoped3A : memref<!tpu.dma_semaphore, #tpu.memory_space<semaphore_mem>>)
      %dma_wait3A = arith.constant 0 : i32
      %dma_wait3A_47 = tpu.memref_slice %arg12[%add3A_29, %dma_wait3A] : memref<10240x128xf32, #tpu.memory_space<vmem_shared>> -> memref<128x128xf32, #tpu.memory_space<vmem_shared>>
      %dma_wait3A_48 = arith.constant 0 : i32
      %dma_wait3A_49 = tpu.memref_slice %arg12[%add3A_29, %dma_wait3A_48] : memref<10240x128xf32, #tpu.memory_space<vmem_shared>> -> memref<128x128xf32, #tpu.memory_space<vmem_shared>>
      tpu.wait_dma2 semaphore(%run_scoped3A : memref<!tpu.dma_semaphore, #tpu.memory_space<semaphore_mem>>) src(%arg10 : memref<128x128xf32, #tpu.memory_space<vmem>>) dst(%dma_wait3A_49 : memref<128x128xf32, #tpu.memory_space<vmem_shared>>)
      tpu.yield
    }) : () -> ()
    %barrier3A = arith.constant 0 : index
    tpu.barrier barrier_id(%barrier3A)
    %mul3A_30 = arith.constant 128 : i32
    %mul3A_31 = arith.muli %mul3A_3, %mul3A_30 : i32
    %scan3A_32 = arith.constant 0 : i32
    %scan3A_33 = arith.constant 0 : i32
    %scan3A_34 = arith.constant 40 : i32
    %scan3A_35 = arith.addi %scan3A_33, %scan3A_34 : i32
    %scan3A_36 = arith.constant 1 : i32
    %scan3A_37 = scf.for %scan3A_44 = %scan3A_33 to %scan3A_35 step %scan3A_36 iter_args(%scan3A_45 = %scan3A_32) -> (i32)  : i32 {
      %mul3A_46 = arith.constant 2 : i32
      %mul3A_47 = arith.muli %scan3A_44, %mul3A_46 : i32
      %mul3A_48 = arith.constant 128 : i32
      %mul3A_49 = arith.muli %mul3A_47, %mul3A_48 : i32
      %add3A_50 = arith.addi %mul3A_31, %mul3A_49 : i32
      %dma_start3A = tpu.memref_slice %arg3[%add3A_50] : memref<331776xi32, #tpu.memory_space<hbm>> -> memref<128xi32, #tpu.memory_space<hbm>>
      %dma_start3A_51 = tpu.memref_slice %arg3[%add3A_50] : memref<331776xi32, #tpu.memory_space<hbm>> -> memref<128xi32, #tpu.memory_space<hbm>>
      tpu.enqueue_dma source(%dma_start3A_51 : memref<128xi32, #tpu.memory_space<hbm>>) target(%arg6 : memref<128xi32, #tpu.memory_space<vmem>>) target_semaphore(%arg13 : memref<!tpu.dma_semaphore, #tpu.memory_space<semaphore_mem>>)
      %add3A_52 = arith.constant 128 : i32
      %add3A_53 = arith.addi %add3A_50, %add3A_52 : i32
      %dma_start3A_54 = tpu.memref_slice %arg3[%add3A_53] : memref<331776xi32, #tpu.memory_space<hbm>> -> memref<128xi32, #tpu.memory_space<hbm>>
      %dma_start3A_55 = tpu.memref_slice %arg3[%add3A_53] : memref<331776xi32, #tpu.memory_space<hbm>> -> memref<128xi32, #tpu.memory_space<hbm>>
      tpu.enqueue_dma source(%dma_start3A_55 : memref<128xi32, #tpu.memory_space<hbm>>) target(%arg7 : memref<128xi32, #tpu.memory_space<vmem>>) target_semaphore(%arg14 : memref<!tpu.dma_semaphore, #tpu.memory_space<semaphore_mem>>)
      %dma_start3A_56 = tpu.memref_slice %arg4[%add3A_50] : memref<331776xi32, #tpu.memory_space<hbm>> -> memref<128xi32, #tpu.memory_space<hbm>>
      %dma_start3A_57 = tpu.memref_slice %arg4[%add3A_50] : memref<331776xi32, #tpu.memory_space<hbm>> -> memref<128xi32, #tpu.memory_space<hbm>>
      tpu.enqueue_dma source(%dma_start3A_57 : memref<128xi32, #tpu.memory_space<hbm>>) target(%arg8 : memref<128xi32, #tpu.memory_space<vmem>>) target_semaphore(%arg15 : memref<!tpu.dma_semaphore, #tpu.memory_space<semaphore_mem>>)
      %add3A_58 = arith.constant 128 : i32
      %add3A_59 = arith.addi %add3A_50, %add3A_58 : i32
      %dma_start3A_60 = tpu.memref_slice %arg4[%add3A_59] : memref<331776xi32, #tpu.memory_space<hbm>> -> memref<128xi32, #tpu.memory_space<hbm>>
      %dma_start3A_61 = tpu.memref_slice %arg4[%add3A_59] : memref<331776xi32, #tpu.memory_space<hbm>> -> memref<128xi32, #tpu.memory_space<hbm>>
      tpu.enqueue_dma source(%dma_start3A_61 : memref<128xi32, #tpu.memory_space<hbm>>) target(%arg9 : memref<128xi32, #tpu.memory_space<vmem>>) target_semaphore(%arg16 : memref<!tpu.dma_semaphore, #tpu.memory_space<semaphore_mem>>)
      %dma_wait3A = tpu.memref_slice %arg3[%add3A_50] : memref<331776xi32, #tpu.memory_space<hbm>> -> memref<128xi32, #tpu.memory_space<hbm>>
      %dma_wait3A_62 = tpu.memref_slice %arg3[%add3A_50] : memref<331776xi32, #tpu.memory_space<hbm>> -> memref<128xi32, #tpu.memory_space<hbm>>
      tpu.wait_dma2 semaphore(%arg13 : memref<!tpu.dma_semaphore, #tpu.memory_space<semaphore_mem>>) src(%dma_wait3A_62 : memref<128xi32, #tpu.memory_space<hbm>>) dst(%arg6 : memref<128xi32, #tpu.memory_space<vmem>>)
      %dma_start3A_63 = arith.constant 0 : i32
      %dma_start3A_64 = arith.constant 0 : i32
      %dma_start3A_65 = tpu.memref_slice %arg2[%dma_start3A_63, %dma_start3A_64] : memref<10240x128xf32, #tpu.memory_space<hbm>> -> memref<10240x128xf32, #tpu.memory_space<hbm>>
      tpu.enqueue_indirect_dma source(%dma_start3A_65 : memref<10240x128xf32, #tpu.memory_space<hbm>>) target(%arg10 : memref<128x128xf32, #tpu.memory_space<vmem>>) offsets(%arg6 : memref<128xi32, #tpu.memory_space<vmem>>) semaphore(%arg17 : memref<!tpu.dma_semaphore, #tpu.memory_space<semaphore_mem>>)
      %dma_wait3A_66 = tpu.memref_slice %arg3[%add3A_53] : memref<331776xi32, #tpu.memory_space<hbm>> -> memref<128xi32, #tpu.memory_space<hbm>>
      %dma_wait3A_67 = tpu.memref_slice %arg3[%add3A_53] : memref<331776xi32, #tpu.memory_space<hbm>> -> memref<128xi32, #tpu.memory_space<hbm>>
      tpu.wait_dma2 semaphore(%arg14 : memref<!tpu.dma_semaphore, #tpu.memory_space<semaphore_mem>>) src(%dma_wait3A_67 : memref<128xi32, #tpu.memory_space<hbm>>) dst(%arg7 : memref<128xi32, #tpu.memory_space<vmem>>)
      %dma_start3A_68 = arith.constant 0 : i32
      %dma_start3A_69 = arith.constant 0 : i32
      %dma_start3A_70 = tpu.memref_slice %arg2[%dma_start3A_68, %dma_start3A_69] : memref<10240x128xf32, #tpu.memory_space<hbm>> -> memref<10240x128xf32, #tpu.memory_space<hbm>>
      tpu.enqueue_indirect_dma source(%dma_start3A_70 : memref<10240x128xf32, #tpu.memory_space<hbm>>) target(%arg11 : memref<128x128xf32, #tpu.memory_space<vmem>>) offsets(%arg7 : memref<128xi32, #tpu.memory_space<vmem>>) semaphore(%arg18 : memref<!tpu.dma_semaphore, #tpu.memory_space<semaphore_mem>>)
      %dma_wait3A_71 = arith.constant 0 : i32
      %dma_wait3A_72 = arith.constant 0 : i32
      %dma_wait3A_73 = tpu.memref_slice %arg2[%dma_wait3A_71, %dma_wait3A_72] : memref<10240x128xf32, #tpu.memory_space<hbm>> -> memref<10240x128xf32, #tpu.memory_space<hbm>>
      tpu.wait_indirect_dma semaphore(%arg17 : memref<!tpu.dma_semaphore, #tpu.memory_space<semaphore_mem>>) src(%dma_wait3A_73 : memref<10240x128xf32, #tpu.memory_space<hbm>>) dst(%arg10 : memref<128x128xf32, #tpu.memory_space<vmem>>)
      %dma_wait3A_74 = tpu.memref_slice %arg4[%add3A_50] : memref<331776xi32, #tpu.memory_space<hbm>> -> memref<128xi32, #tpu.memory_space<hbm>>
      %dma_wait3A_75 = tpu.memref_slice %arg4[%add3A_50] : memref<331776xi32, #tpu.memory_space<hbm>> -> memref<128xi32, #tpu.memory_space<hbm>>
      tpu.wait_dma2 semaphore(%arg15 : memref<!tpu.dma_semaphore, #tpu.memory_space<semaphore_mem>>) src(%dma_wait3A_75 : memref<128xi32, #tpu.memory_space<hbm>>) dst(%arg8 : memref<128xi32, #tpu.memory_space<vmem>>)
      "tpu.region"() ({
        %run_scoped3A = tpu.sem_alloc : memref<!tpu.dma_semaphore, #tpu.memory_space<semaphore_mem>>
        %dma_start3A_82 = arith.constant 0 : i32
        %dma_start3A_83 = arith.constant 0 : i32
        %dma_start3A_84 = tpu.memref_slice %arg12[%dma_start3A_82, %dma_start3A_83] : memref<10240x128xf32, #tpu.memory_space<vmem_shared>> -> memref<10240x128xf32, #tpu.memory_space<vmem_shared>>
        tpu.enqueue_indirect_dma source(%arg10 : memref<128x128xf32, #tpu.memory_space<vmem>>) target(%dma_start3A_84 : memref<10240x128xf32, #tpu.memory_space<vmem_shared>>) offsets(%arg8 : memref<128xi32, #tpu.memory_space<vmem>>) semaphore(%run_scoped3A : memref<!tpu.dma_semaphore, #tpu.memory_space<semaphore_mem>>) {add = true}
        %dma_wait3A_85 = arith.constant 0 : i32
        %dma_wait3A_86 = arith.constant 0 : i32
        %dma_wait3A_87 = tpu.memref_slice %arg12[%dma_wait3A_85, %dma_wait3A_86] : memref<10240x128xf32, #tpu.memory_space<vmem_shared>> -> memref<10240x128xf32, #tpu.memory_space<vmem_shared>>
        tpu.wait_indirect_dma semaphore(%run_scoped3A : memref<!tpu.dma_semaphore, #tpu.memory_space<semaphore_mem>>) src(%arg10 : memref<128x128xf32, #tpu.memory_space<vmem>>) dst(%dma_wait3A_87 : memref<10240x128xf32, #tpu.memory_space<vmem_shared>>)
        tpu.yield
      }) : () -> ()
      %dma_wait3A_76 = arith.constant 0 : i32
      %dma_wait3A_77 = arith.constant 0 : i32
      %dma_wait3A_78 = tpu.memref_slice %arg2[%dma_wait3A_76, %dma_wait3A_77] : memref<10240x128xf32, #tpu.memory_space<hbm>> -> memref<10240x128xf32, #tpu.memory_space<hbm>>
      tpu.wait_indirect_dma semaphore(%arg18 : memref<!tpu.dma_semaphore, #tpu.memory_space<semaphore_mem>>) src(%dma_wait3A_78 : memref<10240x128xf32, #tpu.memory_space<hbm>>) dst(%arg11 : memref<128x128xf32, #tpu.memory_space<vmem>>)
      %dma_wait3A_79 = tpu.memref_slice %arg4[%add3A_59] : memref<331776xi32, #tpu.memory_space<hbm>> -> memref<128xi32, #tpu.memory_space<hbm>>
      %dma_wait3A_80 = tpu.memref_slice %arg4[%add3A_59] : memref<331776xi32, #tpu.memory_space<hbm>> -> memref<128xi32, #tpu.memory_space<hbm>>
      tpu.wait_dma2 semaphore(%arg16 : memref<!tpu.dma_semaphore, #tpu.memory_space<semaphore_mem>>) src(%dma_wait3A_80 : memref<128xi32, #tpu.memory_space<hbm>>) dst(%arg9 : memref<128xi32, #tpu.memory_space<vmem>>)
      "tpu.region"() ({
        %run_scoped3A = tpu.sem_alloc : memref<!tpu.dma_semaphore, #tpu.memory_space<semaphore_mem>>
        %dma_start3A_82 = arith.constant 0 : i32
        %dma_start3A_83 = arith.constant 0 : i32
        %dma_start3A_84 = tpu.memref_slice %arg12[%dma_start3A_82, %dma_start3A_83] : memref<10240x128xf32, #tpu.memory_space<vmem_shared>> -> memref<10240x128xf32, #tpu.memory_space<vmem_shared>>
        tpu.enqueue_indirect_dma source(%arg11 : memref<128x128xf32, #tpu.memory_space<vmem>>) target(%dma_start3A_84 : memref<10240x128xf32, #tpu.memory_space<vmem_shared>>) offsets(%arg9 : memref<128xi32, #tpu.memory_space<vmem>>) semaphore(%run_scoped3A : memref<!tpu.dma_semaphore, #tpu.memory_space<semaphore_mem>>) {add = true}
        %dma_wait3A_85 = arith.constant 0 : i32
        %dma_wait3A_86 = arith.constant 0 : i32
        %dma_wait3A_87 = tpu.memref_slice %arg12[%dma_wait3A_85, %dma_wait3A_86] : memref<10240x128xf32, #tpu.memory_space<vmem_shared>> -> memref<10240x128xf32, #tpu.memory_space<vmem_shared>>
        tpu.wait_indirect_dma semaphore(%run_scoped3A : memref<!tpu.dma_semaphore, #tpu.memory_space<semaphore_mem>>) src(%arg11 : memref<128x128xf32, #tpu.memory_space<vmem>>) dst(%dma_wait3A_87 : memref<10240x128xf32, #tpu.memory_space<vmem_shared>>)
        tpu.yield
      }) : () -> ()
      %scan3A_81 = arith.constant 0 : i32
      scf.yield %scan3A_81 : i32
    }
    %scan3A_38 = arith.constant 40 : i32
    %barrier3A_39 = arith.constant 0 : index
    tpu.barrier barrier_id(%barrier3A_39)
    %mul3A_40 = arith.constant 640 : i32
    %mul3A_41 = arith.muli %arg1, %mul3A_40 : i32
    %mul3A_42 = arith.constant 640 : i32
    %mul3A_43 = arith.muli %arg1, %mul3A_42 : i32
    "tpu.region"() ({
      %run_scoped3A = tpu.sem_alloc : memref<!tpu.dma_semaphore, #tpu.memory_space<semaphore_mem>>
      %dma_start3A = arith.constant 0 : i32
      %dma_start3A_44 = arith.constant 0 : i32
      %dma_start3A_45 = tpu.memref_slice %arg5[%arg0, %dma_start3A, %dma_start3A_44] : memref<2x10240x128xf32, #tpu.memory_space<hbm>> -> memref<1x10240x128xf32, #tpu.memory_space<hbm>>
      %dma_start3A_46 = tpu.memref_squeeze %dma_start3A_45 : memref<1x10240x128xf32, #tpu.memory_space<hbm>> -> memref<10240x128xf32, #tpu.memory_space<hbm>>
      %dma_start3A_47 = arith.constant 0 : i32
      %dma_start3A_48 = tpu.memref_slice %dma_start3A_46[%mul3A_43, %dma_start3A_47] : memref<10240x128xf32, #tpu.memory_space<hbm>> -> memref<640x128xf32, #tpu.memory_space<hbm>>
      %dma_start3A_49 = arith.constant 0 : i32
      %dma_start3A_50 = tpu.memref_slice %arg12[%mul3A_41, %dma_start3A_49] : memref<10240x128xf32, #tpu.memory_space<vmem_shared>> -> memref<640x128xf32, #tpu.memory_space<vmem_shared>>
      tpu.enqueue_dma source(%dma_start3A_50 : memref<640x128xf32, #tpu.memory_space<vmem_shared>>) target(%dma_start3A_48 : memref<640x128xf32, #tpu.memory_space<hbm>>) target_semaphore(%run_scoped3A : memref<!tpu.dma_semaphore, #tpu.memory_space<semaphore_mem>>)
      %dma_wait3A = arith.constant 0 : i32
      %dma_wait3A_51 = arith.constant 0 : i32
      %dma_wait3A_52 = tpu.memref_slice %arg5[%arg0, %dma_wait3A, %dma_wait3A_51] : memref<2x10240x128xf32, #tpu.memory_space<hbm>> -> memref<1x10240x128xf32, #tpu.memory_space<hbm>>
      %dma_wait3A_53 = tpu.memref_squeeze %dma_wait3A_52 : memref<1x10240x128xf32, #tpu.memory_space<hbm>> -> memref<10240x128xf32, #tpu.memory_space<hbm>>
      %dma_wait3A_54 = arith.constant 0 : i32
      %dma_wait3A_55 = tpu.memref_slice %dma_wait3A_53[%mul3A_43, %dma_wait3A_54] : memref<10240x128xf32, #tpu.memory_space<hbm>> -> memref<640x128xf32, #tpu.memory_space<hbm>>
      %dma_wait3A_56 = arith.constant 0 : i32
      %dma_wait3A_57 = tpu.memref_slice %arg12[%mul3A_41, %dma_wait3A_56] : memref<10240x128xf32, #tpu.memory_space<vmem_shared>> -> memref<640x128xf32, #tpu.memory_space<vmem_shared>>
      tpu.wait_dma2 semaphore(%run_scoped3A : memref<!tpu.dma_semaphore, #tpu.memory_space<semaphore_mem>>) src(%dma_wait3A_57 : memref<640x128xf32, #tpu.memory_space<vmem_shared>>) dst(%dma_wait3A_55 : memref<640x128xf32, #tpu.memory_space<hbm>>)
      tpu.yield
    }) : () -> ()
    return
  }
}

#map = affine_map<(d0, d1) -> (0, 0)>
#map1 = affine_map<(d0, d1) -> (0)>
#map2 = affine_map<(d0, d1) -> (0, 0, 0)>
module attributes {stable_mosaic.version = 14 : i64} {
  func.func @_agg_body(%arg0: i32, %arg1: i32, %arg2: memref<10240x128xf32, #tpu.memory_space<hbm>>, %arg3: memref<331776xi32, #tpu.memory_space<hbm>>, %arg4: memref<331776xi32, #tpu.memory_space<hbm>>, %arg5: memref<2x10240x128xf32, #tpu.memory_space<hbm>>, %arg6: memref<128xi32, #tpu.memory_space<vmem>>, %arg7: memref<128xi32, #tpu.memory_space<vmem>>, %arg8: memref<128xi32, #tpu.memory_space<vmem>>, %arg9: memref<128xi32, #tpu.memory_space<vmem>>, %arg10: memref<128x128xf32, #tpu.memory_space<vmem>>, %arg11: memref<128x128xf32, #tpu.memory_space<vmem>>, %arg12: memref<10240x128xf32, #tpu.memory_space<vmem_shared>>, %arg13: memref<!tpu.dma_semaphore, #tpu.memory_space<semaphore_mem>>, %arg14: memref<!tpu.dma_semaphore, #tpu.memory_space<semaphore_mem>>, %arg15: memref<!tpu.dma_semaphore, #tpu.memory_space<semaphore_mem>>, %arg16: memref<!tpu.dma_semaphore, #tpu.memory_space<semaphore_mem>>, %arg17: memref<!tpu.dma_semaphore, #tpu.memory_space<semaphore_mem>>, %arg18: memref<!tpu.dma_semaphore, #tpu.memory_space<semaphore_mem>>) attributes {dimension_semantics = [#tpu.dimension_semantics<core_parallel>, #tpu.dimension_semantics<subcore_parallel>], iteration_bounds = array<i64: 2, 16>, scalar_prefetch = 0 : i64, scratch_operands = 13 : i64, tpu.core_type = #tpu.core_type<sc_vector_subcore>, window_params = [{transform_indices = #map}, {transform_indices = #map1}, {transform_indices = #map1}, {transform_indices = #map2}]} {
    %broadcast_in_dim3A = arith.constant 0.000000e+00 : f32
    %broadcast_in_dim3A_0 = vector.broadcast %broadcast_in_dim3A : f32 to vector<16xf32>
    %mul3A = arith.constant 16 : i32
    %mul3A_1 = arith.muli %arg0, %mul3A : i32
    %add3A = arith.addi %mul3A_1, %arg1 : i32
    %mul3A_2 = arith.constant 81 : i32
    %mul3A_3 = arith.muli %add3A, %mul3A_2 : i32
    %scan3A = arith.constant 0 : i32
    %scan3A_4 = arith.constant 0 : i32
    %scan3A_5 = arith.constant 128 : i32
    %scan3A_6 = arith.addi %scan3A_4, %scan3A_5 : i32
    %scan3A_7 = arith.constant 1 : i32
    %scan3A_8 = scf.for %scan3A_44 = %scan3A_4 to %scan3A_6 step %scan3A_7 iter_args(%scan3A_45 = %scan3A) -> (i32)  : i32 {
      %swap3A = arith.index_cast %scan3A_44 : i32 to index
      %swap3A_46 = arith.constant 0 : index
      %swap3A_47 = tpu.vector_load %arg10[%swap3A, %swap3A_46] {strides = array<i32>} : memref<128x128xf32, #tpu.memory_space<vmem>>, vector<16xf32>,
      tpu.vector_store %arg10[%swap3A, %swap3A_46], %broadcast_in_dim3A_0 {strides = array<i32>} : memref<128x128xf32, #tpu.memory_space<vmem>>, vector<16xf32>,
      %swap3A_48 = arith.index_cast %scan3A_44 : i32 to index
      %swap3A_49 = arith.constant 16 : index
      %swap3A_50 = tpu.vector_load %arg10[%swap3A_48, %swap3A_49] {strides = array<i32>} : memref<128x128xf32, #tpu.memory_space<vmem>>, vector<16xf32>,
      tpu.vector_store %arg10[%swap3A_48, %swap3A_49], %broadcast_in_dim3A_0 {strides = array<i32>} : memref<128x128xf32, #tpu.memory_space<vmem>>, vector<16xf32>,
      %swap3A_51 = arith.index_cast %scan3A_44 : i32 to index
      %swap3A_52 = arith.constant 32 : index
      %swap3A_53 = tpu.vector_load %arg10[%swap3A_51, %swap3A_52] {strides = array<i32>} : memref<128x128xf32, #tpu.memory_space<vmem>>, vector<16xf32>,
      tpu.vector_store %arg10[%swap3A_51, %swap3A_52], %broadcast_in_dim3A_0 {strides = array<i32>} : memref<128x128xf32, #tpu.memory_space<vmem>>, vector<16xf32>,
      %swap3A_54 = arith.index_cast %scan3A_44 : i32 to index
      %swap3A_55 = arith.constant 48 : index
      %swap3A_56 = tpu.vector_load %arg10[%swap3A_54, %swap3A_55] {strides = array<i32>} : memref<128x128xf32, #tpu.memory_space<vmem>>, vector<16xf32>,
      tpu.vector_store %arg10[%swap3A_54, %swap3A_55], %broadcast_in_dim3A_0 {strides = array<i32>} : memref<128x128xf32, #tpu.memory_space<vmem>>, vector<16xf32>,
      %swap3A_57 = arith.index_cast %scan3A_44 : i32 to index
      %swap3A_58 = arith.constant 64 : index
      %swap3A_59 = tpu.vector_load %arg10[%swap3A_57, %swap3A_58] {strides = array<i32>} : memref<128x128xf32, #tpu.memory_space<vmem>>, vector<16xf32>,
      tpu.vector_store %arg10[%swap3A_57, %swap3A_58], %broadcast_in_dim3A_0 {strides = array<i32>} : memref<128x128xf32, #tpu.memory_space<vmem>>, vector<16xf32>,
      %swap3A_60 = arith.index_cast %scan3A_44 : i32 to index
      %swap3A_61 = arith.constant 80 : index
      %swap3A_62 = tpu.vector_load %arg10[%swap3A_60, %swap3A_61] {strides = array<i32>} : memref<128x128xf32, #tpu.memory_space<vmem>>, vector<16xf32>,
      tpu.vector_store %arg10[%swap3A_60, %swap3A_61], %broadcast_in_dim3A_0 {strides = array<i32>} : memref<128x128xf32, #tpu.memory_space<vmem>>, vector<16xf32>,
      %swap3A_63 = arith.index_cast %scan3A_44 : i32 to index
      %swap3A_64 = arith.constant 96 : index
      %swap3A_65 = tpu.vector_load %arg10[%swap3A_63, %swap3A_64] {strides = array<i32>} : memref<128x128xf32, #tpu.memory_space<vmem>>, vector<16xf32>,
      tpu.vector_store %arg10[%swap3A_63, %swap3A_64], %broadcast_in_dim3A_0 {strides = array<i32>} : memref<128x128xf32, #tpu.memory_space<vmem>>, vector<16xf32>,
      %swap3A_66 = arith.index_cast %scan3A_44 : i32 to index
      %swap3A_67 = arith.constant 112 : index
      %swap3A_68 = tpu.vector_load %arg10[%swap3A_66, %swap3A_67] {strides = array<i32>} : memref<128x128xf32, #tpu.memory_space<vmem>>, vector<16xf32>,
      tpu.vector_store %arg10[%swap3A_66, %swap3A_67], %broadcast_in_dim3A_0 {strides = array<i32>} : memref<128x128xf32, #tpu.memory_space<vmem>>, vector<16xf32>,
      %scan3A_69 = arith.constant 0 : i32
      scf.yield %scan3A_69 : i32
    }
    %scan3A_9 = arith.constant 128 : i32
    %mul3A_10 = arith.constant 640 : i32
    %mul3A_11 = arith.muli %arg1, %mul3A_10 : i32
    %add3A_12 = arith.constant 0 : i32
    %add3A_13 = arith.addi %mul3A_11, %add3A_12 : i32
    "tpu.region"() ({
      %run_scoped3A = tpu.sem_alloc : memref<!tpu.dma_semaphore, #tpu.memory_space<semaphore_mem>>
      %dma_start3A = arith.constant 0 : i32
      %dma_start3A_44 = tpu.memref_slice %arg12[%add3A_13, %dma_start3A] : memref<10240x128xf32, #tpu.memory_space<vmem_shared>> -> memref<128x128xf32, #tpu.memory_space<vmem_shared>>
      %dma_start3A_45 = arith.constant 0 : i32
      %dma_start3A_46 = tpu.memref_slice %arg12[%add3A_13, %dma_start3A_45] : memref<10240x128xf32, #tpu.memory_space<vmem_shared>> -> memref<128x128xf32, #tpu.memory_space<vmem_shared>>
      tpu.enqueue_dma source(%arg10 : memref<128x128xf32, #tpu.memory_space<vmem>>) target(%dma_start3A_46 : memref<128x128xf32, #tpu.memory_space<vmem_shared>>) target_semaphore(%run_scoped3A : memref<!tpu.dma_semaphore, #tpu.memory_space<semaphore_mem>>)
      %dma_wait3A = arith.constant 0 : i32
      %dma_wait3A_47 = tpu.memref_slice %arg12[%add3A_13, %dma_wait3A] : memref<10240x128xf32, #tpu.memory_space<vmem_shared>> -> memref<128x128xf32, #tpu.memory_space<vmem_shared>>
      %dma_wait3A_48 = arith.constant 0 : i32
      %dma_wait3A_49 = tpu.memref_slice %arg12[%add3A_13, %dma_wait3A_48] : memref<10240x128xf32, #tpu.memory_space<vmem_shared>> -> memref<128x128xf32, #tpu.memory_space<vmem_shared>>
      tpu.wait_dma2 semaphore(%run_scoped3A : memref<!tpu.dma_semaphore, #tpu.memory_space<semaphore_mem>>) src(%arg10 : memref<128x128xf32, #tpu.memory_space<vmem>>) dst(%dma_wait3A_49 : memref<128x128xf32, #tpu.memory_space<vmem_shared>>)
      tpu.yield
    }) : () -> ()
    %mul3A_14 = arith.constant 640 : i32
    %mul3A_15 = arith.muli %arg1, %mul3A_14 : i32
    %add3A_16 = arith.constant 128 : i32
    %add3A_17 = arith.addi %mul3A_15, %add3A_16 : i32
    "tpu.region"() ({
      %run_scoped3A = tpu.sem_alloc : memref<!tpu.dma_semaphore, #tpu.memory_space<semaphore_mem>>
      %dma_start3A = arith.constant 0 : i32
      %dma_start3A_44 = tpu.memref_slice %arg12[%add3A_17, %dma_start3A] : memref<10240x128xf32, #tpu.memory_space<vmem_shared>> -> memref<128x128xf32, #tpu.memory_space<vmem_shared>>
      %dma_start3A_45 = arith.constant 0 : i32
      %dma_start3A_46 = tpu.memref_slice %arg12[%add3A_17, %dma_start3A_45] : memref<10240x128xf32, #tpu.memory_space<vmem_shared>> -> memref<128x128xf32, #tpu.memory_space<vmem_shared>>
      tpu.enqueue_dma source(%arg10 : memref<128x128xf32, #tpu.memory_space<vmem>>) target(%dma_start3A_46 : memref<128x128xf32, #tpu.memory_space<vmem_shared>>) target_semaphore(%run_scoped3A : memref<!tpu.dma_semaphore, #tpu.memory_space<semaphore_mem>>)
      %dma_wait3A = arith.constant 0 : i32
      %dma_wait3A_47 = tpu.memref_slice %arg12[%add3A_17, %dma_wait3A] : memref<10240x128xf32, #tpu.memory_space<vmem_shared>> -> memref<128x128xf32, #tpu.memory_space<vmem_shared>>
      %dma_wait3A_48 = arith.constant 0 : i32
      %dma_wait3A_49 = tpu.memref_slice %arg12[%add3A_17, %dma_wait3A_48] : memref<10240x128xf32, #tpu.memory_space<vmem_shared>> -> memref<128x128xf32, #tpu.memory_space<vmem_shared>>
      tpu.wait_dma2 semaphore(%run_scoped3A : memref<!tpu.dma_semaphore, #tpu.memory_space<semaphore_mem>>) src(%arg10 : memref<128x128xf32, #tpu.memory_space<vmem>>) dst(%dma_wait3A_49 : memref<128x128xf32, #tpu.memory_space<vmem_shared>>)
      tpu.yield
    }) : () -> ()
    %mul3A_18 = arith.constant 640 : i32
    %mul3A_19 = arith.muli %arg1, %mul3A_18 : i32
    %add3A_20 = arith.constant 256 : i32
    %add3A_21 = arith.addi %mul3A_19, %add3A_20 : i32
    "tpu.region"() ({
      %run_scoped3A = tpu.sem_alloc : memref<!tpu.dma_semaphore, #tpu.memory_space<semaphore_mem>>
      %dma_start3A = arith.constant 0 : i32
      %dma_start3A_44 = tpu.memref_slice %arg12[%add3A_21, %dma_start3A] : memref<10240x128xf32, #tpu.memory_space<vmem_shared>> -> memref<128x128xf32, #tpu.memory_space<vmem_shared>>
      %dma_start3A_45 = arith.constant 0 : i32
      %dma_start3A_46 = tpu.memref_slice %arg12[%add3A_21, %dma_start3A_45] : memref<10240x128xf32, #tpu.memory_space<vmem_shared>> -> memref<128x128xf32, #tpu.memory_space<vmem_shared>>
      tpu.enqueue_dma source(%arg10 : memref<128x128xf32, #tpu.memory_space<vmem>>) target(%dma_start3A_46 : memref<128x128xf32, #tpu.memory_space<vmem_shared>>) target_semaphore(%run_scoped3A : memref<!tpu.dma_semaphore, #tpu.memory_space<semaphore_mem>>)
      %dma_wait3A = arith.constant 0 : i32
      %dma_wait3A_47 = tpu.memref_slice %arg12[%add3A_21, %dma_wait3A] : memref<10240x128xf32, #tpu.memory_space<vmem_shared>> -> memref<128x128xf32, #tpu.memory_space<vmem_shared>>
      %dma_wait3A_48 = arith.constant 0 : i32
      %dma_wait3A_49 = tpu.memref_slice %arg12[%add3A_21, %dma_wait3A_48] : memref<10240x128xf32, #tpu.memory_space<vmem_shared>> -> memref<128x128xf32, #tpu.memory_space<vmem_shared>>
      tpu.wait_dma2 semaphore(%run_scoped3A : memref<!tpu.dma_semaphore, #tpu.memory_space<semaphore_mem>>) src(%arg10 : memref<128x128xf32, #tpu.memory_space<vmem>>) dst(%dma_wait3A_49 : memref<128x128xf32, #tpu.memory_space<vmem_shared>>)
      tpu.yield
    }) : () -> ()
    %mul3A_22 = arith.constant 640 : i32
    %mul3A_23 = arith.muli %arg1, %mul3A_22 : i32
    %add3A_24 = arith.constant 384 : i32
    %add3A_25 = arith.addi %mul3A_23, %add3A_24 : i32
    "tpu.region"() ({
      %run_scoped3A = tpu.sem_alloc : memref<!tpu.dma_semaphore, #tpu.memory_space<semaphore_mem>>
      %dma_start3A = arith.constant 0 : i32
      %dma_start3A_44 = tpu.memref_slice %arg12[%add3A_25, %dma_start3A] : memref<10240x128xf32, #tpu.memory_space<vmem_shared>> -> memref<128x128xf32, #tpu.memory_space<vmem_shared>>
      %dma_start3A_45 = arith.constant 0 : i32
      %dma_start3A_46 = tpu.memref_slice %arg12[%add3A_25, %dma_start3A_45] : memref<10240x128xf32, #tpu.memory_space<vmem_shared>> -> memref<128x128xf32, #tpu.memory_space<vmem_shared>>
      tpu.enqueue_dma source(%arg10 : memref<128x128xf32, #tpu.memory_space<vmem>>) target(%dma_start3A_46 : memref<128x128xf32, #tpu.memory_space<vmem_shared>>) target_semaphore(%run_scoped3A : memref<!tpu.dma_semaphore, #tpu.memory_space<semaphore_mem>>)
      %dma_wait3A = arith.constant 0 : i32
      %dma_wait3A_47 = tpu.memref_slice %arg12[%add3A_25, %dma_wait3A] : memref<10240x128xf32, #tpu.memory_space<vmem_shared>> -> memref<128x128xf32, #tpu.memory_space<vmem_shared>>
      %dma_wait3A_48 = arith.constant 0 : i32
      %dma_wait3A_49 = tpu.memref_slice %arg12[%add3A_25, %dma_wait3A_48] : memref<10240x128xf32, #tpu.memory_space<vmem_shared>> -> memref<128x128xf32, #tpu.memory_space<vmem_shared>>
      tpu.wait_dma2 semaphore(%run_scoped3A : memref<!tpu.dma_semaphore, #tpu.memory_space<semaphore_mem>>) src(%arg10 : memref<128x128xf32, #tpu.memory_space<vmem>>) dst(%dma_wait3A_49 : memref<128x128xf32, #tpu.memory_space<vmem_shared>>)
      tpu.yield
    }) : () -> ()
    %mul3A_26 = arith.constant 640 : i32
    %mul3A_27 = arith.muli %arg1, %mul3A_26 : i32
    %add3A_28 = arith.constant 512 : i32
    %add3A_29 = arith.addi %mul3A_27, %add3A_28 : i32
    "tpu.region"() ({
      %run_scoped3A = tpu.sem_alloc : memref<!tpu.dma_semaphore, #tpu.memory_space<semaphore_mem>>
      %dma_start3A = arith.constant 0 : i32
      %dma_start3A_44 = tpu.memref_slice %arg12[%add3A_29, %dma_start3A] : memref<10240x128xf32, #tpu.memory_space<vmem_shared>> -> memref<128x128xf32, #tpu.memory_space<vmem_shared>>
      %dma_start3A_45 = arith.constant 0 : i32
      %dma_start3A_46 = tpu.memref_slice %arg12[%add3A_29, %dma_start3A_45] : memref<10240x128xf32, #tpu.memory_space<vmem_shared>> -> memref<128x128xf32, #tpu.memory_space<vmem_shared>>
      tpu.enqueue_dma source(%arg10 : memref<128x128xf32, #tpu.memory_space<vmem>>) target(%dma_start3A_46 : memref<128x128xf32, #tpu.memory_space<vmem_shared>>) target_semaphore(%run_scoped3A : memref<!tpu.dma_semaphore, #tpu.memory_space<semaphore_mem>>)
      %dma_wait3A = arith.constant 0 : i32
      %dma_wait3A_47 = tpu.memref_slice %arg12[%add3A_29, %dma_wait3A] : memref<10240x128xf32, #tpu.memory_space<vmem_shared>> -> memref<128x128xf32, #tpu.memory_space<vmem_shared>>
      %dma_wait3A_48 = arith.constant 0 : i32
      %dma_wait3A_49 = tpu.memref_slice %arg12[%add3A_29, %dma_wait3A_48] : memref<10240x128xf32, #tpu.memory_space<vmem_shared>> -> memref<128x128xf32, #tpu.memory_space<vmem_shared>>
      tpu.wait_dma2 semaphore(%run_scoped3A : memref<!tpu.dma_semaphore, #tpu.memory_space<semaphore_mem>>) src(%arg10 : memref<128x128xf32, #tpu.memory_space<vmem>>) dst(%dma_wait3A_49 : memref<128x128xf32, #tpu.memory_space<vmem_shared>>)
      tpu.yield
    }) : () -> ()
    %barrier3A = arith.constant 0 : index
    tpu.barrier barrier_id(%barrier3A)
    %mul3A_30 = arith.constant 128 : i32
    %mul3A_31 = arith.muli %mul3A_3, %mul3A_30 : i32
    %scan3A_32 = arith.constant 0 : i32
    %scan3A_33 = arith.constant 0 : i32
    %scan3A_34 = arith.constant 40 : i32
    %scan3A_35 = arith.addi %scan3A_33, %scan3A_34 : i32
    %scan3A_36 = arith.constant 1 : i32
    %scan3A_37 = scf.for %scan3A_44 = %scan3A_33 to %scan3A_35 step %scan3A_36 iter_args(%scan3A_45 = %scan3A_32) -> (i32)  : i32 {
      %mul3A_46 = arith.constant 2 : i32
      %mul3A_47 = arith.muli %scan3A_44, %mul3A_46 : i32
      %mul3A_48 = arith.constant 128 : i32
      %mul3A_49 = arith.muli %mul3A_47, %mul3A_48 : i32
      %add3A_50 = arith.addi %mul3A_31, %mul3A_49 : i32
      %dma_start3A = tpu.memref_slice %arg3[%add3A_50] : memref<331776xi32, #tpu.memory_space<hbm>> -> memref<128xi32, #tpu.memory_space<hbm>>
      %dma_start3A_51 = tpu.memref_slice %arg3[%add3A_50] : memref<331776xi32, #tpu.memory_space<hbm>> -> memref<128xi32, #tpu.memory_space<hbm>>
      tpu.enqueue_dma source(%dma_start3A_51 : memref<128xi32, #tpu.memory_space<hbm>>) target(%arg6 : memref<128xi32, #tpu.memory_space<vmem>>) target_semaphore(%arg13 : memref<!tpu.dma_semaphore, #tpu.memory_space<semaphore_mem>>)
      %add3A_52 = arith.constant 128 : i32
      %add3A_53 = arith.addi %add3A_50, %add3A_52 : i32
      %dma_start3A_54 = tpu.memref_slice %arg3[%add3A_53] : memref<331776xi32, #tpu.memory_space<hbm>> -> memref<128xi32, #tpu.memory_space<hbm>>
      %dma_start3A_55 = tpu.memref_slice %arg3[%add3A_53] : memref<331776xi32, #tpu.memory_space<hbm>> -> memref<128xi32, #tpu.memory_space<hbm>>
      tpu.enqueue_dma source(%dma_start3A_55 : memref<128xi32, #tpu.memory_space<hbm>>) target(%arg7 : memref<128xi32, #tpu.memory_space<vmem>>) target_semaphore(%arg14 : memref<!tpu.dma_semaphore, #tpu.memory_space<semaphore_mem>>)
      %dma_start3A_56 = tpu.memref_slice %arg4[%add3A_50] : memref<331776xi32, #tpu.memory_space<hbm>> -> memref<128xi32, #tpu.memory_space<hbm>>
      %dma_start3A_57 = tpu.memref_slice %arg4[%add3A_50] : memref<331776xi32, #tpu.memory_space<hbm>> -> memref<128xi32, #tpu.memory_space<hbm>>
      tpu.enqueue_dma source(%dma_start3A_57 : memref<128xi32, #tpu.memory_space<hbm>>) target(%arg8 : memref<128xi32, #tpu.memory_space<vmem>>) target_semaphore(%arg15 : memref<!tpu.dma_semaphore, #tpu.memory_space<semaphore_mem>>)
      %add3A_58 = arith.constant 128 : i32
      %add3A_59 = arith.addi %add3A_50, %add3A_58 : i32
      %dma_start3A_60 = tpu.memref_slice %arg4[%add3A_59] : memref<331776xi32, #tpu.memory_space<hbm>> -> memref<128xi32, #tpu.memory_space<hbm>>
      %dma_start3A_61 = tpu.memref_slice %arg4[%add3A_59] : memref<331776xi32, #tpu.memory_space<hbm>> -> memref<128xi32, #tpu.memory_space<hbm>>
      tpu.enqueue_dma source(%dma_start3A_61 : memref<128xi32, #tpu.memory_space<hbm>>) target(%arg9 : memref<128xi32, #tpu.memory_space<vmem>>) target_semaphore(%arg16 : memref<!tpu.dma_semaphore, #tpu.memory_space<semaphore_mem>>)
      %dma_wait3A = tpu.memref_slice %arg3[%add3A_50] : memref<331776xi32, #tpu.memory_space<hbm>> -> memref<128xi32, #tpu.memory_space<hbm>>
      %dma_wait3A_62 = tpu.memref_slice %arg3[%add3A_50] : memref<331776xi32, #tpu.memory_space<hbm>> -> memref<128xi32, #tpu.memory_space<hbm>>
      tpu.wait_dma2 semaphore(%arg13 : memref<!tpu.dma_semaphore, #tpu.memory_space<semaphore_mem>>) src(%dma_wait3A_62 : memref<128xi32, #tpu.memory_space<hbm>>) dst(%arg6 : memref<128xi32, #tpu.memory_space<vmem>>)
      %dma_start3A_63 = arith.constant 0 : i32
      %dma_start3A_64 = arith.constant 0 : i32
      %dma_start3A_65 = tpu.memref_slice %arg2[%dma_start3A_63, %dma_start3A_64] : memref<10240x128xf32, #tpu.memory_space<hbm>> -> memref<10240x128xf32, #tpu.memory_space<hbm>>
      tpu.enqueue_indirect_dma source(%dma_start3A_65 : memref<10240x128xf32, #tpu.memory_space<hbm>>) target(%arg10 : memref<128x128xf32, #tpu.memory_space<vmem>>) offsets(%arg6 : memref<128xi32, #tpu.memory_space<vmem>>) semaphore(%arg17 : memref<!tpu.dma_semaphore, #tpu.memory_space<semaphore_mem>>)
      %dma_wait3A_66 = tpu.memref_slice %arg3[%add3A_53] : memref<331776xi32, #tpu.memory_space<hbm>> -> memref<128xi32, #tpu.memory_space<hbm>>
      %dma_wait3A_67 = tpu.memref_slice %arg3[%add3A_53] : memref<331776xi32, #tpu.memory_space<hbm>> -> memref<128xi32, #tpu.memory_space<hbm>>
      tpu.wait_dma2 semaphore(%arg14 : memref<!tpu.dma_semaphore, #tpu.memory_space<semaphore_mem>>) src(%dma_wait3A_67 : memref<128xi32, #tpu.memory_space<hbm>>) dst(%arg7 : memref<128xi32, #tpu.memory_space<vmem>>)
      %dma_start3A_68 = arith.constant 0 : i32
      %dma_start3A_69 = arith.constant 0 : i32
      %dma_start3A_70 = tpu.memref_slice %arg2[%dma_start3A_68, %dma_start3A_69] : memref<10240x128xf32, #tpu.memory_space<hbm>> -> memref<10240x128xf32, #tpu.memory_space<hbm>>
      tpu.enqueue_indirect_dma source(%dma_start3A_70 : memref<10240x128xf32, #tpu.memory_space<hbm>>) target(%arg11 : memref<128x128xf32, #tpu.memory_space<vmem>>) offsets(%arg7 : memref<128xi32, #tpu.memory_space<vmem>>) semaphore(%arg18 : memref<!tpu.dma_semaphore, #tpu.memory_space<semaphore_mem>>)
      %dma_wait3A_71 = arith.constant 0 : i32
      %dma_wait3A_72 = arith.constant 0 : i32
      %dma_wait3A_73 = tpu.memref_slice %arg2[%dma_wait3A_71, %dma_wait3A_72] : memref<10240x128xf32, #tpu.memory_space<hbm>> -> memref<10240x128xf32, #tpu.memory_space<hbm>>
      tpu.wait_indirect_dma semaphore(%arg17 : memref<!tpu.dma_semaphore, #tpu.memory_space<semaphore_mem>>) src(%dma_wait3A_73 : memref<10240x128xf32, #tpu.memory_space<hbm>>) dst(%arg10 : memref<128x128xf32, #tpu.memory_space<vmem>>)
      %dma_wait3A_74 = tpu.memref_slice %arg4[%add3A_50] : memref<331776xi32, #tpu.memory_space<hbm>> -> memref<128xi32, #tpu.memory_space<hbm>>
      %dma_wait3A_75 = tpu.memref_slice %arg4[%add3A_50] : memref<331776xi32, #tpu.memory_space<hbm>> -> memref<128xi32, #tpu.memory_space<hbm>>
      tpu.wait_dma2 semaphore(%arg15 : memref<!tpu.dma_semaphore, #tpu.memory_space<semaphore_mem>>) src(%dma_wait3A_75 : memref<128xi32, #tpu.memory_space<hbm>>) dst(%arg8 : memref<128xi32, #tpu.memory_space<vmem>>)
      "tpu.region"() ({
        %run_scoped3A = tpu.sem_alloc : memref<!tpu.dma_semaphore, #tpu.memory_space<semaphore_mem>>
        %dma_start3A_82 = arith.constant 0 : i32
        %dma_start3A_83 = arith.constant 0 : i32
        %dma_start3A_84 = tpu.memref_slice %arg12[%dma_start3A_82, %dma_start3A_83] : memref<10240x128xf32, #tpu.memory_space<vmem_shared>> -> memref<10240x128xf32, #tpu.memory_space<vmem_shared>>
        tpu.enqueue_indirect_dma source(%arg10 : memref<128x128xf32, #tpu.memory_space<vmem>>) target(%dma_start3A_84 : memref<10240x128xf32, #tpu.memory_space<vmem_shared>>) offsets(%arg8 : memref<128xi32, #tpu.memory_space<vmem>>) semaphore(%run_scoped3A : memref<!tpu.dma_semaphore, #tpu.memory_space<semaphore_mem>>) {add = true}
        %dma_wait3A_85 = arith.constant 0 : i32
        %dma_wait3A_86 = arith.constant 0 : i32
        %dma_wait3A_87 = tpu.memref_slice %arg12[%dma_wait3A_85, %dma_wait3A_86] : memref<10240x128xf32, #tpu.memory_space<vmem_shared>> -> memref<10240x128xf32, #tpu.memory_space<vmem_shared>>
        tpu.wait_indirect_dma semaphore(%run_scoped3A : memref<!tpu.dma_semaphore, #tpu.memory_space<semaphore_mem>>) src(%arg10 : memref<128x128xf32, #tpu.memory_space<vmem>>) dst(%dma_wait3A_87 : memref<10240x128xf32, #tpu.memory_space<vmem_shared>>)
        tpu.yield
      }) : () -> ()
      %dma_wait3A_76 = arith.constant 0 : i32
      %dma_wait3A_77 = arith.constant 0 : i32
      %dma_wait3A_78 = tpu.memref_slice %arg2[%dma_wait3A_76, %dma_wait3A_77] : memref<10240x128xf32, #tpu.memory_space<hbm>> -> memref<10240x128xf32, #tpu.memory_space<hbm>>
      tpu.wait_indirect_dma semaphore(%arg18 : memref<!tpu.dma_semaphore, #tpu.memory_space<semaphore_mem>>) src(%dma_wait3A_78 : memref<10240x128xf32, #tpu.memory_space<hbm>>) dst(%arg11 : memref<128x128xf32, #tpu.memory_space<vmem>>)
      %dma_wait3A_79 = tpu.memref_slice %arg4[%add3A_59] : memref<331776xi32, #tpu.memory_space<hbm>> -> memref<128xi32, #tpu.memory_space<hbm>>
      %dma_wait3A_80 = tpu.memref_slice %arg4[%add3A_59] : memref<331776xi32, #tpu.memory_space<hbm>> -> memref<128xi32, #tpu.memory_space<hbm>>
      tpu.wait_dma2 semaphore(%arg16 : memref<!tpu.dma_semaphore, #tpu.memory_space<semaphore_mem>>) src(%dma_wait3A_80 : memref<128xi32, #tpu.memory_space<hbm>>) dst(%arg9 : memref<128xi32, #tpu.memory_space<vmem>>)
      "tpu.region"() ({
        %run_scoped3A = tpu.sem_alloc : memref<!tpu.dma_semaphore, #tpu.memory_space<semaphore_mem>>
        %dma_start3A_82 = arith.constant 0 : i32
        %dma_start3A_83 = arith.constant 0 : i32
        %dma_start3A_84 = tpu.memref_slice %arg12[%dma_start3A_82, %dma_start3A_83] : memref<10240x128xf32, #tpu.memory_space<vmem_shared>> -> memref<10240x128xf32, #tpu.memory_space<vmem_shared>>
        tpu.enqueue_indirect_dma source(%arg11 : memref<128x128xf32, #tpu.memory_space<vmem>>) target(%dma_start3A_84 : memref<10240x128xf32, #tpu.memory_space<vmem_shared>>) offsets(%arg9 : memref<128xi32, #tpu.memory_space<vmem>>) semaphore(%run_scoped3A : memref<!tpu.dma_semaphore, #tpu.memory_space<semaphore_mem>>) {add = true}
        %dma_wait3A_85 = arith.constant 0 : i32
        %dma_wait3A_86 = arith.constant 0 : i32
        %dma_wait3A_87 = tpu.memref_slice %arg12[%dma_wait3A_85, %dma_wait3A_86] : memref<10240x128xf32, #tpu.memory_space<vmem_shared>> -> memref<10240x128xf32, #tpu.memory_space<vmem_shared>>
        tpu.wait_indirect_dma semaphore(%run_scoped3A : memref<!tpu.dma_semaphore, #tpu.memory_space<semaphore_mem>>) src(%arg11 : memref<128x128xf32, #tpu.memory_space<vmem>>) dst(%dma_wait3A_87 : memref<10240x128xf32, #tpu.memory_space<vmem_shared>>)
        tpu.yield
      }) : () -> ()
      %scan3A_81 = arith.constant 0 : i32
      scf.yield %scan3A_81 : i32
    }
    %scan3A_38 = arith.constant 40 : i32
    %barrier3A_39 = arith.constant 0 : index
    tpu.barrier barrier_id(%barrier3A_39)
    %mul3A_40 = arith.constant 640 : i32
    %mul3A_41 = arith.muli %arg1, %mul3A_40 : i32
    %mul3A_42 = arith.constant 640 : i32
    %mul3A_43 = arith.muli %arg1, %mul3A_42 : i32
    "tpu.region"() ({
      %run_scoped3A = tpu.sem_alloc : memref<!tpu.dma_semaphore, #tpu.memory_space<semaphore_mem>>
      %dma_start3A = arith.constant 0 : i32
      %dma_start3A_44 = arith.constant 0 : i32
      %dma_start3A_45 = tpu.memref_slice %arg5[%arg0, %dma_start3A, %dma_start3A_44] : memref<2x10240x128xf32, #tpu.memory_space<hbm>> -> memref<1x10240x128xf32, #tpu.memory_space<hbm>>
      %dma_start3A_46 = tpu.memref_squeeze %dma_start3A_45 : memref<1x10240x128xf32, #tpu.memory_space<hbm>> -> memref<10240x128xf32, #tpu.memory_space<hbm>>
      %dma_start3A_47 = arith.constant 0 : i32
      %dma_start3A_48 = tpu.memref_slice %dma_start3A_46[%mul3A_43, %dma_start3A_47] : memref<10240x128xf32, #tpu.memory_space<hbm>> -> memref<640x128xf32, #tpu.memory_space<hbm>>
      %dma_start3A_49 = arith.constant 0 : i32
      %dma_start3A_50 = tpu.memref_slice %arg12[%mul3A_41, %dma_start3A_49] : memref<10240x128xf32, #tpu.memory_space<vmem_shared>> -> memref<640x128xf32, #tpu.memory_space<vmem_shared>>
      tpu.enqueue_dma source(%dma_start3A_50 : memref<640x128xf32, #tpu.memory_space<vmem_shared>>) target(%dma_start3A_48 : memref<640x128xf32, #tpu.memory_space<hbm>>) target_semaphore(%run_scoped3A : memref<!tpu.dma_semaphore, #tpu.memory_space<semaphore_mem>>)
      %dma_wait3A = arith.constant 0 : i32
      %dma_wait3A_51 = arith.constant 0 : i32
      %dma_wait3A_52 = tpu.memref_slice %arg5[%arg0, %dma_wait3A, %dma_wait3A_51] : memref<2x10240x128xf32, #tpu.memory_space<hbm>> -> memref<1x10240x128xf32, #tpu.memory_space<hbm>>
      %dma_wait3A_53 = tpu.memref_squeeze %dma_wait3A_52 : memref<1x10240x128xf32, #tpu.memory_space<hbm>> -> memref<10240x128xf32, #tpu.memory_space<hbm>>
      %dma_wait3A_54 = arith.constant 0 : i32
      %dma_wait3A_55 = tpu.memref_slice %dma_wait3A_53[%mul3A_43, %dma_wait3A_54] : memref<10240x128xf32, #tpu.memory_space<hbm>> -> memref<640x128xf32, #tpu.memory_space<hbm>>
      %dma_wait3A_56 = arith.constant 0 : i32
      %dma_wait3A_57 = tpu.memref_slice %arg12[%mul3A_41, %dma_wait3A_56] : memref<10240x128xf32, #tpu.memory_space<vmem_shared>> -> memref<640x128xf32, #tpu.memory_space<vmem_shared>>
      tpu.wait_dma2 semaphore(%run_scoped3A : memref<!tpu.dma_semaphore, #tpu.memory_space<semaphore_mem>>) src(%dma_wait3A_57 : memref<640x128xf32, #tpu.memory_space<vmem_shared>>) dst(%dma_wait3A_55 : memref<640x128xf32, #tpu.memory_space<hbm>>)
      tpu.yield
    }) : () -> ()
    return
  }
}

module attributes {stable_mosaic.version = 14 : i64} {
  func.func @_mm_split_body(%arg0: i32, %arg1: memref<1024x128xf32, #tpu.memory_space<vmem>>, %arg2: memref<1024x1xf32, #tpu.memory_space<vmem>>, %arg3: memref<128x256xf32, #tpu.memory_space<vmem>>, %arg4: memref<2x1024x128xf32, #tpu.memory_space<vmem>>) attributes {dimension_semantics = [#tpu.dimension_semantics<arbitrary>], iteration_bounds = array<i64: 10>, scalar_prefetch = 0 : i64, scratch_operands = 0 : i64, tpu.core_type = #tpu.core_type<tc>, window_params = [{transform_indices = @transform_0, window_bounds = array<i64: 1024, 128>}, {transform_indices = @transform_1, window_bounds = array<i64: 1024, 1>}, {pipeline_mode = #tpu.pipeline_mode<synchronous>, transform_indices = @transform_2, window_bounds = array<i64: 128, 256>}, {transform_indices = @transform_3, window_bounds = array<i64: 2, 1024, 128>}]} {
    %get3A = arith.constant 0 : index
    %get3A_0 = arith.constant 0 : index
    %get3A_1 = vector.load %arg1[%get3A, %get3A_0] : memref<1024x128xf32, #tpu.memory_space<vmem>>, vector<1024x128xf32>
    %get3A_2 = arith.constant 0 : index
    %get3A_3 = arith.constant 0 : index
    %get3A_4 = vector.load %arg3[%get3A_2, %get3A_3] : memref<128x256xf32, #tpu.memory_space<vmem>>, vector<128x256xf32>
    %dot_general3A = arith.constant dense<0.000000e+00> : vector<1024x256xf32>
    %dot_general3A_5 = tpu.matmul %get3A_1, %get3A_4, %dot_general3A {dimension_numbers = #tpu.dot_dimension_numbers<[1], [0], [0], [1], [0, 0, 1, 1], [], []>, transpose_lhs_hint = false} : vector<1024x128xf32>, vector<128x256xf32>, vector<1024x256xf32> -> vector<1024x256xf32>
    %get3A_6 = arith.constant 0 : index
    %get3A_7 = arith.constant 0 : index
    %get3A_8 = vector.load %arg2[%get3A_6, %get3A_7] : memref<1024x1xf32, #tpu.memory_space<vmem>>, vector<1024x1xf32>
    %mul3A = vector.broadcast %get3A_8 : vector<1024x1xf32> to vector<1024x256xf32>
    %mul3A_9 = arith.mulf %dot_general3A_5, %mul3A : vector<1024x256xf32>
    %slice3A = vector.extract_strided_slice %mul3A_9 {offsets = [0, 0], sizes = [1024, 128], strides = [1, 1]} : vector<1024x256xf32> to vector<1024x128xf32>
    %swap3A = arith.constant 0 : index
    %swap3A_10 = arith.constant 0 : index
    %swap3A_11 = arith.constant 0 : index
    %swap3A_12 = vector.load %arg4[%swap3A, %swap3A_10, %swap3A_11] : memref<2x1024x128xf32, #tpu.memory_space<vmem>>, vector<1x1024x128xf32>
    %swap3A_13 = vector.shape_cast %swap3A_12 : vector<1x1024x128xf32> to vector<1024x128xf32>
    %swap3A_14 = vector.shape_cast %slice3A : vector<1024x128xf32> to vector<1x1024x128xf32>
    tpu.vector_store %arg4[%swap3A, %swap3A_10, %swap3A_11], %swap3A_14 {strides = array<i32>} : memref<2x1024x128xf32, #tpu.memory_space<vmem>>, vector<1x1024x128xf32>,
    %slice3A_15 = vector.extract_strided_slice %mul3A_9 {offsets = [0, 128], sizes = [1024, 128], strides = [1, 1]} : vector<1024x256xf32> to vector<1024x128xf32>
    %swap3A_16 = arith.constant 1 : index
    %swap3A_17 = arith.constant 0 : index
    %swap3A_18 = arith.constant 0 : index
    %swap3A_19 = vector.load %arg4[%swap3A_16, %swap3A_17, %swap3A_18] : memref<2x1024x128xf32, #tpu.memory_space<vmem>>, vector<1x1024x128xf32>
    %swap3A_20 = vector.shape_cast %swap3A_19 : vector<1x1024x128xf32> to vector<1024x128xf32>
    %swap3A_21 = vector.shape_cast %slice3A_15 : vector<1024x128xf32> to vector<1x1024x128xf32>
    tpu.vector_store %arg4[%swap3A_16, %swap3A_17, %swap3A_18], %swap3A_21 {strides = array<i32>} : memref<2x1024x128xf32, #tpu.memory_space<vmem>>, vector<1x1024x128xf32>,
    return
  }
  func.func @transform_0(%arg0: i32) -> (i32, i32) {
    %c0_i32 = arith.constant 0 : i32
    %c0_i32_0 = arith.constant 0 : i32
    return %arg0, %c0_i32 : i32, i32
  }
  func.func @transform_1(%arg0: i32) -> (i32, i32) {
    %c0_i32 = arith.constant 0 : i32
    %c0_i32_0 = arith.constant 0 : i32
    return %arg0, %c0_i32 : i32, i32
  }
  func.func @transform_2(%arg0: i32) -> (i32, i32) {
    %c0_i32 = arith.constant 0 : i32
    %c0_i32_0 = arith.constant 0 : i32
    %c0_i32_1 = arith.constant 0 : i32
    return %c0_i32, %c0_i32_0 : i32, i32
  }
  func.func @transform_3(%arg0: i32) -> (i32, i32, i32) {
    %c0_i32 = arith.constant 0 : i32
    %c0_i32_0 = arith.constant 0 : i32
    %c0_i32_1 = arith.constant 0 : i32
    return %c0_i32, %arg0, %c0_i32_0 : i32, i32, i32
  }
}

module attributes {stable_mosaic.version = 14 : i64} {
  func.func @_proj_body(%arg0: i32, %arg1: memref<2x1024x128xf32, #tpu.memory_space<vmem>>, %arg2: memref<1024x1xf32, #tpu.memory_space<vmem>>, %arg3: memref<1x256xf32, #tpu.memory_space<vmem>>, %arg4: memref<256x1024xf32, #tpu.memory_space<vmem>>, %arg5: memref<1x1024xf32, #tpu.memory_space<vmem>>, %arg6: memref<1024x1024xf32, #tpu.memory_space<vmem>>) attributes {dimension_semantics = [#tpu.dimension_semantics<arbitrary>], iteration_bounds = array<i64: 10>, scalar_prefetch = 0 : i64, scratch_operands = 0 : i64, tpu.core_type = #tpu.core_type<tc>, window_params = [{transform_indices = @transform_0, window_bounds = array<i64: 2, 1024, 128>}, {transform_indices = @transform_1, window_bounds = array<i64: 1024, 1>}, {pipeline_mode = #tpu.pipeline_mode<synchronous>, transform_indices = @transform_2, window_bounds = array<i64: 1, 256>}, {pipeline_mode = #tpu.pipeline_mode<synchronous>, transform_indices = @transform_3, window_bounds = array<i64: 256, 1024>}, {pipeline_mode = #tpu.pipeline_mode<synchronous>, transform_indices = @transform_4, window_bounds = array<i64: 1, 1024>}, {transform_indices = @transform_5, window_bounds = array<i64: 1024, 1024>}]} {
    %get3A = arith.constant 0 : index
    %get3A_0 = arith.constant 0 : index
    %get3A_1 = vector.load %arg2[%get3A, %get3A_0] : memref<1024x1xf32, #tpu.memory_space<vmem>>, vector<1024x1xf32>
    %get3A_2 = arith.constant 0 : index
    %get3A_3 = arith.constant 0 : index
    %get3A_4 = vector.load %arg4[%get3A_2, %get3A_3] : memref<256x1024xf32, #tpu.memory_space<vmem>>, vector<256x1024xf32>
    %get3A_5 = arith.constant 0 : index
    %get3A_6 = arith.constant 0 : index
    %get3A_7 = arith.constant 0 : index
    %get3A_8 = vector.load %arg1[%get3A_5, %get3A_6, %get3A_7] : memref<2x1024x128xf32, #tpu.memory_space<vmem>>, vector<1x1024x128xf32>
    %get3A_9 = vector.shape_cast %get3A_8 : vector<1x1024x128xf32> to vector<1024x128xf32>
    %mul3A = vector.broadcast %get3A_1 : vector<1024x1xf32> to vector<1024x128xf32>
    %mul3A_10 = arith.mulf %get3A_9, %mul3A : vector<1024x128xf32>
    %get3A_11 = arith.constant 0 : index
    %get3A_12 = arith.constant 0 : index
    %get3A_13 = vector.load %arg3[%get3A_11, %get3A_12] : memref<1x256xf32, #tpu.memory_space<vmem>>, vector<1x128xf32>
    %add3A = vector.broadcast %get3A_13 : vector<1x128xf32> to vector<1024x128xf32>
    %add3A_14 = arith.addf %mul3A_10, %add3A : vector<1024x128xf32>
    %max3A = arith.constant 0.000000e+00 : f32
    %max3A_15 = vector.broadcast %max3A : f32 to vector<1024x128xf32>
    %max3A_16 = arith.maximumf %add3A_14, %max3A_15 : vector<1024x128xf32>
    %get3A_17 = arith.constant 1 : index
    %get3A_18 = arith.constant 0 : index
    %get3A_19 = arith.constant 0 : index
    %get3A_20 = vector.load %arg1[%get3A_17, %get3A_18, %get3A_19] : memref<2x1024x128xf32, #tpu.memory_space<vmem>>, vector<1x1024x128xf32>
    %get3A_21 = vector.shape_cast %get3A_20 : vector<1x1024x128xf32> to vector<1024x128xf32>
    %mul3A_22 = vector.broadcast %get3A_1 : vector<1024x1xf32> to vector<1024x128xf32>
    %mul3A_23 = arith.mulf %get3A_21, %mul3A_22 : vector<1024x128xf32>
    %get3A_24 = arith.constant 0 : index
    %get3A_25 = arith.constant 128 : index
    %get3A_26 = vector.load %arg3[%get3A_24, %get3A_25] : memref<1x256xf32, #tpu.memory_space<vmem>>, vector<1x128xf32>
    %add3A_27 = vector.broadcast %get3A_26 : vector<1x128xf32> to vector<1024x128xf32>
    %add3A_28 = arith.addf %mul3A_23, %add3A_27 : vector<1024x128xf32>
    %max3A_29 = arith.constant 0.000000e+00 : f32
    %max3A_30 = vector.broadcast %max3A_29 : f32 to vector<1024x128xf32>
    %max3A_31 = arith.maximumf %add3A_28, %max3A_30 : vector<1024x128xf32>
    %slice3A = vector.extract_strided_slice %get3A_4 {offsets = [0, 0], sizes = [128, 1024], strides = [1, 1]} : vector<256x1024xf32> to vector<128x1024xf32>
    %dot_general3A = arith.constant dense<0.000000e+00> : vector<1024x1024xf32>
    %dot_general3A_32 = tpu.matmul %max3A_16, %slice3A, %dot_general3A {dimension_numbers = #tpu.dot_dimension_numbers<[1], [0], [0], [1], [0, 0, 1, 1], [], []>, transpose_lhs_hint = false} : vector<1024x128xf32>, vector<128x1024xf32>, vector<1024x1024xf32> -> vector<1024x1024xf32>
    %slice3A_33 = vector.extract_strided_slice %get3A_4 {offsets = [128, 0], sizes = [128, 1024], strides = [1, 1]} : vector<256x1024xf32> to vector<128x1024xf32>
    %dot_general3A_34 = arith.constant dense<0.000000e+00> : vector<1024x1024xf32>
    %dot_general3A_35 = tpu.matmul %max3A_31, %slice3A_33, %dot_general3A_34 {dimension_numbers = #tpu.dot_dimension_numbers<[1], [0], [0], [1], [0, 0, 1, 1], [], []>, transpose_lhs_hint = false} : vector<1024x128xf32>, vector<128x1024xf32>, vector<1024x1024xf32> -> vector<1024x1024xf32>
    %add3A_36 = arith.addf %dot_general3A_32, %dot_general3A_35 : vector<1024x1024xf32>
    %get3A_37 = arith.constant 0 : index
    %get3A_38 = arith.constant 0 : index
    %get3A_39 = vector.load %arg5[%get3A_37, %get3A_38] : memref<1x1024xf32, #tpu.memory_space<vmem>>, vector<1x1024xf32>
    %add3A_40 = vector.broadcast %get3A_39 : vector<1x1024xf32> to vector<1024x1024xf32>
    %add3A_41 = arith.addf %add3A_36, %add3A_40 : vector<1024x1024xf32>
    %swap3A = arith.constant 0 : index
    %swap3A_42 = arith.constant 0 : index
    %swap3A_43 = vector.load %arg6[%swap3A, %swap3A_42] : memref<1024x1024xf32, #tpu.memory_space<vmem>>, vector<1024x1024xf32>
    tpu.vector_store %arg6[%swap3A, %swap3A_42], %add3A_41 {strides = array<i32>} : memref<1024x1024xf32, #tpu.memory_space<vmem>>, vector<1024x1024xf32>,
    return
  }
  func.func @transform_0(%arg0: i32) -> (i32, i32, i32) {
    %c0_i32 = arith.constant 0 : i32
    %c0_i32_0 = arith.constant 0 : i32
    %c0_i32_1 = arith.constant 0 : i32
    return %c0_i32, %arg0, %c0_i32_0 : i32, i32, i32
  }
  func.func @transform_1(%arg0: i32) -> (i32, i32) {
    %c0_i32 = arith.constant 0 : i32
    %c0_i32_0 = arith.constant 0 : i32
    return %arg0, %c0_i32 : i32, i32
  }
  func.func @transform_2(%arg0: i32) -> (i32, i32) {
    %c0_i32 = arith.constant 0 : i32
    %c0_i32_0 = arith.constant 0 : i32
    %c0_i32_1 = arith.constant 0 : i32
    return %c0_i32, %c0_i32_0 : i32, i32
  }
  func.func @transform_3(%arg0: i32) -> (i32, i32) {
    %c0_i32 = arith.constant 0 : i32
    %c0_i32_0 = arith.constant 0 : i32
    %c0_i32_1 = arith.constant 0 : i32
    return %c0_i32, %c0_i32_0 : i32, i32
  }
  func.func @transform_4(%arg0: i32) -> (i32, i32) {
    %c0_i32 = arith.constant 0 : i32
    %c0_i32_0 = arith.constant 0 : i32
    %c0_i32_1 = arith.constant 0 : i32
    return %c0_i32, %c0_i32_0 : i32, i32
  }
  func.func @transform_5(%arg0: i32) -> (i32, i32) {
    %c0_i32 = arith.constant 0 : i32
    %c0_i32_0 = arith.constant 0 : i32
    return %arg0, %c0_i32 : i32, i32
  }
}

module attributes {stable_mosaic.version = 14 : i64} {
  func.func @_lstm_body(%arg0: i32, %arg1: memref<1000x1024xf32, #tpu.memory_space<vmem>>, %arg2: memref<256x1024xf32, #tpu.memory_space<vmem>>, %arg3: memref<1000x256xf32, #tpu.memory_space<vmem>>, %arg4: memref<8x256xf32, #tpu.memory_space<vmem>>, %arg5: memref<8x256xf32, #tpu.memory_space<vmem>>) attributes {dimension_semantics = [#tpu.dimension_semantics<arbitrary>], iteration_bounds = array<i64: 10>, scalar_prefetch = 0 : i64, scratch_operands = 2 : i64, tpu.core_type = #tpu.core_type<tc>, window_params = [{transform_indices = @transform_0, window_bounds = array<i64: 1000, 1024>}, {pipeline_mode = #tpu.pipeline_mode<synchronous>, transform_indices = @transform_1, window_bounds = array<i64: 256, 1024>}, {transform_indices = @transform_2, window_bounds = array<i64: 1000, 256>}]} {
    %eq3A = arith.constant 0 : i32
    %eq3A_0 = arith.cmpi eq, %arg0, %eq3A : i32
    %convert_element_type3A = arith.extui %eq3A_0 : i1 to i32
    %cond3A = arith.constant 0 : i32
    %cond3A_1 = arith.cmpi ne, %convert_element_type3A, %cond3A : i32
    scf.if %cond3A_1 {
      %broadcast_in_dim3A = arith.constant 0.000000e+00 : f32
      %broadcast_in_dim3A_20 = vector.broadcast %broadcast_in_dim3A : f32 to vector<8x256xf32>
      %swap3A_21 = arith.constant 0 : index
      %swap3A_22 = arith.constant 0 : index
      %swap3A_23 = vector.load %arg4[%swap3A_21, %swap3A_22] : memref<8x256xf32, #tpu.memory_space<vmem>>, vector<8x256xf32>
      tpu.vector_store %arg4[%swap3A_21, %swap3A_22], %broadcast_in_dim3A_20 {strides = array<i32>} : memref<8x256xf32, #tpu.memory_space<vmem>>, vector<8x256xf32>,
      %broadcast_in_dim3A_24 = arith.constant 0.000000e+00 : f32
      %broadcast_in_dim3A_25 = vector.broadcast %broadcast_in_dim3A_24 : f32 to vector<8x256xf32>
      %swap3A_26 = arith.constant 0 : index
      %swap3A_27 = arith.constant 0 : index
      %swap3A_28 = vector.load %arg5[%swap3A_26, %swap3A_27] : memref<8x256xf32, #tpu.memory_space<vmem>>, vector<8x256xf32>
      tpu.vector_store %arg5[%swap3A_26, %swap3A_27], %broadcast_in_dim3A_25 {strides = array<i32>} : memref<8x256xf32, #tpu.memory_space<vmem>>, vector<8x256xf32>,
    } else {
    }
    %get3A = arith.constant 0 : index
    %get3A_2 = arith.constant 0 : index
    %get3A_3 = vector.load %arg2[%get3A, %get3A_2] : memref<256x1024xf32, #tpu.memory_space<vmem>>, vector<256x1024xf32>
    %get3A_4 = arith.constant 0 : index
    %get3A_5 = arith.constant 0 : index
    %get3A_6 = vector.load %arg4[%get3A_4, %get3A_5] : memref<8x256xf32, #tpu.memory_space<vmem>>, vector<8x256xf32>
    %get3A_7 = arith.constant 0 : index
    %get3A_8 = arith.constant 0 : index
    %get3A_9 = vector.load %arg5[%get3A_7, %get3A_8] : memref<8x256xf32, #tpu.memory_space<vmem>>, vector<8x256xf32>
    %scan3A = arith.constant 0 : i32
    %scan3A_10 = arith.constant 1000 : i32
    %scan3A_11 = arith.addi %scan3A, %scan3A_10 : i32
    %scan3A_12 = arith.constant 1 : i32
    %scan3A_13:2 = scf.for %scan3A_20 = %scan3A to %scan3A_11 step %scan3A_12 iter_args(%scan3A_21 = %get3A_6, %scan3A_22 = %get3A_9) -> (vector<8x256xf32>, vector<8x256xf32>)  : i32 {
      %get3A_23 = arith.index_cast %scan3A_20 : i32 to index
      %get3A_24 = arith.constant 0 : index
      %get3A_25 = vector.load %arg1[%get3A_23, %get3A_24] : memref<1000x1024xf32, #tpu.memory_space<vmem>>, vector<1x1024xf32>
      %dot_general3A = arith.constant dense<0.000000e+00> : vector<8x1024xf32>
      %dot_general3A_26 = tpu.matmul %scan3A_21, %get3A_3, %dot_general3A {dimension_numbers = #tpu.dot_dimension_numbers<[1], [0], [0], [1], [0, 0, 1, 1], [], []>, transpose_lhs_hint = false} : vector<8x256xf32>, vector<256x1024xf32>, vector<8x1024xf32> -> vector<8x1024xf32>
      %add3A = vector.broadcast %get3A_25 : vector<1x1024xf32> to vector<8x1024xf32>
      %add3A_27 = arith.addf %dot_general3A_26, %add3A : vector<8x1024xf32>
      %slice3A = vector.extract_strided_slice %add3A_27 {offsets = [0, 0], sizes = [8, 256], strides = [1, 1]} : vector<8x1024xf32> to vector<8x256xf32>
      %logistic3A = arith.negf %slice3A : vector<8x256xf32>
      %logistic3A_28 = math.exp %logistic3A : vector<8x256xf32>
      %logistic3A_29 = arith.constant 1.000000e+00 : f32
      %logistic3A_30 = vector.broadcast %logistic3A_29 : f32 to vector<8x256xf32>
      %logistic3A_31 = arith.addf %logistic3A_30, %logistic3A_28 : vector<8x256xf32>
      %logistic3A_32 = arith.divf %logistic3A_30, %logistic3A_31 : vector<8x256xf32>
      %slice3A_33 = vector.extract_strided_slice %add3A_27 {offsets = [0, 256], sizes = [8, 256], strides = [1, 1]} : vector<8x1024xf32> to vector<8x256xf32>
      %logistic3A_34 = arith.negf %slice3A_33 : vector<8x256xf32>
      %logistic3A_35 = math.exp %logistic3A_34 : vector<8x256xf32>
      %logistic3A_36 = arith.constant 1.000000e+00 : f32
      %logistic3A_37 = vector.broadcast %logistic3A_36 : f32 to vector<8x256xf32>
      %logistic3A_38 = arith.addf %logistic3A_37, %logistic3A_35 : vector<8x256xf32>
      %logistic3A_39 = arith.divf %logistic3A_37, %logistic3A_38 : vector<8x256xf32>
      %slice3A_40 = vector.extract_strided_slice %add3A_27 {offsets = [0, 512], sizes = [8, 256], strides = [1, 1]} : vector<8x1024xf32> to vector<8x256xf32>
      %tanh3A = math.tanh %slice3A_40 : vector<8x256xf32>
      %slice3A_41 = vector.extract_strided_slice %add3A_27 {offsets = [0, 768], sizes = [8, 256], strides = [1, 1]} : vector<8x1024xf32> to vector<8x256xf32>
      %logistic3A_42 = arith.negf %slice3A_41 : vector<8x256xf32>
      %logistic3A_43 = math.exp %logistic3A_42 : vector<8x256xf32>
      %logistic3A_44 = arith.constant 1.000000e+00 : f32
      %logistic3A_45 = vector.broadcast %logistic3A_44 : f32 to vector<8x256xf32>
      %logistic3A_46 = arith.addf %logistic3A_45, %logistic3A_43 : vector<8x256xf32>
      %logistic3A_47 = arith.divf %logistic3A_45, %logistic3A_46 : vector<8x256xf32>
      %mul3A = arith.mulf %logistic3A_39, %scan3A_22 : vector<8x256xf32>
      %mul3A_48 = arith.mulf %logistic3A_32, %tanh3A : vector<8x256xf32>
      %add3A_49 = arith.addf %mul3A, %mul3A_48 : vector<8x256xf32>
      %tanh3A_50 = math.tanh %add3A_49 : vector<8x256xf32>
      %mul3A_51 = arith.mulf %logistic3A_47, %tanh3A_50 : vector<8x256xf32>
      %slice3A_52 = vector.extract_strided_slice %mul3A_51 {offsets = [0, 0], sizes = [1, 256], strides = [1, 1]} : vector<8x256xf32> to vector<1x256xf32>
      %swap3A_53 = arith.index_cast %scan3A_20 : i32 to index
      %swap3A_54 = arith.constant 0 : index
      %swap3A_55 = vector.load %arg3[%swap3A_53, %swap3A_54] : memref<1000x256xf32, #tpu.memory_space<vmem>>, vector<1x256xf32>
      tpu.vector_store %arg3[%swap3A_53, %swap3A_54], %slice3A_52 {strides = array<i32>} : memref<1000x256xf32, #tpu.memory_space<vmem>>, vector<1x256xf32>,
      scf.yield %mul3A_51, %add3A_49 : vector<8x256xf32>, vector<8x256xf32>
    }
    %scan3A_14 = arith.constant 1000 : i32
    %swap3A = arith.constant 0 : index
    %swap3A_15 = arith.constant 0 : index
    %swap3A_16 = vector.load %arg4[%swap3A, %swap3A_15] : memref<8x256xf32, #tpu.memory_space<vmem>>, vector<8x256xf32>
    tpu.vector_store %arg4[%swap3A, %swap3A_15], %scan3A_13#0 {strides = array<i32>} : memref<8x256xf32, #tpu.memory_space<vmem>>, vector<8x256xf32>,
    %swap3A_17 = arith.constant 0 : index
    %swap3A_18 = arith.constant 0 : index
    %swap3A_19 = vector.load %arg5[%swap3A_17, %swap3A_18] : memref<8x256xf32, #tpu.memory_space<vmem>>, vector<8x256xf32>
    tpu.vector_store %arg5[%swap3A_17, %swap3A_18], %scan3A_13#1 {strides = array<i32>} : memref<8x256xf32, #tpu.memory_space<vmem>>, vector<8x256xf32>,
    return
  }
  func.func @transform_0(%arg0: i32) -> (i32, i32) {
    %c0_i32 = arith.constant 0 : i32
    %c0_i32_0 = arith.constant 0 : i32
    return %arg0, %c0_i32 : i32, i32
  }
  func.func @transform_1(%arg0: i32) -> (i32, i32) {
    %c0_i32 = arith.constant 0 : i32
    %c0_i32_0 = arith.constant 0 : i32
    %c0_i32_1 = arith.constant 0 : i32
    return %c0_i32, %c0_i32_0 : i32, i32
  }
  func.func @transform_2(%arg0: i32) -> (i32, i32) {
    %c0_i32 = arith.constant 0 : i32
    %c0_i32_0 = arith.constant 0 : i32
    return %arg0, %c0_i32 : i32, i32
  }
}

module attributes {stable_mosaic.version = 14 : i64} {
  func.func @_mm_split_body(%arg0: i32, %arg1: memref<1024x256xf32, #tpu.memory_space<vmem>>, %arg2: memref<1024x1xf32, #tpu.memory_space<vmem>>, %arg3: memref<256x256xf32, #tpu.memory_space<vmem>>, %arg4: memref<2x1024x128xf32, #tpu.memory_space<vmem>>) attributes {dimension_semantics = [#tpu.dimension_semantics<arbitrary>], iteration_bounds = array<i64: 10>, scalar_prefetch = 0 : i64, scratch_operands = 0 : i64, tpu.core_type = #tpu.core_type<tc>, window_params = [{transform_indices = @transform_0, window_bounds = array<i64: 1024, 256>}, {transform_indices = @transform_1, window_bounds = array<i64: 1024, 1>}, {pipeline_mode = #tpu.pipeline_mode<synchronous>, transform_indices = @transform_2, window_bounds = array<i64: 256, 256>}, {transform_indices = @transform_3, window_bounds = array<i64: 2, 1024, 128>}]} {
    %get3A = arith.constant 0 : index
    %get3A_0 = arith.constant 0 : index
    %get3A_1 = vector.load %arg1[%get3A, %get3A_0] : memref<1024x256xf32, #tpu.memory_space<vmem>>, vector<1024x256xf32>
    %get3A_2 = arith.constant 0 : index
    %get3A_3 = arith.constant 0 : index
    %get3A_4 = vector.load %arg3[%get3A_2, %get3A_3] : memref<256x256xf32, #tpu.memory_space<vmem>>, vector<256x256xf32>
    %dot_general3A = arith.constant dense<0.000000e+00> : vector<1024x256xf32>
    %dot_general3A_5 = tpu.matmul %get3A_1, %get3A_4, %dot_general3A {dimension_numbers = #tpu.dot_dimension_numbers<[1], [0], [0], [1], [0, 0, 1, 1], [], []>, transpose_lhs_hint = false} : vector<1024x256xf32>, vector<256x256xf32>, vector<1024x256xf32> -> vector<1024x256xf32>
    %get3A_6 = arith.constant 0 : index
    %get3A_7 = arith.constant 0 : index
    %get3A_8 = vector.load %arg2[%get3A_6, %get3A_7] : memref<1024x1xf32, #tpu.memory_space<vmem>>, vector<1024x1xf32>
    %mul3A = vector.broadcast %get3A_8 : vector<1024x1xf32> to vector<1024x256xf32>
    %mul3A_9 = arith.mulf %dot_general3A_5, %mul3A : vector<1024x256xf32>
    %slice3A = vector.extract_strided_slice %mul3A_9 {offsets = [0, 0], sizes = [1024, 128], strides = [1, 1]} : vector<1024x256xf32> to vector<1024x128xf32>
    %swap3A = arith.constant 0 : index
    %swap3A_10 = arith.constant 0 : index
    %swap3A_11 = arith.constant 0 : index
    %swap3A_12 = vector.load %arg4[%swap3A, %swap3A_10, %swap3A_11] : memref<2x1024x128xf32, #tpu.memory_space<vmem>>, vector<1x1024x128xf32>
    %swap3A_13 = vector.shape_cast %swap3A_12 : vector<1x1024x128xf32> to vector<1024x128xf32>
    %swap3A_14 = vector.shape_cast %slice3A : vector<1024x128xf32> to vector<1x1024x128xf32>
    tpu.vector_store %arg4[%swap3A, %swap3A_10, %swap3A_11], %swap3A_14 {strides = array<i32>} : memref<2x1024x128xf32, #tpu.memory_space<vmem>>, vector<1x1024x128xf32>,
    %slice3A_15 = vector.extract_strided_slice %mul3A_9 {offsets = [0, 128], sizes = [1024, 128], strides = [1, 1]} : vector<1024x256xf32> to vector<1024x128xf32>
    %swap3A_16 = arith.constant 1 : index
    %swap3A_17 = arith.constant 0 : index
    %swap3A_18 = arith.constant 0 : index
    %swap3A_19 = vector.load %arg4[%swap3A_16, %swap3A_17, %swap3A_18] : memref<2x1024x128xf32, #tpu.memory_space<vmem>>, vector<1x1024x128xf32>
    %swap3A_20 = vector.shape_cast %swap3A_19 : vector<1x1024x128xf32> to vector<1024x128xf32>
    %swap3A_21 = vector.shape_cast %slice3A_15 : vector<1024x128xf32> to vector<1x1024x128xf32>
    tpu.vector_store %arg4[%swap3A_16, %swap3A_17, %swap3A_18], %swap3A_21 {strides = array<i32>} : memref<2x1024x128xf32, #tpu.memory_space<vmem>>, vector<1x1024x128xf32>,
    return
  }
  func.func @transform_0(%arg0: i32) -> (i32, i32) {
    %c0_i32 = arith.constant 0 : i32
    %c0_i32_0 = arith.constant 0 : i32
    return %arg0, %c0_i32 : i32, i32
  }
  func.func @transform_1(%arg0: i32) -> (i32, i32) {
    %c0_i32 = arith.constant 0 : i32
    %c0_i32_0 = arith.constant 0 : i32
    return %arg0, %c0_i32 : i32, i32
  }
  func.func @transform_2(%arg0: i32) -> (i32, i32) {
    %c0_i32 = arith.constant 0 : i32
    %c0_i32_0 = arith.constant 0 : i32
    %c0_i32_1 = arith.constant 0 : i32
    return %c0_i32, %c0_i32_0 : i32, i32
  }
  func.func @transform_3(%arg0: i32) -> (i32, i32, i32) {
    %c0_i32 = arith.constant 0 : i32
    %c0_i32_0 = arith.constant 0 : i32
    %c0_i32_1 = arith.constant 0 : i32
    return %c0_i32, %arg0, %c0_i32_0 : i32, i32, i32
  }
}

module attributes {stable_mosaic.version = 14 : i64} {
  func.func @_mid_body(%arg0: i32, %arg1: memref<2x1024x128xf32, #tpu.memory_space<vmem>>, %arg2: memref<1024x1xf32, #tpu.memory_space<vmem>>, %arg3: memref<1x256xf32, #tpu.memory_space<vmem>>, %arg4: memref<256x256xf32, #tpu.memory_space<vmem>>, %arg5: memref<2x1024x128xf32, #tpu.memory_space<vmem>>) attributes {dimension_semantics = [#tpu.dimension_semantics<arbitrary>], iteration_bounds = array<i64: 10>, scalar_prefetch = 0 : i64, scratch_operands = 0 : i64, tpu.core_type = #tpu.core_type<tc>, window_params = [{transform_indices = @transform_0, window_bounds = array<i64: 2, 1024, 128>}, {transform_indices = @transform_1, window_bounds = array<i64: 1024, 1>}, {pipeline_mode = #tpu.pipeline_mode<synchronous>, transform_indices = @transform_2, window_bounds = array<i64: 1, 256>}, {pipeline_mode = #tpu.pipeline_mode<synchronous>, transform_indices = @transform_3, window_bounds = array<i64: 256, 256>}, {transform_indices = @transform_4, window_bounds = array<i64: 2, 1024, 128>}]} {
    %get3A = arith.constant 0 : index
    %get3A_0 = arith.constant 0 : index
    %get3A_1 = vector.load %arg2[%get3A, %get3A_0] : memref<1024x1xf32, #tpu.memory_space<vmem>>, vector<1024x1xf32>
    %get3A_2 = arith.constant 0 : index
    %get3A_3 = arith.constant 0 : index
    %get3A_4 = vector.load %arg4[%get3A_2, %get3A_3] : memref<256x256xf32, #tpu.memory_space<vmem>>, vector<256x256xf32>
    %get3A_5 = arith.constant 0 : index
    %get3A_6 = arith.constant 0 : index
    %get3A_7 = arith.constant 0 : index
    %get3A_8 = vector.load %arg1[%get3A_5, %get3A_6, %get3A_7] : memref<2x1024x128xf32, #tpu.memory_space<vmem>>, vector<1x1024x128xf32>
    %get3A_9 = vector.shape_cast %get3A_8 : vector<1x1024x128xf32> to vector<1024x128xf32>
    %mul3A = vector.broadcast %get3A_1 : vector<1024x1xf32> to vector<1024x128xf32>
    %mul3A_10 = arith.mulf %get3A_9, %mul3A : vector<1024x128xf32>
    %get3A_11 = arith.constant 0 : index
    %get3A_12 = arith.constant 0 : index
    %get3A_13 = vector.load %arg3[%get3A_11, %get3A_12] : memref<1x256xf32, #tpu.memory_space<vmem>>, vector<1x128xf32>
    %add3A = vector.broadcast %get3A_13 : vector<1x128xf32> to vector<1024x128xf32>
    %add3A_14 = arith.addf %mul3A_10, %add3A : vector<1024x128xf32>
    %max3A = arith.constant 0.000000e+00 : f32
    %max3A_15 = vector.broadcast %max3A : f32 to vector<1024x128xf32>
    %max3A_16 = arith.maximumf %add3A_14, %max3A_15 : vector<1024x128xf32>
    %get3A_17 = arith.constant 1 : index
    %get3A_18 = arith.constant 0 : index
    %get3A_19 = arith.constant 0 : index
    %get3A_20 = vector.load %arg1[%get3A_17, %get3A_18, %get3A_19] : memref<2x1024x128xf32, #tpu.memory_space<vmem>>, vector<1x1024x128xf32>
    %get3A_21 = vector.shape_cast %get3A_20 : vector<1x1024x128xf32> to vector<1024x128xf32>
    %mul3A_22 = vector.broadcast %get3A_1 : vector<1024x1xf32> to vector<1024x128xf32>
    %mul3A_23 = arith.mulf %get3A_21, %mul3A_22 : vector<1024x128xf32>
    %get3A_24 = arith.constant 0 : index
    %get3A_25 = arith.constant 128 : index
    %get3A_26 = vector.load %arg3[%get3A_24, %get3A_25] : memref<1x256xf32, #tpu.memory_space<vmem>>, vector<1x128xf32>
    %add3A_27 = vector.broadcast %get3A_26 : vector<1x128xf32> to vector<1024x128xf32>
    %add3A_28 = arith.addf %mul3A_23, %add3A_27 : vector<1024x128xf32>
    %max3A_29 = arith.constant 0.000000e+00 : f32
    %max3A_30 = vector.broadcast %max3A_29 : f32 to vector<1024x128xf32>
    %max3A_31 = arith.maximumf %add3A_28, %max3A_30 : vector<1024x128xf32>
    %slice3A = vector.extract_strided_slice %get3A_4 {offsets = [0, 0], sizes = [128, 256], strides = [1, 1]} : vector<256x256xf32> to vector<128x256xf32>
    %dot_general3A = arith.constant dense<0.000000e+00> : vector<1024x256xf32>
    %dot_general3A_32 = tpu.matmul %max3A_16, %slice3A, %dot_general3A {dimension_numbers = #tpu.dot_dimension_numbers<[1], [0], [0], [1], [0, 0, 1, 1], [], []>, transpose_lhs_hint = false} : vector<1024x128xf32>, vector<128x256xf32>, vector<1024x256xf32> -> vector<1024x256xf32>
    %slice3A_33 = vector.extract_strided_slice %get3A_4 {offsets = [128, 0], sizes = [128, 256], strides = [1, 1]} : vector<256x256xf32> to vector<128x256xf32>
    %dot_general3A_34 = arith.constant dense<0.000000e+00> : vector<1024x256xf32>
    %dot_general3A_35 = tpu.matmul %max3A_31, %slice3A_33, %dot_general3A_34 {dimension_numbers = #tpu.dot_dimension_numbers<[1], [0], [0], [1], [0, 0, 1, 1], [], []>, transpose_lhs_hint = false} : vector<1024x128xf32>, vector<128x256xf32>, vector<1024x256xf32> -> vector<1024x256xf32>
    %add3A_36 = arith.addf %dot_general3A_32, %dot_general3A_35 : vector<1024x256xf32>
    %mul3A_37 = vector.broadcast %get3A_1 : vector<1024x1xf32> to vector<1024x256xf32>
    %mul3A_38 = arith.mulf %add3A_36, %mul3A_37 : vector<1024x256xf32>
    %slice3A_39 = vector.extract_strided_slice %mul3A_38 {offsets = [0, 0], sizes = [1024, 128], strides = [1, 1]} : vector<1024x256xf32> to vector<1024x128xf32>
    %swap3A = arith.constant 0 : index
    %swap3A_40 = arith.constant 0 : index
    %swap3A_41 = arith.constant 0 : index
    %swap3A_42 = vector.load %arg5[%swap3A, %swap3A_40, %swap3A_41] : memref<2x1024x128xf32, #tpu.memory_space<vmem>>, vector<1x1024x128xf32>
    %swap3A_43 = vector.shape_cast %swap3A_42 : vector<1x1024x128xf32> to vector<1024x128xf32>
    %swap3A_44 = vector.shape_cast %slice3A_39 : vector<1024x128xf32> to vector<1x1024x128xf32>
    tpu.vector_store %arg5[%swap3A, %swap3A_40, %swap3A_41], %swap3A_44 {strides = array<i32>} : memref<2x1024x128xf32, #tpu.memory_space<vmem>>, vector<1x1024x128xf32>,
    %slice3A_45 = vector.extract_strided_slice %mul3A_38 {offsets = [0, 128], sizes = [1024, 128], strides = [1, 1]} : vector<1024x256xf32> to vector<1024x128xf32>
    %swap3A_46 = arith.constant 1 : index
    %swap3A_47 = arith.constant 0 : index
    %swap3A_48 = arith.constant 0 : index
    %swap3A_49 = vector.load %arg5[%swap3A_46, %swap3A_47, %swap3A_48] : memref<2x1024x128xf32, #tpu.memory_space<vmem>>, vector<1x1024x128xf32>
    %swap3A_50 = vector.shape_cast %swap3A_49 : vector<1x1024x128xf32> to vector<1024x128xf32>
    %swap3A_51 = vector.shape_cast %slice3A_45 : vector<1024x128xf32> to vector<1x1024x128xf32>
    tpu.vector_store %arg5[%swap3A_46, %swap3A_47, %swap3A_48], %swap3A_51 {strides = array<i32>} : memref<2x1024x128xf32, #tpu.memory_space<vmem>>, vector<1x1024x128xf32>,
    return
  }
  func.func @transform_0(%arg0: i32) -> (i32, i32, i32) {
    %c0_i32 = arith.constant 0 : i32
    %c0_i32_0 = arith.constant 0 : i32
    %c0_i32_1 = arith.constant 0 : i32
    return %c0_i32, %arg0, %c0_i32_0 : i32, i32, i32
  }
  func.func @transform_1(%arg0: i32) -> (i32, i32) {
    %c0_i32 = arith.constant 0 : i32
    %c0_i32_0 = arith.constant 0 : i32
    return %arg0, %c0_i32 : i32, i32
  }
  func.func @transform_2(%arg0: i32) -> (i32, i32) {
    %c0_i32 = arith.constant 0 : i32
    %c0_i32_0 = arith.constant 0 : i32
    %c0_i32_1 = arith.constant 0 : i32
    return %c0_i32, %c0_i32_0 : i32, i32
  }
  func.func @transform_3(%arg0: i32) -> (i32, i32) {
    %c0_i32 = arith.constant 0 : i32
    %c0_i32_0 = arith.constant 0 : i32
    %c0_i32_1 = arith.constant 0 : i32
    return %c0_i32, %c0_i32_0 : i32, i32
  }
  func.func @transform_4(%arg0: i32) -> (i32, i32, i32) {
    %c0_i32 = arith.constant 0 : i32
    %c0_i32_0 = arith.constant 0 : i32
    %c0_i32_1 = arith.constant 0 : i32
    return %c0_i32, %arg0, %c0_i32_0 : i32, i32, i32
  }
}

module attributes {stable_mosaic.version = 14 : i64} {
  func.func @_mid_full_body(%arg0: i32, %arg1: memref<2x1024x128xf32, #tpu.memory_space<vmem>>, %arg2: memref<1024x1xf32, #tpu.memory_space<vmem>>, %arg3: memref<1x256xf32, #tpu.memory_space<vmem>>, %arg4: memref<256x128xf32, #tpu.memory_space<vmem>>, %arg5: memref<1024x128xf32, #tpu.memory_space<vmem>>) attributes {dimension_semantics = [#tpu.dimension_semantics<arbitrary>], iteration_bounds = array<i64: 10>, scalar_prefetch = 0 : i64, scratch_operands = 0 : i64, tpu.core_type = #tpu.core_type<tc>, window_params = [{transform_indices = @transform_0, window_bounds = array<i64: 2, 1024, 128>}, {transform_indices = @transform_1, window_bounds = array<i64: 1024, 1>}, {pipeline_mode = #tpu.pipeline_mode<synchronous>, transform_indices = @transform_2, window_bounds = array<i64: 1, 256>}, {pipeline_mode = #tpu.pipeline_mode<synchronous>, transform_indices = @transform_3, window_bounds = array<i64: 256, 128>}, {transform_indices = @transform_4, window_bounds = array<i64: 1024, 128>}]} {
    %get3A = arith.constant 0 : index
    %get3A_0 = arith.constant 0 : index
    %get3A_1 = vector.load %arg2[%get3A, %get3A_0] : memref<1024x1xf32, #tpu.memory_space<vmem>>, vector<1024x1xf32>
    %get3A_2 = arith.constant 0 : index
    %get3A_3 = arith.constant 0 : index
    %get3A_4 = vector.load %arg4[%get3A_2, %get3A_3] : memref<256x128xf32, #tpu.memory_space<vmem>>, vector<256x128xf32>
    %get3A_5 = arith.constant 0 : index
    %get3A_6 = arith.constant 0 : index
    %get3A_7 = arith.constant 0 : index
    %get3A_8 = vector.load %arg1[%get3A_5, %get3A_6, %get3A_7] : memref<2x1024x128xf32, #tpu.memory_space<vmem>>, vector<1x1024x128xf32>
    %get3A_9 = vector.shape_cast %get3A_8 : vector<1x1024x128xf32> to vector<1024x128xf32>
    %mul3A = vector.broadcast %get3A_1 : vector<1024x1xf32> to vector<1024x128xf32>
    %mul3A_10 = arith.mulf %get3A_9, %mul3A : vector<1024x128xf32>
    %get3A_11 = arith.constant 0 : index
    %get3A_12 = arith.constant 0 : index
    %get3A_13 = vector.load %arg3[%get3A_11, %get3A_12] : memref<1x256xf32, #tpu.memory_space<vmem>>, vector<1x128xf32>
    %add3A = vector.broadcast %get3A_13 : vector<1x128xf32> to vector<1024x128xf32>
    %add3A_14 = arith.addf %mul3A_10, %add3A : vector<1024x128xf32>
    %max3A = arith.constant 0.000000e+00 : f32
    %max3A_15 = vector.broadcast %max3A : f32 to vector<1024x128xf32>
    %max3A_16 = arith.maximumf %add3A_14, %max3A_15 : vector<1024x128xf32>
    %get3A_17 = arith.constant 1 : index
    %get3A_18 = arith.constant 0 : index
    %get3A_19 = arith.constant 0 : index
    %get3A_20 = vector.load %arg1[%get3A_17, %get3A_18, %get3A_19] : memref<2x1024x128xf32, #tpu.memory_space<vmem>>, vector<1x1024x128xf32>
    %get3A_21 = vector.shape_cast %get3A_20 : vector<1x1024x128xf32> to vector<1024x128xf32>
    %mul3A_22 = vector.broadcast %get3A_1 : vector<1024x1xf32> to vector<1024x128xf32>
    %mul3A_23 = arith.mulf %get3A_21, %mul3A_22 : vector<1024x128xf32>
    %get3A_24 = arith.constant 0 : index
    %get3A_25 = arith.constant 128 : index
    %get3A_26 = vector.load %arg3[%get3A_24, %get3A_25] : memref<1x256xf32, #tpu.memory_space<vmem>>, vector<1x128xf32>
    %add3A_27 = vector.broadcast %get3A_26 : vector<1x128xf32> to vector<1024x128xf32>
    %add3A_28 = arith.addf %mul3A_23, %add3A_27 : vector<1024x128xf32>
    %max3A_29 = arith.constant 0.000000e+00 : f32
    %max3A_30 = vector.broadcast %max3A_29 : f32 to vector<1024x128xf32>
    %max3A_31 = arith.maximumf %add3A_28, %max3A_30 : vector<1024x128xf32>
    %slice3A = vector.extract_strided_slice %get3A_4 {offsets = [0, 0], sizes = [128, 128], strides = [1, 1]} : vector<256x128xf32> to vector<128x128xf32>
    %dot_general3A = arith.constant dense<0.000000e+00> : vector<1024x128xf32>
    %dot_general3A_32 = tpu.matmul %max3A_16, %slice3A, %dot_general3A {dimension_numbers = #tpu.dot_dimension_numbers<[1], [0], [0], [1], [0, 0, 1, 1], [], []>, transpose_lhs_hint = false} : vector<1024x128xf32>, vector<128x128xf32>, vector<1024x128xf32> -> vector<1024x128xf32>
    %slice3A_33 = vector.extract_strided_slice %get3A_4 {offsets = [128, 0], sizes = [128, 128], strides = [1, 1]} : vector<256x128xf32> to vector<128x128xf32>
    %dot_general3A_34 = arith.constant dense<0.000000e+00> : vector<1024x128xf32>
    %dot_general3A_35 = tpu.matmul %max3A_31, %slice3A_33, %dot_general3A_34 {dimension_numbers = #tpu.dot_dimension_numbers<[1], [0], [0], [1], [0, 0, 1, 1], [], []>, transpose_lhs_hint = false} : vector<1024x128xf32>, vector<128x128xf32>, vector<1024x128xf32> -> vector<1024x128xf32>
    %add3A_36 = arith.addf %dot_general3A_32, %dot_general3A_35 : vector<1024x128xf32>
    %mul3A_37 = vector.broadcast %get3A_1 : vector<1024x1xf32> to vector<1024x128xf32>
    %mul3A_38 = arith.mulf %add3A_36, %mul3A_37 : vector<1024x128xf32>
    %swap3A = arith.constant 0 : index
    %swap3A_39 = arith.constant 0 : index
    %swap3A_40 = vector.load %arg5[%swap3A, %swap3A_39] : memref<1024x128xf32, #tpu.memory_space<vmem>>, vector<1024x128xf32>
    tpu.vector_store %arg5[%swap3A, %swap3A_39], %mul3A_38 {strides = array<i32>} : memref<1024x128xf32, #tpu.memory_space<vmem>>, vector<1024x128xf32>,
    return
  }
  func.func @transform_0(%arg0: i32) -> (i32, i32, i32) {
    %c0_i32 = arith.constant 0 : i32
    %c0_i32_0 = arith.constant 0 : i32
    %c0_i32_1 = arith.constant 0 : i32
    return %c0_i32, %arg0, %c0_i32_0 : i32, i32, i32
  }
  func.func @transform_1(%arg0: i32) -> (i32, i32) {
    %c0_i32 = arith.constant 0 : i32
    %c0_i32_0 = arith.constant 0 : i32
    return %arg0, %c0_i32 : i32, i32
  }
  func.func @transform_2(%arg0: i32) -> (i32, i32) {
    %c0_i32 = arith.constant 0 : i32
    %c0_i32_0 = arith.constant 0 : i32
    %c0_i32_1 = arith.constant 0 : i32
    return %c0_i32, %c0_i32_0 : i32, i32
  }
  func.func @transform_3(%arg0: i32) -> (i32, i32) {
    %c0_i32 = arith.constant 0 : i32
    %c0_i32_0 = arith.constant 0 : i32
    %c0_i32_1 = arith.constant 0 : i32
    return %c0_i32, %c0_i32_0 : i32, i32
  }
  func.func @transform_4(%arg0: i32) -> (i32, i32) {
    %c0_i32 = arith.constant 0 : i32
    %c0_i32_0 = arith.constant 0 : i32
    return %arg0, %c0_i32 : i32, i32
  }
}

module attributes {stable_mosaic.version = 14 : i64} {
  func.func @_mid_psum_body(%arg0: i32, %arg1: memref<2x1024x128xf32, #tpu.memory_space<vmem>>, %arg2: memref<1024x1xf32, #tpu.memory_space<vmem>>, %arg3: memref<1x128xf32, #tpu.memory_space<vmem>>, %arg4: memref<128x128xf32, #tpu.memory_space<vmem>>, %arg5: memref<1024x128xf32, #tpu.memory_space<vmem>>) attributes {dimension_semantics = [#tpu.dimension_semantics<arbitrary>], iteration_bounds = array<i64: 10>, scalar_prefetch = 0 : i64, scratch_operands = 0 : i64, tpu.core_type = #tpu.core_type<tc>, window_params = [{transform_indices = @transform_0, window_bounds = array<i64: 2, 1024, 128>}, {transform_indices = @transform_1, window_bounds = array<i64: 1024, 1>}, {pipeline_mode = #tpu.pipeline_mode<synchronous>, transform_indices = @transform_2, window_bounds = array<i64: 1, 128>}, {pipeline_mode = #tpu.pipeline_mode<synchronous>, transform_indices = @transform_3, window_bounds = array<i64: 128, 128>}, {transform_indices = @transform_4, window_bounds = array<i64: 1024, 128>}]} {
    %get3A = arith.constant 0 : index
    %get3A_0 = arith.constant 0 : index
    %get3A_1 = vector.load %arg2[%get3A, %get3A_0] : memref<1024x1xf32, #tpu.memory_space<vmem>>, vector<1024x1xf32>
    %get3A_2 = arith.constant 0 : index
    %get3A_3 = arith.constant 0 : index
    %get3A_4 = arith.constant 0 : index
    %get3A_5 = vector.load %arg1[%get3A_2, %get3A_3, %get3A_4] : memref<2x1024x128xf32, #tpu.memory_space<vmem>>, vector<1x1024x128xf32>
    %get3A_6 = vector.shape_cast %get3A_5 : vector<1x1024x128xf32> to vector<1024x128xf32>
    %get3A_7 = arith.constant 1 : index
    %get3A_8 = arith.constant 0 : index
    %get3A_9 = arith.constant 0 : index
    %get3A_10 = vector.load %arg1[%get3A_7, %get3A_8, %get3A_9] : memref<2x1024x128xf32, #tpu.memory_space<vmem>>, vector<1x1024x128xf32>
    %get3A_11 = vector.shape_cast %get3A_10 : vector<1x1024x128xf32> to vector<1024x128xf32>
    %add3A = arith.addf %get3A_6, %get3A_11 : vector<1024x128xf32>
    %mul3A = vector.broadcast %get3A_1 : vector<1024x1xf32> to vector<1024x128xf32>
    %mul3A_12 = arith.mulf %add3A, %mul3A : vector<1024x128xf32>
    %get3A_13 = arith.constant 0 : index
    %get3A_14 = arith.constant 0 : index
    %get3A_15 = vector.load %arg3[%get3A_13, %get3A_14] : memref<1x128xf32, #tpu.memory_space<vmem>>, vector<1x128xf32>
    %add3A_16 = vector.broadcast %get3A_15 : vector<1x128xf32> to vector<1024x128xf32>
    %add3A_17 = arith.addf %mul3A_12, %add3A_16 : vector<1024x128xf32>
    %max3A = arith.constant 0.000000e+00 : f32
    %max3A_18 = vector.broadcast %max3A : f32 to vector<1024x128xf32>
    %max3A_19 = arith.maximumf %add3A_17, %max3A_18 : vector<1024x128xf32>
    %get3A_20 = arith.constant 0 : index
    %get3A_21 = arith.constant 0 : index
    %get3A_22 = vector.load %arg4[%get3A_20, %get3A_21] : memref<128x128xf32, #tpu.memory_space<vmem>>, vector<128x128xf32>
    %dot_general3A = arith.constant dense<0.000000e+00> : vector<1024x128xf32>
    %dot_general3A_23 = tpu.matmul %max3A_19, %get3A_22, %dot_general3A {dimension_numbers = #tpu.dot_dimension_numbers<[1], [0], [0], [1], [0, 0, 1, 1], [], []>, transpose_lhs_hint = false} : vector<1024x128xf32>, vector<128x128xf32>, vector<1024x128xf32> -> vector<1024x128xf32>
    %mul3A_24 = vector.broadcast %get3A_1 : vector<1024x1xf32> to vector<1024x128xf32>
    %mul3A_25 = arith.mulf %dot_general3A_23, %mul3A_24 : vector<1024x128xf32>
    %swap3A = arith.constant 0 : index
    %swap3A_26 = arith.constant 0 : index
    %swap3A_27 = vector.load %arg5[%swap3A, %swap3A_26] : memref<1024x128xf32, #tpu.memory_space<vmem>>, vector<1024x128xf32>
    tpu.vector_store %arg5[%swap3A, %swap3A_26], %mul3A_25 {strides = array<i32>} : memref<1024x128xf32, #tpu.memory_space<vmem>>, vector<1024x128xf32>,
    return
  }
  func.func @transform_0(%arg0: i32) -> (i32, i32, i32) {
    %c0_i32 = arith.constant 0 : i32
    %c0_i32_0 = arith.constant 0 : i32
    %c0_i32_1 = arith.constant 0 : i32
    return %c0_i32, %arg0, %c0_i32_0 : i32, i32, i32
  }
  func.func @transform_1(%arg0: i32) -> (i32, i32) {
    %c0_i32 = arith.constant 0 : i32
    %c0_i32_0 = arith.constant 0 : i32
    return %arg0, %c0_i32 : i32, i32
  }
  func.func @transform_2(%arg0: i32) -> (i32, i32) {
    %c0_i32 = arith.constant 0 : i32
    %c0_i32_0 = arith.constant 0 : i32
    %c0_i32_1 = arith.constant 0 : i32
    return %c0_i32, %c0_i32_0 : i32, i32
  }
  func.func @transform_3(%arg0: i32) -> (i32, i32) {
    %c0_i32 = arith.constant 0 : i32
    %c0_i32_0 = arith.constant 0 : i32
    %c0_i32_1 = arith.constant 0 : i32
    return %c0_i32, %c0_i32_0 : i32, i32
  }
  func.func @transform_4(%arg0: i32) -> (i32, i32) {
    %c0_i32 = arith.constant 0 : i32
    %c0_i32_0 = arith.constant 0 : i32
    return %arg0, %c0_i32 : i32, i32
  }
}

module attributes {stable_mosaic.version = 14 : i64} {
  func.func @_fc_body(%arg0: i32, %arg1: memref<2x1024x128xf32, #tpu.memory_space<vmem>>, %arg2: memref<1024x1xf32, #tpu.memory_space<vmem>>, %arg3: memref<1x128xf32, #tpu.memory_space<vmem>>, %arg4: memref<128x1xf32, #tpu.memory_space<vmem>>, %arg5: memref<1x1xf32, #tpu.memory_space<vmem>>, %arg6: memref<1024x1xf32, #tpu.memory_space<vmem>>) attributes {dimension_semantics = [#tpu.dimension_semantics<arbitrary>], iteration_bounds = array<i64: 10>, scalar_prefetch = 0 : i64, scratch_operands = 0 : i64, tpu.core_type = #tpu.core_type<tc>, window_params = [{transform_indices = @transform_0, window_bounds = array<i64: 2, 1024, 128>}, {transform_indices = @transform_1, window_bounds = array<i64: 1024, 1>}, {pipeline_mode = #tpu.pipeline_mode<synchronous>, transform_indices = @transform_2, window_bounds = array<i64: 1, 128>}, {pipeline_mode = #tpu.pipeline_mode<synchronous>, transform_indices = @transform_3, window_bounds = array<i64: 128, 1>}, {pipeline_mode = #tpu.pipeline_mode<synchronous>, transform_indices = @transform_4, window_bounds = array<i64: 1, 1>}, {transform_indices = @transform_5, window_bounds = array<i64: 1024, 1>}]} {
    %get3A = arith.constant 0 : index
    %get3A_0 = arith.constant 0 : index
    %get3A_1 = vector.load %arg2[%get3A, %get3A_0] : memref<1024x1xf32, #tpu.memory_space<vmem>>, vector<1024x1xf32>
    %get3A_2 = arith.constant 0 : index
    %get3A_3 = arith.constant 0 : index
    %get3A_4 = arith.constant 0 : index
    %get3A_5 = vector.load %arg1[%get3A_2, %get3A_3, %get3A_4] : memref<2x1024x128xf32, #tpu.memory_space<vmem>>, vector<1x1024x128xf32>
    %get3A_6 = vector.shape_cast %get3A_5 : vector<1x1024x128xf32> to vector<1024x128xf32>
    %get3A_7 = arith.constant 1 : index
    %get3A_8 = arith.constant 0 : index
    %get3A_9 = arith.constant 0 : index
    %get3A_10 = vector.load %arg1[%get3A_7, %get3A_8, %get3A_9] : memref<2x1024x128xf32, #tpu.memory_space<vmem>>, vector<1x1024x128xf32>
    %get3A_11 = vector.shape_cast %get3A_10 : vector<1x1024x128xf32> to vector<1024x128xf32>
    %add3A = arith.addf %get3A_6, %get3A_11 : vector<1024x128xf32>
    %mul3A = vector.broadcast %get3A_1 : vector<1024x1xf32> to vector<1024x128xf32>
    %mul3A_12 = arith.mulf %add3A, %mul3A : vector<1024x128xf32>
    %get3A_13 = arith.constant 0 : index
    %get3A_14 = arith.constant 0 : index
    %get3A_15 = vector.load %arg3[%get3A_13, %get3A_14] : memref<1x128xf32, #tpu.memory_space<vmem>>, vector<1x128xf32>
    %add3A_16 = vector.broadcast %get3A_15 : vector<1x128xf32> to vector<1024x128xf32>
    %add3A_17 = arith.addf %mul3A_12, %add3A_16 : vector<1024x128xf32>
    %max3A = arith.constant 0.000000e+00 : f32
    %max3A_18 = vector.broadcast %max3A : f32 to vector<1024x128xf32>
    %max3A_19 = arith.maximumf %add3A_17, %max3A_18 : vector<1024x128xf32>
    %get3A_20 = arith.constant 0 : index
    %get3A_21 = arith.constant 0 : index
    %get3A_22 = vector.load %arg4[%get3A_20, %get3A_21] : memref<128x1xf32, #tpu.memory_space<vmem>>, vector<128x1xf32>
    %dot_general3A = arith.constant dense<0.000000e+00> : vector<1024x1xf32>
    %dot_general3A_23 = tpu.matmul %max3A_19, %get3A_22, %dot_general3A {dimension_numbers = #tpu.dot_dimension_numbers<[1], [0], [0], [1], [0, 0, 1, 1], [], []>, transpose_lhs_hint = false} : vector<1024x128xf32>, vector<128x1xf32>, vector<1024x1xf32> -> vector<1024x1xf32>
    %get3A_24 = arith.constant 0 : index
    %get3A_25 = arith.constant 0 : index
    %get3A_26 = vector.load %arg5[%get3A_24, %get3A_25] : memref<1x1xf32, #tpu.memory_space<vmem>>, vector<1x1xf32>
    %add3A_27 = vector.broadcast %get3A_26 : vector<1x1xf32> to vector<1024x1xf32>
    %add3A_28 = arith.addf %dot_general3A_23, %add3A_27 : vector<1024x1xf32>
    %logistic3A = arith.negf %add3A_28 : vector<1024x1xf32>
    %logistic3A_29 = math.exp %logistic3A : vector<1024x1xf32>
    %logistic3A_30 = arith.constant 1.000000e+00 : f32
    %logistic3A_31 = vector.broadcast %logistic3A_30 : f32 to vector<1024x1xf32>
    %logistic3A_32 = arith.addf %logistic3A_31, %logistic3A_29 : vector<1024x1xf32>
    %logistic3A_33 = arith.divf %logistic3A_31, %logistic3A_32 : vector<1024x1xf32>
    %swap3A = arith.constant 0 : index
    %swap3A_34 = arith.constant 0 : index
    %swap3A_35 = vector.load %arg6[%swap3A, %swap3A_34] : memref<1024x1xf32, #tpu.memory_space<vmem>>, vector<1024x1xf32>
    tpu.vector_store %arg6[%swap3A, %swap3A_34], %logistic3A_33 {strides = array<i32>} : memref<1024x1xf32, #tpu.memory_space<vmem>>, vector<1024x1xf32>,
    return
  }
  func.func @transform_0(%arg0: i32) -> (i32, i32, i32) {
    %c0_i32 = arith.constant 0 : i32
    %c0_i32_0 = arith.constant 0 : i32
    %c0_i32_1 = arith.constant 0 : i32
    return %c0_i32, %arg0, %c0_i32_0 : i32, i32, i32
  }
  func.func @transform_1(%arg0: i32) -> (i32, i32) {
    %c0_i32 = arith.constant 0 : i32
    %c0_i32_0 = arith.constant 0 : i32
    return %arg0, %c0_i32 : i32, i32
  }
  func.func @transform_2(%arg0: i32) -> (i32, i32) {
    %c0_i32 = arith.constant 0 : i32
    %c0_i32_0 = arith.constant 0 : i32
    %c0_i32_1 = arith.constant 0 : i32
    return %c0_i32, %c0_i32_0 : i32, i32
  }
  func.func @transform_3(%arg0: i32) -> (i32, i32) {
    %c0_i32 = arith.constant 0 : i32
    %c0_i32_0 = arith.constant 0 : i32
    %c0_i32_1 = arith.constant 0 : i32
    return %c0_i32, %c0_i32_0 : i32, i32
  }
  func.func @transform_4(%arg0: i32) -> (i32, i32) {
    %c0_i32 = arith.constant 0 : i32
    %c0_i32_0 = arith.constant 0 : i32
    %c0_i32_1 = arith.constant 0 : i32
    return %c0_i32, %c0_i32_0 : i32, i32
  }
  func.func @transform_5(%arg0: i32) -> (i32, i32) {
    %c0_i32 = arith.constant 0 : i32
    %c0_i32_0 = arith.constant 0 : i32
    return %arg0, %c0_i32 : i32, i32
  }
}

</mosaic_0001>

<sc_bundles>
// kernel: kernel.16.cloned.1.call-start
scs
__scs_entry_jumppad:
0x0: {  	(pc) =	sbr.rel $0x88, $3  }
0x1: {  	(tag) =	ssettag $0x0;
	lr =	simm.s32 $0x1  }
0x2: {  	[smem:$0x3F8F] =	sst lr;
	_ =	strace $0xD0000000  }
0x3: {  	_ = 	snop  }
0x4: {  	_ = 	snop  }
0x5: {  	_ = 	snop  }
0x6: {  	_ = 	snop  }
0x7: {  	_ = 	snop  }
__scs_overlays_trampoline_lowered:
0x8: {  	[smem:$0x3F9E] =	sst s0  }
0x9: {  	[smem:$0x3F9F] =	sst s1  }
0xa: {  	[smem:$0x3FA0] =	sst s2  }
0xb: {  	[smem:$0x3FA1] =	sst s3  }
0xc: {  	[smem:$0x3FA2] =	sst s4  }
0xd: {  	[smem:$0x3FA3] =	sst s5  }
0xe: {  	[smem:$0x3FA4] =	sst s6  }
0xf: {  	[smem:$0x3FA5] =	sst s7  }
0x10: {  	[smem:$0x3FA6] =	sst s8  }
0x11: {  	[smem:$0x3FA7] =	sst s9;
	s0 =	simm.s32 @!p0 $0x0  }
0x12: {  	s1 =	sld [smem:$0x3F8D];
	s0 =	simm.s32 @p0 $0x1  }
0x13: {  	[smem:$0x3FA8] =	sst s0;
	s0 =	simm.s32 @!p1 $0x0  }
0x14: {  	s2 =	sld [smem:$0x3F8C];
	s0 =	simm.s32 @p1 $0x1  }
0x15: {  	[smem:$0x3FA9] =	sst s0;
	s0 =	simm.s32 @!p2 $0x0  }
0x16: {  	s3 =	sld [smem:$0x3FDB];
	s0 =	simm.s32 @p2 $0x1  }
0x17: {  	s4 =	simm.s32 $0x1BF5;
	[smem:$0x3FAB] =	sst s0  }
0x18: {  	s0 =	sld [smem:$0x3F8E];
	_ =	swait.ge [sflag:s4], $0x0  }
0x19: {  	s7 =	sld [smem:$0x3F8F]  }
0x1a: {  	s8 =	sadd.s32 $0xFFFFE003, lr  }
0x1b: {  	s9 =	sadd.s32 $0xFFFFFEF7, lr;
	s5 =	simm.s32 $0xFFFFFFFF;
	p2 =	slt.u32 s8, $0xFFFFF086  }
0x1c: {  	p1 =	slt.u32 s9, $0xF7A;
	s5 =	simm.s32 @!p2 $0x0  }
0x1d: {  	s5 =	simm.s32 @p1 $0x1;
	p0 =	seq.s32 s7, s2  }
0x1e: {  	s7 =	smul.u32 @!p0 $0xF7A, s2;
	p2 =	seq.s32 @!p0 s5, $0x0  }
0x1f: {  	s9 =	smul.u32 $0xF7A, s1;
	s8 =	simm.s32 @!p0 $0x1BF5;
	p2 =	por !p2, p0  }
0x20: {  	[sflag:s8] =	ssyncset.s32 @!p0 $0xFFFFF086;
	s6 =	sadd.s32 @!p0 s3, s7;
	s7 =	simm.s32 @!p0 $0x108  }
0x21: {  	s3 =	sadd.s32 s3, s9;
	s6 =	sadd.s32 @!p0 $0x88, s6;
	s7 =	simm.s32 @p2 $0x1082  }
0x22: {  	[simem:s7], [sflag:s8] =	dma.local @!p0 [hbm:s6], $0xF7A  }
0x23: {  	s9 =	sor.u32 $0xD0000000, s2;
	s6 =	simm.s32 $0x108;
	_ =	swait.ge @!p0 [sflag:s8], $0x0  }
0x24: {  	s3 =	sadd.s32 $0x88, s3;
	s6 =	simm.s32 @!p1 $0x1082;
	[sflag:s4] =	ssyncset.s32 $0xFFFFF086  }
0x25: {  	[simem:s6], [sflag:s4] =	dma.local [hbm:s3], $0xF7A  }
0x26: {  	[smem:$0x3F8F] =	sst s1;
	(tag) =	ssettag s2;
	_ =	strace s9  }
0x27: {  	s1 =	sld [smem:$0x3F9F]  }
0x28: {  	s2 =	sld [smem:$0x3FA0]  }
0x29: {  	s4 =	sld [smem:$0x3FA2]  }
0x2a: {  	p0 =	seq.s32 s5, $0x0;
	s5 =	sld [smem:$0x3FA3]  }
0x2b: {  	s6 =	sld [smem:$0x3FA4]  }
0x2c: {  	s7 =	sld [smem:$0x3FA5]  }
0x2d: {  	s3 =	simm.s32 $0x108;
	s8 =	sld [smem:$0x3FA6]  }
0x2e: {  	s3 =	simm.s32 @!p0 $0x1082;
	s9 =	sld [smem:$0x3FA7]  }
0x2f: {  	lr =	sadd.s32 s0, s3;
	s0 =	sld [smem:$0x3F9E]  }
0x30: {  	s3 =	sld [smem:$0x3FA1]  }
0x31: {  	[smem:$0x3FAA] =	sst s10  }
0x32: {  	s10 =	sld [smem:$0x3FA8];
	_ =	sdelay $0x3  }
0x33: {  	p0 =	seq.s32 s10, $0x1;
	s10 =	sld [smem:$0x3FAA];
	_ =	sdelay $0x3  }
0x34: {  	[smem:$0x3FAA] =	sst s10  }
0x35: {  	s10 =	sld [smem:$0x3FA9];
	_ =	sdelay $0x3  }
0x36: {  	p1 =	seq.s32 s10, $0x1;
	s10 =	sld [smem:$0x3FAA];
	_ =	sdelay $0x3  }
0x37: {  	[smem:$0x3FAA] =	sst s10  }
0x38: {  	s10 =	sld [smem:$0x3FAB]  }
0x39: {  	_ = 	snop;
	(pc) =	sbr.ind lr, $3  }
0x3a: {  	_ = 	snop  }
0x3b: {  	_ = 	snop  }
0x3c: {  	p2 =	seq.s32 s10, $0x1;
	s10 =	sld [smem:$0x3FAA]  }
0x3d: {  	_ =	shalt  }
0x3e: {  	_ =	shalt  }
0x3f: {  	_ =	shalt  }
0x40: {  	_ =	shalt  }
0x41: {  	_ =	shalt  }
0x42: {  	_ =	shalt  }
0x43: {  	_ =	shalt  }
0x44: {  	_ =	shalt  }
0x45: {  	_ =	shalt  }
0x46: {  	_ =	shalt  }
0x47: {  	_ =	shalt  }
0x48: {  	_ =	shalt  }
0x49: {  	_ =	shalt  }
0x4a: {  	_ =	shalt  }
0x4b: {  	_ =	shalt  }
0x4c: {  	_ =	shalt  }
0x4d: {  	_ =	shalt  }
0x4e: {  	_ =	shalt  }
0x4f: {  	_ =	shalt  }
0x50: {  	_ =	shalt  }
0x51: {  	_ =	shalt  }
0x52: {  	_ =	shalt  }
0x53: {  	_ =	shalt  }
0x54: {  	_ =	shalt  }
0x55: {  	_ =	shalt  }
0x56: {  	_ =	shalt  }
0x57: {  	_ =	shalt  }
0x58: {  	_ =	shalt  }
0x59: {  	_ =	shalt  }
0x5a: {  	_ =	shalt  }
0x5b: {  	_ =	shalt  }
0x5c: {  	_ =	shalt  }
0x5d: {  	_ =	shalt  }
0x5e: {  	_ =	shalt  }
0x5f: {  	_ =	shalt  }
0x60: {  	_ =	shalt  }
0x61: {  	_ =	shalt  }
0x62: {  	_ =	shalt  }
0x63: {  	_ =	shalt  }
0x64: {  	_ =	shalt  }
0x65: {  	_ =	shalt  }
0x66: {  	_ =	shalt  }
0x67: {  	_ =	shalt  }
0x68: {  	_ =	shalt  }
0x69: {  	_ =	shalt  }
0x6a: {  	_ =	shalt  }
0x6b: {  	_ =	shalt  }
0x6c: {  	_ =	shalt  }
0x6d: {  	_ =	shalt  }
0x6e: {  	_ =	shalt  }
0x6f: {  	_ =	shalt  }
0x70: {  	_ =	shalt  }
0x71: {  	_ =	shalt  }
0x72: {  	_ =	shalt  }
0x73: {  	_ =	shalt  }
0x74: {  	_ =	shalt  }
0x75: {  	_ =	shalt  }
0x76: {  	_ =	shalt  }
0x77: {  	_ =	shalt  }
0x78: {  	_ =	shalt  }
0x79: {  	_ =	shalt  }
0x7a: {  	_ =	shalt  }
0x7b: {  	_ =	shalt  }
0x7c: {  	_ =	shalt  }
0x7d: {  	_ =	shalt  }
0x7e: {  	_ =	shalt  }
0x7f: {  	_ =	shalt  }
0x80: {  	_ =	shalt  }
0x81: {  	_ =	shalt  }
0x82: {  	_ =	shalt  }
0x83: {  	_ =	shalt  }
0x84: {  	_ =	shalt  }
0x85: {  	_ =	shalt  }
0x86: {  	_ =	shalt  }
0x87: {  	_ =	shalt  }
.Lfunc_end0:
.L_simem_size_0:
called_computation_lowered:
.L_overlay_start_0:
0x88: {  	s2 =	sld [smem:$0x3FD9]  }
0x89: {  	s3 =	sld [smem:$0x3FFE];
	_ =	sdelay $0x1  }
0x8a: {  	s1 =	srdreg.scid  }
0x8b: {  	s0 =	sand.u32 $0x1, s1  }
0x8c: {  	s16 =	sshll.u32 s0, $0xA;
	s2 =	sadd.s32 s3, s2  }
0x8d: {  	s2 =	sadd.s32 s2, s16  }
0x8e: {  	[smem:$0x3FB6] =	sst s2  }
0x8f: {  	_ = 	snop  }
0x90: {  	(tm) =	ssettm $0x1  }
0x91: {  	s17 =	sld [smem:$0x3FFB];
	_ =	sdelay $0x3  }
0x92: {  	_ =	strace s17  }
0x93: {  	s2 =	sld [smem:$0x3FFC];
	_ =	sdelay $0x3  }
0x94: {  	_ =	strace s2  }
0x95: {  	s2 =	sld [smem:$0x3FFD];
	_ =	sdelay $0x3  }
0x96: {  	_ =	strace s2  }
0x97: {  	_ =	strace $0x8FFFFFFF  }
0x98: {  	s18 =	sld [smem:$0x3FDB];
	_ =	sdelay $0x1  }
0x99: {  	s19 =	simm.s32 $_scs_section_size  }
0x9a: {  	s4 =	simm.s32 $_size__tile_overlayer_lowered;
	s5 =	simm.s32 $_tile_overlayer_lowered  }
0x9b: {  	s22 =	simm.s32 $0x1BFF;
	s21 =	sshll.u32 s5, $0x1;
	s2 =	sadd.s32 s19, s18  }
0x9c: {  	s6 =	simm.s32 $0x0;
	s20 =	sshll.u32 s4, $0x1;
	s4 =	sadd.s32 s21, s2  }
0x9d: {  	[timem:s6], [sflag:s22] =	dma.local [hbm:s4], s20  }
0x9e: {  	_ =	swait.ge [sflag:s22], s20  }
0x9f: {  	s3 =	ssub.s32 $0x0, s20;
	[sflag:s22] =	ssyncset.done $0x0  }
0xa0: {  	[sflag:s22] =	ssyncadd.s32 s3;
	_ =	sdelay $0x1  }
0xa1: {  	s23 =	simm.s32 $0x1B8B  }
0xa2: {  	_ =	swait.ge [sflag:s23], $0x1  }
0xa3: {  	[sflag:s23] =	ssyncset.done $0x0  }
0xa4: {  	s25 =	simm.s32 $0x1B8E;
	s24 =	sld [smem:$0x3FFE];
	[sflag:s23] =	ssyncadd.s32 $0xFFFFFFFF  }
0xa5: {  	s26 =	simm.s32 $execute0_lowered;
	[smem:$0x3FD2] =	sst s25  }
0xa6: {  	s4 =	sshll.u32 s26, $0x1;
	_ =	strace $0x80000046;
	[dreg:$0x1] =	wrdreg $0xFFFFFFFF  }
0xa7: {  	s28 =	simm.s32 $_size_execute0_lowered;
	s2 =	sadd.s32 s2, s4;
	[dreg:$0x0] =	wrdreg $0x0  }
0xa8: {  	s4 =	sshll.u32 s28, $0x1;
	[dreg:$0x2] =	wrdreg s2  }
0xa9: {  	[dreg:$0x3] =	wrdreg s4  }
0xaa: {  	[dreg:$0x4] =	wrdreg $0xC0  }
0xab: {  	_ =	task [dreg:s6], $0x5FFFF  }
0xac: {  	[dreg:$0x1] =	wrdreg $0xFFFFFFFF  }
0xad: {  	[dreg:$0x0] =	wrdreg $0x60  }
0xae: {  	[dreg:$0x2] =	wrdreg s24  }
0xaf: {  	[dreg:$0x3] =	wrdreg $0xA1000  }
0xb0: {  	[dreg:$0x4] =	wrdreg $0x9  }
0xb1: {  	_ =	task.clear_ibuf [dreg:s6], $0x5FFFF;
	_ =	strace $0x90000046  }
0xb2: {  	s29 =	simm.s32 $0x9;
	_ =	strace $0x80000048  }
0xb3: {  	_ =	swait.ge [sflag:s29], $0x1  }
0xb4: {  	[sflag:s29] =	ssyncadd.s32 $0xFFFFFFFF  }
0xb5: {  	_ =	strace $0x90000048  }
0xb6: {  	_ =	sfence  }
0xb7: {  	s30 =	sld [smem:$0x0];
	_ =	sdelay $0x2  }
0xb8: {  	s31 =	sshll.u32 s1, $0xD;
	s1 =	sshrl.u32 s1, $0x2  }
0xb9: {  	s3 =	sand.u32 $0x4000, s31;
	s1 =	sadd.s32 s1, s30  }
0xba: {  	s0 =	sor.u32 s3, s0;
	s1 =	sshll.u32 s1, $0x11  }
0xbb: {  	s0 =	sor.u32 s1, s0  }
0xbc: {  	s0 =	sadd.s32 $0x8F2B, s0  }
0xbd: {  	[sflag:s0] =	ssyncadd.remote.s32 $0x1  }
0xbe: {  	_ =	sfence.sel $0xFFFF  }
0xbf: {  	[dreg:$0x0] =	wrdreg $0xFFFFFFFF;
	(pc) =	sbr.abs _section_cstart, $3  }
0xc0: {  	[dreg:$0x1] =	wrdreg $0xFFFFFFFF  }
0xc1: {  	_ =	task.clear_ibuf [dreg:s6], $0x2FFFF;
	_ =	strace $0x9FFFFFFF  }
0xc2: {  	(tm) =	ssettm $0x7FFFFFFF  }
0xc3: {  	_ =	shalt  }
tec
execute0_lowered:
.L_overlay_start_1:
0x0: {  	(tag) =	ssettag $0x1  }
0x1: {  	s3 =	rddreg [dreg:$0x0]  }
0x2: {  	s5 =	rddreg [dreg:$0x1]  }
0x3: {  	s0 =	rddreg [dreg:$0x2]  }
0x4: {  	s2 =	simm.s32 $0x0;
	s1 =	stileid.u32;
	s6 =	srdreg.scid  }
0x5: {  	s12 =	simm.s32 $0x1400;
	s13 =	simm.s32 $0x14000;
	s14 =	simm.s32 $0x7900  }
0x6: {  	s15 =	simm.s32 $0x0;
	[smem:$0x7FF] =	sst s2;
	s4 =	smul.u32 $0xA20, s1  }
0x7: {  	s7 =	smul.u32 $0x50, s1;
	s8 =	sand.u32 $0x1, s6;
	s29 =	sshrl.u32 s1, $0x3  }
0x8: {  	s10 =	sshll.u32 s1, $0x7;
	s11 =	smul.u32 $0x5000, s1;
	_ =	strace $0x80000047  }
0x9: {  	s9 =	ssub.s32 $0x2, s8;
	s6 =	smul.u32 $0x50000, s29;
	s10 =	sand.u32 $0x380, s10  }
0xa: {  	p0 =	sne.s32 s8, $0x0;
	s8 =	simm.s32 $0x1;
	s4 =	sadd.s32 s4, s3  }
.Ltmp0:
0xb: {  	s7 =	sadd.s32 s7, s3;
	s30 =	sshrl.u32 s9, $0x1;
	(pc) =	sbr.rel .LBB2_1-.Ltmp0, $4  }
0xc: {  	s31 =	sshrl.u32 s11, $0x2;
	s11 =	simm.s32 $0x400;
	s6 =	sshrl.u32 s6, $0x2  }
0xd: {  	s9 =	ssub.s32 s9, s30;
	s3 =	sadd.s32 $0x4400, s4;
	s6 =	sadd.s32 s6, s5  }
0xe: {  	s5 =	sadd.s32 s31, s5;
	s4 =	sadd.s32 s10, s6;
	s6 =	sadd.s32 $0xE600, s7  }
0xf: {  	v0 =	vimm.f32 $0.0e+00;
	v1 =	vimm.f32 $1.000000000e+00;
	s7 =	smax.u32 s9, $0x1;
	s9 =	simm.s32 $0x5100;
	s10 =	simm.s32 $0x80  }
.LBB2_9:
0x10: {  	[bflag:$0x0] =	sbarrier.arrive $0xFFFF  }
.LBB2_10:
0x11: {  	s15 =	sadd.s32 $0x1, s15  }
0x12: {  	p1 =	sne.s32 s15, s7  }
.Ltmp1:
0x13: {  	_ = 	snop;
	(pc) =	sbr.rel @!p1 .LBB2_11-.Ltmp1, $1  }
0x14: {  	_ =	sdelay $0x3  }
.LBB2_1:
.Ltmp2:
0x15: {  	(pc) =	sbr.rel @p0 .LBB2_9-.Ltmp2, $1  }
0x16: {  	_ =	sdelay $0x3  }
0x17: {  	s16 =	simm.s32 $0x0  }
0x18: {  	[tilespmem:s16], [sflag:$0x1] =	stream.linear.gather [hbm4b:s3+s16], $0x5100, $0x38;
	[tilespmem:$0xC900] =	vst v63  }
0x19: {  	_ =	swait.ge [sflag:s8], $0x5100  }
0x1a: {  	[sflag:s8] =	ssyncset.done $0x0  }
0x1b: {  	s17 =	simm.s32 $0x0;
	s16 =	simm.s32 $0x40;
	[sflag:s8] =	ssyncadd.s32 $0xFFFFAF00  }
.LBB2_3:
0x1c: {  	p1 =	sne.s32 s16, $0x9FC0;
	[tilespmem:s17+$0x5100] =	vst v0;
	s17 =	smov.u32 s16;
	s16 =	sadd.s32 $0x40, s16  }
.Ltmp3:
0x1d: {  	(pc) =	sbr.rel @p1 .LBB2_3-.Ltmp3, $2  }
0x1e: {  	_ =	sdelay $0x2  }
0x1f: {  	s17 =	sshra.s32 s17, $0x2  }
0x20: {  	[tilespmem:s17+$0x5100] =	vst v0;
	s17 =	simm.s32 $0x0;
	s16 =	simm.s32 $0x40  }
.LBB2_5:
0x21: {  	p1 =	sne.s32 s16, $0x143C0;
	v2 =	vld [tilespmem:s17+$0x0];
	_ =	sdelay $0x3  }
.Ltmp4:
0x22: {  	(pc) =	sbr.rel @p1 .LBB2_5-.Ltmp4, $2  }
0x23: {  	_ =	sdelay $0x2  }
0x24: {  	s17 =	sshra.s32 s16, $0x2;
	s16 =	sadd.s32 $0x40, s16;
	[tilespmem:v2+s9+$0x0] =	vst.idx.add.f32.msk $0xffff, v1  }
0x25: {  	v2 =	vld [tilespmem:s17+$0x0];
	_ =	sdelay $0x7  }
0x26: {  	s16 =	simm.s32 $0x5100;
	[tilespmem:v2+s9+$0x0] =	vst.idx.add.f32.msk $0xffff, v1  }
0x27: {  	[spmem:s4] =	stream.strided.scatter [tilespmem:s16], [sflag:$0x1], $0x2800, s11, s10, $0x38;
	[tilespmem:$0xC900] =	vst v63  }
0x28: {  	_ =	swait.ge [sflag:s8], $0x2800  }
0x29: {  	[sflag:s8] =	ssyncset.done $0x0  }
0x2a: {  	[sflag:s8] =	ssyncadd.s32 $0xFFFFD800  }
0x2b: {  	[bflag:$0x0] =	sbarrier.arrive $0xFFFF  }
0x2c: {  	[tilespmem:s14], [sflag:$0x1] =	stream.strided.gather [spmem:s5], $0x2800, s13, s12, $0x38;
	[tilespmem:$0xC900] =	vst v63  }
0x2d: {  	s30 =	simm.s32 $0x0;
	_ =	swait.ge [sflag:s8], $0x2800  }
0x2e: {  	s18 =	sand.u32 $0x70, s30;
	s17 =	sand.u32 $0x1C00, s30;
	[sflag:s8] =	ssyncset.done $0x0  }
0x2f: {  	s17 =	sor.u32 s18, s17;
	[sflag:s8] =	ssyncadd.s32 $0xFFFFD800  }
0x30: {  	v2 =	vld [tilespmem:s17+$0x7980]  }
0x31: {  	v3 =	vld [tilespmem:s17+$0x7900];
	_ =	sdelay $0x1  }
0x32: {  	v4 =	vld [tilespmem:s17+$0x7A00];
	_ =	sdelay $0x1  }
0x33: {  	v5 =	vld [tilespmem:s17+$0x7A80]  }
0x34: {  	v2 =	vadd.f32 v2, v3  }
0x35: {  	v3 =	vld [tilespmem:s17+$0x7B00]  }
0x36: {  	v2 =	vadd.f32 v4, v2  }
0x37: {  	v55 =	vld [tilespmem:s17+$0x7B80]  }
0x38: {  	v2 =	vadd.f32 v5, v2  }
0x39: {  	v56 =	vld [tilespmem:s17+$0x7C00]  }
0x3a: {  	v2 =	vadd.f32 v3, v2  }
0x3b: {  	v3 =	vld [tilespmem:s17+$0x7C80]  }
0x3c: {  	v2 =	vadd.f32 v55, v2  }
0x3d: {  	v57 =	vld [tilespmem:s17+$0x8D00]  }
0x3e: {  	v2 =	vadd.f32 v56, v2  }
0x3f: {  	v58 =	vld [tilespmem:s17+$0x8D80]  }
0x40: {  	v2 =	vadd.f32 v3, v2  }
0x41: {  	v3 =	vld [tilespmem:s17+$0x8E00]  }
0x42: {  	v2 =	vadd.f32 v57, v2  }
0x43: {  	v59 =	vld [tilespmem:s17+$0x8E80]  }
0x44: {  	v2 =	vadd.f32 v58, v2  }
0x45: {  	v60 =	vld [tilespmem:s17+$0x8F00]  }
0x46: {  	v2 =	vadd.f32 v3, v2  }
0x47: {  	v3 =	vld [tilespmem:s17+$0x8F80]  }
0x48: {  	v2 =	vadd.f32 v59, v2  }
0x49: {  	v61 =	vld [tilespmem:s17+$0x9000]  }
0x4a: {  	v2 =	vadd.f32 v60, v2  }
0x4b: {  	v62 =	vld [tilespmem:s17+$0x9080]  }
0x4c: {  	v2 =	vadd.f32 v3, v2;
	_ =	sdelay $0x1  }
0x4d: {  	v2 =	vadd.f32 v61, v2;
	_ =	sdelay $0x1  }
0x4e: {  	v2 =	vadd.f32 v62, v2;
	_ =	sdelay $0x1  }
0x4f: {  	v2 =	vmax.f32 v2, $2.500000000e-01  }
0x50: {  	v3 =	vshrl.u32 v2, $0x1;
	v2 =	vmul.f32 $5.000000000e-01, v2  }
0x51: {  	v3 =	vsub.s32 $0x5F3759DF, v3  }
0x52: {  	v63 =	vmul.f32 v3, v2;
	_ =	sdelay $0x1  }
0x53: {  	v4 =	vmul.f32 v3, v63;
	_ =	sdelay $0x1  }
0x54: {  	v4 =	vsub.f32 $1.500000000e+00, v4;
	_ =	sdelay $0x1  }
0x55: {  	v3 =	vmul.f32 v3, v4;
	_ =	sdelay $0x1  }
0x56: {  	v4 =	vmul.f32 v3, v2;
	_ =	sdelay $0x1  }
0x57: {  	v4 =	vmul.f32 v4, v3;
	_ =	sdelay $0x1  }
0x58: {  	v4 =	vsub.f32 $1.500000000e+00, v4;
	_ =	sdelay $0x1  }
0x59: {  	v3 =	vmul.f32 v4, v3;
	_ =	sdelay $0x1  }
0x5a: {  	v4 =	vmul.f32 v3, v2;
	_ =	sdelay $0x1  }
0x5b: {  	v4 =	vmul.f32 v4, v3;
	_ =	sdelay $0x1  }
0x5c: {  	v4 =	vsub.f32 $1.500000000e+00, v4;
	_ =	sdelay $0x1  }
0x5d: {  	v3 =	vmul.f32 v4, v3;
	_ =	sdelay $0x1  }
0x5e: {  	v2 =	vmul.f32 v3, v2;
	_ =	sdelay $0x1  }
0x5f: {  	v2 =	vmul.f32 v2, v3;
	_ =	sdelay $0x1  }
0x60: {  	v2 =	vsub.f32 $1.500000000e+00, v2;
	_ =	sdelay $0x1  }
0x61: {  	s31 =	simm.s32 $0x10;
	s17 =	simm.s32 $0x80;
	v2 =	vmul.f32 v2, v3  }
0x62: {  	s18 =	sand.u32 $0x70, s31;
	s19 =	sand.u32 $0x1C00, s17  }
0x63: {  	s19 =	sor.u32 s18, s19;
	s18 =	simm.s32 $0x20;
	[tilespmem:s16+$0x0] =	vst v2  }
.LBB2_7:
0x64: {  	p1 =	sne.s32 s18, $0x270;
	v2 =	vld [tilespmem:s19+$0x7980]  }
0x65: {  	v3 =	vld [tilespmem:s19+$0x7900];
	_ =	sdelay $0x1  }
0x66: {  	v4 =	vld [tilespmem:s19+$0x7A00];
	_ =	sdelay $0x1  }
0x67: {  	v5 =	vld [tilespmem:s19+$0x7A80]  }
0x68: {  	v2 =	vadd.f32 v2, v3  }
0x69: {  	v3 =	vld [tilespmem:s19+$0x7B00]  }
0x6a: {  	v2 =	vadd.f32 v4, v2  }
0x6b: {  	v4 =	vld [tilespmem:s19+$0x7B80]  }
0x6c: {  	v2 =	vadd.f32 v5, v2  }
0x6d: {  	v5 =	vld [tilespmem:s19+$0x7C00]  }
0x6e: {  	v2 =	vadd.f32 v3, v2  }
0x6f: {  	v3 =	vld [tilespmem:s19+$0x7C80]  }
0x70: {  	v2 =	vadd.f32 v4, v2  }
0x71: {  	v4 =	vld [tilespmem:s19+$0x8D00]  }
0x72: {  	v2 =	vadd.f32 v5, v2  }
0x73: {  	v5 =	vld [tilespmem:s19+$0x8D80]  }
0x74: {  	v2 =	vadd.f32 v3, v2  }
0x75: {  	v3 =	vld [tilespmem:s19+$0x8E00]  }
0x76: {  	v2 =	vadd.f32 v4, v2  }
0x77: {  	v4 =	vld [tilespmem:s19+$0x8E80]  }
0x78: {  	v2 =	vadd.f32 v5, v2  }
0x79: {  	v5 =	vld [tilespmem:s19+$0x8F00]  }
0x7a: {  	v2 =	vadd.f32 v3, v2  }
0x7b: {  	v3 =	vld [tilespmem:s19+$0x8F80]  }
0x7c: {  	v2 =	vadd.f32 v4, v2  }
0x7d: {  	v4 =	vld [tilespmem:s19+$0x9000]  }
0x7e: {  	v2 =	vadd.f32 v5, v2  }
0x7f: {  	v5 =	vld [tilespmem:s19+$0x9080]  }
0x80: {  	v2 =	vadd.f32 v3, v2;
	_ =	sdelay $0x1  }
0x81: {  	v2 =	vadd.f32 v4, v2;
	_ =	sdelay $0x1  }
0x82: {  	v2 =	vadd.f32 v5, v2;
	_ =	sdelay $0x1  }
0x83: {  	v2 =	vmax.f32 v2, $2.500000000e-01  }
0x84: {  	v3 =	vshrl.u32 v2, $0x1;
	v2 =	vmul.f32 $5.000000000e-01, v2  }
0x85: {  	v3 =	vsub.s32 $0x5F3759DF, v3  }
0x86: {  	v4 =	vmul.f32 v3, v2;
	_ =	sdelay $0x1  }
0x87: {  	v4 =	vmul.f32 v3, v4;
	_ =	sdelay $0x1  }
0x88: {  	v4 =	vsub.f32 $1.500000000e+00, v4;
	_ =	sdelay $0x1  }
0x89: {  	v3 =	vmul.f32 v3, v4;
	_ =	sdelay $0x1  }
0x8a: {  	v4 =	vmul.f32 v3, v2;
	_ =	sdelay $0x1  }
0x8b: {  	v4 =	vmul.f32 v4, v3;
	_ =	sdelay $0x1  }
0x8c: {  	v4 =	vsub.f32 $1.500000000e+00, v4;
	_ =	sdelay $0x1  }
0x8d: {  	v3 =	vmul.f32 v4, v3;
	_ =	sdelay $0x1  }
0x8e: {  	v4 =	vmul.f32 v3, v2;
	_ =	sdelay $0x1  }
0x8f: {  	v4 =	vmul.f32 v4, v3;
	_ =	sdelay $0x1  }
0x90: {  	v4 =	vsub.f32 $1.500000000e+00, v4;
	_ =	sdelay $0x1  }
0x91: {  	v3 =	vmul.f32 v4, v3;
	_ =	sdelay $0x1  }
0x92: {  	v2 =	vmul.f32 v3, v2;
	_ =	sdelay $0x1  }
0x93: {  	v2 =	vmul.f32 v2, v3;
	_ =	sdelay $0x1  }
.Ltmp5:
0x94: {  	v2 =	vsub.f32 $1.500000000e+00, v2;
	(pc) =	sbr.rel @p1 .LBB2_7-.Ltmp5, $4  }
0x95: {  	_ = 	snop  }
0x96: {  	s17 =	sadd.s32 $0x80, s17;
	v2 =	vmul.f32 v2, v3  }
0x97: {  	s16 =	sadd.s32 $0x10, s16;
	s20 =	sand.u32 $0x1C00, s17;
	s19 =	sand.u32 $0x70, s18  }
0x98: {  	s18 =	sadd.s32 $0x10, s18;
	s19 =	sor.u32 s19, s20;
	[tilespmem:s16+$0x0] =	vst v2  }
0x99: {  	v2 =	vld [tilespmem:s19+$0x7980]  }
0x9a: {  	v3 =	vld [tilespmem:s19+$0x7900];
	_ =	sdelay $0x1  }
0x9b: {  	v4 =	vld [tilespmem:s19+$0x7A00];
	_ =	sdelay $0x1  }
0x9c: {  	v5 =	vld [tilespmem:s19+$0x7A80]  }
0x9d: {  	v2 =	vadd.f32 v2, v3  }
0x9e: {  	v3 =	vld [tilespmem:s19+$0x7B00]  }
0x9f: {  	v2 =	vadd.f32 v4, v2  }
0xa0: {  	v55 =	vld [tilespmem:s19+$0x7B80]  }
0xa1: {  	v2 =	vadd.f32 v5, v2  }
0xa2: {  	v56 =	vld [tilespmem:s19+$0x7C00]  }
0xa3: {  	v2 =	vadd.f32 v3, v2  }
0xa4: {  	v3 =	vld [tilespmem:s19+$0x7C80]  }
0xa5: {  	v2 =	vadd.f32 v55, v2  }
0xa6: {  	v57 =	vld [tilespmem:s19+$0x8D00]  }
0xa7: {  	v2 =	vadd.f32 v56, v2  }
0xa8: {  	v58 =	vld [tilespmem:s19+$0x8D80]  }
0xa9: {  	v2 =	vadd.f32 v3, v2  }
0xaa: {  	v3 =	vld [tilespmem:s19+$0x8E00]  }
0xab: {  	v2 =	vadd.f32 v57, v2  }
0xac: {  	v59 =	vld [tilespmem:s19+$0x8E80]  }
0xad: {  	v2 =	vadd.f32 v58, v2  }
0xae: {  	v60 =	vld [tilespmem:s19+$0x8F00]  }
0xaf: {  	v2 =	vadd.f32 v3, v2  }
0xb0: {  	v3 =	vld [tilespmem:s19+$0x8F80]  }
0xb1: {  	v2 =	vadd.f32 v59, v2  }
0xb2: {  	v61 =	vld [tilespmem:s19+$0x9000]  }
0xb3: {  	v2 =	vadd.f32 v60, v2  }
0xb4: {  	v62 =	vld [tilespmem:s19+$0x9080]  }
0xb5: {  	v2 =	vadd.f32 v3, v2;
	_ =	sdelay $0x1  }
0xb6: {  	v2 =	vadd.f32 v61, v2;
	_ =	sdelay $0x1  }
0xb7: {  	v2 =	vadd.f32 v62, v2;
	_ =	sdelay $0x1  }
0xb8: {  	v2 =	vmax.f32 v2, $2.500000000e-01  }
0xb9: {  	v3 =	vshrl.u32 v2, $0x1;
	v2 =	vmul.f32 $5.000000000e-01, v2  }
0xba: {  	v3 =	vsub.s32 $0x5F3759DF, v3  }
0xbb: {  	v63 =	vmul.f32 v3, v2;
	_ =	sdelay $0x1  }
0xbc: {  	v4 =	vmul.f32 v3, v63;
	_ =	sdelay $0x1  }
0xbd: {  	v4 =	vsub.f32 $1.500000000e+00, v4;
	_ =	sdelay $0x1  }
0xbe: {  	v3 =	vmul.f32 v3, v4;
	_ =	sdelay $0x1  }
0xbf: {  	v4 =	vmul.f32 v3, v2;
	_ =	sdelay $0x1  }
0xc0: {  	v4 =	vmul.f32 v4, v3;
	_ =	sdelay $0x1  }
0xc1: {  	v4 =	vsub.f32 $1.500000000e+00, v4;
	_ =	sdelay $0x1  }
0xc2: {  	v3 =	vmul.f32 v4, v3;
	_ =	sdelay $0x1  }
0xc3: {  	v4 =	vmul.f32 v3, v2;
	_ =	sdelay $0x1  }
0xc4: {  	v4 =	vmul.f32 v4, v3;
	_ =	sdelay $0x1  }
0xc5: {  	v4 =	vsub.f32 $1.500000000e+00, v4;
	_ =	sdelay $0x1  }
0xc6: {  	v3 =	vmul.f32 v4, v3;
	_ =	sdelay $0x1  }
0xc7: {  	v2 =	vmul.f32 v3, v2;
	_ =	sdelay $0x1  }
0xc8: {  	v2 =	vmul.f32 v2, v3;
	_ =	sdelay $0x1  }
0xc9: {  	v2 =	vsub.f32 $1.500000000e+00, v2;
	_ =	sdelay $0x1  }
0xca: {  	v2 =	vmul.f32 v2, v3  }
0xcb: {  	s16 =	sadd.s32 $0x10, s16  }
.Ltmp6:
0xcc: {  	[tilespmem:s16+$0x0] =	vst v2;
	(pc) =	sbr.rel .LBB2_10-.Ltmp6, $4  }
0xcd: {  	[hbm4b:s6+s2] =	stream.linear.scatter [tilespmem:s9], [sflag:$0x1], $0x280, $0x38;
	[tilespmem:$0xC900] =	vst v63  }
0xce: {  	_ =	swait.ge [sflag:s8], $0x280  }
0xcf: {  	[sflag:s8] =	ssyncset.done $0x0  }
0xd0: {  	[sflag:s8] =	ssyncadd.s32 $0xFFFFFD80  }
.LBB2_11:
0xd1: {  	_ =	sfence.sel $0x180000  }
0xd2: {  	[bflag:$0x0] =	sbarrier.arrive $0xFFFF  }
0xd3: {  	p0 =	sne.s32 s1, $0x0;
	_ =	strace $0x90000047  }
0xd4: {  	s0 =	sadd.s32 @!p0 $0x100000, s0;
	[bflag:$0x2] =	sbarrier.arrive $0xFFFF  }
0xd5: {  	[sflag:s0] =	ssyncadd.tile.s32 @!p0 $0x1;
	_ =	shalt  }
.Lfunc_end2:
_tile_overlayer_lowered:
.L_overlay_start_2:
0xd6: {  	(tag) =	ssettag $0x2  }
0xd7: {  	s0 =	rddreg [dreg:$0x0];
	s2 =	stileid.u32  }
0xd8: {  	s1 =	rddreg [dreg:$0x1];
	p0 =	sne.s32 s2, $0x0  }
0xd9: {  	s3 =	rddreg [dreg:$0x2];
	[bflag:$0x3] =	sbarrier.arrive $0xFFFF;
	s2 =	simm.s32 @!p0 $0x1C01  }
0xda: {  	[timem:s3], [sflag:s2] =	dma.local @!p0 [hbm:s0], s1  }
0xdb: {  	s0 =	simm.s32 @!p0 $0x1  }
0xdc: {  	_ =	swait.ge @!p0 [sflag:s0], s1  }
0xdd: {  	s1 =	ssub.s32 @!p0 $0x0, s1;
	[sflag:s0] =	ssyncset.done @!p0 $0x0  }
0xde: {  	[sflag:s0] =	ssyncadd.s32 @!p0 s1  }
0xdf: {  	[bflag:$0x3] =	sbarrier.arrive $0xFFFF  }
0xe0: {  	_ =	shalt  }

// kernel: kernel.19.cloned.1.call-start
scs
__scs_entry_jumppad:
0x0: {  	(pc) =	sbr.rel $0x88, $3  }
0x1: {  	(tag) =	ssettag $0x0;
	lr =	simm.s32 $0x1  }
0x2: {  	[smem:$0x3F8F] =	sst lr;
	_ =	strace $0xD0000000  }
0x3: {  	_ = 	snop  }
0x4: {  	_ = 	snop  }
0x5: {  	_ = 	snop  }
0x6: {  	_ = 	snop  }
0x7: {  	_ = 	snop  }
__scs_overlays_trampoline_lowered:
0x8: {  	[smem:$0x3F9E] =	sst s0  }
0x9: {  	[smem:$0x3F9F] =	sst s1  }
0xa: {  	[smem:$0x3FA0] =	sst s2  }
0xb: {  	[smem:$0x3FA1] =	sst s3  }
0xc: {  	[smem:$0x3FA2] =	sst s4  }
0xd: {  	[smem:$0x3FA3] =	sst s5  }
0xe: {  	[smem:$0x3FA4] =	sst s6  }
0xf: {  	[smem:$0x3FA5] =	sst s7  }
0x10: {  	[smem:$0x3FA6] =	sst s8  }
0x11: {  	[smem:$0x3FA7] =	sst s9;
	s0 =	simm.s32 @!p0 $0x0  }
0x12: {  	s1 =	sld [smem:$0x3F8D];
	s0 =	simm.s32 @p0 $0x1  }
0x13: {  	[smem:$0x3FA8] =	sst s0;
	s0 =	simm.s32 @!p1 $0x0  }
0x14: {  	s2 =	sld [smem:$0x3F8C];
	s0 =	simm.s32 @p1 $0x1  }
0x15: {  	[smem:$0x3FA9] =	sst s0;
	s0 =	simm.s32 @!p2 $0x0  }
0x16: {  	s3 =	sld [smem:$0x3FDB];
	s0 =	simm.s32 @p2 $0x1  }
0x17: {  	s4 =	simm.s32 $0x1BF5;
	[smem:$0x3FAB] =	sst s0  }
0x18: {  	s0 =	sld [smem:$0x3F8E];
	_ =	swait.ge [sflag:s4], $0x0  }
0x19: {  	s7 =	sld [smem:$0x3F8F]  }
0x1a: {  	s8 =	sadd.s32 $0xFFFFE003, lr  }
0x1b: {  	s9 =	sadd.s32 $0xFFFFFEF7, lr;
	s5 =	simm.s32 $0xFFFFFFFF;
	p2 =	slt.u32 s8, $0xFFFFF086  }
0x1c: {  	p1 =	slt.u32 s9, $0xF7A;
	s5 =	simm.s32 @!p2 $0x0  }
0x1d: {  	s5 =	simm.s32 @p1 $0x1;
	p0 =	seq.s32 s7, s2  }
0x1e: {  	s7 =	smul.u32 @!p0 $0xF7A, s2;
	p2 =	seq.s32 @!p0 s5, $0x0  }
0x1f: {  	s9 =	smul.u32 $0xF7A, s1;
	s8 =	simm.s32 @!p0 $0x1BF5;
	p2 =	por !p2, p0  }
0x20: {  	[sflag:s8] =	ssyncset.s32 @!p0 $0xFFFFF086;
	s6 =	sadd.s32 @!p0 s3, s7;
	s7 =	simm.s32 @!p0 $0x108  }
0x21: {  	s3 =	sadd.s32 s3, s9;
	s6 =	sadd.s32 @!p0 $0x88, s6;
	s7 =	simm.s32 @p2 $0x1082  }
0x22: {  	[simem:s7], [sflag:s8] =	dma.local @!p0 [hbm:s6], $0xF7A  }
0x23: {  	s9 =	sor.u32 $0xD0000000, s2;
	s6 =	simm.s32 $0x108;
	_ =	swait.ge @!p0 [sflag:s8], $0x0  }
0x24: {  	s3 =	sadd.s32 $0x88, s3;
	s6 =	simm.s32 @!p1 $0x1082;
	[sflag:s4] =	ssyncset.s32 $0xFFFFF086  }
0x25: {  	[simem:s6], [sflag:s4] =	dma.local [hbm:s3], $0xF7A  }
0x26: {  	[smem:$0x3F8F] =	sst s1;
	(tag) =	ssettag s2;
	_ =	strace s9  }
0x27: {  	s1 =	sld [smem:$0x3F9F]  }
0x28: {  	s2 =	sld [smem:$0x3FA0]  }
0x29: {  	s4 =	sld [smem:$0x3FA2]  }
0x2a: {  	p0 =	seq.s32 s5, $0x0;
	s5 =	sld [smem:$0x3FA3]  }
0x2b: {  	s6 =	sld [smem:$0x3FA4]  }
0x2c: {  	s7 =	sld [smem:$0x3FA5]  }
0x2d: {  	s3 =	simm.s32 $0x108;
	s8 =	sld [smem:$0x3FA6]  }
0x2e: {  	s3 =	simm.s32 @!p0 $0x1082;
	s9 =	sld [smem:$0x3FA7]  }
0x2f: {  	lr =	sadd.s32 s0, s3;
	s0 =	sld [smem:$0x3F9E]  }
0x30: {  	s3 =	sld [smem:$0x3FA1]  }
0x31: {  	[smem:$0x3FAA] =	sst s10  }
0x32: {  	s10 =	sld [smem:$0x3FA8];
	_ =	sdelay $0x3  }
0x33: {  	p0 =	seq.s32 s10, $0x1;
	s10 =	sld [smem:$0x3FAA];
	_ =	sdelay $0x3  }
0x34: {  	[smem:$0x3FAA] =	sst s10  }
0x35: {  	s10 =	sld [smem:$0x3FA9];
	_ =	sdelay $0x3  }
0x36: {  	p1 =	seq.s32 s10, $0x1;
	s10 =	sld [smem:$0x3FAA];
	_ =	sdelay $0x3  }
0x37: {  	[smem:$0x3FAA] =	sst s10  }
0x38: {  	s10 =	sld [smem:$0x3FAB]  }
0x39: {  	_ = 	snop;
	(pc) =	sbr.ind lr, $3  }
0x3a: {  	_ = 	snop  }
0x3b: {  	_ = 	snop  }
0x3c: {  	p2 =	seq.s32 s10, $0x1;
	s10 =	sld [smem:$0x3FAA]  }
0x3d: {  	_ =	shalt  }
0x3e: {  	_ =	shalt  }
0x3f: {  	_ =	shalt  }
0x40: {  	_ =	shalt  }
0x41: {  	_ =	shalt  }
0x42: {  	_ =	shalt  }
0x43: {  	_ =	shalt  }
0x44: {  	_ =	shalt  }
0x45: {  	_ =	shalt  }
0x46: {  	_ =	shalt  }
0x47: {  	_ =	shalt  }
0x48: {  	_ =	shalt  }
0x49: {  	_ =	shalt  }
0x4a: {  	_ =	shalt  }
0x4b: {  	_ =	shalt  }
0x4c: {  	_ =	shalt  }
0x4d: {  	_ =	shalt  }
0x4e: {  	_ =	shalt  }
0x4f: {  	_ =	shalt  }
0x50: {  	_ =	shalt  }
0x51: {  	_ =	shalt  }
0x52: {  	_ =	shalt  }
0x53: {  	_ =	shalt  }
0x54: {  	_ =	shalt  }
0x55: {  	_ =	shalt  }
0x56: {  	_ =	shalt  }
0x57: {  	_ =	shalt  }
0x58: {  	_ =	shalt  }
0x59: {  	_ =	shalt  }
0x5a: {  	_ =	shalt  }
0x5b: {  	_ =	shalt  }
0x5c: {  	_ =	shalt  }
0x5d: {  	_ =	shalt  }
0x5e: {  	_ =	shalt  }
0x5f: {  	_ =	shalt  }
0x60: {  	_ =	shalt  }
0x61: {  	_ =	shalt  }
0x62: {  	_ =	shalt  }
0x63: {  	_ =	shalt  }
0x64: {  	_ =	shalt  }
0x65: {  	_ =	shalt  }
0x66: {  	_ =	shalt  }
0x67: {  	_ =	shalt  }
0x68: {  	_ =	shalt  }
0x69: {  	_ =	shalt  }
0x6a: {  	_ =	shalt  }
0x6b: {  	_ =	shalt  }
0x6c: {  	_ =	shalt  }
0x6d: {  	_ =	shalt  }
0x6e: {  	_ =	shalt  }
0x6f: {  	_ =	shalt  }
0x70: {  	_ =	shalt  }
0x71: {  	_ =	shalt  }
0x72: {  	_ =	shalt  }
0x73: {  	_ =	shalt  }
0x74: {  	_ =	shalt  }
0x75: {  	_ =	shalt  }
0x76: {  	_ =	shalt  }
0x77: {  	_ =	shalt  }
0x78: {  	_ =	shalt  }
0x79: {  	_ =	shalt  }
0x7a: {  	_ =	shalt  }
0x7b: {  	_ =	shalt  }
0x7c: {  	_ =	shalt  }
0x7d: {  	_ =	shalt  }
0x7e: {  	_ =	shalt  }
0x7f: {  	_ =	shalt  }
0x80: {  	_ =	shalt  }
0x81: {  	_ =	shalt  }
0x82: {  	_ =	shalt  }
0x83: {  	_ =	shalt  }
0x84: {  	_ =	shalt  }
0x85: {  	_ =	shalt  }
0x86: {  	_ =	shalt  }
0x87: {  	_ =	shalt  }
.Lfunc_end0:
.L_simem_size_0:
called_computation.1_lowered:
.L_overlay_start_0:
0x88: {  	s2 =	sld [smem:$0x3FD9]  }
0x89: {  	s3 =	sld [smem:$0x3FFE];
	_ =	sdelay $0x1  }
0x8a: {  	s1 =	srdreg.scid  }
0x8b: {  	s0 =	sand.u32 $0x1, s1  }
0x8c: {  	s16 =	sshll.u32 s0, $0xA;
	s2 =	sadd.s32 s3, s2  }
0x8d: {  	s2 =	sadd.s32 s2, s16  }
0x8e: {  	[smem:$0x3FB6] =	sst s2  }
0x8f: {  	_ = 	snop  }
0x90: {  	(tm) =	ssettm $0x1  }
0x91: {  	s17 =	sld [smem:$0x3FFB];
	_ =	sdelay $0x3  }
0x92: {  	_ =	strace s17  }
0x93: {  	s2 =	sld [smem:$0x3FFC];
	_ =	sdelay $0x3  }
0x94: {  	_ =	strace s2  }
0x95: {  	s2 =	sld [smem:$0x3FFD];
	_ =	sdelay $0x3  }
0x96: {  	_ =	strace s2  }
0x97: {  	_ =	strace $0x8FFFFFFF  }
0x98: {  	s18 =	sld [smem:$0x3FDB];
	_ =	sdelay $0x1  }
0x99: {  	s19 =	simm.s32 $_scs_section_size  }
0x9a: {  	s4 =	simm.s32 $_size__tile_overlayer_lowered;
	s5 =	simm.s32 $_tile_overlayer_lowered  }
0x9b: {  	s22 =	simm.s32 $0x1BFF;
	s21 =	sshll.u32 s5, $0x1;
	s2 =	sadd.s32 s19, s18  }
0x9c: {  	s6 =	simm.s32 $0x0;
	s20 =	sshll.u32 s4, $0x1;
	s4 =	sadd.s32 s21, s2  }
0x9d: {  	[timem:s6], [sflag:s22] =	dma.local [hbm:s4], s20  }
0x9e: {  	_ =	swait.ge [sflag:s22], s20  }
0x9f: {  	s3 =	ssub.s32 $0x0, s20;
	[sflag:s22] =	ssyncset.done $0x0  }
0xa0: {  	[sflag:s22] =	ssyncadd.s32 s3;
	_ =	sdelay $0x1  }
0xa1: {  	s23 =	simm.s32 $0x1B8B  }
0xa2: {  	_ =	swait.ge [sflag:s23], $0x1  }
0xa3: {  	[sflag:s23] =	ssyncset.done $0x0  }
0xa4: {  	s25 =	simm.s32 $0x1B8E;
	s24 =	sld [smem:$0x3FFE];
	[sflag:s23] =	ssyncadd.s32 $0xFFFFFFFF  }
0xa5: {  	s26 =	simm.s32 $execute0_lowered;
	[smem:$0x3FD2] =	sst s25  }
0xa6: {  	s4 =	sshll.u32 s26, $0x1;
	_ =	strace $0x80000049;
	[dreg:$0x1] =	wrdreg $0xFFFFFFFF  }
0xa7: {  	s28 =	simm.s32 $_size_execute0_lowered;
	s2 =	sadd.s32 s2, s4;
	[dreg:$0x0] =	wrdreg $0x0  }
0xa8: {  	s4 =	sshll.u32 s28, $0x1;
	[dreg:$0x2] =	wrdreg s2  }
0xa9: {  	[dreg:$0x3] =	wrdreg s4  }
0xaa: {  	[dreg:$0x4] =	wrdreg $0xC0  }
0xab: {  	_ =	task [dreg:s6], $0x5FFFF  }
0xac: {  	[dreg:$0x1] =	wrdreg $0xFFFFFFFF  }
0xad: {  	[dreg:$0x0] =	wrdreg $0x60  }
0xae: {  	[dreg:$0x2] =	wrdreg s24  }
0xaf: {  	[dreg:$0x3] =	wrdreg $0x82000  }
0xb0: {  	[dreg:$0x4] =	wrdreg $0x9  }
0xb1: {  	_ =	task.clear_ibuf [dreg:s6], $0x5FFFF;
	_ =	strace $0x90000049  }
0xb2: {  	s29 =	simm.s32 $0x9;
	_ =	strace $0x8000004B  }
0xb3: {  	_ =	swait.ge [sflag:s29], $0x1  }
0xb4: {  	[sflag:s29] =	ssyncadd.s32 $0xFFFFFFFF  }
0xb5: {  	_ =	strace $0x9000004B  }
0xb6: {  	_ =	sfence  }
0xb7: {  	s30 =	sld [smem:$0x0];
	_ =	sdelay $0x2  }
0xb8: {  	s31 =	sshll.u32 s1, $0xD;
	s1 =	sshrl.u32 s1, $0x2  }
0xb9: {  	s3 =	sand.u32 $0x4000, s31;
	s1 =	sadd.s32 s1, s30  }
0xba: {  	s0 =	sor.u32 s3, s0;
	s1 =	sshll.u32 s1, $0x11  }
0xbb: {  	s0 =	sor.u32 s1, s0  }
0xbc: {  	s0 =	sadd.s32 $0x8F2B, s0  }
0xbd: {  	[sflag:s0] =	ssyncadd.remote.s32 $0x1  }
0xbe: {  	_ =	sfence.sel $0xFFFF  }
0xbf: {  	[dreg:$0x0] =	wrdreg $0xFFFFFFFF;
	(pc) =	sbr.abs _section_cstart, $3  }
0xc0: {  	[dreg:$0x1] =	wrdreg $0xFFFFFFFF  }
0xc1: {  	_ =	task.clear_ibuf [dreg:s6], $0x2FFFF;
	_ =	strace $0x9FFFFFFF  }
0xc2: {  	(tm) =	ssettm $0x7FFFFFFF  }
0xc3: {  	_ =	shalt  }
tec
execute0_lowered:
.L_overlay_start_1:
0x0: {  	(tag) =	ssettag $0x1  }
0x1: {  	s4 =	rddreg [dreg:$0x0]  }
0x2: {  	s2 =	rddreg [dreg:$0x1];
	s1 =	stileid.u32  }
0x3: {  	s3 =	simm.s32 $0x0;
	s6 =	srdreg.scid;
	s13 =	simm.s32 $0x200  }
0x4: {  	s14 =	simm.s32 $0x7;
	s15 =	simm.s32 $0x80;
	s16 =	simm.s32 $0x100  }
0x5: {  	s17 =	simm.s32 $0x180;
	s18 =	simm.s32 $0x1;
	s19 =	simm.s32 $0x2  }
0x6: {  	s20 =	simm.s32 $0x4200;
	s21 =	simm.s32 $0x5;
	s5 =	smul.u32 $0xA20, s1  }
0x7: {  	s22 =	simm.s32 $0x3;
	s23 =	simm.s32 $0x6;
	s7 =	smul.u32 $0x50000, s1  }
0x8: {  	[smem:$0x7FF] =	sst s3;
	s6 =	sand.u32 $0x1, s6;
	s25 =	smul.u32 $0x2800, s1  }
0x9: {  	s26 =	simm.s32 $0x0;
	_ =	strace $0x8000004A;
	s8 =	smul.u32 $0x28000, s6  }
0xa: {  	s6 =	ssub.s32 $0x2, s6;
	s12 =	sadd.s32 s5, s4;
	s7 =	sshrl.u32 s7, $0x2  }
0xb: {  	s31 =	sshrl.u32 s6, $0x1;
	s10 =	sadd.s32 s8, s4;
	s4 =	sadd.s32 s7, s2  }
0xc: {  	s11 =	ssub.s32 s6, s31;
	s5 =	sadd.s32 $0x4000, s4;
	s6 =	sadd.s32 $0x8000, s4  }
0xd: {  	s7 =	sadd.s32 $0xC000, s4;
	s8 =	sadd.s32 $0x10000, s4;
	s9 =	sadd.s32 $0x18E00, s10  }
0xe: {  	s24 =	sadd.s32 $0x68E00, s10;
	s10 =	smax.u32 s11, $0x1;
	s11 =	sadd.s32 $0xEC00, s12  }
0xf: {  	v0 =	vimm.f32 $0.0e+00;
	s12 =	sadd.s32 $0x4400, s12;
	s24 =	sadd.s32 s25, s24;
	s25 =	simm.s32 $0x4  }
.LBB2_1:
0x10: {  	s28 =	simm.s32 $0x0;
	s29 =	simm.s32 $0x200  }
.LBB2_2:
0x11: {  	p0 =	sne.s32 s29, $0xFE00;
	[tilespmem:s28+$0x270] =	vst v0  }
0x12: {  	[tilespmem:s28+$0x200] =	vst v0  }
0x13: {  	[tilespmem:s28+$0x210] =	vst v0  }
.Ltmp0:
0x14: {  	[tilespmem:s28+$0x220] =	vst v0;
	(pc) =	sbr.rel @p0 .LBB2_2-.Ltmp0, $4  }
0x15: {  	[tilespmem:s28+$0x230] =	vst v0  }
0x16: {  	[tilespmem:s28+$0x240] =	vst v0  }
0x17: {  	[tilespmem:s28+$0x250] =	vst v0  }
0x18: {  	[tilespmem:s28+$0x260] =	vst v0;
	s28 =	sshra.s32 s29, $0x2;
	s29 =	sadd.s32 $0x200, s29  }
0x19: {  	[tilespmem:s28+$0x270] =	vst v0  }
0x1a: {  	[tilespmem:s28+$0x200] =	vst v0  }
0x1b: {  	[tilespmem:s28+$0x210] =	vst v0  }
0x1c: {  	[tilespmem:s28+$0x220] =	vst v0  }
0x1d: {  	[tilespmem:s28+$0x230] =	vst v0  }
0x1e: {  	[tilespmem:s28+$0x240] =	vst v0  }
0x1f: {  	[tilespmem:s28+$0x250] =	vst v0  }
0x20: {  	[tilespmem:s28+$0x260] =	vst v0  }
0x21: {  	[spmem:s4] =	stream.linear.scatter [tilespmem:s13], [sflag:$0x7], $0x4000, $0x38;
	[tilespmem:$0x1C200] =	vst v63  }
0x22: {  	_ =	swait.ge [sflag:s14], $0x4000  }
0x23: {  	[sflag:s14] =	ssyncset.done $0x0  }
0x24: {  	[sflag:s14] =	ssyncadd.s32 $0xFFFFC000  }
0x25: {  	[spmem:s5] =	stream.linear.scatter [tilespmem:s13], [sflag:$0x7], $0x4000, $0x38;
	[tilespmem:$0x1C200] =	vst v63  }
0x26: {  	_ =	swait.ge [sflag:s14], $0x4000  }
0x27: {  	[sflag:s14] =	ssyncset.done $0x0  }
0x28: {  	[sflag:s14] =	ssyncadd.s32 $0xFFFFC000  }
0x29: {  	[spmem:s6] =	stream.linear.scatter [tilespmem:s13], [sflag:$0x7], $0x4000, $0x38;
	[tilespmem:$0x1C200] =	vst v63  }
0x2a: {  	_ =	swait.ge [sflag:s14], $0x4000  }
0x2b: {  	[sflag:s14] =	ssyncset.done $0x0  }
0x2c: {  	[sflag:s14] =	ssyncadd.s32 $0xFFFFC000  }
0x2d: {  	[spmem:s7] =	stream.linear.scatter [tilespmem:s13], [sflag:$0x7], $0x4000, $0x38;
	[tilespmem:$0x1C200] =	vst v63  }
0x2e: {  	_ =	swait.ge [sflag:s14], $0x4000  }
0x2f: {  	[sflag:s14] =	ssyncset.done $0x0  }
0x30: {  	[sflag:s14] =	ssyncadd.s32 $0xFFFFC000  }
0x31: {  	[spmem:s8] =	stream.linear.scatter [tilespmem:s13], [sflag:$0x7], $0x4000, $0x38;
	[tilespmem:$0x1C200] =	vst v63  }
0x32: {  	_ =	swait.ge [sflag:s14], $0x4000  }
0x33: {  	[sflag:s14] =	ssyncset.done $0x0  }
0x34: {  	[sflag:s14] =	ssyncadd.s32 $0xFFFFC000  }
0x35: {  	s28 =	sadd.s32 $0x0, s11;
	[bflag:$0x0] =	sbarrier.arrive $0xFFFF  }
0x36: {  	[tilespmem:s3], [sflag:$0x1] =	stream.linear.gather [hbm4b:s28+s3], $0x80, $0x38;
	[tilespmem:$0x1C200] =	vst v63  }
0x37: {  	s28 =	sadd.s32 $0x10, s28  }
0x38: {  	[tilespmem:s15], [sflag:$0x2] =	stream.linear.gather [hbm4b:s28+s3], $0x80, $0x38;
	[tilespmem:$0x1C200] =	vst v63  }
0x39: {  	s28 =	sadd.s32 $0x0, s12  }
0x3a: {  	[tilespmem:s16], [sflag:$0x3] =	stream.linear.gather [hbm4b:s28+s3], $0x80, $0x38;
	[tilespmem:$0x1C200] =	vst v63  }
0x3b: {  	s28 =	sadd.s32 $0x10, s28  }
0x3c: {  	[tilespmem:s17], [sflag:$0x4] =	stream.linear.gather [hbm4b:s28+s3], $0x80, $0x38;
	[tilespmem:$0x1C200] =	vst v63  }
0x3d: {  	_ =	swait.ge [sflag:s18], $0x80  }
0x3e: {  	[sflag:s18] =	ssyncset.done $0x0  }
0x3f: {  	[sflag:s18] =	ssyncadd.s32 $0xFFFFFF80  }
0x40: {  	[tilespmem:s13], [sflag:$0x5] =	stream.indirect.gather [hbm4b:s9+s15], $0x80, s3, s15, $0xb8;
	[tilespmem:$0x1C200] =	vst v63  }
0x41: {  	_ =	swait.ge [sflag:s19], $0x80  }
0x42: {  	[sflag:s19] =	ssyncset.done $0x0  }
0x43: {  	[sflag:s19] =	ssyncadd.s32 $0xFFFFFF80  }
0x44: {  	[tilespmem:s20], [sflag:$0x6] =	stream.indirect.gather [hbm4b:s9+s15], $0x80, s15, s15, $0xb8;
	[tilespmem:$0x1C200] =	vst v63  }
0x45: {  	_ =	swait.ge [sflag:s21], $0x4000  }
0x46: {  	[sflag:s21] =	ssyncset.done $0x0  }
0x47: {  	[sflag:s21] =	ssyncadd.s32 $0xFFFFC000  }
0x48: {  	_ =	swait.ge [sflag:s22], $0x80  }
0x49: {  	[sflag:s22] =	ssyncset.done $0x0  }
0x4a: {  	[sflag:s22] =	ssyncadd.s32 $0xFFFFFF80  }
0x4b: {  	[spmem:s2] =	stream.indirect.scatter.add.f32 [tilespmem:s13], [sflag:$0x7], $0x80, s16, s15, $0xb8;
	[tilespmem:$0x1C200] =	vst v63  }
0x4c: {  	_ =	swait.ge [sflag:s14], $0x4000  }
0x4d: {  	[sflag:s14] =	ssyncset.done $0x0  }
0x4e: {  	[sflag:s14] =	ssyncadd.s32 $0xFFFFC000  }
0x4f: {  	_ =	swait.ge [sflag:s23], $0x4000  }
0x50: {  	[sflag:s23] =	ssyncset.done $0x0  }
0x51: {  	[sflag:s23] =	ssyncadd.s32 $0xFFFFC000  }
0x52: {  	_ =	swait.ge [sflag:s25], $0x80  }
0x53: {  	[sflag:s25] =	ssyncset.done $0x0  }
0x54: {  	[sflag:s25] =	ssyncadd.s32 $0xFFFFFF80  }
0x55: {  	[spmem:s2] =	stream.indirect.scatter.add.f32 [tilespmem:s20], [sflag:$0x7], $0x80, s17, s15, $0xb8;
	[tilespmem:$0x1C200] =	vst v63  }
0x56: {  	_ =	swait.ge [sflag:s14], $0x4000  }
0x57: {  	s30 =	simm.s32 $0x40;
	s28 =	simm.s32 $0x20;
	[sflag:s14] =	ssyncset.done $0x0  }
.LBB2_4:
0x58: {  	s31 =	sadd.s32 s28, s11  }
0x59: {  	[sflag:s14] =	ssyncadd.s32 $0xFFFFC000;
	s0 =	smov.u32 s30;
	s29 =	sadd.s32 $0x20, s30  }
0x5a: {  	[tilespmem:s3], [sflag:$0x1] =	stream.linear.gather [hbm4b:s31+s3], $0x80, $0x38;
	[tilespmem:$0x1C200] =	vst v63  }
0x5b: {  	p0 =	sne.s32 s30, $0xA00;
	s30 =	sadd.s32 $0x10, s31  }
0x5c: {  	[tilespmem:s15], [sflag:$0x2] =	stream.linear.gather [hbm4b:s30+s3], $0x80, $0x38;
	[tilespmem:$0x1C200] =	vst v63  }
0x5d: {  	s30 =	sadd.s32 s28, s12;
	s28 =	smov.u32 s0  }
0x5e: {  	[tilespmem:s16], [sflag:$0x3] =	stream.linear.gather [hbm4b:s30+s3], $0x80, $0x38;
	[tilespmem:$0x1C200] =	vst v63  }
0x5f: {  	s0 =	sadd.s32 $0x10, s30  }
0x60: {  	[tilespmem:s17], [sflag:$0x4] =	stream.linear.gather [hbm4b:s0+s3], $0x80, $0x38;
	[tilespmem:$0x1C200] =	vst v63  }
0x61: {  	_ =	swait.ge [sflag:s18], $0x80  }
0x62: {  	[sflag:s18] =	ssyncset.done $0x0  }
0x63: {  	[sflag:s18] =	ssyncadd.s32 $0xFFFFFF80  }
0x64: {  	[tilespmem:s13], [sflag:$0x5] =	stream.indirect.gather [hbm4b:s9+s15], $0x80, s3, s15, $0xb8;
	[tilespmem:$0x1C200] =	vst v63  }
0x65: {  	_ =	swait.ge [sflag:s19], $0x80  }
0x66: {  	[sflag:s19] =	ssyncset.done $0x0  }
0x67: {  	[sflag:s19] =	ssyncadd.s32 $0xFFFFFF80  }
0x68: {  	[tilespmem:s20], [sflag:$0x6] =	stream.indirect.gather [hbm4b:s9+s15], $0x80, s15, s15, $0xb8;
	[tilespmem:$0x1C200] =	vst v63  }
0x69: {  	_ =	swait.ge [sflag:s21], $0x4000  }
0x6a: {  	[sflag:s21] =	ssyncset.done $0x0  }
0x6b: {  	[sflag:s21] =	ssyncadd.s32 $0xFFFFC000  }
0x6c: {  	_ =	swait.ge [sflag:s22], $0x80  }
0x6d: {  	[sflag:s22] =	ssyncset.done $0x0  }
0x6e: {  	[sflag:s22] =	ssyncadd.s32 $0xFFFFFF80  }
0x6f: {  	[spmem:s2] =	stream.indirect.scatter.add.f32 [tilespmem:s13], [sflag:$0x7], $0x80, s16, s15, $0xb8;
	[tilespmem:$0x1C200] =	vst v63  }
0x70: {  	_ =	swait.ge [sflag:s14], $0x4000  }
0x71: {  	[sflag:s14] =	ssyncset.done $0x0  }
0x72: {  	[sflag:s14] =	ssyncadd.s32 $0xFFFFC000  }
0x73: {  	_ =	swait.ge [sflag:s23], $0x4000  }
0x74: {  	[sflag:s23] =	ssyncset.done $0x0  }
0x75: {  	[sflag:s23] =	ssyncadd.s32 $0xFFFFC000  }
0x76: {  	_ =	swait.ge [sflag:s25], $0x80  }
.Ltmp1:
0x77: {  	[sflag:s25] =	ssyncset.done $0x0;
	(pc) =	sbr.rel @p0 .LBB2_4-.Ltmp1, $4  }
0x78: {  	[sflag:s25] =	ssyncadd.s32 $0xFFFFFF80  }
0x79: {  	[spmem:s2] =	stream.indirect.scatter.add.f32 [tilespmem:s20], [sflag:$0x7], $0x80, s17, s15, $0xb8;
	[tilespmem:$0x1C200] =	vst v63  }
0x7a: {  	_ =	swait.ge [sflag:s14], $0x4000  }
0x7b: {  	s30 =	smov.u32 s29;
	[sflag:s14] =	ssyncset.done $0x0  }
0x7c: {  	s0 =	sadd.s32 s28, s11;
	[sflag:s14] =	ssyncadd.s32 $0xFFFFC000  }
0x7d: {  	[tilespmem:s3], [sflag:$0x1] =	stream.linear.gather [hbm4b:s0+s3], $0x80, $0x38;
	[tilespmem:$0x1C200] =	vst v63  }
0x7e: {  	s0 =	sadd.s32 $0x10, s0  }
0x7f: {  	[tilespmem:s15], [sflag:$0x2] =	stream.linear.gather [hbm4b:s0+s3], $0x80, $0x38;
	[tilespmem:$0x1C200] =	vst v63  }
0x80: {  	s29 =	sadd.s32 s28, s12  }
0x81: {  	[tilespmem:s16], [sflag:$0x3] =	stream.linear.gather [hbm4b:s29+s3], $0x80, $0x38;
	[tilespmem:$0x1C200] =	vst v63  }
0x82: {  	s0 =	sadd.s32 $0x10, s29  }
0x83: {  	[tilespmem:s17], [sflag:$0x4] =	stream.linear.gather [hbm4b:s0+s3], $0x80, $0x38;
	[tilespmem:$0x1C200] =	vst v63  }
0x84: {  	_ =	swait.ge [sflag:s18], $0x80  }
0x85: {  	[sflag:s18] =	ssyncset.done $0x0  }
0x86: {  	[sflag:s18] =	ssyncadd.s32 $0xFFFFFF80  }
0x87: {  	[tilespmem:s13], [sflag:$0x5] =	stream.indirect.gather [hbm4b:s9+s15], $0x80, s3, s15, $0xb8;
	[tilespmem:$0x1C200] =	vst v63  }
0x88: {  	_ =	swait.ge [sflag:s19], $0x80  }
0x89: {  	[sflag:s19] =	ssyncset.done $0x0  }
0x8a: {  	[sflag:s19] =	ssyncadd.s32 $0xFFFFFF80  }
0x8b: {  	[tilespmem:s20], [sflag:$0x6] =	stream.indirect.gather [hbm4b:s9+s15], $0x80, s15, s15, $0xb8;
	[tilespmem:$0x1C200] =	vst v63  }
0x8c: {  	_ =	swait.ge [sflag:s21], $0x4000  }
0x8d: {  	[sflag:s21] =	ssyncset.done $0x0  }
0x8e: {  	[sflag:s21] =	ssyncadd.s32 $0xFFFFC000  }
0x8f: {  	_ =	swait.ge [sflag:s22], $0x80  }
0x90: {  	[sflag:s22] =	ssyncset.done $0x0  }
0x91: {  	[sflag:s22] =	ssyncadd.s32 $0xFFFFFF80  }
0x92: {  	[spmem:s2] =	stream.indirect.scatter.add.f32 [tilespmem:s13], [sflag:$0x7], $0x80, s16, s15, $0xb8;
	[tilespmem:$0x1C200] =	vst v63  }
0x93: {  	_ =	swait.ge [sflag:s14], $0x4000  }
0x94: {  	[sflag:s14] =	ssyncset.done $0x0  }
0x95: {  	[sflag:s14] =	ssyncadd.s32 $0xFFFFC000  }
0x96: {  	_ =	swait.ge [sflag:s23], $0x4000  }
0x97: {  	[sflag:s23] =	ssyncset.done $0x0  }
0x98: {  	[sflag:s23] =	ssyncadd.s32 $0xFFFFC000  }
0x99: {  	_ =	swait.ge [sflag:s25], $0x80  }
0x9a: {  	[sflag:s25] =	ssyncset.done $0x0  }
0x9b: {  	[sflag:s25] =	ssyncadd.s32 $0xFFFFFF80  }
0x9c: {  	[spmem:s2] =	stream.indirect.scatter.add.f32 [tilespmem:s20], [sflag:$0x7], $0x80, s17, s15, $0xb8;
	[tilespmem:$0x1C200] =	vst v63  }
0x9d: {  	_ =	swait.ge [sflag:s14], $0x4000  }
0x9e: {  	s30 =	sshll.u32 s1, $0x6;
	s26 =	sadd.s32 $0x1, s26;
	[sflag:s14] =	ssyncset.done $0x0  }
0x9f: {  	s31 =	sshrl.u32 s4, $0x3;
	p0 =	sne.s32 s26, s10;
	[sflag:s14] =	ssyncadd.s32 $0xFFFFC000  }
.Ltmp2:
0xa0: {  	s0 =	sor.u32 $0x1C07, s30;
	[bflag:$0x0] =	sbarrier.arrive $0xFFFF;
	(pc) =	sbr.rel @p0 .LBB2_1-.Ltmp2, $4  }
0xa1: {  	[hbm:s24], [sflag:s0] =	dma.local [spmem:s31], $0x2800  }
0xa2: {  	_ =	swait.ge [sflag:s14], $0x2800  }
0xa3: {  	[sflag:s14] =	ssyncset.done $0x0  }
0xa4: {  	[sflag:s14] =	ssyncadd.s32 $0xFFFFD800  }
0xa5: {  	_ =	sfence.sel $0x180000  }
0xa6: {  	[bflag:$0x0] =	sbarrier.arrive $0xFFFF  }
0xa7: {  	_ =	strace $0x9000004A  }
0xa8: {  	[bflag:$0x2] =	sbarrier.arrive $0xFFFF  }
0xa9: {  	p0 =	sne.s32 s1, $0x0;
	s0 =	rddreg [dreg:$0x2]  }
0xaa: {  	s0 =	sadd.s32 @!p0 $0x100000, s0  }
0xab: {  	[sflag:s0] =	ssyncadd.tile.s32 @!p0 $0x1;
	_ =	shalt  }
.Lfunc_end2:
_tile_overlayer_lowered:
.L_overlay_start_2:
0xac: {  	(tag) =	ssettag $0x2  }
0xad: {  	s0 =	rddreg [dreg:$0x0];
	s2 =	stileid.u32  }
0xae: {  	s1 =	rddreg [dreg:$0x1];
	p0 =	sne.s32 s2, $0x0  }
0xaf: {  	s3 =	rddreg [dreg:$0x2];
	[bflag:$0x3] =	sbarrier.arrive $0xFFFF;
	s2 =	simm.s32 @!p0 $0x1C07  }
0xb0: {  	[timem:s3], [sflag:s2] =	dma.local @!p0 [hbm:s0], s1  }
0xb1: {  	s0 =	simm.s32 @!p0 $0x7  }
0xb2: {  	_ =	swait.ge @!p0 [sflag:s0], s1  }
0xb3: {  	s1 =	ssub.s32 @!p0 $0x0, s1;
	[sflag:s0] =	ssyncset.done @!p0 $0x0  }
0xb4: {  	[sflag:s0] =	ssyncadd.s32 @!p0 s1  }
0xb5: {  	[bflag:$0x3] =	sbarrier.arrive $0xFFFF  }
0xb6: {  	_ =	shalt  }

// kernel: kernel.22.cloned.1.call-start
scs
__scs_entry_jumppad:
0x0: {  	(pc) =	sbr.rel $0x88, $3  }
0x1: {  	(tag) =	ssettag $0x0;
	lr =	simm.s32 $0x1  }
0x2: {  	[smem:$0x3F8F] =	sst lr;
	_ =	strace $0xD0000000  }
0x3: {  	_ = 	snop  }
0x4: {  	_ = 	snop  }
0x5: {  	_ = 	snop  }
0x6: {  	_ = 	snop  }
0x7: {  	_ = 	snop  }
__scs_overlays_trampoline_lowered:
0x8: {  	[smem:$0x3F9E] =	sst s0  }
0x9: {  	[smem:$0x3F9F] =	sst s1  }
0xa: {  	[smem:$0x3FA0] =	sst s2  }
0xb: {  	[smem:$0x3FA1] =	sst s3  }
0xc: {  	[smem:$0x3FA2] =	sst s4  }
0xd: {  	[smem:$0x3FA3] =	sst s5  }
0xe: {  	[smem:$0x3FA4] =	sst s6  }
0xf: {  	[smem:$0x3FA5] =	sst s7  }
0x10: {  	[smem:$0x3FA6] =	sst s8  }
0x11: {  	[smem:$0x3FA7] =	sst s9;
	s0 =	simm.s32 @!p0 $0x0  }
0x12: {  	s1 =	sld [smem:$0x3F8D];
	s0 =	simm.s32 @p0 $0x1  }
0x13: {  	[smem:$0x3FA8] =	sst s0;
	s0 =	simm.s32 @!p1 $0x0  }
0x14: {  	s2 =	sld [smem:$0x3F8C];
	s0 =	simm.s32 @p1 $0x1  }
0x15: {  	[smem:$0x3FA9] =	sst s0;
	s0 =	simm.s32 @!p2 $0x0  }
0x16: {  	s3 =	sld [smem:$0x3FDB];
	s0 =	simm.s32 @p2 $0x1  }
0x17: {  	s4 =	simm.s32 $0x1BF5;
	[smem:$0x3FAB] =	sst s0  }
0x18: {  	s0 =	sld [smem:$0x3F8E];
	_ =	swait.ge [sflag:s4], $0x0  }
0x19: {  	s7 =	sld [smem:$0x3F8F]  }
0x1a: {  	s8 =	sadd.s32 $0xFFFFE003, lr  }
0x1b: {  	s9 =	sadd.s32 $0xFFFFFEF7, lr;
	s5 =	simm.s32 $0xFFFFFFFF;
	p2 =	slt.u32 s8, $0xFFFFF086  }
0x1c: {  	p1 =	slt.u32 s9, $0xF7A;
	s5 =	simm.s32 @!p2 $0x0  }
0x1d: {  	s5 =	simm.s32 @p1 $0x1;
	p0 =	seq.s32 s7, s2  }
0x1e: {  	s7 =	smul.u32 @!p0 $0xF7A, s2;
	p2 =	seq.s32 @!p0 s5, $0x0  }
0x1f: {  	s9 =	smul.u32 $0xF7A, s1;
	s8 =	simm.s32 @!p0 $0x1BF5;
	p2 =	por !p2, p0  }
0x20: {  	[sflag:s8] =	ssyncset.s32 @!p0 $0xFFFFF086;
	s6 =	sadd.s32 @!p0 s3, s7;
	s7 =	simm.s32 @!p0 $0x108  }
0x21: {  	s3 =	sadd.s32 s3, s9;
	s6 =	sadd.s32 @!p0 $0x88, s6;
	s7 =	simm.s32 @p2 $0x1082  }
0x22: {  	[simem:s7], [sflag:s8] =	dma.local @!p0 [hbm:s6], $0xF7A  }
0x23: {  	s9 =	sor.u32 $0xD0000000, s2;
	s6 =	simm.s32 $0x108;
	_ =	swait.ge @!p0 [sflag:s8], $0x0  }
0x24: {  	s3 =	sadd.s32 $0x88, s3;
	s6 =	simm.s32 @!p1 $0x1082;
	[sflag:s4] =	ssyncset.s32 $0xFFFFF086  }
0x25: {  	[simem:s6], [sflag:s4] =	dma.local [hbm:s3], $0xF7A  }
0x26: {  	[smem:$0x3F8F] =	sst s1;
	(tag) =	ssettag s2;
	_ =	strace s9  }
0x27: {  	s1 =	sld [smem:$0x3F9F]  }
0x28: {  	s2 =	sld [smem:$0x3FA0]  }
0x29: {  	s4 =	sld [smem:$0x3FA2]  }
0x2a: {  	p0 =	seq.s32 s5, $0x0;
	s5 =	sld [smem:$0x3FA3]  }
0x2b: {  	s6 =	sld [smem:$0x3FA4]  }
0x2c: {  	s7 =	sld [smem:$0x3FA5]  }
0x2d: {  	s3 =	simm.s32 $0x108;
	s8 =	sld [smem:$0x3FA6]  }
0x2e: {  	s3 =	simm.s32 @!p0 $0x1082;
	s9 =	sld [smem:$0x3FA7]  }
0x2f: {  	lr =	sadd.s32 s0, s3;
	s0 =	sld [smem:$0x3F9E]  }
0x30: {  	s3 =	sld [smem:$0x3FA1]  }
0x31: {  	[smem:$0x3FAA] =	sst s10  }
0x32: {  	s10 =	sld [smem:$0x3FA8];
	_ =	sdelay $0x3  }
0x33: {  	p0 =	seq.s32 s10, $0x1;
	s10 =	sld [smem:$0x3FAA];
	_ =	sdelay $0x3  }
0x34: {  	[smem:$0x3FAA] =	sst s10  }
0x35: {  	s10 =	sld [smem:$0x3FA9];
	_ =	sdelay $0x3  }
0x36: {  	p1 =	seq.s32 s10, $0x1;
	s10 =	sld [smem:$0x3FAA];
	_ =	sdelay $0x3  }
0x37: {  	[smem:$0x3FAA] =	sst s10  }
0x38: {  	s10 =	sld [smem:$0x3FAB]  }
0x39: {  	_ = 	snop;
	(pc) =	sbr.ind lr, $3  }
0x3a: {  	_ = 	snop  }
0x3b: {  	_ = 	snop  }
0x3c: {  	p2 =	seq.s32 s10, $0x1;
	s10 =	sld [smem:$0x3FAA]  }
0x3d: {  	_ =	shalt  }
0x3e: {  	_ =	shalt  }
0x3f: {  	_ =	shalt  }
0x40: {  	_ =	shalt  }
0x41: {  	_ =	shalt  }
0x42: {  	_ =	shalt  }
0x43: {  	_ =	shalt  }
0x44: {  	_ =	shalt  }
0x45: {  	_ =	shalt  }
0x46: {  	_ =	shalt  }
0x47: {  	_ =	shalt  }
0x48: {  	_ =	shalt  }
0x49: {  	_ =	shalt  }
0x4a: {  	_ =	shalt  }
0x4b: {  	_ =	shalt  }
0x4c: {  	_ =	shalt  }
0x4d: {  	_ =	shalt  }
0x4e: {  	_ =	shalt  }
0x4f: {  	_ =	shalt  }
0x50: {  	_ =	shalt  }
0x51: {  	_ =	shalt  }
0x52: {  	_ =	shalt  }
0x53: {  	_ =	shalt  }
0x54: {  	_ =	shalt  }
0x55: {  	_ =	shalt  }
0x56: {  	_ =	shalt  }
0x57: {  	_ =	shalt  }
0x58: {  	_ =	shalt  }
0x59: {  	_ =	shalt  }
0x5a: {  	_ =	shalt  }
0x5b: {  	_ =	shalt  }
0x5c: {  	_ =	shalt  }
0x5d: {  	_ =	shalt  }
0x5e: {  	_ =	shalt  }
0x5f: {  	_ =	shalt  }
0x60: {  	_ =	shalt  }
0x61: {  	_ =	shalt  }
0x62: {  	_ =	shalt  }
0x63: {  	_ =	shalt  }
0x64: {  	_ =	shalt  }
0x65: {  	_ =	shalt  }
0x66: {  	_ =	shalt  }
0x67: {  	_ =	shalt  }
0x68: {  	_ =	shalt  }
0x69: {  	_ =	shalt  }
0x6a: {  	_ =	shalt  }
0x6b: {  	_ =	shalt  }
0x6c: {  	_ =	shalt  }
0x6d: {  	_ =	shalt  }
0x6e: {  	_ =	shalt  }
0x6f: {  	_ =	shalt  }
0x70: {  	_ =	shalt  }
0x71: {  	_ =	shalt  }
0x72: {  	_ =	shalt  }
0x73: {  	_ =	shalt  }
0x74: {  	_ =	shalt  }
0x75: {  	_ =	shalt  }
0x76: {  	_ =	shalt  }
0x77: {  	_ =	shalt  }
0x78: {  	_ =	shalt  }
0x79: {  	_ =	shalt  }
0x7a: {  	_ =	shalt  }
0x7b: {  	_ =	shalt  }
0x7c: {  	_ =	shalt  }
0x7d: {  	_ =	shalt  }
0x7e: {  	_ =	shalt  }
0x7f: {  	_ =	shalt  }
0x80: {  	_ =	shalt  }
0x81: {  	_ =	shalt  }
0x82: {  	_ =	shalt  }
0x83: {  	_ =	shalt  }
0x84: {  	_ =	shalt  }
0x85: {  	_ =	shalt  }
0x86: {  	_ =	shalt  }
0x87: {  	_ =	shalt  }
.Lfunc_end0:
.L_simem_size_0:
called_computation.2_lowered:
.L_overlay_start_0:
0x88: {  	s2 =	sld [smem:$0x3FD9]  }
0x89: {  	s3 =	sld [smem:$0x3FFE];
	_ =	sdelay $0x1  }
0x8a: {  	s1 =	srdreg.scid  }
0x8b: {  	s0 =	sand.u32 $0x1, s1  }
0x8c: {  	s16 =	sshll.u32 s0, $0xA;
	s2 =	sadd.s32 s3, s2  }
0x8d: {  	s2 =	sadd.s32 s2, s16  }
0x8e: {  	[smem:$0x3FB6] =	sst s2  }
0x8f: {  	_ = 	snop  }
0x90: {  	(tm) =	ssettm $0x1  }
0x91: {  	s17 =	sld [smem:$0x3FFB];
	_ =	sdelay $0x3  }
0x92: {  	_ =	strace s17  }
0x93: {  	s2 =	sld [smem:$0x3FFC];
	_ =	sdelay $0x3  }
0x94: {  	_ =	strace s2  }
0x95: {  	s2 =	sld [smem:$0x3FFD];
	_ =	sdelay $0x3  }
0x96: {  	_ =	strace s2  }
0x97: {  	_ =	strace $0x8FFFFFFF  }
0x98: {  	s18 =	sld [smem:$0x3FDB];
	_ =	sdelay $0x1  }
0x99: {  	s19 =	simm.s32 $_scs_section_size  }
0x9a: {  	s4 =	simm.s32 $_size__tile_overlayer_lowered;
	s5 =	simm.s32 $_tile_overlayer_lowered  }
0x9b: {  	s22 =	simm.s32 $0x1BFF;
	s21 =	sshll.u32 s5, $0x1;
	s2 =	sadd.s32 s19, s18  }
0x9c: {  	s6 =	simm.s32 $0x0;
	s20 =	sshll.u32 s4, $0x1;
	s4 =	sadd.s32 s21, s2  }
0x9d: {  	[timem:s6], [sflag:s22] =	dma.local [hbm:s4], s20  }
0x9e: {  	_ =	swait.ge [sflag:s22], s20  }
0x9f: {  	s3 =	ssub.s32 $0x0, s20;
	[sflag:s22] =	ssyncset.done $0x0  }
0xa0: {  	[sflag:s22] =	ssyncadd.s32 s3;
	_ =	sdelay $0x1  }
0xa1: {  	s23 =	simm.s32 $0x1B8B  }
0xa2: {  	_ =	swait.ge [sflag:s23], $0x1  }
0xa3: {  	[sflag:s23] =	ssyncset.done $0x0  }
0xa4: {  	s25 =	simm.s32 $0x1B8E;
	s24 =	sld [smem:$0x3FFE];
	[sflag:s23] =	ssyncadd.s32 $0xFFFFFFFF  }
0xa5: {  	s26 =	simm.s32 $execute0_lowered;
	[smem:$0x3FD2] =	sst s25  }
0xa6: {  	s4 =	sshll.u32 s26, $0x1;
	_ =	strace $0x8000004C;
	[dreg:$0x1] =	wrdreg $0xFFFFFFFF  }
0xa7: {  	s28 =	simm.s32 $_size_execute0_lowered;
	s2 =	sadd.s32 s2, s4;
	[dreg:$0x0] =	wrdreg $0x0  }
0xa8: {  	s4 =	sshll.u32 s28, $0x1;
	[dreg:$0x2] =	wrdreg s2  }
0xa9: {  	[dreg:$0x3] =	wrdreg s4  }
0xaa: {  	[dreg:$0x4] =	wrdreg $0xC0  }
0xab: {  	_ =	task [dreg:s6], $0x5FFFF  }
0xac: {  	[dreg:$0x1] =	wrdreg $0xFFFFFFFF  }
0xad: {  	[dreg:$0x0] =	wrdreg $0x60  }
0xae: {  	[dreg:$0x2] =	wrdreg s24  }
0xaf: {  	[dreg:$0x3] =	wrdreg $0x82000  }
0xb0: {  	[dreg:$0x4] =	wrdreg $0x9  }
0xb1: {  	_ =	task.clear_ibuf [dreg:s6], $0x5FFFF;
	_ =	strace $0x9000004C  }
0xb2: {  	s29 =	simm.s32 $0x9;
	_ =	strace $0x8000004E  }
0xb3: {  	_ =	swait.ge [sflag:s29], $0x1  }
0xb4: {  	[sflag:s29] =	ssyncadd.s32 $0xFFFFFFFF  }
0xb5: {  	_ =	strace $0x9000004E  }
0xb6: {  	_ =	sfence  }
0xb7: {  	s30 =	sld [smem:$0x0];
	_ =	sdelay $0x2  }
0xb8: {  	s31 =	sshll.u32 s1, $0xD;
	s1 =	sshrl.u32 s1, $0x2  }
0xb9: {  	s3 =	sand.u32 $0x4000, s31;
	s1 =	sadd.s32 s1, s30  }
0xba: {  	s0 =	sor.u32 s3, s0;
	s1 =	sshll.u32 s1, $0x11  }
0xbb: {  	s0 =	sor.u32 s1, s0  }
0xbc: {  	s0 =	sadd.s32 $0x8F2B, s0  }
0xbd: {  	[sflag:s0] =	ssyncadd.remote.s32 $0x1  }
0xbe: {  	_ =	sfence.sel $0xFFFF  }
0xbf: {  	[dreg:$0x0] =	wrdreg $0xFFFFFFFF;
	(pc) =	sbr.abs _section_cstart, $3  }
0xc0: {  	[dreg:$0x1] =	wrdreg $0xFFFFFFFF  }
0xc1: {  	_ =	task.clear_ibuf [dreg:s6], $0x2FFFF;
	_ =	strace $0x9FFFFFFF  }
0xc2: {  	(tm) =	ssettm $0x7FFFFFFF  }
0xc3: {  	_ =	shalt  }
tec
execute0_lowered:
.L_overlay_start_1:
0x0: {  	(tag) =	ssettag $0x1  }
0x1: {  	s4 =	rddreg [dreg:$0x0]  }
0x2: {  	s2 =	rddreg [dreg:$0x1];
	s1 =	stileid.u32  }
0x3: {  	s3 =	simm.s32 $0x0;
	s6 =	srdreg.scid;
	s13 =	simm.s32 $0x200  }
0x4: {  	s14 =	simm.s32 $0x7;
	s15 =	simm.s32 $0x80;
	s16 =	simm.s32 $0x100  }
0x5: {  	s17 =	simm.s32 $0x180;
	s18 =	simm.s32 $0x1;
	s19 =	simm.s32 $0x2  }
0x6: {  	s20 =	simm.s32 $0x4200;
	s21 =	simm.s32 $0x5;
	s5 =	smul.u32 $0xA20, s1  }
0x7: {  	s22 =	simm.s32 $0x3;
	s23 =	simm.s32 $0x6;
	s7 =	smul.u32 $0x50000, s1  }
0x8: {  	[smem:$0x7FF] =	sst s3;
	s6 =	sand.u32 $0x1, s6;
	s25 =	smul.u32 $0x2800, s1  }
0x9: {  	s26 =	simm.s32 $0x0;
	_ =	strace $0x8000004D;
	s8 =	smul.u32 $0x28000, s6  }
0xa: {  	s6 =	ssub.s32 $0x2, s6;
	s12 =	sadd.s32 s5, s4;
	s7 =	sshrl.u32 s7, $0x2  }
0xb: {  	s31 =	sshrl.u32 s6, $0x1;
	s10 =	sadd.s32 s8, s4;
	s4 =	sadd.s32 s7, s2  }
0xc: {  	s11 =	ssub.s32 s6, s31;
	s5 =	sadd.s32 $0x4000, s4;
	s6 =	sadd.s32 $0x8000, s4  }
0xd: {  	s7 =	sadd.s32 $0xC000, s4;
	s8 =	sadd.s32 $0x10000, s4;
	s9 =	sadd.s32 $0x18E00, s10  }
0xe: {  	s24 =	sadd.s32 $0x68E00, s10;
	s10 =	smax.u32 s11, $0x1;
	s11 =	sadd.s32 $0xEC00, s12  }
0xf: {  	v0 =	vimm.f32 $0.0e+00;
	s12 =	sadd.s32 $0x4400, s12;
	s24 =	sadd.s32 s25, s24;
	s25 =	simm.s32 $0x4  }
.LBB2_1:
0x10: {  	s28 =	simm.s32 $0x0;
	s29 =	simm.s32 $0x200  }
.LBB2_2:
0x11: {  	p0 =	sne.s32 s29, $0xFE00;
	[tilespmem:s28+$0x270] =	vst v0  }
0x12: {  	[tilespmem:s28+$0x200] =	vst v0  }
0x13: {  	[tilespmem:s28+$0x210] =	vst v0  }
.Ltmp0:
0x14: {  	[tilespmem:s28+$0x220] =	vst v0;
	(pc) =	sbr.rel @p0 .LBB2_2-.Ltmp0, $4  }
0x15: {  	[tilespmem:s28+$0x230] =	vst v0  }
0x16: {  	[tilespmem:s28+$0x240] =	vst v0  }
0x17: {  	[tilespmem:s28+$0x250] =	vst v0  }
0x18: {  	[tilespmem:s28+$0x260] =	vst v0;
	s28 =	sshra.s32 s29, $0x2;
	s29 =	sadd.s32 $0x200, s29  }
0x19: {  	[tilespmem:s28+$0x270] =	vst v0  }
0x1a: {  	[tilespmem:s28+$0x200] =	vst v0  }
0x1b: {  	[tilespmem:s28+$0x210] =	vst v0  }
0x1c: {  	[tilespmem:s28+$0x220] =	vst v0  }
0x1d: {  	[tilespmem:s28+$0x230] =	vst v0  }
0x1e: {  	[tilespmem:s28+$0x240] =	vst v0  }
0x1f: {  	[tilespmem:s28+$0x250] =	vst v0  }
0x20: {  	[tilespmem:s28+$0x260] =	vst v0  }
0x21: {  	[spmem:s4] =	stream.linear.scatter [tilespmem:s13], [sflag:$0x7], $0x4000, $0x38;
	[tilespmem:$0x1C200] =	vst v63  }
0x22: {  	_ =	swait.ge [sflag:s14], $0x4000  }
0x23: {  	[sflag:s14] =	ssyncset.done $0x0  }
0x24: {  	[sflag:s14] =	ssyncadd.s32 $0xFFFFC000  }
0x25: {  	[spmem:s5] =	stream.linear.scatter [tilespmem:s13], [sflag:$0x7], $0x4000, $0x38;
	[tilespmem:$0x1C200] =	vst v63  }
0x26: {  	_ =	swait.ge [sflag:s14], $0x4000  }
0x27: {  	[sflag:s14] =	ssyncset.done $0x0  }
0x28: {  	[sflag:s14] =	ssyncadd.s32 $0xFFFFC000  }
0x29: {  	[spmem:s6] =	stream.linear.scatter [tilespmem:s13], [sflag:$0x7], $0x4000, $0x38;
	[tilespmem:$0x1C200] =	vst v63  }
0x2a: {  	_ =	swait.ge [sflag:s14], $0x4000  }
0x2b: {  	[sflag:s14] =	ssyncset.done $0x0  }
0x2c: {  	[sflag:s14] =	ssyncadd.s32 $0xFFFFC000  }
0x2d: {  	[spmem:s7] =	stream.linear.scatter [tilespmem:s13], [sflag:$0x7], $0x4000, $0x38;
	[tilespmem:$0x1C200] =	vst v63  }
0x2e: {  	_ =	swait.ge [sflag:s14], $0x4000  }
0x2f: {  	[sflag:s14] =	ssyncset.done $0x0  }
0x30: {  	[sflag:s14] =	ssyncadd.s32 $0xFFFFC000  }
0x31: {  	[spmem:s8] =	stream.linear.scatter [tilespmem:s13], [sflag:$0x7], $0x4000, $0x38;
	[tilespmem:$0x1C200] =	vst v63  }
0x32: {  	_ =	swait.ge [sflag:s14], $0x4000  }
0x33: {  	[sflag:s14] =	ssyncset.done $0x0  }
0x34: {  	[sflag:s14] =	ssyncadd.s32 $0xFFFFC000  }
0x35: {  	s28 =	sadd.s32 $0x0, s11;
	[bflag:$0x0] =	sbarrier.arrive $0xFFFF  }
0x36: {  	[tilespmem:s3], [sflag:$0x1] =	stream.linear.gather [hbm4b:s28+s3], $0x80, $0x38;
	[tilespmem:$0x1C200] =	vst v63  }
0x37: {  	s28 =	sadd.s32 $0x10, s28  }
0x38: {  	[tilespmem:s15], [sflag:$0x2] =	stream.linear.gather [hbm4b:s28+s3], $0x80, $0x38;
	[tilespmem:$0x1C200] =	vst v63  }
0x39: {  	s28 =	sadd.s32 $0x0, s12  }
0x3a: {  	[tilespmem:s16], [sflag:$0x3] =	stream.linear.gather [hbm4b:s28+s3], $0x80, $0x38;
	[tilespmem:$0x1C200] =	vst v63  }
0x3b: {  	s28 =	sadd.s32 $0x10, s28  }
0x3c: {  	[tilespmem:s17], [sflag:$0x4] =	stream.linear.gather [hbm4b:s28+s3], $0x80, $0x38;
	[tilespmem:$0x1C200] =	vst v63  }
0x3d: {  	_ =	swait.ge [sflag:s18], $0x80  }
0x3e: {  	[sflag:s18] =	ssyncset.done $0x0  }
0x3f: {  	[sflag:s18] =	ssyncadd.s32 $0xFFFFFF80  }
0x40: {  	[tilespmem:s13], [sflag:$0x5] =	stream.indirect.gather [hbm4b:s9+s15], $0x80, s3, s15, $0xb8;
	[tilespmem:$0x1C200] =	vst v63  }
0x41: {  	_ =	swait.ge [sflag:s19], $0x80  }
0x42: {  	[sflag:s19] =	ssyncset.done $0x0  }
0x43: {  	[sflag:s19] =	ssyncadd.s32 $0xFFFFFF80  }
0x44: {  	[tilespmem:s20], [sflag:$0x6] =	stream.indirect.gather [hbm4b:s9+s15], $0x80, s15, s15, $0xb8;
	[tilespmem:$0x1C200] =	vst v63  }
0x45: {  	_ =	swait.ge [sflag:s21], $0x4000  }
0x46: {  	[sflag:s21] =	ssyncset.done $0x0  }
0x47: {  	[sflag:s21] =	ssyncadd.s32 $0xFFFFC000  }
0x48: {  	_ =	swait.ge [sflag:s22], $0x80  }
0x49: {  	[sflag:s22] =	ssyncset.done $0x0  }
0x4a: {  	[sflag:s22] =	ssyncadd.s32 $0xFFFFFF80  }
0x4b: {  	[spmem:s2] =	stream.indirect.scatter.add.f32 [tilespmem:s13], [sflag:$0x7], $0x80, s16, s15, $0xb8;
	[tilespmem:$0x1C200] =	vst v63  }
0x4c: {  	_ =	swait.ge [sflag:s14], $0x4000  }
0x4d: {  	[sflag:s14] =	ssyncset.done $0x0  }
0x4e: {  	[sflag:s14] =	ssyncadd.s32 $0xFFFFC000  }
0x4f: {  	_ =	swait.ge [sflag:s23], $0x4000  }
0x50: {  	[sflag:s23] =	ssyncset.done $0x0  }
0x51: {  	[sflag:s23] =	ssyncadd.s32 $0xFFFFC000  }
0x52: {  	_ =	swait.ge [sflag:s25], $0x80  }
0x53: {  	[sflag:s25] =	ssyncset.done $0x0  }
0x54: {  	[sflag:s25] =	ssyncadd.s32 $0xFFFFFF80  }
0x55: {  	[spmem:s2] =	stream.indirect.scatter.add.f32 [tilespmem:s20], [sflag:$0x7], $0x80, s17, s15, $0xb8;
	[tilespmem:$0x1C200] =	vst v63  }
0x56: {  	_ =	swait.ge [sflag:s14], $0x4000  }
0x57: {  	s30 =	simm.s32 $0x40;
	s28 =	simm.s32 $0x20;
	[sflag:s14] =	ssyncset.done $0x0  }
.LBB2_4:
0x58: {  	s31 =	sadd.s32 s28, s11  }
0x59: {  	[sflag:s14] =	ssyncadd.s32 $0xFFFFC000;
	s0 =	smov.u32 s30;
	s29 =	sadd.s32 $0x20, s30  }
0x5a: {  	[tilespmem:s3], [sflag:$0x1] =	stream.linear.gather [hbm4b:s31+s3], $0x80, $0x38;
	[tilespmem:$0x1C200] =	vst v63  }
0x5b: {  	p0 =	sne.s32 s30, $0xA00;
	s30 =	sadd.s32 $0x10, s31  }
0x5c: {  	[tilespmem:s15], [sflag:$0x2] =	stream.linear.gather [hbm4b:s30+s3], $0x80, $0x38;
	[tilespmem:$0x1C200] =	vst v63  }
0x5d: {  	s30 =	sadd.s32 s28, s12;
	s28 =	smov.u32 s0  }
0x5e: {  	[tilespmem:s16], [sflag:$0x3] =	stream.linear.gather [hbm4b:s30+s3], $0x80, $0x38;
	[tilespmem:$0x1C200] =	vst v63  }
0x5f: {  	s0 =	sadd.s32 $0x10, s30  }
0x60: {  	[tilespmem:s17], [sflag:$0x4] =	stream.linear.gather [hbm4b:s0+s3], $0x80, $0x38;
	[tilespmem:$0x1C200] =	vst v63  }
0x61: {  	_ =	swait.ge [sflag:s18], $0x80  }
0x62: {  	[sflag:s18] =	ssyncset.done $0x0  }
0x63: {  	[sflag:s18] =	ssyncadd.s32 $0xFFFFFF80  }
0x64: {  	[tilespmem:s13], [sflag:$0x5] =	stream.indirect.gather [hbm4b:s9+s15], $0x80, s3, s15, $0xb8;
	[tilespmem:$0x1C200] =	vst v63  }
0x65: {  	_ =	swait.ge [sflag:s19], $0x80  }
0x66: {  	[sflag:s19] =	ssyncset.done $0x0  }
0x67: {  	[sflag:s19] =	ssyncadd.s32 $0xFFFFFF80  }
0x68: {  	[tilespmem:s20], [sflag:$0x6] =	stream.indirect.gather [hbm4b:s9+s15], $0x80, s15, s15, $0xb8;
	[tilespmem:$0x1C200] =	vst v63  }
0x69: {  	_ =	swait.ge [sflag:s21], $0x4000  }
0x6a: {  	[sflag:s21] =	ssyncset.done $0x0  }
0x6b: {  	[sflag:s21] =	ssyncadd.s32 $0xFFFFC000  }
0x6c: {  	_ =	swait.ge [sflag:s22], $0x80  }
0x6d: {  	[sflag:s22] =	ssyncset.done $0x0  }
0x6e: {  	[sflag:s22] =	ssyncadd.s32 $0xFFFFFF80  }
0x6f: {  	[spmem:s2] =	stream.indirect.scatter.add.f32 [tilespmem:s13], [sflag:$0x7], $0x80, s16, s15, $0xb8;
	[tilespmem:$0x1C200] =	vst v63  }
0x70: {  	_ =	swait.ge [sflag:s14], $0x4000  }
0x71: {  	[sflag:s14] =	ssyncset.done $0x0  }
0x72: {  	[sflag:s14] =	ssyncadd.s32 $0xFFFFC000  }
0x73: {  	_ =	swait.ge [sflag:s23], $0x4000  }
0x74: {  	[sflag:s23] =	ssyncset.done $0x0  }
0x75: {  	[sflag:s23] =	ssyncadd.s32 $0xFFFFC000  }
0x76: {  	_ =	swait.ge [sflag:s25], $0x80  }
.Ltmp1:
0x77: {  	[sflag:s25] =	ssyncset.done $0x0;
	(pc) =	sbr.rel @p0 .LBB2_4-.Ltmp1, $4  }
0x78: {  	[sflag:s25] =	ssyncadd.s32 $0xFFFFFF80  }
0x79: {  	[spmem:s2] =	stream.indirect.scatter.add.f32 [tilespmem:s20], [sflag:$0x7], $0x80, s17, s15, $0xb8;
	[tilespmem:$0x1C200] =	vst v63  }
0x7a: {  	_ =	swait.ge [sflag:s14], $0x4000  }
0x7b: {  	s30 =	smov.u32 s29;
	[sflag:s14] =	ssyncset.done $0x0  }
0x7c: {  	s0 =	sadd.s32 s28, s11;
	[sflag:s14] =	ssyncadd.s32 $0xFFFFC000  }
0x7d: {  	[tilespmem:s3], [sflag:$0x1] =	stream.linear.gather [hbm4b:s0+s3], $0x80, $0x38;
	[tilespmem:$0x1C200] =	vst v63  }
0x7e: {  	s0 =	sadd.s32 $0x10, s0  }
0x7f: {  	[tilespmem:s15], [sflag:$0x2] =	stream.linear.gather [hbm4b:s0+s3], $0x80, $0x38;
	[tilespmem:$0x1C200] =	vst v63  }
0x80: {  	s29 =	sadd.s32 s28, s12  }
0x81: {  	[tilespmem:s16], [sflag:$0x3] =	stream.linear.gather [hbm4b:s29+s3], $0x80, $0x38;
	[tilespmem:$0x1C200] =	vst v63  }
0x82: {  	s0 =	sadd.s32 $0x10, s29  }
0x83: {  	[tilespmem:s17], [sflag:$0x4] =	stream.linear.gather [hbm4b:s0+s3], $0x80, $0x38;
	[tilespmem:$0x1C200] =	vst v63  }
0x84: {  	_ =	swait.ge [sflag:s18], $0x80  }
0x85: {  	[sflag:s18] =	ssyncset.done $0x0  }
0x86: {  	[sflag:s18] =	ssyncadd.s32 $0xFFFFFF80  }
0x87: {  	[tilespmem:s13], [sflag:$0x5] =	stream.indirect.gather [hbm4b:s9+s15], $0x80, s3, s15, $0xb8;
	[tilespmem:$0x1C200] =	vst v63  }
0x88: {  	_ =	swait.ge [sflag:s19], $0x80  }
0x89: {  	[sflag:s19] =	ssyncset.done $0x0  }
0x8a: {  	[sflag:s19] =	ssyncadd.s32 $0xFFFFFF80  }
0x8b: {  	[tilespmem:s20], [sflag:$0x6] =	stream.indirect.gather [hbm4b:s9+s15], $0x80, s15, s15, $0xb8;
	[tilespmem:$0x1C200] =	vst v63  }
0x8c: {  	_ =	swait.ge [sflag:s21], $0x4000  }
0x8d: {  	[sflag:s21] =	ssyncset.done $0x0  }
0x8e: {  	[sflag:s21] =	ssyncadd.s32 $0xFFFFC000  }
0x8f: {  	_ =	swait.ge [sflag:s22], $0x80  }
0x90: {  	[sflag:s22] =	ssyncset.done $0x0  }
0x91: {  	[sflag:s22] =	ssyncadd.s32 $0xFFFFFF80  }
0x92: {  	[spmem:s2] =	stream.indirect.scatter.add.f32 [tilespmem:s13], [sflag:$0x7], $0x80, s16, s15, $0xb8;
	[tilespmem:$0x1C200] =	vst v63  }
0x93: {  	_ =	swait.ge [sflag:s14], $0x4000  }
0x94: {  	[sflag:s14] =	ssyncset.done $0x0  }
0x95: {  	[sflag:s14] =	ssyncadd.s32 $0xFFFFC000  }
0x96: {  	_ =	swait.ge [sflag:s23], $0x4000  }
0x97: {  	[sflag:s23] =	ssyncset.done $0x0  }
0x98: {  	[sflag:s23] =	ssyncadd.s32 $0xFFFFC000  }
0x99: {  	_ =	swait.ge [sflag:s25], $0x80  }
0x9a: {  	[sflag:s25] =	ssyncset.done $0x0  }
0x9b: {  	[sflag:s25] =	ssyncadd.s32 $0xFFFFFF80  }
0x9c: {  	[spmem:s2] =	stream.indirect.scatter.add.f32 [tilespmem:s20], [sflag:$0x7], $0x80, s17, s15, $0xb8;
	[tilespmem:$0x1C200] =	vst v63  }
0x9d: {  	_ =	swait.ge [sflag:s14], $0x4000  }
0x9e: {  	s30 =	sshll.u32 s1, $0x6;
	s26 =	sadd.s32 $0x1, s26;
	[sflag:s14] =	ssyncset.done $0x0  }
0x9f: {  	s31 =	sshrl.u32 s4, $0x3;
	p0 =	sne.s32 s26, s10;
	[sflag:s14] =	ssyncadd.s32 $0xFFFFC000  }
.Ltmp2:
0xa0: {  	s0 =	sor.u32 $0x1C07, s30;
	[bflag:$0x0] =	sbarrier.arrive $0xFFFF;
	(pc) =	sbr.rel @p0 .LBB2_1-.Ltmp2, $4  }
0xa1: {  	[hbm:s24], [sflag:s0] =	dma.local [spmem:s31], $0x2800  }
0xa2: {  	_ =	swait.ge [sflag:s14], $0x2800  }
0xa3: {  	[sflag:s14] =	ssyncset.done $0x0  }
0xa4: {  	[sflag:s14] =	ssyncadd.s32 $0xFFFFD800  }
0xa5: {  	_ =	sfence.sel $0x180000  }
0xa6: {  	[bflag:$0x0] =	sbarrier.arrive $0xFFFF  }
0xa7: {  	_ =	strace $0x9000004D  }
0xa8: {  	[bflag:$0x2] =	sbarrier.arrive $0xFFFF  }
0xa9: {  	p0 =	sne.s32 s1, $0x0;
	s0 =	rddreg [dreg:$0x2]  }
0xaa: {  	s0 =	sadd.s32 @!p0 $0x100000, s0  }
0xab: {  	[sflag:s0] =	ssyncadd.tile.s32 @!p0 $0x1;
	_ =	shalt  }
.Lfunc_end2:
_tile_overlayer_lowered:
.L_overlay_start_2:
0xac: {  	(tag) =	ssettag $0x2  }
0xad: {  	s0 =	rddreg [dreg:$0x0];
	s2 =	stileid.u32  }
0xae: {  	s1 =	rddreg [dreg:$0x1];
	p0 =	sne.s32 s2, $0x0  }
0xaf: {  	s3 =	rddreg [dreg:$0x2];
	[bflag:$0x3] =	sbarrier.arrive $0xFFFF;
	s2 =	simm.s32 @!p0 $0x1C07  }
0xb0: {  	[timem:s3], [sflag:s2] =	dma.local @!p0 [hbm:s0], s1  }
0xb1: {  	s0 =	simm.s32 @!p0 $0x7  }
0xb2: {  	_ =	swait.ge @!p0 [sflag:s0], s1  }
0xb3: {  	s1 =	ssub.s32 @!p0 $0x0, s1;
	[sflag:s0] =	ssyncset.done @!p0 $0x0  }
0xb4: {  	[sflag:s0] =	ssyncadd.s32 @!p0 s1  }
0xb5: {  	[bflag:$0x3] =	sbarrier.arrive $0xFFFF  }
0xb6: {  	_ =	shalt  }

// kernel: kernel.25.cloned.1.call-start
scs
__scs_entry_jumppad:
0x0: {  	(pc) =	sbr.rel $0x88, $3  }
0x1: {  	(tag) =	ssettag $0x0;
	lr =	simm.s32 $0x1  }
0x2: {  	[smem:$0x3F8F] =	sst lr;
	_ =	strace $0xD0000000  }
0x3: {  	_ = 	snop  }
0x4: {  	_ = 	snop  }
0x5: {  	_ = 	snop  }
0x6: {  	_ = 	snop  }
0x7: {  	_ = 	snop  }
__scs_overlays_trampoline_lowered:
0x8: {  	[smem:$0x3F9E] =	sst s0  }
0x9: {  	[smem:$0x3F9F] =	sst s1  }
0xa: {  	[smem:$0x3FA0] =	sst s2  }
0xb: {  	[smem:$0x3FA1] =	sst s3  }
0xc: {  	[smem:$0x3FA2] =	sst s4  }
0xd: {  	[smem:$0x3FA3] =	sst s5  }
0xe: {  	[smem:$0x3FA4] =	sst s6  }
0xf: {  	[smem:$0x3FA5] =	sst s7  }
0x10: {  	[smem:$0x3FA6] =	sst s8  }
0x11: {  	[smem:$0x3FA7] =	sst s9;
	s0 =	simm.s32 @!p0 $0x0  }
0x12: {  	s1 =	sld [smem:$0x3F8D];
	s0 =	simm.s32 @p0 $0x1  }
0x13: {  	[smem:$0x3FA8] =	sst s0;
	s0 =	simm.s32 @!p1 $0x0  }
0x14: {  	s2 =	sld [smem:$0x3F8C];
	s0 =	simm.s32 @p1 $0x1  }
0x15: {  	[smem:$0x3FA9] =	sst s0;
	s0 =	simm.s32 @!p2 $0x0  }
0x16: {  	s3 =	sld [smem:$0x3FDB];
	s0 =	simm.s32 @p2 $0x1  }
0x17: {  	s4 =	simm.s32 $0x1BF5;
	[smem:$0x3FAB] =	sst s0  }
0x18: {  	s0 =	sld [smem:$0x3F8E];
	_ =	swait.ge [sflag:s4], $0x0  }
0x19: {  	s7 =	sld [smem:$0x3F8F]  }
0x1a: {  	s8 =	sadd.s32 $0xFFFFE003, lr  }
0x1b: {  	s9 =	sadd.s32 $0xFFFFFEF7, lr;
	s5 =	simm.s32 $0xFFFFFFFF;
	p2 =	slt.u32 s8, $0xFFFFF086  }
0x1c: {  	p1 =	slt.u32 s9, $0xF7A;
	s5 =	simm.s32 @!p2 $0x0  }
0x1d: {  	s5 =	simm.s32 @p1 $0x1;
	p0 =	seq.s32 s7, s2  }
0x1e: {  	s7 =	smul.u32 @!p0 $0xF7A, s2;
	p2 =	seq.s32 @!p0 s5, $0x0  }
0x1f: {  	s9 =	smul.u32 $0xF7A, s1;
	s8 =	simm.s32 @!p0 $0x1BF5;
	p2 =	por !p2, p0  }
0x20: {  	[sflag:s8] =	ssyncset.s32 @!p0 $0xFFFFF086;
	s6 =	sadd.s32 @!p0 s3, s7;
	s7 =	simm.s32 @!p0 $0x108  }
0x21: {  	s3 =	sadd.s32 s3, s9;
	s6 =	sadd.s32 @!p0 $0x88, s6;
	s7 =	simm.s32 @p2 $0x1082  }
0x22: {  	[simem:s7], [sflag:s8] =	dma.local @!p0 [hbm:s6], $0xF7A  }
0x23: {  	s9 =	sor.u32 $0xD0000000, s2;
	s6 =	simm.s32 $0x108;
	_ =	swait.ge @!p0 [sflag:s8], $0x0  }
0x24: {  	s3 =	sadd.s32 $0x88, s3;
	s6 =	simm.s32 @!p1 $0x1082;
	[sflag:s4] =	ssyncset.s32 $0xFFFFF086  }
0x25: {  	[simem:s6], [sflag:s4] =	dma.local [hbm:s3], $0xF7A  }
0x26: {  	[smem:$0x3F8F] =	sst s1;
	(tag) =	ssettag s2;
	_ =	strace s9  }
0x27: {  	s1 =	sld [smem:$0x3F9F]  }
0x28: {  	s2 =	sld [smem:$0x3FA0]  }
0x29: {  	s4 =	sld [smem:$0x3FA2]  }
0x2a: {  	p0 =	seq.s32 s5, $0x0;
	s5 =	sld [smem:$0x3FA3]  }
0x2b: {  	s6 =	sld [smem:$0x3FA4]  }
0x2c: {  	s7 =	sld [smem:$0x3FA5]  }
0x2d: {  	s3 =	simm.s32 $0x108;
	s8 =	sld [smem:$0x3FA6]  }
0x2e: {  	s3 =	simm.s32 @!p0 $0x1082;
	s9 =	sld [smem:$0x3FA7]  }
0x2f: {  	lr =	sadd.s32 s0, s3;
	s0 =	sld [smem:$0x3F9E]  }
0x30: {  	s3 =	sld [smem:$0x3FA1]  }
0x31: {  	[smem:$0x3FAA] =	sst s10  }
0x32: {  	s10 =	sld [smem:$0x3FA8];
	_ =	sdelay $0x3  }
0x33: {  	p0 =	seq.s32 s10, $0x1;
	s10 =	sld [smem:$0x3FAA];
	_ =	sdelay $0x3  }
0x34: {  	[smem:$0x3FAA] =	sst s10  }
0x35: {  	s10 =	sld [smem:$0x3FA9];
	_ =	sdelay $0x3  }
0x36: {  	p1 =	seq.s32 s10, $0x1;
	s10 =	sld [smem:$0x3FAA];
	_ =	sdelay $0x3  }
0x37: {  	[smem:$0x3FAA] =	sst s10  }
0x38: {  	s10 =	sld [smem:$0x3FAB]  }
0x39: {  	_ = 	snop;
	(pc) =	sbr.ind lr, $3  }
0x3a: {  	_ = 	snop  }
0x3b: {  	_ = 	snop  }
0x3c: {  	p2 =	seq.s32 s10, $0x1;
	s10 =	sld [smem:$0x3FAA]  }
0x3d: {  	_ =	shalt  }
0x3e: {  	_ =	shalt  }
0x3f: {  	_ =	shalt  }
0x40: {  	_ =	shalt  }
0x41: {  	_ =	shalt  }
0x42: {  	_ =	shalt  }
0x43: {  	_ =	shalt  }
0x44: {  	_ =	shalt  }
0x45: {  	_ =	shalt  }
0x46: {  	_ =	shalt  }
0x47: {  	_ =	shalt  }
0x48: {  	_ =	shalt  }
0x49: {  	_ =	shalt  }
0x4a: {  	_ =	shalt  }
0x4b: {  	_ =	shalt  }
0x4c: {  	_ =	shalt  }
0x4d: {  	_ =	shalt  }
0x4e: {  	_ =	shalt  }
0x4f: {  	_ =	shalt  }
0x50: {  	_ =	shalt  }
0x51: {  	_ =	shalt  }
0x52: {  	_ =	shalt  }
0x53: {  	_ =	shalt  }
0x54: {  	_ =	shalt  }
0x55: {  	_ =	shalt  }
0x56: {  	_ =	shalt  }
0x57: {  	_ =	shalt  }
0x58: {  	_ =	shalt  }
0x59: {  	_ =	shalt  }
0x5a: {  	_ =	shalt  }
0x5b: {  	_ =	shalt  }
0x5c: {  	_ =	shalt  }
0x5d: {  	_ =	shalt  }
0x5e: {  	_ =	shalt  }
0x5f: {  	_ =	shalt  }
0x60: {  	_ =	shalt  }
0x61: {  	_ =	shalt  }
0x62: {  	_ =	shalt  }
0x63: {  	_ =	shalt  }
0x64: {  	_ =	shalt  }
0x65: {  	_ =	shalt  }
0x66: {  	_ =	shalt  }
0x67: {  	_ =	shalt  }
0x68: {  	_ =	shalt  }
0x69: {  	_ =	shalt  }
0x6a: {  	_ =	shalt  }
0x6b: {  	_ =	shalt  }
0x6c: {  	_ =	shalt  }
0x6d: {  	_ =	shalt  }
0x6e: {  	_ =	shalt  }
0x6f: {  	_ =	shalt  }
0x70: {  	_ =	shalt  }
0x71: {  	_ =	shalt  }
0x72: {  	_ =	shalt  }
0x73: {  	_ =	shalt  }
0x74: {  	_ =	shalt  }
0x75: {  	_ =	shalt  }
0x76: {  	_ =	shalt  }
0x77: {  	_ =	shalt  }
0x78: {  	_ =	shalt  }
0x79: {  	_ =	shalt  }
0x7a: {  	_ =	shalt  }
0x7b: {  	_ =	shalt  }
0x7c: {  	_ =	shalt  }
0x7d: {  	_ =	shalt  }
0x7e: {  	_ =	shalt  }
0x7f: {  	_ =	shalt  }
0x80: {  	_ =	shalt  }
0x81: {  	_ =	shalt  }
0x82: {  	_ =	shalt  }
0x83: {  	_ =	shalt  }
0x84: {  	_ =	shalt  }
0x85: {  	_ =	shalt  }
0x86: {  	_ =	shalt  }
0x87: {  	_ =	shalt  }
.Lfunc_end0:
.L_simem_size_0:
called_computation.3_lowered:
.L_overlay_start_0:
0x88: {  	s2 =	sld [smem:$0x3FD9]  }
0x89: {  	s3 =	sld [smem:$0x3FFE];
	_ =	sdelay $0x1  }
0x8a: {  	s1 =	srdreg.scid  }
0x8b: {  	s0 =	sand.u32 $0x1, s1  }
0x8c: {  	s16 =	sshll.u32 s0, $0xA;
	s2 =	sadd.s32 s3, s2  }
0x8d: {  	s2 =	sadd.s32 s2, s16  }
0x8e: {  	[smem:$0x3FB6] =	sst s2  }
0x8f: {  	_ = 	snop  }
0x90: {  	(tm) =	ssettm $0x1  }
0x91: {  	s17 =	sld [smem:$0x3FFB];
	_ =	sdelay $0x3  }
0x92: {  	_ =	strace s17  }
0x93: {  	s2 =	sld [smem:$0x3FFC];
	_ =	sdelay $0x3  }
0x94: {  	_ =	strace s2  }
0x95: {  	s2 =	sld [smem:$0x3FFD];
	_ =	sdelay $0x3  }
0x96: {  	_ =	strace s2  }
0x97: {  	_ =	strace $0x8FFFFFFF  }
0x98: {  	s18 =	sld [smem:$0x3FDB];
	_ =	sdelay $0x1  }
0x99: {  	s19 =	simm.s32 $_scs_section_size  }
0x9a: {  	s4 =	simm.s32 $_size__tile_overlayer_lowered;
	s5 =	simm.s32 $_tile_overlayer_lowered  }
0x9b: {  	s22 =	simm.s32 $0x1BFF;
	s21 =	sshll.u32 s5, $0x1;
	s2 =	sadd.s32 s19, s18  }
0x9c: {  	s6 =	simm.s32 $0x0;
	s20 =	sshll.u32 s4, $0x1;
	s4 =	sadd.s32 s21, s2  }
0x9d: {  	[timem:s6], [sflag:s22] =	dma.local [hbm:s4], s20  }
0x9e: {  	_ =	swait.ge [sflag:s22], s20  }
0x9f: {  	s3 =	ssub.s32 $0x0, s20;
	[sflag:s22] =	ssyncset.done $0x0  }
0xa0: {  	[sflag:s22] =	ssyncadd.s32 s3;
	_ =	sdelay $0x1  }
0xa1: {  	s23 =	simm.s32 $0x1B8B  }
0xa2: {  	_ =	swait.ge [sflag:s23], $0x1  }
0xa3: {  	[sflag:s23] =	ssyncset.done $0x0  }
0xa4: {  	s25 =	simm.s32 $0x1B8E;
	s24 =	sld [smem:$0x3FFE];
	[sflag:s23] =	ssyncadd.s32 $0xFFFFFFFF  }
0xa5: {  	s26 =	simm.s32 $execute0_lowered;
	[smem:$0x3FD2] =	sst s25  }
0xa6: {  	s4 =	sshll.u32 s26, $0x1;
	_ =	strace $0x8000004F;
	[dreg:$0x1] =	wrdreg $0xFFFFFFFF  }
0xa7: {  	s28 =	simm.s32 $_size_execute0_lowered;
	s2 =	sadd.s32 s2, s4;
	[dreg:$0x0] =	wrdreg $0x0  }
0xa8: {  	s4 =	sshll.u32 s28, $0x1;
	[dreg:$0x2] =	wrdreg s2  }
0xa9: {  	[dreg:$0x3] =	wrdreg s4  }
0xaa: {  	[dreg:$0x4] =	wrdreg $0xC0  }
0xab: {  	_ =	task [dreg:s6], $0x5FFFF  }
0xac: {  	[dreg:$0x1] =	wrdreg $0xFFFFFFFF  }
0xad: {  	[dreg:$0x0] =	wrdreg $0x60  }
0xae: {  	[dreg:$0x2] =	wrdreg s24  }
0xaf: {  	[dreg:$0x3] =	wrdreg $0x82000  }
0xb0: {  	[dreg:$0x4] =	wrdreg $0x9  }
0xb1: {  	_ =	task.clear_ibuf [dreg:s6], $0x5FFFF;
	_ =	strace $0x9000004F  }
0xb2: {  	s29 =	simm.s32 $0x9;
	_ =	strace $0x80000051  }
0xb3: {  	_ =	swait.ge [sflag:s29], $0x1  }
0xb4: {  	[sflag:s29] =	ssyncadd.s32 $0xFFFFFFFF  }
0xb5: {  	_ =	strace $0x90000051  }
0xb6: {  	_ =	sfence  }
0xb7: {  	s30 =	sld [smem:$0x0];
	_ =	sdelay $0x2  }
0xb8: {  	s31 =	sshll.u32 s1, $0xD;
	s1 =	sshrl.u32 s1, $0x2  }
0xb9: {  	s3 =	sand.u32 $0x4000, s31;
	s1 =	sadd.s32 s1, s30  }
0xba: {  	s0 =	sor.u32 s3, s0;
	s1 =	sshll.u32 s1, $0x11  }
0xbb: {  	s0 =	sor.u32 s1, s0  }
0xbc: {  	s0 =	sadd.s32 $0x8F2B, s0  }
0xbd: {  	[sflag:s0] =	ssyncadd.remote.s32 $0x1  }
0xbe: {  	_ =	sfence.sel $0xFFFF  }
0xbf: {  	[dreg:$0x0] =	wrdreg $0xFFFFFFFF;
	(pc) =	sbr.abs _section_cstart, $3  }
0xc0: {  	[dreg:$0x1] =	wrdreg $0xFFFFFFFF  }
0xc1: {  	_ =	task.clear_ibuf [dreg:s6], $0x2FFFF;
	_ =	strace $0x9FFFFFFF  }
0xc2: {  	(tm) =	ssettm $0x7FFFFFFF  }
0xc3: {  	_ =	shalt  }
tec
execute0_lowered:
.L_overlay_start_1:
0x0: {  	(tag) =	ssettag $0x1  }
0x1: {  	s4 =	rddreg [dreg:$0x0]  }
0x2: {  	s2 =	rddreg [dreg:$0x1];
	s1 =	stileid.u32  }
0x3: {  	s3 =	simm.s32 $0x0;
	s6 =	srdreg.scid;
	s13 =	simm.s32 $0x200  }
0x4: {  	s14 =	simm.s32 $0x7;
	s15 =	simm.s32 $0x80;
	s16 =	simm.s32 $0x100  }
0x5: {  	s17 =	simm.s32 $0x180;
	s18 =	simm.s32 $0x1;
	s19 =	simm.s32 $0x2  }
0x6: {  	s20 =	simm.s32 $0x4200;
	s21 =	simm.s32 $0x5;
	s5 =	smul.u32 $0xA20, s1  }
0x7: {  	s22 =	simm.s32 $0x3;
	s23 =	simm.s32 $0x6;
	s7 =	smul.u32 $0x50000, s1  }
0x8: {  	[smem:$0x7FF] =	sst s3;
	s6 =	sand.u32 $0x1, s6;
	s25 =	smul.u32 $0x2800, s1  }
0x9: {  	s26 =	simm.s32 $0x0;
	_ =	strace $0x80000050;
	s8 =	smul.u32 $0x28000, s6  }
0xa: {  	s6 =	ssub.s32 $0x2, s6;
	s12 =	sadd.s32 s5, s4;
	s7 =	sshrl.u32 s7, $0x2  }
0xb: {  	s31 =	sshrl.u32 s6, $0x1;
	s10 =	sadd.s32 s8, s4;
	s4 =	sadd.s32 s7, s2  }
0xc: {  	s11 =	ssub.s32 s6, s31;
	s5 =	sadd.s32 $0x4000, s4;
	s6 =	sadd.s32 $0x8000, s4  }
0xd: {  	s7 =	sadd.s32 $0xC000, s4;
	s8 =	sadd.s32 $0x10000, s4;
	s9 =	sadd.s32 $0x18E00, s10  }
0xe: {  	s24 =	sadd.s32 $0x68E00, s10;
	s10 =	smax.u32 s11, $0x1;
	s11 =	sadd.s32 $0xEC00, s12  }
0xf: {  	v0 =	vimm.f32 $0.0e+00;
	s12 =	sadd.s32 $0x4400, s12;
	s24 =	sadd.s32 s25, s24;
	s25 =	simm.s32 $0x4  }
.LBB2_1:
0x10: {  	s28 =	simm.s32 $0x0;
	s29 =	simm.s32 $0x200  }
.LBB2_2:
0x11: {  	p0 =	sne.s32 s29, $0xFE00;
	[tilespmem:s28+$0x270] =	vst v0  }
0x12: {  	[tilespmem:s28+$0x200] =	vst v0  }
0x13: {  	[tilespmem:s28+$0x210] =	vst v0  }
.Ltmp0:
0x14: {  	[tilespmem:s28+$0x220] =	vst v0;
	(pc) =	sbr.rel @p0 .LBB2_2-.Ltmp0, $4  }
0x15: {  	[tilespmem:s28+$0x230] =	vst v0  }
0x16: {  	[tilespmem:s28+$0x240] =	vst v0  }
0x17: {  	[tilespmem:s28+$0x250] =	vst v0  }
0x18: {  	[tilespmem:s28+$0x260] =	vst v0;
	s28 =	sshra.s32 s29, $0x2;
	s29 =	sadd.s32 $0x200, s29  }
0x19: {  	[tilespmem:s28+$0x270] =	vst v0  }
0x1a: {  	[tilespmem:s28+$0x200] =	vst v0  }
0x1b: {  	[tilespmem:s28+$0x210] =	vst v0  }
0x1c: {  	[tilespmem:s28+$0x220] =	vst v0  }
0x1d: {  	[tilespmem:s28+$0x230] =	vst v0  }
0x1e: {  	[tilespmem:s28+$0x240] =	vst v0  }
0x1f: {  	[tilespmem:s28+$0x250] =	vst v0  }
0x20: {  	[tilespmem:s28+$0x260] =	vst v0  }
0x21: {  	[spmem:s4] =	stream.linear.scatter [tilespmem:s13], [sflag:$0x7], $0x4000, $0x38;
	[tilespmem:$0x1C200] =	vst v63  }
0x22: {  	_ =	swait.ge [sflag:s14], $0x4000  }
0x23: {  	[sflag:s14] =	ssyncset.done $0x0  }
0x24: {  	[sflag:s14] =	ssyncadd.s32 $0xFFFFC000  }
0x25: {  	[spmem:s5] =	stream.linear.scatter [tilespmem:s13], [sflag:$0x7], $0x4000, $0x38;
	[tilespmem:$0x1C200] =	vst v63  }
0x26: {  	_ =	swait.ge [sflag:s14], $0x4000  }
0x27: {  	[sflag:s14] =	ssyncset.done $0x0  }
0x28: {  	[sflag:s14] =	ssyncadd.s32 $0xFFFFC000  }
0x29: {  	[spmem:s6] =	stream.linear.scatter [tilespmem:s13], [sflag:$0x7], $0x4000, $0x38;
	[tilespmem:$0x1C200] =	vst v63  }
0x2a: {  	_ =	swait.ge [sflag:s14], $0x4000  }
0x2b: {  	[sflag:s14] =	ssyncset.done $0x0  }
0x2c: {  	[sflag:s14] =	ssyncadd.s32 $0xFFFFC000  }
0x2d: {  	[spmem:s7] =	stream.linear.scatter [tilespmem:s13], [sflag:$0x7], $0x4000, $0x38;
	[tilespmem:$0x1C200] =	vst v63  }
0x2e: {  	_ =	swait.ge [sflag:s14], $0x4000  }
0x2f: {  	[sflag:s14] =	ssyncset.done $0x0  }
0x30: {  	[sflag:s14] =	ssyncadd.s32 $0xFFFFC000  }
0x31: {  	[spmem:s8] =	stream.linear.scatter [tilespmem:s13], [sflag:$0x7], $0x4000, $0x38;
	[tilespmem:$0x1C200] =	vst v63  }
0x32: {  	_ =	swait.ge [sflag:s14], $0x4000  }
0x33: {  	[sflag:s14] =	ssyncset.done $0x0  }
0x34: {  	[sflag:s14] =	ssyncadd.s32 $0xFFFFC000  }
0x35: {  	s28 =	sadd.s32 $0x0, s11;
	[bflag:$0x0] =	sbarrier.arrive $0xFFFF  }
0x36: {  	[tilespmem:s3], [sflag:$0x1] =	stream.linear.gather [hbm4b:s28+s3], $0x80, $0x38;
	[tilespmem:$0x1C200] =	vst v63  }
0x37: {  	s28 =	sadd.s32 $0x10, s28  }
0x38: {  	[tilespmem:s15], [sflag:$0x2] =	stream.linear.gather [hbm4b:s28+s3], $0x80, $0x38;
	[tilespmem:$0x1C200] =	vst v63  }
0x39: {  	s28 =	sadd.s32 $0x0, s12  }
0x3a: {  	[tilespmem:s16], [sflag:$0x3] =	stream.linear.gather [hbm4b:s28+s3], $0x80, $0x38;
	[tilespmem:$0x1C200] =	vst v63  }
0x3b: {  	s28 =	sadd.s32 $0x10, s28  }
0x3c: {  	[tilespmem:s17], [sflag:$0x4] =	stream.linear.gather [hbm4b:s28+s3], $0x80, $0x38;
	[tilespmem:$0x1C200] =	vst v63  }
0x3d: {  	_ =	swait.ge [sflag:s18], $0x80  }
0x3e: {  	[sflag:s18] =	ssyncset.done $0x0  }
0x3f: {  	[sflag:s18] =	ssyncadd.s32 $0xFFFFFF80  }
0x40: {  	[tilespmem:s13], [sflag:$0x5] =	stream.indirect.gather [hbm4b:s9+s15], $0x80, s3, s15, $0xb8;
	[tilespmem:$0x1C200] =	vst v63  }
0x41: {  	_ =	swait.ge [sflag:s19], $0x80  }
0x42: {  	[sflag:s19] =	ssyncset.done $0x0  }
0x43: {  	[sflag:s19] =	ssyncadd.s32 $0xFFFFFF80  }
0x44: {  	[tilespmem:s20], [sflag:$0x6] =	stream.indirect.gather [hbm4b:s9+s15], $0x80, s15, s15, $0xb8;
	[tilespmem:$0x1C200] =	vst v63  }
0x45: {  	_ =	swait.ge [sflag:s21], $0x4000  }
0x46: {  	[sflag:s21] =	ssyncset.done $0x0  }
0x47: {  	[sflag:s21] =	ssyncadd.s32 $0xFFFFC000  }
0x48: {  	_ =	swait.ge [sflag:s22], $0x80  }
0x49: {  	[sflag:s22] =	ssyncset.done $0x0  }
0x4a: {  	[sflag:s22] =	ssyncadd.s32 $0xFFFFFF80  }
0x4b: {  	[spmem:s2] =	stream.indirect.scatter.add.f32 [tilespmem:s13], [sflag:$0x7], $0x80, s16, s15, $0xb8;
	[tilespmem:$0x1C200] =	vst v63  }
0x4c: {  	_ =	swait.ge [sflag:s14], $0x4000  }
0x4d: {  	[sflag:s14] =	ssyncset.done $0x0  }
0x4e: {  	[sflag:s14] =	ssyncadd.s32 $0xFFFFC000  }
0x4f: {  	_ =	swait.ge [sflag:s23], $0x4000  }
0x50: {  	[sflag:s23] =	ssyncset.done $0x0  }
0x51: {  	[sflag:s23] =	ssyncadd.s32 $0xFFFFC000  }
0x52: {  	_ =	swait.ge [sflag:s25], $0x80  }
0x53: {  	[sflag:s25] =	ssyncset.done $0x0  }
0x54: {  	[sflag:s25] =	ssyncadd.s32 $0xFFFFFF80  }
0x55: {  	[spmem:s2] =	stream.indirect.scatter.add.f32 [tilespmem:s20], [sflag:$0x7], $0x80, s17, s15, $0xb8;
	[tilespmem:$0x1C200] =	vst v63  }
0x56: {  	_ =	swait.ge [sflag:s14], $0x4000  }
0x57: {  	s30 =	simm.s32 $0x40;
	s28 =	simm.s32 $0x20;
	[sflag:s14] =	ssyncset.done $0x0  }
.LBB2_4:
0x58: {  	s31 =	sadd.s32 s28, s11  }
0x59: {  	[sflag:s14] =	ssyncadd.s32 $0xFFFFC000;
	s0 =	smov.u32 s30;
	s29 =	sadd.s32 $0x20, s30  }
0x5a: {  	[tilespmem:s3], [sflag:$0x1] =	stream.linear.gather [hbm4b:s31+s3], $0x80, $0x38;
	[tilespmem:$0x1C200] =	vst v63  }
0x5b: {  	p0 =	sne.s32 s30, $0xA00;
	s30 =	sadd.s32 $0x10, s31  }
0x5c: {  	[tilespmem:s15], [sflag:$0x2] =	stream.linear.gather [hbm4b:s30+s3], $0x80, $0x38;
	[tilespmem:$0x1C200] =	vst v63  }
0x5d: {  	s30 =	sadd.s32 s28, s12;
	s28 =	smov.u32 s0  }
0x5e: {  	[tilespmem:s16], [sflag:$0x3] =	stream.linear.gather [hbm4b:s30+s3], $0x80, $0x38;
	[tilespmem:$0x1C200] =	vst v63  }
0x5f: {  	s0 =	sadd.s32 $0x10, s30  }
0x60: {  	[tilespmem:s17], [sflag:$0x4] =	stream.linear.gather [hbm4b:s0+s3], $0x80, $0x38;
	[tilespmem:$0x1C200] =	vst v63  }
0x61: {  	_ =	swait.ge [sflag:s18], $0x80  }
0x62: {  	[sflag:s18] =	ssyncset.done $0x0  }
0x63: {  	[sflag:s18] =	ssyncadd.s32 $0xFFFFFF80  }
0x64: {  	[tilespmem:s13], [sflag:$0x5] =	stream.indirect.gather [hbm4b:s9+s15], $0x80, s3, s15, $0xb8;
	[tilespmem:$0x1C200] =	vst v63  }
0x65: {  	_ =	swait.ge [sflag:s19], $0x80  }
0x66: {  	[sflag:s19] =	ssyncset.done $0x0  }
0x67: {  	[sflag:s19] =	ssyncadd.s32 $0xFFFFFF80  }
0x68: {  	[tilespmem:s20], [sflag:$0x6] =	stream.indirect.gather [hbm4b:s9+s15], $0x80, s15, s15, $0xb8;
	[tilespmem:$0x1C200] =	vst v63  }
0x69: {  	_ =	swait.ge [sflag:s21], $0x4000  }
0x6a: {  	[sflag:s21] =	ssyncset.done $0x0  }
0x6b: {  	[sflag:s21] =	ssyncadd.s32 $0xFFFFC000  }
0x6c: {  	_ =	swait.ge [sflag:s22], $0x80  }
0x6d: {  	[sflag:s22] =	ssyncset.done $0x0  }
0x6e: {  	[sflag:s22] =	ssyncadd.s32 $0xFFFFFF80  }
0x6f: {  	[spmem:s2] =	stream.indirect.scatter.add.f32 [tilespmem:s13], [sflag:$0x7], $0x80, s16, s15, $0xb8;
	[tilespmem:$0x1C200] =	vst v63  }
0x70: {  	_ =	swait.ge [sflag:s14], $0x4000  }
0x71: {  	[sflag:s14] =	ssyncset.done $0x0  }
0x72: {  	[sflag:s14] =	ssyncadd.s32 $0xFFFFC000  }
0x73: {  	_ =	swait.ge [sflag:s23], $0x4000  }
0x74: {  	[sflag:s23] =	ssyncset.done $0x0  }
0x75: {  	[sflag:s23] =	ssyncadd.s32 $0xFFFFC000  }
0x76: {  	_ =	swait.ge [sflag:s25], $0x80  }
.Ltmp1:
0x77: {  	[sflag:s25] =	ssyncset.done $0x0;
	(pc) =	sbr.rel @p0 .LBB2_4-.Ltmp1, $4  }
0x78: {  	[sflag:s25] =	ssyncadd.s32 $0xFFFFFF80  }
0x79: {  	[spmem:s2] =	stream.indirect.scatter.add.f32 [tilespmem:s20], [sflag:$0x7], $0x80, s17, s15, $0xb8;
	[tilespmem:$0x1C200] =	vst v63  }
0x7a: {  	_ =	swait.ge [sflag:s14], $0x4000  }
0x7b: {  	s30 =	smov.u32 s29;
	[sflag:s14] =	ssyncset.done $0x0  }
0x7c: {  	s0 =	sadd.s32 s28, s11;
	[sflag:s14] =	ssyncadd.s32 $0xFFFFC000  }
0x7d: {  	[tilespmem:s3], [sflag:$0x1] =	stream.linear.gather [hbm4b:s0+s3], $0x80, $0x38;
	[tilespmem:$0x1C200] =	vst v63  }
0x7e: {  	s0 =	sadd.s32 $0x10, s0  }
0x7f: {  	[tilespmem:s15], [sflag:$0x2] =	stream.linear.gather [hbm4b:s0+s3], $0x80, $0x38;
	[tilespmem:$0x1C200] =	vst v63  }
0x80: {  	s29 =	sadd.s32 s28, s12  }
0x81: {  	[tilespmem:s16], [sflag:$0x3] =	stream.linear.gather [hbm4b:s29+s3], $0x80, $0x38;
	[tilespmem:$0x1C200] =	vst v63  }
0x82: {  	s0 =	sadd.s32 $0x10, s29  }
0x83: {  	[tilespmem:s17], [sflag:$0x4] =	stream.linear.gather [hbm4b:s0+s3], $0x80, $0x38;
	[tilespmem:$0x1C200] =	vst v63  }
0x84: {  	_ =	swait.ge [sflag:s18], $0x80  }
0x85: {  	[sflag:s18] =	ssyncset.done $0x0  }
0x86: {  	[sflag:s18] =	ssyncadd.s32 $0xFFFFFF80  }
0x87: {  	[tilespmem:s13], [sflag:$0x5] =	stream.indirect.gather [hbm4b:s9+s15], $0x80, s3, s15, $0xb8;
	[tilespmem:$0x1C200] =	vst v63  }
0x88: {  	_ =	swait.ge [sflag:s19], $0x80  }
0x89: {  	[sflag:s19] =	ssyncset.done $0x0  }
0x8a: {  	[sflag:s19] =	ssyncadd.s32 $0xFFFFFF80  }
0x8b: {  	[tilespmem:s20], [sflag:$0x6] =	stream.indirect.gather [hbm4b:s9+s15], $0x80, s15, s15, $0xb8;
	[tilespmem:$0x1C200] =	vst v63  }
0x8c: {  	_ =	swait.ge [sflag:s21], $0x4000  }
0x8d: {  	[sflag:s21] =	ssyncset.done $0x0  }
0x8e: {  	[sflag:s21] =	ssyncadd.s32 $0xFFFFC000  }
0x8f: {  	_ =	swait.ge [sflag:s22], $0x80  }
0x90: {  	[sflag:s22] =	ssyncset.done $0x0  }
0x91: {  	[sflag:s22] =	ssyncadd.s32 $0xFFFFFF80  }
0x92: {  	[spmem:s2] =	stream.indirect.scatter.add.f32 [tilespmem:s13], [sflag:$0x7], $0x80, s16, s15, $0xb8;
	[tilespmem:$0x1C200] =	vst v63  }
0x93: {  	_ =	swait.ge [sflag:s14], $0x4000  }
0x94: {  	[sflag:s14] =	ssyncset.done $0x0  }
0x95: {  	[sflag:s14] =	ssyncadd.s32 $0xFFFFC000  }
0x96: {  	_ =	swait.ge [sflag:s23], $0x4000  }
0x97: {  	[sflag:s23] =	ssyncset.done $0x0  }
0x98: {  	[sflag:s23] =	ssyncadd.s32 $0xFFFFC000  }
0x99: {  	_ =	swait.ge [sflag:s25], $0x80  }
0x9a: {  	[sflag:s25] =	ssyncset.done $0x0  }
0x9b: {  	[sflag:s25] =	ssyncadd.s32 $0xFFFFFF80  }
0x9c: {  	[spmem:s2] =	stream.indirect.scatter.add.f32 [tilespmem:s20], [sflag:$0x7], $0x80, s17, s15, $0xb8;
	[tilespmem:$0x1C200] =	vst v63  }
0x9d: {  	_ =	swait.ge [sflag:s14], $0x4000  }
0x9e: {  	s30 =	sshll.u32 s1, $0x6;
	s26 =	sadd.s32 $0x1, s26;
	[sflag:s14] =	ssyncset.done $0x0  }
0x9f: {  	s31 =	sshrl.u32 s4, $0x3;
	p0 =	sne.s32 s26, s10;
	[sflag:s14] =	ssyncadd.s32 $0xFFFFC000  }
.Ltmp2:
0xa0: {  	s0 =	sor.u32 $0x1C07, s30;
	[bflag:$0x0] =	sbarrier.arrive $0xFFFF;
	(pc) =	sbr.rel @p0 .LBB2_1-.Ltmp2, $4  }
0xa1: {  	[hbm:s24], [sflag:s0] =	dma.local [spmem:s31], $0x2800  }
0xa2: {  	_ =	swait.ge [sflag:s14], $0x2800  }
0xa3: {  	[sflag:s14] =	ssyncset.done $0x0  }
0xa4: {  	[sflag:s14] =	ssyncadd.s32 $0xFFFFD800  }
0xa5: {  	_ =	sfence.sel $0x180000  }
0xa6: {  	[bflag:$0x0] =	sbarrier.arrive $0xFFFF  }
0xa7: {  	_ =	strace $0x90000050  }
0xa8: {  	[bflag:$0x2] =	sbarrier.arrive $0xFFFF  }
0xa9: {  	p0 =	sne.s32 s1, $0x0;
	s0 =	rddreg [dreg:$0x2]  }
0xaa: {  	s0 =	sadd.s32 @!p0 $0x100000, s0  }
0xab: {  	[sflag:s0] =	ssyncadd.tile.s32 @!p0 $0x1;
	_ =	shalt  }
.Lfunc_end2:
_tile_overlayer_lowered:
.L_overlay_start_2:
0xac: {  	(tag) =	ssettag $0x2  }
0xad: {  	s0 =	rddreg [dreg:$0x0];
	s2 =	stileid.u32  }
0xae: {  	s1 =	rddreg [dreg:$0x1];
	p0 =	sne.s32 s2, $0x0  }
0xaf: {  	s3 =	rddreg [dreg:$0x2];
	[bflag:$0x3] =	sbarrier.arrive $0xFFFF;
	s2 =	simm.s32 @!p0 $0x1C07  }
0xb0: {  	[timem:s3], [sflag:s2] =	dma.local @!p0 [hbm:s0], s1  }
0xb1: {  	s0 =	simm.s32 @!p0 $0x7  }
0xb2: {  	_ =	swait.ge @!p0 [sflag:s0], s1  }
0xb3: {  	s1 =	ssub.s32 @!p0 $0x0, s1;
	[sflag:s0] =	ssyncset.done @!p0 $0x0  }
0xb4: {  	[sflag:s0] =	ssyncadd.s32 @!p0 s1  }
0xb5: {  	[bflag:$0x3] =	sbarrier.arrive $0xFFFF  }
0xb6: {  	_ =	shalt  }

// kernel: kernel.28.cloned.1.call-start
scs
__scs_entry_jumppad:
0x0: {  	(pc) =	sbr.rel $0x88, $3  }
0x1: {  	(tag) =	ssettag $0x0;
	lr =	simm.s32 $0x1  }
0x2: {  	[smem:$0x3F8F] =	sst lr;
	_ =	strace $0xD0000000  }
0x3: {  	_ = 	snop  }
0x4: {  	_ = 	snop  }
0x5: {  	_ = 	snop  }
0x6: {  	_ = 	snop  }
0x7: {  	_ = 	snop  }
__scs_overlays_trampoline_lowered:
0x8: {  	[smem:$0x3F9E] =	sst s0  }
0x9: {  	[smem:$0x3F9F] =	sst s1  }
0xa: {  	[smem:$0x3FA0] =	sst s2  }
0xb: {  	[smem:$0x3FA1] =	sst s3  }
0xc: {  	[smem:$0x3FA2] =	sst s4  }
0xd: {  	[smem:$0x3FA3] =	sst s5  }
0xe: {  	[smem:$0x3FA4] =	sst s6  }
0xf: {  	[smem:$0x3FA5] =	sst s7  }
0x10: {  	[smem:$0x3FA6] =	sst s8  }
0x11: {  	[smem:$0x3FA7] =	sst s9;
	s0 =	simm.s32 @!p0 $0x0  }
0x12: {  	s1 =	sld [smem:$0x3F8D];
	s0 =	simm.s32 @p0 $0x1  }
0x13: {  	[smem:$0x3FA8] =	sst s0;
	s0 =	simm.s32 @!p1 $0x0  }
0x14: {  	s2 =	sld [smem:$0x3F8C];
	s0 =	simm.s32 @p1 $0x1  }
0x15: {  	[smem:$0x3FA9] =	sst s0;
	s0 =	simm.s32 @!p2 $0x0  }
0x16: {  	s3 =	sld [smem:$0x3FDB];
	s0 =	simm.s32 @p2 $0x1  }
0x17: {  	s4 =	simm.s32 $0x1BF5;
	[smem:$0x3FAB] =	sst s0  }
0x18: {  	s0 =	sld [smem:$0x3F8E];
	_ =	swait.ge [sflag:s4], $0x0  }
0x19: {  	s7 =	sld [smem:$0x3F8F]  }
0x1a: {  	s8 =	sadd.s32 $0xFFFFE003, lr  }
0x1b: {  	s9 =	sadd.s32 $0xFFFFFEF7, lr;
	s5 =	simm.s32 $0xFFFFFFFF;
	p2 =	slt.u32 s8, $0xFFFFF086  }
0x1c: {  	p1 =	slt.u32 s9, $0xF7A;
	s5 =	simm.s32 @!p2 $0x0  }
0x1d: {  	s5 =	simm.s32 @p1 $0x1;
	p0 =	seq.s32 s7, s2  }
0x1e: {  	s7 =	smul.u32 @!p0 $0xF7A, s2;
	p2 =	seq.s32 @!p0 s5, $0x0  }
0x1f: {  	s9 =	smul.u32 $0xF7A, s1;
	s8 =	simm.s32 @!p0 $0x1BF5;
	p2 =	por !p2, p0  }
0x20: {  	[sflag:s8] =	ssyncset.s32 @!p0 $0xFFFFF086;
	s6 =	sadd.s32 @!p0 s3, s7;
	s7 =	simm.s32 @!p0 $0x108  }
0x21: {  	s3 =	sadd.s32 s3, s9;
	s6 =	sadd.s32 @!p0 $0x88, s6;
	s7 =	simm.s32 @p2 $0x1082  }
0x22: {  	[simem:s7], [sflag:s8] =	dma.local @!p0 [hbm:s6], $0xF7A  }
0x23: {  	s9 =	sor.u32 $0xD0000000, s2;
	s6 =	simm.s32 $0x108;
	_ =	swait.ge @!p0 [sflag:s8], $0x0  }
0x24: {  	s3 =	sadd.s32 $0x88, s3;
	s6 =	simm.s32 @!p1 $0x1082;
	[sflag:s4] =	ssyncset.s32 $0xFFFFF086  }
0x25: {  	[simem:s6], [sflag:s4] =	dma.local [hbm:s3], $0xF7A  }
0x26: {  	[smem:$0x3F8F] =	sst s1;
	(tag) =	ssettag s2;
	_ =	strace s9  }
0x27: {  	s1 =	sld [smem:$0x3F9F]  }
0x28: {  	s2 =	sld [smem:$0x3FA0]  }
0x29: {  	s4 =	sld [smem:$0x3FA2]  }
0x2a: {  	p0 =	seq.s32 s5, $0x0;
	s5 =	sld [smem:$0x3FA3]  }
0x2b: {  	s6 =	sld [smem:$0x3FA4]  }
0x2c: {  	s7 =	sld [smem:$0x3FA5]  }
0x2d: {  	s3 =	simm.s32 $0x108;
	s8 =	sld [smem:$0x3FA6]  }
0x2e: {  	s3 =	simm.s32 @!p0 $0x1082;
	s9 =	sld [smem:$0x3FA7]  }
0x2f: {  	lr =	sadd.s32 s0, s3;
	s0 =	sld [smem:$0x3F9E]  }
0x30: {  	s3 =	sld [smem:$0x3FA1]  }
0x31: {  	[smem:$0x3FAA] =	sst s10  }
0x32: {  	s10 =	sld [smem:$0x3FA8];
	_ =	sdelay $0x3  }
0x33: {  	p0 =	seq.s32 s10, $0x1;
	s10 =	sld [smem:$0x3FAA];
	_ =	sdelay $0x3  }
0x34: {  	[smem:$0x3FAA] =	sst s10  }
0x35: {  	s10 =	sld [smem:$0x3FA9];
	_ =	sdelay $0x3  }
0x36: {  	p1 =	seq.s32 s10, $0x1;
	s10 =	sld [smem:$0x3FAA];
	_ =	sdelay $0x3  }
0x37: {  	[smem:$0x3FAA] =	sst s10  }
0x38: {  	s10 =	sld [smem:$0x3FAB]  }
0x39: {  	_ = 	snop;
	(pc) =	sbr.ind lr, $3  }
0x3a: {  	_ = 	snop  }
0x3b: {  	_ = 	snop  }
0x3c: {  	p2 =	seq.s32 s10, $0x1;
	s10 =	sld [smem:$0x3FAA]  }
0x3d: {  	_ =	shalt  }
0x3e: {  	_ =	shalt  }
0x3f: {  	_ =	shalt  }
0x40: {  	_ =	shalt  }
0x41: {  	_ =	shalt  }
0x42: {  	_ =	shalt  }
0x43: {  	_ =	shalt  }
0x44: {  	_ =	shalt  }
0x45: {  	_ =	shalt  }
0x46: {  	_ =	shalt  }
0x47: {  	_ =	shalt  }
0x48: {  	_ =	shalt  }
0x49: {  	_ =	shalt  }
0x4a: {  	_ =	shalt  }
0x4b: {  	_ =	shalt  }
0x4c: {  	_ =	shalt  }
0x4d: {  	_ =	shalt  }
0x4e: {  	_ =	shalt  }
0x4f: {  	_ =	shalt  }
0x50: {  	_ =	shalt  }
0x51: {  	_ =	shalt  }
0x52: {  	_ =	shalt  }
0x53: {  	_ =	shalt  }
0x54: {  	_ =	shalt  }
0x55: {  	_ =	shalt  }
0x56: {  	_ =	shalt  }
0x57: {  	_ =	shalt  }
0x58: {  	_ =	shalt  }
0x59: {  	_ =	shalt  }
0x5a: {  	_ =	shalt  }
0x5b: {  	_ =	shalt  }
0x5c: {  	_ =	shalt  }
0x5d: {  	_ =	shalt  }
0x5e: {  	_ =	shalt  }
0x5f: {  	_ =	shalt  }
0x60: {  	_ =	shalt  }
0x61: {  	_ =	shalt  }
0x62: {  	_ =	shalt  }
0x63: {  	_ =	shalt  }
0x64: {  	_ =	shalt  }
0x65: {  	_ =	shalt  }
0x66: {  	_ =	shalt  }
0x67: {  	_ =	shalt  }
0x68: {  	_ =	shalt  }
0x69: {  	_ =	shalt  }
0x6a: {  	_ =	shalt  }
0x6b: {  	_ =	shalt  }
0x6c: {  	_ =	shalt  }
0x6d: {  	_ =	shalt  }
0x6e: {  	_ =	shalt  }
0x6f: {  	_ =	shalt  }
0x70: {  	_ =	shalt  }
0x71: {  	_ =	shalt  }
0x72: {  	_ =	shalt  }
0x73: {  	_ =	shalt  }
0x74: {  	_ =	shalt  }
0x75: {  	_ =	shalt  }
0x76: {  	_ =	shalt  }
0x77: {  	_ =	shalt  }
0x78: {  	_ =	shalt  }
0x79: {  	_ =	shalt  }
0x7a: {  	_ =	shalt  }
0x7b: {  	_ =	shalt  }
0x7c: {  	_ =	shalt  }
0x7d: {  	_ =	shalt  }
0x7e: {  	_ =	shalt  }
0x7f: {  	_ =	shalt  }
0x80: {  	_ =	shalt  }
0x81: {  	_ =	shalt  }
0x82: {  	_ =	shalt  }
0x83: {  	_ =	shalt  }
0x84: {  	_ =	shalt  }
0x85: {  	_ =	shalt  }
0x86: {  	_ =	shalt  }
0x87: {  	_ =	shalt  }
.Lfunc_end0:
.L_simem_size_0:
called_computation.4_lowered:
.L_overlay_start_0:
0x88: {  	s2 =	sld [smem:$0x3FD9]  }
0x89: {  	s3 =	sld [smem:$0x3FFE];
	_ =	sdelay $0x1  }
0x8a: {  	s1 =	srdreg.scid  }
0x8b: {  	s0 =	sand.u32 $0x1, s1  }
0x8c: {  	s16 =	sshll.u32 s0, $0xA;
	s2 =	sadd.s32 s3, s2  }
0x8d: {  	s2 =	sadd.s32 s2, s16  }
0x8e: {  	[smem:$0x3FB6] =	sst s2  }
0x8f: {  	_ = 	snop  }
0x90: {  	(tm) =	ssettm $0x1  }
0x91: {  	s17 =	sld [smem:$0x3FFB];
	_ =	sdelay $0x3  }
0x92: {  	_ =	strace s17  }
0x93: {  	s2 =	sld [smem:$0x3FFC];
	_ =	sdelay $0x3  }
0x94: {  	_ =	strace s2  }
0x95: {  	s2 =	sld [smem:$0x3FFD];
	_ =	sdelay $0x3  }
0x96: {  	_ =	strace s2  }
0x97: {  	_ =	strace $0x8FFFFFFF  }
0x98: {  	s18 =	sld [smem:$0x3FDB];
	_ =	sdelay $0x1  }
0x99: {  	s19 =	simm.s32 $_scs_section_size  }
0x9a: {  	s4 =	simm.s32 $_size__tile_overlayer_lowered;
	s5 =	simm.s32 $_tile_overlayer_lowered  }
0x9b: {  	s22 =	simm.s32 $0x1BFF;
	s21 =	sshll.u32 s5, $0x1;
	s2 =	sadd.s32 s19, s18  }
0x9c: {  	s6 =	simm.s32 $0x0;
	s20 =	sshll.u32 s4, $0x1;
	s4 =	sadd.s32 s21, s2  }
0x9d: {  	[timem:s6], [sflag:s22] =	dma.local [hbm:s4], s20  }
0x9e: {  	_ =	swait.ge [sflag:s22], s20  }
0x9f: {  	s3 =	ssub.s32 $0x0, s20;
	[sflag:s22] =	ssyncset.done $0x0  }
0xa0: {  	[sflag:s22] =	ssyncadd.s32 s3;
	_ =	sdelay $0x1  }
0xa1: {  	s23 =	simm.s32 $0x1B8B  }
0xa2: {  	_ =	swait.ge [sflag:s23], $0x1  }
0xa3: {  	[sflag:s23] =	ssyncset.done $0x0  }
0xa4: {  	s25 =	simm.s32 $0x1B8E;
	s24 =	sld [smem:$0x3FFE];
	[sflag:s23] =	ssyncadd.s32 $0xFFFFFFFF  }
0xa5: {  	s26 =	simm.s32 $execute0_lowered;
	[smem:$0x3FD2] =	sst s25  }
0xa6: {  	s4 =	sshll.u32 s26, $0x1;
	_ =	strace $0x80000052;
	[dreg:$0x1] =	wrdreg $0xFFFFFFFF  }
0xa7: {  	s28 =	simm.s32 $_size_execute0_lowered;
	s2 =	sadd.s32 s2, s4;
	[dreg:$0x0] =	wrdreg $0x0  }
0xa8: {  	s4 =	sshll.u32 s28, $0x1;
	[dreg:$0x2] =	wrdreg s2  }
0xa9: {  	[dreg:$0x3] =	wrdreg s4  }
0xaa: {  	[dreg:$0x4] =	wrdreg $0xC0  }
0xab: {  	_ =	task [dreg:s6], $0x5FFFF  }
0xac: {  	[dreg:$0x1] =	wrdreg $0xFFFFFFFF  }
0xad: {  	[dreg:$0x0] =	wrdreg $0x60  }
0xae: {  	[dreg:$0x2] =	wrdreg s24  }
0xaf: {  	[dreg:$0x3] =	wrdreg $0x82000  }
0xb0: {  	[dreg:$0x4] =	wrdreg $0x9  }
0xb1: {  	_ =	task.clear_ibuf [dreg:s6], $0x5FFFF;
	_ =	strace $0x90000052  }
0xb2: {  	s29 =	simm.s32 $0x9;
	_ =	strace $0x80000054  }
0xb3: {  	_ =	swait.ge [sflag:s29], $0x1  }
0xb4: {  	[sflag:s29] =	ssyncadd.s32 $0xFFFFFFFF  }
0xb5: {  	_ =	strace $0x90000054  }
0xb6: {  	_ =	sfence  }
0xb7: {  	s30 =	sld [smem:$0x0];
	_ =	sdelay $0x2  }
0xb8: {  	s31 =	sshll.u32 s1, $0xD;
	s1 =	sshrl.u32 s1, $0x2  }
0xb9: {  	s3 =	sand.u32 $0x4000, s31;
	s1 =	sadd.s32 s1, s30  }
0xba: {  	s0 =	sor.u32 s3, s0;
	s1 =	sshll.u32 s1, $0x11  }
0xbb: {  	s0 =	sor.u32 s1, s0  }
0xbc: {  	s0 =	sadd.s32 $0x8F2B, s0  }
0xbd: {  	[sflag:s0] =	ssyncadd.remote.s32 $0x1  }
0xbe: {  	_ =	sfence.sel $0xFFFF  }
0xbf: {  	[dreg:$0x0] =	wrdreg $0xFFFFFFFF;
	(pc) =	sbr.abs _section_cstart, $3  }
0xc0: {  	[dreg:$0x1] =	wrdreg $0xFFFFFFFF  }
0xc1: {  	_ =	task.clear_ibuf [dreg:s6], $0x2FFFF;
	_ =	strace $0x9FFFFFFF  }
0xc2: {  	(tm) =	ssettm $0x7FFFFFFF  }
0xc3: {  	_ =	shalt  }
tec
execute0_lowered:
.L_overlay_start_1:
0x0: {  	(tag) =	ssettag $0x1  }
0x1: {  	s0 =	rddreg [dreg:$0x0]  }
0x2: {  	s1 =	rddreg [dreg:$0x1];
	s2 =	simm.s32 $0x0  }
0x3: {  	s3 =	srdreg.scid;
	s25 =	stileid.u32;
	s16 =	simm.s32 $0x7  }
0x4: {  	s17 =	simm.s32 $0x80;
	s18 =	simm.s32 $0x100;
	s19 =	simm.s32 $0x180  }
0x5: {  	s20 =	simm.s32 $0x1;
	s21 =	simm.s32 $0x2;
	s22 =	simm.s32 $0x4200  }
0x6: {  	s23 =	simm.s32 $0x5;
	s28 =	simm.s32 $0x4;
	s29 =	simm.s32 $0x0  }
0x7: {  	[smem:$0x7FF] =	sst s2;
	s5 =	sand.u32 $0x1, s3;
	s7 =	smul.u32 $0x50000, s25  }
0x8: {  	s4 =	sadd.s32 $0x18E00, s0;
	s14 =	sadd.s32 $0xEC00, s0;
	s11 =	smul.u32 $0x2880, s25  }
0x9: {  	s13 =	sadd.s32 $0x4400, s0;
	s24 =	smul.u32 $0x2800, s25;
	s25 =	simm.s32 $0x3  }
0xa: {  	s6 =	smul.u32 $0x28000, s5;
	_ =	strace $0x80000053;
	s26 =	ssub.s32 $0x2, s5  }
0xb: {  	s10 =	smul.u32 $0x28800, s5;
	s7 =	sshrl.u32 s7, $0x2;
	s8 =	sshrl.u32 s26, $0x1  }
0xc: {  	s0 =	sadd.s32 s6, s0;
	s5 =	sadd.s32 s7, s1;
	s12 =	ssub.s32 s26, s8  }
0xd: {  	s11 =	sadd.s32 s11, s10;
	s26 =	simm.s32 $0x6;
	s30 =	sadd.s32 $0x4000, s5  }
0xe: {  	s7 =	sadd.s32 $0x8000, s5;
	s8 =	sadd.s32 $0xC000, s5;
	s9 =	sadd.s32 $0x10000, s5  }
0xf: {  	s0 =	sadd.s32 $0x40E00, s0;
	s15 =	sadd.s32 $0x80, s11;
	s10 =	smax.u32 s12, $0x1  }
0x10: {  	s31 =	sshrl.u32 s11, $0x3;
	[dreg:$0x3] =	wrdreg s30;
	s15 =	sshrl.u32 s15, $0x3  }
0x11: {  	s11 =	sadd.s32 s31, s13;
	s12 =	sadd.s32 s31, s14;
	s24 =	sadd.s32 s24, s0  }
0x12: {  	v0 =	vimm.f32 $0.0e+00;
	s13 =	sadd.s32 s15, s13;
	s14 =	sadd.s32 s15, s14;
	s15 =	simm.s32 $0x200  }
.LBB2_1:
0x13: {  	s30 =	simm.s32 $0x0;
	s31 =	simm.s32 $0x200  }
.LBB2_2:
0x14: {  	p0 =	sne.s32 s31, $0xFE00;
	[tilespmem:s30+$0x270] =	vst v0  }
0x15: {  	[tilespmem:s30+$0x200] =	vst v0  }
0x16: {  	[tilespmem:s30+$0x210] =	vst v0  }
.Ltmp0:
0x17: {  	[tilespmem:s30+$0x220] =	vst v0;
	(pc) =	sbr.rel @p0 .LBB2_2-.Ltmp0, $4  }
0x18: {  	[tilespmem:s30+$0x230] =	vst v0  }
0x19: {  	[tilespmem:s30+$0x240] =	vst v0  }
0x1a: {  	[tilespmem:s30+$0x250] =	vst v0  }
0x1b: {  	[tilespmem:s30+$0x260] =	vst v0;
	s30 =	sshra.s32 s31, $0x2;
	s31 =	sadd.s32 $0x200, s31  }
0x1c: {  	[tilespmem:s30+$0x270] =	vst v0  }
0x1d: {  	[tilespmem:s30+$0x200] =	vst v0  }
0x1e: {  	[tilespmem:s30+$0x210] =	vst v0  }
0x1f: {  	[tilespmem:s30+$0x220] =	vst v0  }
0x20: {  	[tilespmem:s30+$0x230] =	vst v0  }
0x21: {  	[tilespmem:s30+$0x240] =	vst v0  }
0x22: {  	[tilespmem:s30+$0x250] =	vst v0  }
0x23: {  	[tilespmem:s30+$0x260] =	vst v0  }
0x24: {  	[spmem:s5] =	stream.linear.scatter [tilespmem:s15], [sflag:$0x7], $0x4000, $0x38;
	[tilespmem:$0x1C200] =	vst v63  }
0x25: {  	_ =	swait.ge [sflag:s16], $0x4000  }
0x26: {  	[sflag:s16] =	ssyncset.done $0x0  }
0x27: {  	s0 =	rddreg [dreg:$0x3];
	[sflag:s16] =	ssyncadd.s32 $0xFFFFC000  }
0x28: {  	[spmem:s0] =	stream.linear.scatter [tilespmem:s15], [sflag:$0x7], $0x4000, $0x38;
	[tilespmem:$0x1C200] =	vst v63  }
0x29: {  	_ =	swait.ge [sflag:s16], $0x4000  }
0x2a: {  	[sflag:s16] =	ssyncset.done $0x0  }
0x2b: {  	[sflag:s16] =	ssyncadd.s32 $0xFFFFC000  }
0x2c: {  	[spmem:s7] =	stream.linear.scatter [tilespmem:s15], [sflag:$0x7], $0x4000, $0x38;
	[tilespmem:$0x1C200] =	vst v63  }
0x2d: {  	_ =	swait.ge [sflag:s16], $0x4000  }
0x2e: {  	[sflag:s16] =	ssyncset.done $0x0  }
0x2f: {  	[sflag:s16] =	ssyncadd.s32 $0xFFFFC000  }
0x30: {  	[spmem:s8] =	stream.linear.scatter [tilespmem:s15], [sflag:$0x7], $0x4000, $0x38;
	[tilespmem:$0x1C200] =	vst v63  }
0x31: {  	_ =	swait.ge [sflag:s16], $0x4000  }
0x32: {  	[sflag:s16] =	ssyncset.done $0x0  }
0x33: {  	[sflag:s16] =	ssyncadd.s32 $0xFFFFC000  }
0x34: {  	[spmem:s9] =	stream.linear.scatter [tilespmem:s15], [sflag:$0x7], $0x4000, $0x38;
	[tilespmem:$0x1C200] =	vst v63  }
0x35: {  	_ =	swait.ge [sflag:s16], $0x4000  }
0x36: {  	[sflag:s16] =	ssyncset.done $0x0  }
0x37: {  	[sflag:s16] =	ssyncadd.s32 $0xFFFFC000  }
0x38: {  	s3 =	sadd.s32 $0x0, s12;
	[bflag:$0x0] =	sbarrier.arrive $0xFFFF  }
0x39: {  	[tilespmem:s2], [sflag:$0x1] =	stream.linear.gather [hbm4b:s3+s2], $0x80, $0x38;
	[tilespmem:$0x1C200] =	vst v63  }
0x3a: {  	s6 =	sadd.s32 $0x0, s14  }
0x3b: {  	[tilespmem:s17], [sflag:$0x2] =	stream.linear.gather [hbm4b:s6+s2], $0x80, $0x38;
	[tilespmem:$0x1C200] =	vst v63  }
0x3c: {  	s3 =	sadd.s32 $0x0, s11  }
0x3d: {  	[tilespmem:s18], [sflag:$0x3] =	stream.linear.gather [hbm4b:s3+s2], $0x80, $0x38;
	[tilespmem:$0x1C200] =	vst v63  }
0x3e: {  	s6 =	sadd.s32 $0x0, s13  }
0x3f: {  	[tilespmem:s19], [sflag:$0x4] =	stream.linear.gather [hbm4b:s6+s2], $0x80, $0x38;
	[tilespmem:$0x1C200] =	vst v63  }
0x40: {  	_ =	swait.ge [sflag:s20], $0x80  }
0x41: {  	[sflag:s20] =	ssyncset.done $0x0  }
0x42: {  	[sflag:s20] =	ssyncadd.s32 $0xFFFFFF80  }
0x43: {  	[tilespmem:s15], [sflag:$0x5] =	stream.indirect.gather [hbm4b:s4+s17], $0x80, s2, s17, $0xb8;
	[tilespmem:$0x1C200] =	vst v63  }
0x44: {  	_ =	swait.ge [sflag:s21], $0x80  }
0x45: {  	[sflag:s21] =	ssyncset.done $0x0  }
0x46: {  	[sflag:s21] =	ssyncadd.s32 $0xFFFFFF80  }
0x47: {  	[tilespmem:s22], [sflag:$0x6] =	stream.indirect.gather [hbm4b:s4+s17], $0x80, s17, s17, $0xb8;
	[tilespmem:$0x1C200] =	vst v63  }
0x48: {  	_ =	swait.ge [sflag:s23], $0x4000  }
0x49: {  	[sflag:s23] =	ssyncset.done $0x0  }
0x4a: {  	[sflag:s23] =	ssyncadd.s32 $0xFFFFC000  }
0x4b: {  	_ =	swait.ge [sflag:s25], $0x80  }
0x4c: {  	[sflag:s25] =	ssyncset.done $0x0  }
0x4d: {  	[sflag:s25] =	ssyncadd.s32 $0xFFFFFF80  }
0x4e: {  	[spmem:s1] =	stream.indirect.scatter.add.f32 [tilespmem:s15], [sflag:$0x7], $0x80, s18, s17, $0xb8;
	[tilespmem:$0x1C200] =	vst v63  }
0x4f: {  	_ =	swait.ge [sflag:s16], $0x4000  }
0x50: {  	[sflag:s16] =	ssyncset.done $0x0  }
0x51: {  	[sflag:s16] =	ssyncadd.s32 $0xFFFFC000  }
0x52: {  	_ =	swait.ge [sflag:s26], $0x4000  }
0x53: {  	[sflag:s26] =	ssyncset.done $0x0  }
0x54: {  	[sflag:s26] =	ssyncadd.s32 $0xFFFFC000  }
0x55: {  	_ =	swait.ge [sflag:s28], $0x80  }
0x56: {  	[sflag:s28] =	ssyncset.done $0x0  }
0x57: {  	[sflag:s28] =	ssyncadd.s32 $0xFFFFFF80  }
0x58: {  	[spmem:s1] =	stream.indirect.scatter.add.f32 [tilespmem:s22], [sflag:$0x7], $0x80, s19, s17, $0xb8;
	[tilespmem:$0x1C200] =	vst v63  }
0x59: {  	_ =	swait.ge [sflag:s16], $0x4000  }
0x5a: {  	s30 =	simm.s32 $0x20;
	s31 =	simm.s32 $0x40;
	[sflag:s16] =	ssyncset.done $0x0  }
.LBB2_4:
0x5b: {  	s3 =	sadd.s32 s30, s12  }
0x5c: {  	[sflag:s16] =	ssyncadd.s32 $0xFFFFC000;
	s6 =	smov.u32 s31;
	s0 =	sadd.s32 $0x20, s31  }
0x5d: {  	[tilespmem:s2], [sflag:$0x1] =	stream.linear.gather [hbm4b:s3+s2], $0x80, $0x38;
	[tilespmem:$0x1C200] =	vst v63  }
0x5e: {  	p0 =	sne.s32 s31, $0x4E0;
	s3 =	sadd.s32 s30, s14  }
0x5f: {  	[tilespmem:s17], [sflag:$0x2] =	stream.linear.gather [hbm4b:s3+s2], $0x80, $0x38;
	[tilespmem:$0x1C200] =	vst v63  }
0x60: {  	s3 =	sadd.s32 s30, s11  }
0x61: {  	[tilespmem:s18], [sflag:$0x3] =	stream.linear.gather [hbm4b:s3+s2], $0x80, $0x38;
	[tilespmem:$0x1C200] =	vst v63  }
0x62: {  	s3 =	sadd.s32 s30, s13;
	s30 =	smov.u32 s6  }
0x63: {  	[tilespmem:s19], [sflag:$0x4] =	stream.linear.gather [hbm4b:s3+s2], $0x80, $0x38;
	[tilespmem:$0x1C200] =	vst v63  }
0x64: {  	_ =	swait.ge [sflag:s20], $0x80  }
0x65: {  	[sflag:s20] =	ssyncset.done $0x0  }
0x66: {  	[sflag:s20] =	ssyncadd.s32 $0xFFFFFF80  }
0x67: {  	[tilespmem:s15], [sflag:$0x5] =	stream.indirect.gather [hbm4b:s4+s17], $0x80, s2, s17, $0xb8;
	[tilespmem:$0x1C200] =	vst v63  }
0x68: {  	_ =	swait.ge [sflag:s21], $0x80  }
0x69: {  	[sflag:s21] =	ssyncset.done $0x0  }
0x6a: {  	[sflag:s21] =	ssyncadd.s32 $0xFFFFFF80  }
0x6b: {  	[tilespmem:s22], [sflag:$0x6] =	stream.indirect.gather [hbm4b:s4+s17], $0x80, s17, s17, $0xb8;
	[tilespmem:$0x1C200] =	vst v63  }
0x6c: {  	_ =	swait.ge [sflag:s23], $0x4000  }
0x6d: {  	[sflag:s23] =	ssyncset.done $0x0  }
0x6e: {  	[sflag:s23] =	ssyncadd.s32 $0xFFFFC000  }
0x6f: {  	_ =	swait.ge [sflag:s25], $0x80  }
0x70: {  	[sflag:s25] =	ssyncset.done $0x0  }
0x71: {  	[sflag:s25] =	ssyncadd.s32 $0xFFFFFF80  }
0x72: {  	[spmem:s1] =	stream.indirect.scatter.add.f32 [tilespmem:s15], [sflag:$0x7], $0x80, s18, s17, $0xb8;
	[tilespmem:$0x1C200] =	vst v63  }
0x73: {  	_ =	swait.ge [sflag:s16], $0x4000  }
0x74: {  	[sflag:s16] =	ssyncset.done $0x0  }
0x75: {  	[sflag:s16] =	ssyncadd.s32 $0xFFFFC000  }
0x76: {  	_ =	swait.ge [sflag:s26], $0x4000  }
0x77: {  	[sflag:s26] =	ssyncset.done $0x0  }
0x78: {  	[sflag:s26] =	ssyncadd.s32 $0xFFFFC000  }
0x79: {  	_ =	swait.ge [sflag:s28], $0x80  }
.Ltmp1:
0x7a: {  	[sflag:s28] =	ssyncset.done $0x0;
	(pc) =	sbr.rel @p0 .LBB2_4-.Ltmp1, $4  }
0x7b: {  	[sflag:s28] =	ssyncadd.s32 $0xFFFFFF80  }
0x7c: {  	[spmem:s1] =	stream.indirect.scatter.add.f32 [tilespmem:s22], [sflag:$0x7], $0x80, s19, s17, $0xb8;
	[tilespmem:$0x1C200] =	vst v63  }
0x7d: {  	_ =	swait.ge [sflag:s16], $0x4000  }
0x7e: {  	s31 =	smov.u32 s0;
	[sflag:s16] =	ssyncset.done $0x0  }
0x7f: {  	s0 =	sadd.s32 s30, s12;
	[sflag:s16] =	ssyncadd.s32 $0xFFFFC000  }
0x80: {  	[tilespmem:s2], [sflag:$0x1] =	stream.linear.gather [hbm4b:s0+s2], $0x80, $0x38;
	[tilespmem:$0x1C200] =	vst v63  }
0x81: {  	s3 =	sadd.s32 s30, s14  }
0x82: {  	[tilespmem:s17], [sflag:$0x2] =	stream.linear.gather [hbm4b:s3+s2], $0x80, $0x38;
	[tilespmem:$0x1C200] =	vst v63  }
0x83: {  	s6 =	sadd.s32 s30, s11  }
0x84: {  	[tilespmem:s18], [sflag:$0x3] =	stream.linear.gather [hbm4b:s6+s2], $0x80, $0x38;
	[tilespmem:$0x1C200] =	vst v63  }
0x85: {  	s30 =	sadd.s32 s30, s13  }
0x86: {  	[tilespmem:s19], [sflag:$0x4] =	stream.linear.gather [hbm4b:s30+s2], $0x80, $0x38;
	[tilespmem:$0x1C200] =	vst v63  }
0x87: {  	_ =	swait.ge [sflag:s20], $0x80  }
0x88: {  	[sflag:s20] =	ssyncset.done $0x0  }
0x89: {  	[sflag:s20] =	ssyncadd.s32 $0xFFFFFF80  }
0x8a: {  	[tilespmem:s15], [sflag:$0x5] =	stream.indirect.gather [hbm4b:s4+s17], $0x80, s2, s17, $0xb8;
	[tilespmem:$0x1C200] =	vst v63  }
0x8b: {  	_ =	swait.ge [sflag:s21], $0x80  }
0x8c: {  	[sflag:s21] =	ssyncset.done $0x0  }
0x8d: {  	[sflag:s21] =	ssyncadd.s32 $0xFFFFFF80  }
0x8e: {  	[tilespmem:s22], [sflag:$0x6] =	stream.indirect.gather [hbm4b:s4+s17], $0x80, s17, s17, $0xb8;
	[tilespmem:$0x1C200] =	vst v63  }
0x8f: {  	_ =	swait.ge [sflag:s23], $0x4000  }
0x90: {  	[sflag:s23] =	ssyncset.done $0x0  }
0x91: {  	[sflag:s23] =	ssyncadd.s32 $0xFFFFC000  }
0x92: {  	_ =	swait.ge [sflag:s25], $0x80  }
0x93: {  	[sflag:s25] =	ssyncset.done $0x0  }
0x94: {  	[sflag:s25] =	ssyncadd.s32 $0xFFFFFF80  }
0x95: {  	[spmem:s1] =	stream.indirect.scatter.add.f32 [tilespmem:s15], [sflag:$0x7], $0x80, s18, s17, $0xb8;
	[tilespmem:$0x1C200] =	vst v63  }
0x96: {  	_ =	swait.ge [sflag:s16], $0x4000  }
0x97: {  	[sflag:s16] =	ssyncset.done $0x0  }
0x98: {  	[sflag:s16] =	ssyncadd.s32 $0xFFFFC000  }
0x99: {  	_ =	swait.ge [sflag:s26], $0x4000  }
0x9a: {  	[sflag:s26] =	ssyncset.done $0x0  }
0x9b: {  	[sflag:s26] =	ssyncadd.s32 $0xFFFFC000  }
0x9c: {  	_ =	swait.ge [sflag:s28], $0x80  }
0x9d: {  	[sflag:s28] =	ssyncset.done $0x0  }
0x9e: {  	[sflag:s28] =	ssyncadd.s32 $0xFFFFFF80  }
0x9f: {  	[spmem:s1] =	stream.indirect.scatter.add.f32 [tilespmem:s22], [sflag:$0x7], $0x80, s19, s17, $0xb8;
	[tilespmem:$0x1C200] =	vst v63  }
0xa0: {  	s31 =	stileid.u32;
	_ =	swait.ge [sflag:s16], $0x4000  }
0xa1: {  	s29 =	sadd.s32 $0x1, s29;
	s0 =	sshll.u32 s31, $0x6;
	[sflag:s16] =	ssyncset.done $0x0  }
0xa2: {  	p0 =	sne.s32 s29, s10;
	s0 =	sor.u32 $0x1C07, s0;
	[sflag:s16] =	ssyncadd.s32 $0xFFFFC000  }
.Ltmp2:
0xa3: {  	s3 =	sshrl.u32 s5, $0x3;
	[bflag:$0x0] =	sbarrier.arrive $0xFFFF;
	(pc) =	sbr.rel @p0 .LBB2_1-.Ltmp2, $4  }
0xa4: {  	[hbm:s24], [sflag:s0] =	dma.local [spmem:s3], $0x2800  }
0xa5: {  	_ =	swait.ge [sflag:s16], $0x2800  }
0xa6: {  	[sflag:s16] =	ssyncset.done $0x0  }
0xa7: {  	[sflag:s16] =	ssyncadd.s32 $0xFFFFD800  }
0xa8: {  	_ =	sfence.sel $0x180000  }
0xa9: {  	[bflag:$0x0] =	sbarrier.arrive $0xFFFF  }
0xaa: {  	_ =	strace $0x90000053  }
0xab: {  	s0 =	stileid.u32;
	[bflag:$0x2] =	sbarrier.arrive $0xFFFF  }
0xac: {  	p0 =	sne.s32 s0, $0x0;
	s0 =	rddreg [dreg:$0x2]  }
0xad: {  	s0 =	sadd.s32 @!p0 $0x100000, s0  }
0xae: {  	[sflag:s0] =	ssyncadd.tile.s32 @!p0 $0x1;
	_ =	shalt  }
.Lfunc_end2:
_tile_overlayer_lowered:
.L_overlay_start_2:
0xaf: {  	(tag) =	ssettag $0x2  }
0xb0: {  	s0 =	rddreg [dreg:$0x0];
	s2 =	stileid.u32  }
0xb1: {  	s1 =	rddreg [dreg:$0x1];
	p0 =	sne.s32 s2, $0x0  }
0xb2: {  	s3 =	rddreg [dreg:$0x2];
	[bflag:$0x3] =	sbarrier.arrive $0xFFFF;
	s2 =	simm.s32 @!p0 $0x1C07  }
0xb3: {  	[timem:s3], [sflag:s2] =	dma.local @!p0 [hbm:s0], s1  }
0xb4: {  	s0 =	simm.s32 @!p0 $0x7  }
0xb5: {  	_ =	swait.ge @!p0 [sflag:s0], s1  }
0xb6: {  	s1 =	ssub.s32 @!p0 $0x0, s1;
	[sflag:s0] =	ssyncset.done @!p0 $0x0  }
0xb7: {  	[sflag:s0] =	ssyncadd.s32 @!p0 s1  }
0xb8: {  	[bflag:$0x3] =	sbarrier.arrive $0xFFFF  }
0xb9: {  	_ =	shalt  }

// kernel: kernel.31.cloned.1.call-start
scs
__scs_entry_jumppad:
0x0: {  	(pc) =	sbr.rel $0x88, $3  }
0x1: {  	(tag) =	ssettag $0x0;
	lr =	simm.s32 $0x1  }
0x2: {  	[smem:$0x3F8F] =	sst lr;
	_ =	strace $0xD0000000  }
0x3: {  	_ = 	snop  }
0x4: {  	_ = 	snop  }
0x5: {  	_ = 	snop  }
0x6: {  	_ = 	snop  }
0x7: {  	_ = 	snop  }
__scs_overlays_trampoline_lowered:
0x8: {  	[smem:$0x3F9E] =	sst s0  }
0x9: {  	[smem:$0x3F9F] =	sst s1  }
0xa: {  	[smem:$0x3FA0] =	sst s2  }
0xb: {  	[smem:$0x3FA1] =	sst s3  }
0xc: {  	[smem:$0x3FA2] =	sst s4  }
0xd: {  	[smem:$0x3FA3] =	sst s5  }
0xe: {  	[smem:$0x3FA4] =	sst s6  }
0xf: {  	[smem:$0x3FA5] =	sst s7  }
0x10: {  	[smem:$0x3FA6] =	sst s8  }
0x11: {  	[smem:$0x3FA7] =	sst s9;
	s0 =	simm.s32 @!p0 $0x0  }
0x12: {  	s1 =	sld [smem:$0x3F8D];
	s0 =	simm.s32 @p0 $0x1  }
0x13: {  	[smem:$0x3FA8] =	sst s0;
	s0 =	simm.s32 @!p1 $0x0  }
0x14: {  	s2 =	sld [smem:$0x3F8C];
	s0 =	simm.s32 @p1 $0x1  }
0x15: {  	[smem:$0x3FA9] =	sst s0;
	s0 =	simm.s32 @!p2 $0x0  }
0x16: {  	s3 =	sld [smem:$0x3FDB];
	s0 =	simm.s32 @p2 $0x1  }
0x17: {  	s4 =	simm.s32 $0x1BF5;
	[smem:$0x3FAB] =	sst s0  }
0x18: {  	s0 =	sld [smem:$0x3F8E];
	_ =	swait.ge [sflag:s4], $0x0  }
0x19: {  	s7 =	sld [smem:$0x3F8F]  }
0x1a: {  	s8 =	sadd.s32 $0xFFFFE003, lr  }
0x1b: {  	s9 =	sadd.s32 $0xFFFFFEF7, lr;
	s5 =	simm.s32 $0xFFFFFFFF;
	p2 =	slt.u32 s8, $0xFFFFF086  }
0x1c: {  	p1 =	slt.u32 s9, $0xF7A;
	s5 =	simm.s32 @!p2 $0x0  }
0x1d: {  	s5 =	simm.s32 @p1 $0x1;
	p0 =	seq.s32 s7, s2  }
0x1e: {  	s7 =	smul.u32 @!p0 $0xF7A, s2;
	p2 =	seq.s32 @!p0 s5, $0x0  }
0x1f: {  	s9 =	smul.u32 $0xF7A, s1;
	s8 =	simm.s32 @!p0 $0x1BF5;
	p2 =	por !p2, p0  }
0x20: {  	[sflag:s8] =	ssyncset.s32 @!p0 $0xFFFFF086;
	s6 =	sadd.s32 @!p0 s3, s7;
	s7 =	simm.s32 @!p0 $0x108  }
0x21: {  	s3 =	sadd.s32 s3, s9;
	s6 =	sadd.s32 @!p0 $0x88, s6;
	s7 =	simm.s32 @p2 $0x1082  }
0x22: {  	[simem:s7], [sflag:s8] =	dma.local @!p0 [hbm:s6], $0xF7A  }
0x23: {  	s9 =	sor.u32 $0xD0000000, s2;
	s6 =	simm.s32 $0x108;
	_ =	swait.ge @!p0 [sflag:s8], $0x0  }
0x24: {  	s3 =	sadd.s32 $0x88, s3;
	s6 =	simm.s32 @!p1 $0x1082;
	[sflag:s4] =	ssyncset.s32 $0xFFFFF086  }
0x25: {  	[simem:s6], [sflag:s4] =	dma.local [hbm:s3], $0xF7A  }
0x26: {  	[smem:$0x3F8F] =	sst s1;
	(tag) =	ssettag s2;
	_ =	strace s9  }
0x27: {  	s1 =	sld [smem:$0x3F9F]  }
0x28: {  	s2 =	sld [smem:$0x3FA0]  }
0x29: {  	s4 =	sld [smem:$0x3FA2]  }
0x2a: {  	p0 =	seq.s32 s5, $0x0;
	s5 =	sld [smem:$0x3FA3]  }
0x2b: {  	s6 =	sld [smem:$0x3FA4]  }
0x2c: {  	s7 =	sld [smem:$0x3FA5]  }
0x2d: {  	s3 =	simm.s32 $0x108;
	s8 =	sld [smem:$0x3FA6]  }
0x2e: {  	s3 =	simm.s32 @!p0 $0x1082;
	s9 =	sld [smem:$0x3FA7]  }
0x2f: {  	lr =	sadd.s32 s0, s3;
	s0 =	sld [smem:$0x3F9E]  }
0x30: {  	s3 =	sld [smem:$0x3FA1]  }
0x31: {  	[smem:$0x3FAA] =	sst s10  }
0x32: {  	s10 =	sld [smem:$0x3FA8];
	_ =	sdelay $0x3  }
0x33: {  	p0 =	seq.s32 s10, $0x1;
	s10 =	sld [smem:$0x3FAA];
	_ =	sdelay $0x3  }
0x34: {  	[smem:$0x3FAA] =	sst s10  }
0x35: {  	s10 =	sld [smem:$0x3FA9];
	_ =	sdelay $0x3  }
0x36: {  	p1 =	seq.s32 s10, $0x1;
	s10 =	sld [smem:$0x3FAA];
	_ =	sdelay $0x3  }
0x37: {  	[smem:$0x3FAA] =	sst s10  }
0x38: {  	s10 =	sld [smem:$0x3FAB]  }
0x39: {  	_ = 	snop;
	(pc) =	sbr.ind lr, $3  }
0x3a: {  	_ = 	snop  }
0x3b: {  	_ = 	snop  }
0x3c: {  	p2 =	seq.s32 s10, $0x1;
	s10 =	sld [smem:$0x3FAA]  }
0x3d: {  	_ =	shalt  }
0x3e: {  	_ =	shalt  }
0x3f: {  	_ =	shalt  }
0x40: {  	_ =	shalt  }
0x41: {  	_ =	shalt  }
0x42: {  	_ =	shalt  }
0x43: {  	_ =	shalt  }
0x44: {  	_ =	shalt  }
0x45: {  	_ =	shalt  }
0x46: {  	_ =	shalt  }
0x47: {  	_ =	shalt  }
0x48: {  	_ =	shalt  }
0x49: {  	_ =	shalt  }
0x4a: {  	_ =	shalt  }
0x4b: {  	_ =	shalt  }
0x4c: {  	_ =	shalt  }
0x4d: {  	_ =	shalt  }
0x4e: {  	_ =	shalt  }
0x4f: {  	_ =	shalt  }
0x50: {  	_ =	shalt  }
0x51: {  	_ =	shalt  }
0x52: {  	_ =	shalt  }
0x53: {  	_ =	shalt  }
0x54: {  	_ =	shalt  }
0x55: {  	_ =	shalt  }
0x56: {  	_ =	shalt  }
0x57: {  	_ =	shalt  }
0x58: {  	_ =	shalt  }
0x59: {  	_ =	shalt  }
0x5a: {  	_ =	shalt  }
0x5b: {  	_ =	shalt  }
0x5c: {  	_ =	shalt  }
0x5d: {  	_ =	shalt  }
0x5e: {  	_ =	shalt  }
0x5f: {  	_ =	shalt  }
0x60: {  	_ =	shalt  }
0x61: {  	_ =	shalt  }
0x62: {  	_ =	shalt  }
0x63: {  	_ =	shalt  }
0x64: {  	_ =	shalt  }
0x65: {  	_ =	shalt  }
0x66: {  	_ =	shalt  }
0x67: {  	_ =	shalt  }
0x68: {  	_ =	shalt  }
0x69: {  	_ =	shalt  }
0x6a: {  	_ =	shalt  }
0x6b: {  	_ =	shalt  }
0x6c: {  	_ =	shalt  }
0x6d: {  	_ =	shalt  }
0x6e: {  	_ =	shalt  }
0x6f: {  	_ =	shalt  }
0x70: {  	_ =	shalt  }
0x71: {  	_ =	shalt  }
0x72: {  	_ =	shalt  }
0x73: {  	_ =	shalt  }
0x74: {  	_ =	shalt  }
0x75: {  	_ =	shalt  }
0x76: {  	_ =	shalt  }
0x77: {  	_ =	shalt  }
0x78: {  	_ =	shalt  }
0x79: {  	_ =	shalt  }
0x7a: {  	_ =	shalt  }
0x7b: {  	_ =	shalt  }
0x7c: {  	_ =	shalt  }
0x7d: {  	_ =	shalt  }
0x7e: {  	_ =	shalt  }
0x7f: {  	_ =	shalt  }
0x80: {  	_ =	shalt  }
0x81: {  	_ =	shalt  }
0x82: {  	_ =	shalt  }
0x83: {  	_ =	shalt  }
0x84: {  	_ =	shalt  }
0x85: {  	_ =	shalt  }
0x86: {  	_ =	shalt  }
0x87: {  	_ =	shalt  }
.Lfunc_end0:
.L_simem_size_0:
called_computation.5_lowered:
.L_overlay_start_0:
0x88: {  	s2 =	sld [smem:$0x3FD9]  }
0x89: {  	s3 =	sld [smem:$0x3FFE];
	_ =	sdelay $0x1  }
0x8a: {  	s1 =	srdreg.scid  }
0x8b: {  	s0 =	sand.u32 $0x1, s1  }
0x8c: {  	s16 =	sshll.u32 s0, $0xA;
	s2 =	sadd.s32 s3, s2  }
0x8d: {  	s2 =	sadd.s32 s2, s16  }
0x8e: {  	[smem:$0x3FB6] =	sst s2  }
0x8f: {  	_ = 	snop  }
0x90: {  	(tm) =	ssettm $0x1  }
0x91: {  	s17 =	sld [smem:$0x3FFB];
	_ =	sdelay $0x3  }
0x92: {  	_ =	strace s17  }
0x93: {  	s2 =	sld [smem:$0x3FFC];
	_ =	sdelay $0x3  }
0x94: {  	_ =	strace s2  }
0x95: {  	s2 =	sld [smem:$0x3FFD];
	_ =	sdelay $0x3  }
0x96: {  	_ =	strace s2  }
0x97: {  	_ =	strace $0x8FFFFFFF  }
0x98: {  	s18 =	sld [smem:$0x3FDB];
	_ =	sdelay $0x1  }
0x99: {  	s19 =	simm.s32 $_scs_section_size  }
0x9a: {  	s4 =	simm.s32 $_size__tile_overlayer_lowered;
	s5 =	simm.s32 $_tile_overlayer_lowered  }
0x9b: {  	s22 =	simm.s32 $0x1BFF;
	s21 =	sshll.u32 s5, $0x1;
	s2 =	sadd.s32 s19, s18  }
0x9c: {  	s6 =	simm.s32 $0x0;
	s20 =	sshll.u32 s4, $0x1;
	s4 =	sadd.s32 s21, s2  }
0x9d: {  	[timem:s6], [sflag:s22] =	dma.local [hbm:s4], s20  }
0x9e: {  	_ =	swait.ge [sflag:s22], s20  }
0x9f: {  	s3 =	ssub.s32 $0x0, s20;
	[sflag:s22] =	ssyncset.done $0x0  }
0xa0: {  	[sflag:s22] =	ssyncadd.s32 s3;
	_ =	sdelay $0x1  }
0xa1: {  	s23 =	simm.s32 $0x1B8B  }
0xa2: {  	_ =	swait.ge [sflag:s23], $0x1  }
0xa3: {  	[sflag:s23] =	ssyncset.done $0x0  }
0xa4: {  	s25 =	simm.s32 $0x1B8E;
	s24 =	sld [smem:$0x3FFE];
	[sflag:s23] =	ssyncadd.s32 $0xFFFFFFFF  }
0xa5: {  	s26 =	simm.s32 $execute0_lowered;
	[smem:$0x3FD2] =	sst s25  }
0xa6: {  	s4 =	sshll.u32 s26, $0x1;
	_ =	strace $0x80000055;
	[dreg:$0x1] =	wrdreg $0xFFFFFFFF  }
0xa7: {  	s28 =	simm.s32 $_size_execute0_lowered;
	s2 =	sadd.s32 s2, s4;
	[dreg:$0x0] =	wrdreg $0x0  }
0xa8: {  	s4 =	sshll.u32 s28, $0x1;
	[dreg:$0x2] =	wrdreg s2  }
0xa9: {  	[dreg:$0x3] =	wrdreg s4  }
0xaa: {  	[dreg:$0x4] =	wrdreg $0xC0  }
0xab: {  	_ =	task [dreg:s6], $0x5FFFF  }
0xac: {  	[dreg:$0x1] =	wrdreg $0xFFFFFFFF  }
0xad: {  	[dreg:$0x0] =	wrdreg $0x60  }
0xae: {  	[dreg:$0x2] =	wrdreg s24  }
0xaf: {  	[dreg:$0x3] =	wrdreg $0x82000  }
0xb0: {  	[dreg:$0x4] =	wrdreg $0x9  }
0xb1: {  	_ =	task.clear_ibuf [dreg:s6], $0x5FFFF;
	_ =	strace $0x90000055  }
0xb2: {  	s29 =	simm.s32 $0x9;
	_ =	strace $0x80000057  }
0xb3: {  	_ =	swait.ge [sflag:s29], $0x1  }
0xb4: {  	[sflag:s29] =	ssyncadd.s32 $0xFFFFFFFF  }
0xb5: {  	_ =	strace $0x90000057  }
0xb6: {  	_ =	sfence  }
0xb7: {  	s30 =	sld [smem:$0x0];
	_ =	sdelay $0x2  }
0xb8: {  	s31 =	sshll.u32 s1, $0xD;
	s1 =	sshrl.u32 s1, $0x2  }
0xb9: {  	s3 =	sand.u32 $0x4000, s31;
	s1 =	sadd.s32 s1, s30  }
0xba: {  	s0 =	sor.u32 s3, s0;
	s1 =	sshll.u32 s1, $0x11  }
0xbb: {  	s0 =	sor.u32 s1, s0  }
0xbc: {  	s0 =	sadd.s32 $0x8F2B, s0  }
0xbd: {  	[sflag:s0] =	ssyncadd.remote.s32 $0x1  }
0xbe: {  	_ =	sfence.sel $0xFFFF  }
0xbf: {  	[dreg:$0x0] =	wrdreg $0xFFFFFFFF;
	(pc) =	sbr.abs _section_cstart, $3  }
0xc0: {  	[dreg:$0x1] =	wrdreg $0xFFFFFFFF  }
0xc1: {  	_ =	task.clear_ibuf [dreg:s6], $0x2FFFF;
	_ =	strace $0x9FFFFFFF  }
0xc2: {  	(tm) =	ssettm $0x7FFFFFFF  }
0xc3: {  	_ =	shalt  }
tec
execute0_lowered:
.L_overlay_start_1:
0x0: {  	(tag) =	ssettag $0x1  }
0x1: {  	s0 =	rddreg [dreg:$0x0]  }
0x2: {  	s1 =	rddreg [dreg:$0x1];
	s2 =	simm.s32 $0x0  }
0x3: {  	s3 =	srdreg.scid;
	s25 =	stileid.u32;
	s16 =	simm.s32 $0x7  }
0x4: {  	s17 =	simm.s32 $0x80;
	s18 =	simm.s32 $0x100;
	s19 =	simm.s32 $0x180  }
0x5: {  	s20 =	simm.s32 $0x1;
	s21 =	simm.s32 $0x2;
	s22 =	simm.s32 $0x4200  }
0x6: {  	s23 =	simm.s32 $0x5;
	s28 =	simm.s32 $0x4;
	s29 =	simm.s32 $0x0  }
0x7: {  	[smem:$0x7FF] =	sst s2;
	s5 =	sand.u32 $0x1, s3;
	s7 =	smul.u32 $0x50000, s25  }
0x8: {  	s4 =	sadd.s32 $0x18E00, s0;
	s14 =	sadd.s32 $0xEC00, s0;
	s11 =	smul.u32 $0x2880, s25  }
0x9: {  	s13 =	sadd.s32 $0x4400, s0;
	s24 =	smul.u32 $0x2800, s25;
	s25 =	simm.s32 $0x3  }
0xa: {  	s6 =	smul.u32 $0x28000, s5;
	_ =	strace $0x80000056;
	s26 =	ssub.s32 $0x2, s5  }
0xb: {  	s10 =	smul.u32 $0x28800, s5;
	s7 =	sshrl.u32 s7, $0x2;
	s8 =	sshrl.u32 s26, $0x1  }
0xc: {  	s0 =	sadd.s32 s6, s0;
	s5 =	sadd.s32 s7, s1;
	s12 =	ssub.s32 s26, s8  }
0xd: {  	s11 =	sadd.s32 s11, s10;
	s26 =	simm.s32 $0x6;
	s30 =	sadd.s32 $0x4000, s5  }
0xe: {  	s7 =	sadd.s32 $0x8000, s5;
	s8 =	sadd.s32 $0xC000, s5;
	s9 =	sadd.s32 $0x10000, s5  }
0xf: {  	s0 =	sadd.s32 $0x40E00, s0;
	s15 =	sadd.s32 $0x80, s11;
	s10 =	smax.u32 s12, $0x1  }
0x10: {  	s31 =	sshrl.u32 s11, $0x3;
	[dreg:$0x3] =	wrdreg s30;
	s15 =	sshrl.u32 s15, $0x3  }
0x11: {  	s11 =	sadd.s32 s31, s13;
	s12 =	sadd.s32 s31, s14;
	s24 =	sadd.s32 s24, s0  }
0x12: {  	v0 =	vimm.f32 $0.0e+00;
	s13 =	sadd.s32 s15, s13;
	s14 =	sadd.s32 s15, s14;
	s15 =	simm.s32 $0x200  }
.LBB2_1:
0x13: {  	s30 =	simm.s32 $0x0;
	s31 =	simm.s32 $0x200  }
.LBB2_2:
0x14: {  	p0 =	sne.s32 s31, $0xFE00;
	[tilespmem:s30+$0x270] =	vst v0  }
0x15: {  	[tilespmem:s30+$0x200] =	vst v0  }
0x16: {  	[tilespmem:s30+$0x210] =	vst v0  }
.Ltmp0:
0x17: {  	[tilespmem:s30+$0x220] =	vst v0;
	(pc) =	sbr.rel @p0 .LBB2_2-.Ltmp0, $4  }
0x18: {  	[tilespmem:s30+$0x230] =	vst v0  }
0x19: {  	[tilespmem:s30+$0x240] =	vst v0  }
0x1a: {  	[tilespmem:s30+$0x250] =	vst v0  }
0x1b: {  	[tilespmem:s30+$0x260] =	vst v0;
	s30 =	sshra.s32 s31, $0x2;
	s31 =	sadd.s32 $0x200, s31  }
0x1c: {  	[tilespmem:s30+$0x270] =	vst v0  }
0x1d: {  	[tilespmem:s30+$0x200] =	vst v0  }
0x1e: {  	[tilespmem:s30+$0x210] =	vst v0  }
0x1f: {  	[tilespmem:s30+$0x220] =	vst v0  }
0x20: {  	[tilespmem:s30+$0x230] =	vst v0  }
0x21: {  	[tilespmem:s30+$0x240] =	vst v0  }
0x22: {  	[tilespmem:s30+$0x250] =	vst v0  }
0x23: {  	[tilespmem:s30+$0x260] =	vst v0  }
0x24: {  	[spmem:s5] =	stream.linear.scatter [tilespmem:s15], [sflag:$0x7], $0x4000, $0x38;
	[tilespmem:$0x1C200] =	vst v63  }
0x25: {  	_ =	swait.ge [sflag:s16], $0x4000  }
0x26: {  	[sflag:s16] =	ssyncset.done $0x0  }
0x27: {  	s0 =	rddreg [dreg:$0x3];
	[sflag:s16] =	ssyncadd.s32 $0xFFFFC000  }
0x28: {  	[spmem:s0] =	stream.linear.scatter [tilespmem:s15], [sflag:$0x7], $0x4000, $0x38;
	[tilespmem:$0x1C200] =	vst v63  }
0x29: {  	_ =	swait.ge [sflag:s16], $0x4000  }
0x2a: {  	[sflag:s16] =	ssyncset.done $0x0  }
0x2b: {  	[sflag:s16] =	ssyncadd.s32 $0xFFFFC000  }
0x2c: {  	[spmem:s7] =	stream.linear.scatter [tilespmem:s15], [sflag:$0x7], $0x4000, $0x38;
	[tilespmem:$0x1C200] =	vst v63  }
0x2d: {  	_ =	swait.ge [sflag:s16], $0x4000  }
0x2e: {  	[sflag:s16] =	ssyncset.done $0x0  }
0x2f: {  	[sflag:s16] =	ssyncadd.s32 $0xFFFFC000  }
0x30: {  	[spmem:s8] =	stream.linear.scatter [tilespmem:s15], [sflag:$0x7], $0x4000, $0x38;
	[tilespmem:$0x1C200] =	vst v63  }
0x31: {  	_ =	swait.ge [sflag:s16], $0x4000  }
0x32: {  	[sflag:s16] =	ssyncset.done $0x0  }
0x33: {  	[sflag:s16] =	ssyncadd.s32 $0xFFFFC000  }
0x34: {  	[spmem:s9] =	stream.linear.scatter [tilespmem:s15], [sflag:$0x7], $0x4000, $0x38;
	[tilespmem:$0x1C200] =	vst v63  }
0x35: {  	_ =	swait.ge [sflag:s16], $0x4000  }
0x36: {  	[sflag:s16] =	ssyncset.done $0x0  }
0x37: {  	[sflag:s16] =	ssyncadd.s32 $0xFFFFC000  }
0x38: {  	s3 =	sadd.s32 $0x0, s12;
	[bflag:$0x0] =	sbarrier.arrive $0xFFFF  }
0x39: {  	[tilespmem:s2], [sflag:$0x1] =	stream.linear.gather [hbm4b:s3+s2], $0x80, $0x38;
	[tilespmem:$0x1C200] =	vst v63  }
0x3a: {  	s6 =	sadd.s32 $0x0, s14  }
0x3b: {  	[tilespmem:s17], [sflag:$0x2] =	stream.linear.gather [hbm4b:s6+s2], $0x80, $0x38;
	[tilespmem:$0x1C200] =	vst v63  }
0x3c: {  	s3 =	sadd.s32 $0x0, s11  }
0x3d: {  	[tilespmem:s18], [sflag:$0x3] =	stream.linear.gather [hbm4b:s3+s2], $0x80, $0x38;
	[tilespmem:$0x1C200] =	vst v63  }
0x3e: {  	s6 =	sadd.s32 $0x0, s13  }
0x3f: {  	[tilespmem:s19], [sflag:$0x4] =	stream.linear.gather [hbm4b:s6+s2], $0x80, $0x38;
	[tilespmem:$0x1C200] =	vst v63  }
0x40: {  	_ =	swait.ge [sflag:s20], $0x80  }
0x41: {  	[sflag:s20] =	ssyncset.done $0x0  }
0x42: {  	[sflag:s20] =	ssyncadd.s32 $0xFFFFFF80  }
0x43: {  	[tilespmem:s15], [sflag:$0x5] =	stream.indirect.gather [hbm4b:s4+s17], $0x80, s2, s17, $0xb8;
	[tilespmem:$0x1C200] =	vst v63  }
0x44: {  	_ =	swait.ge [sflag:s21], $0x80  }
0x45: {  	[sflag:s21] =	ssyncset.done $0x0  }
0x46: {  	[sflag:s21] =	ssyncadd.s32 $0xFFFFFF80  }
0x47: {  	[tilespmem:s22], [sflag:$0x6] =	stream.indirect.gather [hbm4b:s4+s17], $0x80, s17, s17, $0xb8;
	[tilespmem:$0x1C200] =	vst v63  }
0x48: {  	_ =	swait.ge [sflag:s23], $0x4000  }
0x49: {  	[sflag:s23] =	ssyncset.done $0x0  }
0x4a: {  	[sflag:s23] =	ssyncadd.s32 $0xFFFFC000  }
0x4b: {  	_ =	swait.ge [sflag:s25], $0x80  }
0x4c: {  	[sflag:s25] =	ssyncset.done $0x0  }
0x4d: {  	[sflag:s25] =	ssyncadd.s32 $0xFFFFFF80  }
0x4e: {  	[spmem:s1] =	stream.indirect.scatter.add.f32 [tilespmem:s15], [sflag:$0x7], $0x80, s18, s17, $0xb8;
	[tilespmem:$0x1C200] =	vst v63  }
0x4f: {  	_ =	swait.ge [sflag:s16], $0x4000  }
0x50: {  	[sflag:s16] =	ssyncset.done $0x0  }
0x51: {  	[sflag:s16] =	ssyncadd.s32 $0xFFFFC000  }
0x52: {  	_ =	swait.ge [sflag:s26], $0x4000  }
0x53: {  	[sflag:s26] =	ssyncset.done $0x0  }
0x54: {  	[sflag:s26] =	ssyncadd.s32 $0xFFFFC000  }
0x55: {  	_ =	swait.ge [sflag:s28], $0x80  }
0x56: {  	[sflag:s28] =	ssyncset.done $0x0  }
0x57: {  	[sflag:s28] =	ssyncadd.s32 $0xFFFFFF80  }
0x58: {  	[spmem:s1] =	stream.indirect.scatter.add.f32 [tilespmem:s22], [sflag:$0x7], $0x80, s19, s17, $0xb8;
	[tilespmem:$0x1C200] =	vst v63  }
0x59: {  	_ =	swait.ge [sflag:s16], $0x4000  }
0x5a: {  	s30 =	simm.s32 $0x20;
	s31 =	simm.s32 $0x40;
	[sflag:s16] =	ssyncset.done $0x0  }
.LBB2_4:
0x5b: {  	s3 =	sadd.s32 s30, s12  }
0x5c: {  	[sflag:s16] =	ssyncadd.s32 $0xFFFFC000;
	s6 =	smov.u32 s31;
	s0 =	sadd.s32 $0x20, s31  }
0x5d: {  	[tilespmem:s2], [sflag:$0x1] =	stream.linear.gather [hbm4b:s3+s2], $0x80, $0x38;
	[tilespmem:$0x1C200] =	vst v63  }
0x5e: {  	p0 =	sne.s32 s31, $0x4E0;
	s3 =	sadd.s32 s30, s14  }
0x5f: {  	[tilespmem:s17], [sflag:$0x2] =	stream.linear.gather [hbm4b:s3+s2], $0x80, $0x38;
	[tilespmem:$0x1C200] =	vst v63  }
0x60: {  	s3 =	sadd.s32 s30, s11  }
0x61: {  	[tilespmem:s18], [sflag:$0x3] =	stream.linear.gather [hbm4b:s3+s2], $0x80, $0x38;
	[tilespmem:$0x1C200] =	vst v63  }
0x62: {  	s3 =	sadd.s32 s30, s13;
	s30 =	smov.u32 s6  }
0x63: {  	[tilespmem:s19], [sflag:$0x4] =	stream.linear.gather [hbm4b:s3+s2], $0x80, $0x38;
	[tilespmem:$0x1C200] =	vst v63  }
0x64: {  	_ =	swait.ge [sflag:s20], $0x80  }
0x65: {  	[sflag:s20] =	ssyncset.done $0x0  }
0x66: {  	[sflag:s20] =	ssyncadd.s32 $0xFFFFFF80  }
0x67: {  	[tilespmem:s15], [sflag:$0x5] =	stream.indirect.gather [hbm4b:s4+s17], $0x80, s2, s17, $0xb8;
	[tilespmem:$0x1C200] =	vst v63  }
0x68: {  	_ =	swait.ge [sflag:s21], $0x80  }
0x69: {  	[sflag:s21] =	ssyncset.done $0x0  }
0x6a: {  	[sflag:s21] =	ssyncadd.s32 $0xFFFFFF80  }
0x6b: {  	[tilespmem:s22], [sflag:$0x6] =	stream.indirect.gather [hbm4b:s4+s17], $0x80, s17, s17, $0xb8;
	[tilespmem:$0x1C200] =	vst v63  }
0x6c: {  	_ =	swait.ge [sflag:s23], $0x4000  }
0x6d: {  	[sflag:s23] =	ssyncset.done $0x0  }
0x6e: {  	[sflag:s23] =	ssyncadd.s32 $0xFFFFC000  }
0x6f: {  	_ =	swait.ge [sflag:s25], $0x80  }
0x70: {  	[sflag:s25] =	ssyncset.done $0x0  }
0x71: {  	[sflag:s25] =	ssyncadd.s32 $0xFFFFFF80  }
0x72: {  	[spmem:s1] =	stream.indirect.scatter.add.f32 [tilespmem:s15], [sflag:$0x7], $0x80, s18, s17, $0xb8;
	[tilespmem:$0x1C200] =	vst v63  }
0x73: {  	_ =	swait.ge [sflag:s16], $0x4000  }
0x74: {  	[sflag:s16] =	ssyncset.done $0x0  }
0x75: {  	[sflag:s16] =	ssyncadd.s32 $0xFFFFC000  }
0x76: {  	_ =	swait.ge [sflag:s26], $0x4000  }
0x77: {  	[sflag:s26] =	ssyncset.done $0x0  }
0x78: {  	[sflag:s26] =	ssyncadd.s32 $0xFFFFC000  }
0x79: {  	_ =	swait.ge [sflag:s28], $0x80  }
.Ltmp1:
0x7a: {  	[sflag:s28] =	ssyncset.done $0x0;
	(pc) =	sbr.rel @p0 .LBB2_4-.Ltmp1, $4  }
0x7b: {  	[sflag:s28] =	ssyncadd.s32 $0xFFFFFF80  }
0x7c: {  	[spmem:s1] =	stream.indirect.scatter.add.f32 [tilespmem:s22], [sflag:$0x7], $0x80, s19, s17, $0xb8;
	[tilespmem:$0x1C200] =	vst v63  }
0x7d: {  	_ =	swait.ge [sflag:s16], $0x4000  }
0x7e: {  	s31 =	smov.u32 s0;
	[sflag:s16] =	ssyncset.done $0x0  }
0x7f: {  	s0 =	sadd.s32 s30, s12;
	[sflag:s16] =	ssyncadd.s32 $0xFFFFC000  }
0x80: {  	[tilespmem:s2], [sflag:$0x1] =	stream.linear.gather [hbm4b:s0+s2], $0x80, $0x38;
	[tilespmem:$0x1C200] =	vst v63  }
0x81: {  	s3 =	sadd.s32 s30, s14  }
0x82: {  	[tilespmem:s17], [sflag:$0x2] =	stream.linear.gather [hbm4b:s3+s2], $0x80, $0x38;
	[tilespmem:$0x1C200] =	vst v63  }
0x83: {  	s6 =	sadd.s32 s30, s11  }
0x84: {  	[tilespmem:s18], [sflag:$0x3] =	stream.linear.gather [hbm4b:s6+s2], $0x80, $0x38;
	[tilespmem:$0x1C200] =	vst v63  }
0x85: {  	s30 =	sadd.s32 s30, s13  }
0x86: {  	[tilespmem:s19], [sflag:$0x4] =	stream.linear.gather [hbm4b:s30+s2], $0x80, $0x38;
	[tilespmem:$0x1C200] =	vst v63  }
0x87: {  	_ =	swait.ge [sflag:s20], $0x80  }
0x88: {  	[sflag:s20] =	ssyncset.done $0x0  }
0x89: {  	[sflag:s20] =	ssyncadd.s32 $0xFFFFFF80  }
0x8a: {  	[tilespmem:s15], [sflag:$0x5] =	stream.indirect.gather [hbm4b:s4+s17], $0x80, s2, s17, $0xb8;
	[tilespmem:$0x1C200] =	vst v63  }
0x8b: {  	_ =	swait.ge [sflag:s21], $0x80  }
0x8c: {  	[sflag:s21] =	ssyncset.done $0x0  }
0x8d: {  	[sflag:s21] =	ssyncadd.s32 $0xFFFFFF80  }
0x8e: {  	[tilespmem:s22], [sflag:$0x6] =	stream.indirect.gather [hbm4b:s4+s17], $0x80, s17, s17, $0xb8;
	[tilespmem:$0x1C200] =	vst v63  }
0x8f: {  	_ =	swait.ge [sflag:s23], $0x4000  }
0x90: {  	[sflag:s23] =	ssyncset.done $0x0  }
0x91: {  	[sflag:s23] =	ssyncadd.s32 $0xFFFFC000  }
0x92: {  	_ =	swait.ge [sflag:s25], $0x80  }
0x93: {  	[sflag:s25] =	ssyncset.done $0x0  }
0x94: {  	[sflag:s25] =	ssyncadd.s32 $0xFFFFFF80  }
0x95: {  	[spmem:s1] =	stream.indirect.scatter.add.f32 [tilespmem:s15], [sflag:$0x7], $0x80, s18, s17, $0xb8;
	[tilespmem:$0x1C200] =	vst v63  }
0x96: {  	_ =	swait.ge [sflag:s16], $0x4000  }
0x97: {  	[sflag:s16] =	ssyncset.done $0x0  }
0x98: {  	[sflag:s16] =	ssyncadd.s32 $0xFFFFC000  }
0x99: {  	_ =	swait.ge [sflag:s26], $0x4000  }
0x9a: {  	[sflag:s26] =	ssyncset.done $0x0  }
0x9b: {  	[sflag:s26] =	ssyncadd.s32 $0xFFFFC000  }
0x9c: {  	_ =	swait.ge [sflag:s28], $0x80  }
0x9d: {  	[sflag:s28] =	ssyncset.done $0x0  }
0x9e: {  	[sflag:s28] =	ssyncadd.s32 $0xFFFFFF80  }
0x9f: {  	[spmem:s1] =	stream.indirect.scatter.add.f32 [tilespmem:s22], [sflag:$0x7], $0x80, s19, s17, $0xb8;
	[tilespmem:$0x1C200] =	vst v63  }
0xa0: {  	s31 =	stileid.u32;
	_ =	swait.ge [sflag:s16], $0x4000  }
0xa1: {  	s29 =	sadd.s32 $0x1, s29;
	s0 =	sshll.u32 s31, $0x6;
	[sflag:s16] =	ssyncset.done $0x0  }
0xa2: {  	p0 =	sne.s32 s29, s10;
	s0 =	sor.u32 $0x1C07, s0;
	[sflag:s16] =	ssyncadd.s32 $0xFFFFC000  }
.Ltmp2:
0xa3: {  	s3 =	sshrl.u32 s5, $0x3;
	[bflag:$0x0] =	sbarrier.arrive $0xFFFF;
	(pc) =	sbr.rel @p0 .LBB2_1-.Ltmp2, $4  }
0xa4: {  	[hbm:s24], [sflag:s0] =	dma.local [spmem:s3], $0x2800  }
0xa5: {  	_ =	swait.ge [sflag:s16], $0x2800  }
0xa6: {  	[sflag:s16] =	ssyncset.done $0x0  }
0xa7: {  	[sflag:s16] =	ssyncadd.s32 $0xFFFFD800  }
0xa8: {  	_ =	sfence.sel $0x180000  }
0xa9: {  	[bflag:$0x0] =	sbarrier.arrive $0xFFFF  }
0xaa: {  	_ =	strace $0x90000056  }
0xab: {  	s0 =	stileid.u32;
	[bflag:$0x2] =	sbarrier.arrive $0xFFFF  }
0xac: {  	p0 =	sne.s32 s0, $0x0;
	s0 =	rddreg [dreg:$0x2]  }
0xad: {  	s0 =	sadd.s32 @!p0 $0x100000, s0  }
0xae: {  	[sflag:s0] =	ssyncadd.tile.s32 @!p0 $0x1;
	_ =	shalt  }
.Lfunc_end2:
_tile_overlayer_lowered:
.L_overlay_start_2:
0xaf: {  	(tag) =	ssettag $0x2  }
0xb0: {  	s0 =	rddreg [dreg:$0x0];
	s2 =	stileid.u32  }
0xb1: {  	s1 =	rddreg [dreg:$0x1];
	p0 =	sne.s32 s2, $0x0  }
0xb2: {  	s3 =	rddreg [dreg:$0x2];
	[bflag:$0x3] =	sbarrier.arrive $0xFFFF;
	s2 =	simm.s32 @!p0 $0x1C07  }
0xb3: {  	[timem:s3], [sflag:s2] =	dma.local @!p0 [hbm:s0], s1  }
0xb4: {  	s0 =	simm.s32 @!p0 $0x7  }
0xb5: {  	_ =	swait.ge @!p0 [sflag:s0], s1  }
0xb6: {  	s1 =	ssub.s32 @!p0 $0x0, s1;
	[sflag:s0] =	ssyncset.done @!p0 $0x0  }
0xb7: {  	[sflag:s0] =	ssyncadd.s32 @!p0 s1  }
0xb8: {  	[bflag:$0x3] =	sbarrier.arrive $0xFFFF  }
0xb9: {  	_ =	shalt  }

</sc_bundles>
